<compile_context>
chip_gen: v7x
topology: tpu7x:2x2x1
jax: 0.10.2.dev20260603
libtpu: 0.0.44.dev20260713+nightly
codegen_flags: <defaults>
</compile_context>

<pallas_src>
import functools

import jax
import jax.numpy as jnp
from jax import lax
from jax.experimental import pallas as pl
from jax.experimental.pallas import tpu as pltpu
from jax.experimental.pallas import tpu_sc as plsc

USER_NUM = 1000000
ITEM_NUM = 1000000
D = 16
B = 4096
L = 50
LN = 20

NC = 2
NS = 16
NW = NC * NS
CHUNK = 128
BPW = B // NW

POS_CHUNKS = BPW * L // CHUNK
NBR_CHUNKS = BPW * LN // CHUNK


def _iota16():
    return lax.iota(jnp.int32, 16)


def _splat(x):
    return jnp.full((16,), x, dtype=jnp.int32)


NROW = USER_NUM
SLABW = 128
NSLAB = NROW // SLABW
TAIL = NROW - NSLAB * SLABW
SPW = NSLAB // NW
SREM = NSLAB - SPW * NW


NBUF = 4


def _tr_body(ut_t, it_t, u2, i2, slab0, slab1, slab2, slab3,
             ob0, ob1, ob2, ob3, tbuf,
             gs0, gs1, gs2, gs3, ws0, ws1, ws2, ws3, ts):
    wid = lax.axis_index("s") * NC + lax.axis_index("c")
    i16 = _iota16()
    slabs = [slab0, slab1, slab2, slab3]
    obs = [ob0, ob1, ob2, ob3]
    gsems = [gs0, gs1, gs2, gs3]
    wsems = [ws0, ws1, ws2, ws3]

    rs = [(i16 * 16 + d) >> 7 for d in range(D)]
    cs = [(i16 * 16 + d) & 127 for d in range(D)]

    def transpose_slab(slab, ob):
        def grp(g, c):
            r2 = g * 2
            for d in range(D):
                v = slab[d, pl.ds(g * 16, 16)]
                plsc.store_scatter(ob, [r2 + rs[d], cs[d]], v)
            return c
        lax.fori_loop(0, SLABW // 16, grp, 0)

    def one_table(src, dst):
        base = wid * SPW

        def g_start(k, b):
            pltpu.make_async_copy(
                src.at[:, pl.ds((base + k) * SLABW, SLABW)],
                slabs[b], gsems[b]).start()

        def w_start(k, b):
            pltpu.make_async_copy(
                obs[b], dst.at[pl.ds((base + k) * (SLABW // 8), SLABW // 8)],
                wsems[b]).start()

        def w_wait(b):
            pltpu.make_async_copy(obs[b], dst.at[pl.ds(0, SLABW // 8)],
                                  wsems[b]).wait()

        def g_wait(b):
            pltpu.make_async_copy(src.at[:, pl.ds(0, SLABW)],
                                  slabs[b], gsems[b]).wait()

        for b in range(NBUF):
            g_start(b, b)

        def quad(t, carry):
            for b in range(NBUF):
                k = NBUF * t + b

                @pl.when(t >= 1)
                def _():
                    w_wait(b)
                g_wait(b)
                transpose_slab(slabs[b], obs[b])
                w_start(k, b)

                @pl.when(k + NBUF < SPW)
                def _():
                    g_start(k + NBUF, b)
            return carry
        lax.fori_loop(0, SPW // NBUF, quad, 0)
        for r in range(SPW % NBUF):
            k = SPW - SPW % NBUF + r
            w_wait(r)
            g_wait(r)
            transpose_slab(slabs[r], obs[r])
            w_start(k, r)
        for b in range(NBUF):
            w_wait(b)

        @pl.when(wid < SREM)
        def _():
            k = NW * SPW + wid
            cp = pltpu.make_async_copy(
                src.at[:, pl.ds(k * SLABW, SLABW)], slabs[0], gsems[0])
            cp.start()
            cp.wait()
            transpose_slab(slabs[0], obs[0])
            cp2 = pltpu.make_async_copy(
                obs[0], dst.at[pl.ds(k * (SLABW // 8), SLABW // 8)],
                wsems[0])
            cp2.start()
            cp2.wait()

        @pl.when(wid == 0)
        def _():
            cp = pltpu.make_async_copy(
                src.at[:, pl.ds(NSLAB * SLABW, TAIL)], tbuf, ts)
            cp.start()
            cp.wait()

            def trow(r, c):
                v = plsc.load_gather(tbuf, [i16, _splat(r)])
                plsc.store_scatter(obs[0],
                                   [_splat(r >> 3), (r & 7) * 16 + i16], v)
                return c
            lax.fori_loop(0, TAIL, trow, 0)
            cp2 = pltpu.make_async_copy(
                obs[0].at[pl.ds(0, 8)],
                dst.at[pl.ds(NSLAB * (SLABW // 8), 8)], wsems[0])
            cp2.start()
            cp2.wait()

    one_table(ut_t, u2)
    one_table(it_t, i2)


@jax.jit
def _sc_transpose(ut_t, it_t):
    mesh = plsc.VectorSubcoreMesh(core_axis_name="c", subcore_axis_name="s")
    f = pl.kernel(
        _tr_body,
        out_type=(
            jax.ShapeDtypeStruct((NROW // 8, 128), jnp.float32),
            jax.ShapeDtypeStruct((NROW // 8, 128), jnp.float32),
        ),
        mesh=mesh,
        compiler_params=pltpu.CompilerParams(use_tc_tiling_on_sc=True,
                                             needs_layout_passes=False),
        scratch_types=(
            [pltpu.VMEM((16, SLABW), jnp.float32)] * 4
            + [pltpu.VMEM((SLABW // 8, 128), jnp.float32)] * 4
            + [pltpu.VMEM((16, TAIL), jnp.float32)]
            + [pltpu.SemaphoreType.DMA] * 9
        ),
    )
    return f(ut_t, it_t)


def _sc_body(uid_hbm, pos_hbm, neg_hbm, nbr_hbm, ut_hbm, it_hbm,
             user_out, pos_out, neg_out, nbr_out, plg_out, nlg_out, blg_out,
             idx_v, rows_a, rows_b, rows_c, rows_d, ptv, ut_v, lc0, lc1,
             sem_ga, sem_gb, sem_gc, sem_gd, sem_w, sem_l0, sem_l1):
    wid = lax.axis_index("s") * NC + lax.axis_index("c")
    i16 = _iota16()
    bufs = [rows_a, rows_b, rows_c, rows_d]
    gsems = [sem_ga, sem_gb, sem_gc, sem_gd]
    lcs = [lc0, lc1]
    lsems = [sem_l0, sem_l1]

    def g_start(table, j, b):
        pltpu.make_async_copy(table.at[idx_v.at[j]], bufs[b],
                              gsems[b]).start()

    def g_wait(table, b):
        pltpu.make_async_copy(table.at[idx_v.at[0]], bufs[b],
                              gsems[b]).wait()

    def drain_w(n8, src8):
        def d8(_, carry):
            pltpu.make_async_copy(src8.at[pl.ds(0, 8)],
                                  ptv.at[pl.ds(0, 8)], sem_w).wait()
            return carry
        lax.fori_loop(0, n8, d8, 0)

    pltpu.sync_copy(uid_hbm.at[wid], idx_v.at[pl.ds(0, 1)])
    g_start(ut_hbm, 0, 0)
    g_wait(ut_hbm, 0)

    def ugrp(g, carry):
        col = g * 16 + i16
        for d in range(D):
            v = plsc.load_gather(rows_a, [col, _splat(d)])
            plsc.store_scatter(ut_v, [_splat(d), col], v)
        return carry
    lax.fori_loop(0, 8, ugrp, 0)

    for ti in range(2):
        cp = pltpu.make_async_copy(
            ut_v.at[pl.ds(ti * 8, 8)],
            user_out.at[pl.ds(ti * 256 + wid * 8, 8)], sem_w)
        cp.start()
    drain_w(2, user_out)

    def seg(idx3, nch, ld, table, out_d, out_lg):
        pltpu.sync_copy(idx3.at[wid], idx_v.at[pl.ds(0, nch)])
        g_start(table, 0, 0)
        lg_base = wid * nch * CHUNK

        def process(j, rv, lc):
            def grp(g, c2):
                col = g * 16 + i16
                fr16 = j * CHUNK + col
                bl16 = fr16 // ld
                ll16 = (fr16 % ld) * 16
                acc = jnp.zeros((16,), jnp.float32)
                for d in range(D):
                    v = plsc.load_gather(rv, [col, _splat(d)])
                    u = plsc.load_gather(ut_v, [_splat(d), bl16])
                    plsc.store_scatter(ptv, [ll16 + d, bl16], v)
                    acc = acc + v * u
                lc[pl.ds(g * 16, 16)] = acc
                return c2
            lax.fori_loop(0, 8, grp, 0)

        def do_chunk(j, b):
            @pl.when(j + 1 < nch)
            def _():
                g_start(table, j + 1, (b + 1) % 4)
            g_wait(table, b)

            @pl.when(j >= 2)
            def _():
                pltpu.make_async_copy(lcs[b % 2], out_lg.at[pl.ds(0, CHUNK)],
                                      lsems[b % 2]).wait()
            process(j, bufs[b], lcs[b % 2])
            pltpu.make_async_copy(
                lcs[b % 2], out_lg.at[pl.ds(lg_base + j * CHUNK, CHUNK)],
                lsems[b % 2]).start()

        def quad(t, carry):
            for b in range(4):
                do_chunk(4 * t + b, b)
            return carry
        lax.fori_loop(0, nch // 4, quad, 0)
        for r in range(nch % 4):
            j = nch - nch % 4 + r
            do_chunk(j, j % 4)
        for b in range(2):
            pltpu.make_async_copy(lcs[b], out_lg.at[pl.ds(0, CHUNK)],
                                  lsems[b]).wait()

        def wr_l(l, carry):
            for ti in range(2):
                cp = pltpu.make_async_copy(
                    ptv.at[pl.ds(l * 16 + ti * 8, 8)],
                    out_d.at[pl.ds((l * 2 + ti) * 256 + wid * 8, 8)], sem_w)
                cp.start()
            return carry
        lax.fori_loop(0, ld, wr_l, 0)
        drain_w(2 * ld, out_d)

    seg(nbr_hbm, NBR_CHUNKS, LN, ut_hbm, nbr_out, blg_out)
    seg(pos_hbm, POS_CHUNKS, L, it_hbm, pos_out, plg_out)
    seg(neg_hbm, POS_CHUNKS, L, it_hbm, neg_out, nlg_out)


@jax.jit
def _sc_fused(uid3, pos3, neg3, nbr3, user_table, item_table):
    mesh = plsc.VectorSubcoreMesh(core_axis_name="c", subcore_axis_name="s")
    f = pl.kernel(
        _sc_body,
        out_type=(
            jax.ShapeDtypeStruct((2 * 32 * 8, 128), jnp.float32),
            jax.ShapeDtypeStruct((L * 2 * 32 * 8, 128), jnp.float32),
            jax.ShapeDtypeStruct((L * 2 * 32 * 8, 128), jnp.float32),
            jax.ShapeDtypeStruct((LN * 2 * 32 * 8, 128), jnp.float32),
            jax.ShapeDtypeStruct((B * L,), jnp.float32),
            jax.ShapeDtypeStruct((B * L,), jnp.float32),
            jax.ShapeDtypeStruct((B * LN,), jnp.float32),
        ),
        mesh=mesh,
        compiler_params=pltpu.CompilerParams(use_tc_tiling_on_sc=False,
                                             needs_layout_passes=False),
        scratch_types=[
            pltpu.VMEM((POS_CHUNKS, CHUNK), jnp.int32),
            pltpu.VMEM((CHUNK, D), jnp.float32),
            pltpu.VMEM((CHUNK, D), jnp.float32),
            pltpu.VMEM((CHUNK, D), jnp.float32),
            pltpu.VMEM((CHUNK, D), jnp.float32),
            pltpu.VMEM((L * 16, 128), jnp.float32),
            pltpu.VMEM((16, 128), jnp.float32),
            pltpu.VMEM((CHUNK,), jnp.float32),
            pltpu.VMEM((CHUNK,), jnp.float32),
        ] + [pltpu.SemaphoreType.DMA] * 7,
    )
    return f(uid3, pos3, neg3, nbr3, user_table, item_table)


def kernel(uid, seq, pos, neg, nbr, nbr_iid, user_table, item_table):
    del seq, nbr_iid
    uid3 = uid.astype(jnp.int32).reshape(NW, 1, CHUNK)
    pos3 = pos.astype(jnp.int32).reshape(NW, POS_CHUNKS, CHUNK)
    neg3 = neg.astype(jnp.int32).reshape(NW, POS_CHUNKS, CHUNK)
    nbr3 = nbr.astype(jnp.int32).reshape(NW, NBR_CHUNKS, CHUNK)

    u2, i2 = _sc_transpose(user_table.T, item_table.T)
    ut_lin = u2.reshape(USER_NUM, D)
    it_lin = i2.reshape(ITEM_NUM, D)

    user_o, pos_o, neg_o, nbr_o, plg, nlg, blg = _sc_fused(
        uid3, pos3, neg3, nbr3, ut_lin, it_lin)

    user_emb = user_o.reshape(2, 32, 8, 128).transpose(1, 3, 0, 2) \
        .reshape(B, D)
    pos_hi = pos_o.reshape(L, 2, 32, 8, 128).transpose(2, 4, 0, 1, 3) \
        .reshape(B, L, D)
    neg_hi = neg_o.reshape(L, 2, 32, 8, 128).transpose(2, 4, 0, 1, 3) \
        .reshape(B, L, D)
    nbr_emb = nbr_o.reshape(LN, 2, 32, 8, 128).transpose(2, 4, 0, 1, 3) \
        .reshape(B, LN, D)
    pos_logits = plg.reshape(B, L)
    neg_logits = nlg.reshape(B, L)
    nbr_logits = blg.reshape(B, LN)

    return (pos_logits, neg_logits, nbr_logits, user_emb, pos_hi, neg_hi,
            nbr_emb)

# --- scband reference (transcript-rebuilt; emitter-appended) ---
"""Pipeline reference for scband-soc-rec-78125455114712 (READ-ONLY COPY).

The authoritative reference and input builder live on the scoring server;
editing this copy changes nothing except your own understanding.
"""

import jax, jax.numpy as jnp
import numpy as np

USER_NUM = 1000000
ITEM_NUM = 1000000
EDIM = 16
B = 4096
L = 50
LN = 20


def setup_inputs(seed: int = 0) -> dict:
    key = jax.random.key(seed)
    ks = jax.random.split(key, 8)
    uid = jax.random.randint(ks[0], (B,), 0, USER_NUM, dtype=jnp.int32).astype(jnp.int64) if False else jax.random.randint(ks[0], (B,), 0, USER_NUM)
    seq = jax.random.randint(ks[1], (B, L), 0, ITEM_NUM)
    pos = jax.random.randint(ks[2], (B, L), 0, ITEM_NUM)
    neg = jax.random.randint(ks[3], (B, L), 0, ITEM_NUM)
    nbr = jax.random.randint(ks[4], (B, LN), 0, USER_NUM)
    nbr_iid = jax.random.randint(ks[5], (B, LN, L), 0, ITEM_NUM)
    user_table = jax.random.uniform(ks[6], (USER_NUM, EDIM), dtype=jnp.float32, minval=-0.5 / USER_NUM, maxval=0.5 / USER_NUM)
    item_table = jax.random.uniform(ks[7], (ITEM_NUM, EDIM), dtype=jnp.float32, minval=-0.5 / ITEM_NUM, maxval=0.5 / ITEM_NUM)
    # padding_idx=0: row 0 is zero
    user_table = user_table.at[0].set(0.0)
    item_table = item_table.at[0].set(0.0)
    return {"uid": uid, "seq": seq, "pos": pos, "neg": neg, "nbr": nbr, "nbr_iid": nbr_iid, "user_table": user_table, "item_table": item_table}


def reference(uid, seq, pos, neg, nbr, nbr_iid, user_table, item_table):
    # user_emb = self.user_embs(uid)
    user_emb = jnp.take(user_table, uid, axis=0)            # [B, EDIM]
    # pos_hi / neg_hi = self.item_embs(pos/neg)
    pos_hi = jnp.take(item_table, pos, axis=0)              # [B, L, EDIM]
    neg_hi = jnp.take(item_table, neg, axis=0)              # [B, L, EDIM]
    # hu = user_emb.unsqueeze(1).expand_as(pos_hi)
    hu = jnp.broadcast_to(user_emb[:, None, :], pos_hi.shape)
    pos_logits = jnp.sum(hu * pos_hi, axis=-1)              # [B, L]
    neg_logits = jnp.sum(hu * neg_hi, axis=-1)              # [B, L]
    # nbr_emb = self.user_embs(nbr)
    nbr_emb = jnp.take(user_table, nbr, axis=0)             # [B, LN, EDIM]
    hu2 = jnp.broadcast_to(user_emb[:, None, :], nbr_emb.shape)
    nbr_logits = jnp.sum(hu2 * nbr_emb, axis=-1)            # [B, LN]
    return (pos_logits, neg_logits, nbr_logits, user_emb, pos_hi, neg_hi, nbr_emb)

if __name__ == "__main__":
    import jax
    _d = setup_inputs()
    print(jax.jit(kernel)(*tuple(_d.values())))

</pallas_src>

<mosaic_0001>
#map = affine_map<(d0, d1) -> (0, 0)>
module attributes {stable_mosaic.version = 14 : i64} {
  func.func @_tr_body(%arg0: i32, %arg1: i32, %arg2: memref<16x1000000xf32, #tpu.memory_space<hbm>>, %arg3: memref<16x1000000xf32, #tpu.memory_space<hbm>>, %arg4: memref<125000x128xf32, #tpu.memory_space<hbm>>, %arg5: memref<125000x128xf32, #tpu.memory_space<hbm>>, %arg6: memref<16x128xf32, #tpu.memory_space<vmem>>, %arg7: memref<16x128xf32, #tpu.memory_space<vmem>>, %arg8: memref<16x128xf32, #tpu.memory_space<vmem>>, %arg9: memref<16x128xf32, #tpu.memory_space<vmem>>, %arg10: memref<16x128xf32, #tpu.memory_space<vmem>>, %arg11: memref<16x128xf32, #tpu.memory_space<vmem>>, %arg12: memref<16x128xf32, #tpu.memory_space<vmem>>, %arg13: memref<16x128xf32, #tpu.memory_space<vmem>>, %arg14: memref<16x64xf32, #tpu.memory_space<vmem>>, %arg15: memref<!tpu.dma_semaphore, #tpu.memory_space<semaphore_mem>>, %arg16: memref<!tpu.dma_semaphore, #tpu.memory_space<semaphore_mem>>, %arg17: memref<!tpu.dma_semaphore, #tpu.memory_space<semaphore_mem>>, %arg18: memref<!tpu.dma_semaphore, #tpu.memory_space<semaphore_mem>>, %arg19: memref<!tpu.dma_semaphore, #tpu.memory_space<semaphore_mem>>, %arg20: memref<!tpu.dma_semaphore, #tpu.memory_space<semaphore_mem>>, %arg21: memref<!tpu.dma_semaphore, #tpu.memory_space<semaphore_mem>>, %arg22: memref<!tpu.dma_semaphore, #tpu.memory_space<semaphore_mem>>, %arg23: memref<!tpu.dma_semaphore, #tpu.memory_space<semaphore_mem>>) attributes {dimension_semantics = [#tpu.dimension_semantics<core_parallel>, #tpu.dimension_semantics<subcore_parallel>], iteration_bounds = array<i64: 2, 16>, scalar_prefetch = 0 : i64, scratch_operands = 18 : i64, tpu.core_type = #tpu.core_type<sc_vector_subcore>, window_params = [{transform_indices = #map}, {transform_indices = #map}, {transform_indices = #map}, {transform_indices = #map}]} {
    %mul3A = arith.constant 2 : i32
    %mul3A_0 = arith.muli %arg1, %mul3A : i32
    %add3A = arith.addi %mul3A_0, %arg0 : i32
    %iota3A = tpu.iota {dimensions = array<i32: 0>} : vector<16xi32>
    %mul3A_1 = arith.constant 16 : i32
    %mul3A_2 = vector.broadcast %mul3A_1 : i32 to vector<16xi32>
    %mul3A_3 = arith.muli %iota3A, %mul3A_2 : vector<16xi32>
    %add3A_4 = arith.constant 0 : i32
    %add3A_5 = vector.broadcast %add3A_4 : i32 to vector<16xi32>
    %add3A_6 = arith.addi %mul3A_3, %add3A_5 : vector<16xi32>
    %shift_right_arithmetic3A = arith.constant 7 : i32
    %shift_right_arithmetic3A_7 = vector.broadcast %shift_right_arithmetic3A : i32 to vector<16xi32>
    %shift_right_arithmetic3A_8 = arith.shrsi %add3A_6, %shift_right_arithmetic3A_7 : vector<16xi32>
    %mul3A_9 = arith.constant 16 : i32
    %mul3A_10 = vector.broadcast %mul3A_9 : i32 to vector<16xi32>
    %mul3A_11 = arith.muli %iota3A, %mul3A_10 : vector<16xi32>
    %add3A_12 = arith.constant 1 : i32
    %add3A_13 = vector.broadcast %add3A_12 : i32 to vector<16xi32>
    %add3A_14 = arith.addi %mul3A_11, %add3A_13 : vector<16xi32>
    %shift_right_arithmetic3A_15 = arith.constant 7 : i32
    %shift_right_arithmetic3A_16 = vector.broadcast %shift_right_arithmetic3A_15 : i32 to vector<16xi32>
    %shift_right_arithmetic3A_17 = arith.shrsi %add3A_14, %shift_right_arithmetic3A_16 : vector<16xi32>
    %mul3A_18 = arith.constant 16 : i32
    %mul3A_19 = vector.broadcast %mul3A_18 : i32 to vector<16xi32>
    %mul3A_20 = arith.muli %iota3A, %mul3A_19 : vector<16xi32>
    %add3A_21 = arith.constant 2 : i32
    %add3A_22 = vector.broadcast %add3A_21 : i32 to vector<16xi32>
    %add3A_23 = arith.addi %mul3A_20, %add3A_22 : vector<16xi32>
    %shift_right_arithmetic3A_24 = arith.constant 7 : i32
    %shift_right_arithmetic3A_25 = vector.broadcast %shift_right_arithmetic3A_24 : i32 to vector<16xi32>
    %shift_right_arithmetic3A_26 = arith.shrsi %add3A_23, %shift_right_arithmetic3A_25 : vector<16xi32>
    %mul3A_27 = arith.constant 16 : i32
    %mul3A_28 = vector.broadcast %mul3A_27 : i32 to vector<16xi32>
    %mul3A_29 = arith.muli %iota3A, %mul3A_28 : vector<16xi32>
    %add3A_30 = arith.constant 3 : i32
    %add3A_31 = vector.broadcast %add3A_30 : i32 to vector<16xi32>
    %add3A_32 = arith.addi %mul3A_29, %add3A_31 : vector<16xi32>
    %shift_right_arithmetic3A_33 = arith.constant 7 : i32
    %shift_right_arithmetic3A_34 = vector.broadcast %shift_right_arithmetic3A_33 : i32 to vector<16xi32>
    %shift_right_arithmetic3A_35 = arith.shrsi %add3A_32, %shift_right_arithmetic3A_34 : vector<16xi32>
    %mul3A_36 = arith.constant 16 : i32
    %mul3A_37 = vector.broadcast %mul3A_36 : i32 to vector<16xi32>
    %mul3A_38 = arith.muli %iota3A, %mul3A_37 : vector<16xi32>
    %add3A_39 = arith.constant 4 : i32
    %add3A_40 = vector.broadcast %add3A_39 : i32 to vector<16xi32>
    %add3A_41 = arith.addi %mul3A_38, %add3A_40 : vector<16xi32>
    %shift_right_arithmetic3A_42 = arith.constant 7 : i32
    %shift_right_arithmetic3A_43 = vector.broadcast %shift_right_arithmetic3A_42 : i32 to vector<16xi32>
    %shift_right_arithmetic3A_44 = arith.shrsi %add3A_41, %shift_right_arithmetic3A_43 : vector<16xi32>
    %mul3A_45 = arith.constant 16 : i32
    %mul3A_46 = vector.broadcast %mul3A_45 : i32 to vector<16xi32>
    %mul3A_47 = arith.muli %iota3A, %mul3A_46 : vector<16xi32>
    %add3A_48 = arith.constant 5 : i32
    %add3A_49 = vector.broadcast %add3A_48 : i32 to vector<16xi32>
    %add3A_50 = arith.addi %mul3A_47, %add3A_49 : vector<16xi32>
    %shift_right_arithmetic3A_51 = arith.constant 7 : i32
    %shift_right_arithmetic3A_52 = vector.broadcast %shift_right_arithmetic3A_51 : i32 to vector<16xi32>
    %shift_right_arithmetic3A_53 = arith.shrsi %add3A_50, %shift_right_arithmetic3A_52 : vector<16xi32>
    %mul3A_54 = arith.constant 16 : i32
    %mul3A_55 = vector.broadcast %mul3A_54 : i32 to vector<16xi32>
    %mul3A_56 = arith.muli %iota3A, %mul3A_55 : vector<16xi32>
    %add3A_57 = arith.constant 6 : i32
    %add3A_58 = vector.broadcast %add3A_57 : i32 to vector<16xi32>
    %add3A_59 = arith.addi %mul3A_56, %add3A_58 : vector<16xi32>
    %shift_right_arithmetic3A_60 = arith.constant 7 : i32
    %shift_right_arithmetic3A_61 = vector.broadcast %shift_right_arithmetic3A_60 : i32 to vector<16xi32>
    %shift_right_arithmetic3A_62 = arith.shrsi %add3A_59, %shift_right_arithmetic3A_61 : vector<16xi32>
    %mul3A_63 = arith.constant 16 : i32
    %mul3A_64 = vector.broadcast %mul3A_63 : i32 to vector<16xi32>
    %mul3A_65 = arith.muli %iota3A, %mul3A_64 : vector<16xi32>
    %add3A_66 = arith.constant 7 : i32
    %add3A_67 = vector.broadcast %add3A_66 : i32 to vector<16xi32>
    %add3A_68 = arith.addi %mul3A_65, %add3A_67 : vector<16xi32>
    %shift_right_arithmetic3A_69 = arith.constant 7 : i32
    %shift_right_arithmetic3A_70 = vector.broadcast %shift_right_arithmetic3A_69 : i32 to vector<16xi32>
    %shift_right_arithmetic3A_71 = arith.shrsi %add3A_68, %shift_right_arithmetic3A_70 : vector<16xi32>
    %mul3A_72 = arith.constant 16 : i32
    %mul3A_73 = vector.broadcast %mul3A_72 : i32 to vector<16xi32>
    %mul3A_74 = arith.muli %iota3A, %mul3A_73 : vector<16xi32>
    %add3A_75 = arith.constant 8 : i32
    %add3A_76 = vector.broadcast %add3A_75 : i32 to vector<16xi32>
    %add3A_77 = arith.addi %mul3A_74, %add3A_76 : vector<16xi32>
    %shift_right_arithmetic3A_78 = arith.constant 7 : i32
    %shift_right_arithmetic3A_79 = vector.broadcast %shift_right_arithmetic3A_78 : i32 to vector<16xi32>
    %shift_right_arithmetic3A_80 = arith.shrsi %add3A_77, %shift_right_arithmetic3A_79 : vector<16xi32>
    %mul3A_81 = arith.constant 16 : i32
    %mul3A_82 = vector.broadcast %mul3A_81 : i32 to vector<16xi32>
    %mul3A_83 = arith.muli %iota3A, %mul3A_82 : vector<16xi32>
    %add3A_84 = arith.constant 9 : i32
    %add3A_85 = vector.broadcast %add3A_84 : i32 to vector<16xi32>
    %add3A_86 = arith.addi %mul3A_83, %add3A_85 : vector<16xi32>
    %shift_right_arithmetic3A_87 = arith.constant 7 : i32
    %shift_right_arithmetic3A_88 = vector.broadcast %shift_right_arithmetic3A_87 : i32 to vector<16xi32>
    %shift_right_arithmetic3A_89 = arith.shrsi %add3A_86, %shift_right_arithmetic3A_88 : vector<16xi32>
    %mul3A_90 = arith.constant 16 : i32
    %mul3A_91 = vector.broadcast %mul3A_90 : i32 to vector<16xi32>
    %mul3A_92 = arith.muli %iota3A, %mul3A_91 : vector<16xi32>
    %add3A_93 = arith.constant 10 : i32
    %add3A_94 = vector.broadcast %add3A_93 : i32 to vector<16xi32>
    %add3A_95 = arith.addi %mul3A_92, %add3A_94 : vector<16xi32>
    %shift_right_arithmetic3A_96 = arith.constant 7 : i32
    %shift_right_arithmetic3A_97 = vector.broadcast %shift_right_arithmetic3A_96 : i32 to vector<16xi32>
    %shift_right_arithmetic3A_98 = arith.shrsi %add3A_95, %shift_right_arithmetic3A_97 : vector<16xi32>
    %mul3A_99 = arith.constant 16 : i32
    %mul3A_100 = vector.broadcast %mul3A_99 : i32 to vector<16xi32>
    %mul3A_101 = arith.muli %iota3A, %mul3A_100 : vector<16xi32>
    %add3A_102 = arith.constant 11 : i32
    %add3A_103 = vector.broadcast %add3A_102 : i32 to vector<16xi32>
    %add3A_104 = arith.addi %mul3A_101, %add3A_103 : vector<16xi32>
    %shift_right_arithmetic3A_105 = arith.constant 7 : i32
    %shift_right_arithmetic3A_106 = vector.broadcast %shift_right_arithmetic3A_105 : i32 to vector<16xi32>
    %shift_right_arithmetic3A_107 = arith.shrsi %add3A_104, %shift_right_arithmetic3A_106 : vector<16xi32>
    %mul3A_108 = arith.constant 16 : i32
    %mul3A_109 = vector.broadcast %mul3A_108 : i32 to vector<16xi32>
    %mul3A_110 = arith.muli %iota3A, %mul3A_109 : vector<16xi32>
    %add3A_111 = arith.constant 12 : i32
    %add3A_112 = vector.broadcast %add3A_111 : i32 to vector<16xi32>
    %add3A_113 = arith.addi %mul3A_110, %add3A_112 : vector<16xi32>
    %shift_right_arithmetic3A_114 = arith.constant 7 : i32
    %shift_right_arithmetic3A_115 = vector.broadcast %shift_right_arithmetic3A_114 : i32 to vector<16xi32>
    %shift_right_arithmetic3A_116 = arith.shrsi %add3A_113, %shift_right_arithmetic3A_115 : vector<16xi32>
    %mul3A_117 = arith.constant 16 : i32
    %mul3A_118 = vector.broadcast %mul3A_117 : i32 to vector<16xi32>
    %mul3A_119 = arith.muli %iota3A, %mul3A_118 : vector<16xi32>
    %add3A_120 = arith.constant 13 : i32
    %add3A_121 = vector.broadcast %add3A_120 : i32 to vector<16xi32>
    %add3A_122 = arith.addi %mul3A_119, %add3A_121 : vector<16xi32>
    %shift_right_arithmetic3A_123 = arith.constant 7 : i32
    %shift_right_arithmetic3A_124 = vector.broadcast %shift_right_arithmetic3A_123 : i32 to vector<16xi32>
    %shift_right_arithmetic3A_125 = arith.shrsi %add3A_122, %shift_right_arithmetic3A_124 : vector<16xi32>
    %mul3A_126 = arith.constant 16 : i32
    %mul3A_127 = vector.broadcast %mul3A_126 : i32 to vector<16xi32>
    %mul3A_128 = arith.muli %iota3A, %mul3A_127 : vector<16xi32>
    %add3A_129 = arith.constant 14 : i32
    %add3A_130 = vector.broadcast %add3A_129 : i32 to vector<16xi32>
    %add3A_131 = arith.addi %mul3A_128, %add3A_130 : vector<16xi32>
    %shift_right_arithmetic3A_132 = arith.constant 7 : i32
    %shift_right_arithmetic3A_133 = vector.broadcast %shift_right_arithmetic3A_132 : i32 to vector<16xi32>
    %shift_right_arithmetic3A_134 = arith.shrsi %add3A_131, %shift_right_arithmetic3A_133 : vector<16xi32>
    %mul3A_135 = arith.constant 16 : i32
    %mul3A_136 = vector.broadcast %mul3A_135 : i32 to vector<16xi32>
    %mul3A_137 = arith.muli %iota3A, %mul3A_136 : vector<16xi32>
    %add3A_138 = arith.constant 15 : i32
    %add3A_139 = vector.broadcast %add3A_138 : i32 to vector<16xi32>
    %add3A_140 = arith.addi %mul3A_137, %add3A_139 : vector<16xi32>
    %shift_right_arithmetic3A_141 = arith.constant 7 : i32
    %shift_right_arithmetic3A_142 = vector.broadcast %shift_right_arithmetic3A_141 : i32 to vector<16xi32>
    %shift_right_arithmetic3A_143 = arith.shrsi %add3A_140, %shift_right_arithmetic3A_142 : vector<16xi32>
    %mul3A_144 = arith.constant 16 : i32
    %mul3A_145 = vector.broadcast %mul3A_144 : i32 to vector<16xi32>
    %mul3A_146 = arith.muli %iota3A, %mul3A_145 : vector<16xi32>
    %add3A_147 = arith.constant 0 : i32
    %add3A_148 = vector.broadcast %add3A_147 : i32 to vector<16xi32>
    %add3A_149 = arith.addi %mul3A_146, %add3A_148 : vector<16xi32>
    %and3A = arith.constant 127 : i32
    %and3A_150 = vector.broadcast %and3A : i32 to vector<16xi32>
    %and3A_151 = arith.andi %add3A_149, %and3A_150 : vector<16xi32>
    %mul3A_152 = arith.constant 16 : i32
    %mul3A_153 = vector.broadcast %mul3A_152 : i32 to vector<16xi32>
    %mul3A_154 = arith.muli %iota3A, %mul3A_153 : vector<16xi32>
    %add3A_155 = arith.constant 1 : i32
    %add3A_156 = vector.broadcast %add3A_155 : i32 to vector<16xi32>
    %add3A_157 = arith.addi %mul3A_154, %add3A_156 : vector<16xi32>
    %and3A_158 = arith.constant 127 : i32
    %and3A_159 = vector.broadcast %and3A_158 : i32 to vector<16xi32>
    %and3A_160 = arith.andi %add3A_157, %and3A_159 : vector<16xi32>
    %mul3A_161 = arith.constant 16 : i32
    %mul3A_162 = vector.broadcast %mul3A_161 : i32 to vector<16xi32>
    %mul3A_163 = arith.muli %iota3A, %mul3A_162 : vector<16xi32>
    %add3A_164 = arith.constant 2 : i32
    %add3A_165 = vector.broadcast %add3A_164 : i32 to vector<16xi32>
    %add3A_166 = arith.addi %mul3A_163, %add3A_165 : vector<16xi32>
    %and3A_167 = arith.constant 127 : i32
    %and3A_168 = vector.broadcast %and3A_167 : i32 to vector<16xi32>
    %and3A_169 = arith.andi %add3A_166, %and3A_168 : vector<16xi32>
    %mul3A_170 = arith.constant 16 : i32
    %mul3A_171 = vector.broadcast %mul3A_170 : i32 to vector<16xi32>
    %mul3A_172 = arith.muli %iota3A, %mul3A_171 : vector<16xi32>
    %add3A_173 = arith.constant 3 : i32
    %add3A_174 = vector.broadcast %add3A_173 : i32 to vector<16xi32>
    %add3A_175 = arith.addi %mul3A_172, %add3A_174 : vector<16xi32>
    %and3A_176 = arith.constant 127 : i32
    %and3A_177 = vector.broadcast %and3A_176 : i32 to vector<16xi32>
    %and3A_178 = arith.andi %add3A_175, %and3A_177 : vector<16xi32>
    %mul3A_179 = arith.constant 16 : i32
    %mul3A_180 = vector.broadcast %mul3A_179 : i32 to vector<16xi32>
    %mul3A_181 = arith.muli %iota3A, %mul3A_180 : vector<16xi32>
    %add3A_182 = arith.constant 4 : i32
    %add3A_183 = vector.broadcast %add3A_182 : i32 to vector<16xi32>
    %add3A_184 = arith.addi %mul3A_181, %add3A_183 : vector<16xi32>
    %and3A_185 = arith.constant 127 : i32
    %and3A_186 = vector.broadcast %and3A_185 : i32 to vector<16xi32>
    %and3A_187 = arith.andi %add3A_184, %and3A_186 : vector<16xi32>
    %mul3A_188 = arith.constant 16 : i32
    %mul3A_189 = vector.broadcast %mul3A_188 : i32 to vector<16xi32>
    %mul3A_190 = arith.muli %iota3A, %mul3A_189 : vector<16xi32>
    %add3A_191 = arith.constant 5 : i32
    %add3A_192 = vector.broadcast %add3A_191 : i32 to vector<16xi32>
    %add3A_193 = arith.addi %mul3A_190, %add3A_192 : vector<16xi32>
    %and3A_194 = arith.constant 127 : i32
    %and3A_195 = vector.broadcast %and3A_194 : i32 to vector<16xi32>
    %and3A_196 = arith.andi %add3A_193, %and3A_195 : vector<16xi32>
    %mul3A_197 = arith.constant 16 : i32
    %mul3A_198 = vector.broadcast %mul3A_197 : i32 to vector<16xi32>
    %mul3A_199 = arith.muli %iota3A, %mul3A_198 : vector<16xi32>
    %add3A_200 = arith.constant 6 : i32
    %add3A_201 = vector.broadcast %add3A_200 : i32 to vector<16xi32>
    %add3A_202 = arith.addi %mul3A_199, %add3A_201 : vector<16xi32>
    %and3A_203 = arith.constant 127 : i32
    %and3A_204 = vector.broadcast %and3A_203 : i32 to vector<16xi32>
    %and3A_205 = arith.andi %add3A_202, %and3A_204 : vector<16xi32>
    %mul3A_206 = arith.constant 16 : i32
    %mul3A_207 = vector.broadcast %mul3A_206 : i32 to vector<16xi32>
    %mul3A_208 = arith.muli %iota3A, %mul3A_207 : vector<16xi32>
    %add3A_209 = arith.constant 7 : i32
    %add3A_210 = vector.broadcast %add3A_209 : i32 to vector<16xi32>
    %add3A_211 = arith.addi %mul3A_208, %add3A_210 : vector<16xi32>
    %and3A_212 = arith.constant 127 : i32
    %and3A_213 = vector.broadcast %and3A_212 : i32 to vector<16xi32>
    %and3A_214 = arith.andi %add3A_211, %and3A_213 : vector<16xi32>
    %mul3A_215 = arith.constant 16 : i32
    %mul3A_216 = vector.broadcast %mul3A_215 : i32 to vector<16xi32>
    %mul3A_217 = arith.muli %iota3A, %mul3A_216 : vector<16xi32>
    %add3A_218 = arith.constant 8 : i32
    %add3A_219 = vector.broadcast %add3A_218 : i32 to vector<16xi32>
    %add3A_220 = arith.addi %mul3A_217, %add3A_219 : vector<16xi32>
    %and3A_221 = arith.constant 127 : i32
    %and3A_222 = vector.broadcast %and3A_221 : i32 to vector<16xi32>
    %and3A_223 = arith.andi %add3A_220, %and3A_222 : vector<16xi32>
    %mul3A_224 = arith.constant 16 : i32
    %mul3A_225 = vector.broadcast %mul3A_224 : i32 to vector<16xi32>
    %mul3A_226 = arith.muli %iota3A, %mul3A_225 : vector<16xi32>
    %add3A_227 = arith.constant 9 : i32
    %add3A_228 = vector.broadcast %add3A_227 : i32 to vector<16xi32>
    %add3A_229 = arith.addi %mul3A_226, %add3A_228 : vector<16xi32>
    %and3A_230 = arith.constant 127 : i32
    %and3A_231 = vector.broadcast %and3A_230 : i32 to vector<16xi32>
    %and3A_232 = arith.andi %add3A_229, %and3A_231 : vector<16xi32>
    %mul3A_233 = arith.constant 16 : i32
    %mul3A_234 = vector.broadcast %mul3A_233 : i32 to vector<16xi32>
    %mul3A_235 = arith.muli %iota3A, %mul3A_234 : vector<16xi32>
    %add3A_236 = arith.constant 10 : i32
    %add3A_237 = vector.broadcast %add3A_236 : i32 to vector<16xi32>
    %add3A_238 = arith.addi %mul3A_235, %add3A_237 : vector<16xi32>
    %and3A_239 = arith.constant 127 : i32
    %and3A_240 = vector.broadcast %and3A_239 : i32 to vector<16xi32>
    %and3A_241 = arith.andi %add3A_238, %and3A_240 : vector<16xi32>
    %mul3A_242 = arith.constant 16 : i32
    %mul3A_243 = vector.broadcast %mul3A_242 : i32 to vector<16xi32>
    %mul3A_244 = arith.muli %iota3A, %mul3A_243 : vector<16xi32>
    %add3A_245 = arith.constant 11 : i32
    %add3A_246 = vector.broadcast %add3A_245 : i32 to vector<16xi32>
    %add3A_247 = arith.addi %mul3A_244, %add3A_246 : vector<16xi32>
    %and3A_248 = arith.constant 127 : i32
    %and3A_249 = vector.broadcast %and3A_248 : i32 to vector<16xi32>
    %and3A_250 = arith.andi %add3A_247, %and3A_249 : vector<16xi32>
    %mul3A_251 = arith.constant 16 : i32
    %mul3A_252 = vector.broadcast %mul3A_251 : i32 to vector<16xi32>
    %mul3A_253 = arith.muli %iota3A, %mul3A_252 : vector<16xi32>
    %add3A_254 = arith.constant 12 : i32
    %add3A_255 = vector.broadcast %add3A_254 : i32 to vector<16xi32>
    %add3A_256 = arith.addi %mul3A_253, %add3A_255 : vector<16xi32>
    %and3A_257 = arith.constant 127 : i32
    %and3A_258 = vector.broadcast %and3A_257 : i32 to vector<16xi32>
    %and3A_259 = arith.andi %add3A_256, %and3A_258 : vector<16xi32>
    %mul3A_260 = arith.constant 16 : i32
    %mul3A_261 = vector.broadcast %mul3A_260 : i32 to vector<16xi32>
    %mul3A_262 = arith.muli %iota3A, %mul3A_261 : vector<16xi32>
    %add3A_263 = arith.constant 13 : i32
    %add3A_264 = vector.broadcast %add3A_263 : i32 to vector<16xi32>
    %add3A_265 = arith.addi %mul3A_262, %add3A_264 : vector<16xi32>
    %and3A_266 = arith.constant 127 : i32
    %and3A_267 = vector.broadcast %and3A_266 : i32 to vector<16xi32>
    %and3A_268 = arith.andi %add3A_265, %and3A_267 : vector<16xi32>
    %mul3A_269 = arith.constant 16 : i32
    %mul3A_270 = vector.broadcast %mul3A_269 : i32 to vector<16xi32>
    %mul3A_271 = arith.muli %iota3A, %mul3A_270 : vector<16xi32>
    %add3A_272 = arith.constant 14 : i32
    %add3A_273 = vector.broadcast %add3A_272 : i32 to vector<16xi32>
    %add3A_274 = arith.addi %mul3A_271, %add3A_273 : vector<16xi32>
    %and3A_275 = arith.constant 127 : i32
    %and3A_276 = vector.broadcast %and3A_275 : i32 to vector<16xi32>
    %and3A_277 = arith.andi %add3A_274, %and3A_276 : vector<16xi32>
    %mul3A_278 = arith.constant 16 : i32
    %mul3A_279 = vector.broadcast %mul3A_278 : i32 to vector<16xi32>
    %mul3A_280 = arith.muli %iota3A, %mul3A_279 : vector<16xi32>
    %add3A_281 = arith.constant 15 : i32
    %add3A_282 = vector.broadcast %add3A_281 : i32 to vector<16xi32>
    %add3A_283 = arith.addi %mul3A_280, %add3A_282 : vector<16xi32>
    %and3A_284 = arith.constant 127 : i32
    %and3A_285 = vector.broadcast %and3A_284 : i32 to vector<16xi32>
    %and3A_286 = arith.andi %add3A_283, %and3A_285 : vector<16xi32>
    %mul3A_287 = arith.constant 244 : i32
    %mul3A_288 = arith.muli %add3A, %mul3A_287 : i32
    %add3A_289 = arith.constant 0 : i32
    %add3A_290 = arith.addi %mul3A_288, %add3A_289 : i32
    %mul3A_291 = arith.constant 128 : i32
    %mul3A_292 = arith.muli %add3A_290, %mul3A_291 : i32
    %dma_start3A = arith.constant 0 : i32
    %dma_start3A_293 = tpu.memref_slice %arg2[%dma_start3A, %mul3A_292] : memref<16x1000000xf32, #tpu.memory_space<hbm>> -> memref<16x128xf32, #tpu.memory_space<hbm>>
    %dma_start3A_294 = arith.constant 0 : i32
    %dma_start3A_295 = tpu.memref_slice %arg2[%dma_start3A_294, %mul3A_292] : memref<16x1000000xf32, #tpu.memory_space<hbm>> -> memref<16x128xf32, #tpu.memory_space<hbm>>
    tpu.enqueue_dma source(%dma_start3A_295 : memref<16x128xf32, #tpu.memory_space<hbm>>) target(%arg6 : memref<16x128xf32, #tpu.memory_space<vmem>>) target_semaphore(%arg15 : memref<!tpu.dma_semaphore, #tpu.memory_space<semaphore_mem>>)
    %add3A_296 = arith.constant 1 : i32
    %add3A_297 = arith.addi %mul3A_288, %add3A_296 : i32
    %mul3A_298 = arith.constant 128 : i32
    %mul3A_299 = arith.muli %add3A_297, %mul3A_298 : i32
    %dma_start3A_300 = arith.constant 0 : i32
    %dma_start3A_301 = tpu.memref_slice %arg2[%dma_start3A_300, %mul3A_299] : memref<16x1000000xf32, #tpu.memory_space<hbm>> -> memref<16x128xf32, #tpu.memory_space<hbm>>
    %dma_start3A_302 = arith.constant 0 : i32
    %dma_start3A_303 = tpu.memref_slice %arg2[%dma_start3A_302, %mul3A_299] : memref<16x1000000xf32, #tpu.memory_space<hbm>> -> memref<16x128xf32, #tpu.memory_space<hbm>>
    tpu.enqueue_dma source(%dma_start3A_303 : memref<16x128xf32, #tpu.memory_space<hbm>>) target(%arg7 : memref<16x128xf32, #tpu.memory_space<vmem>>) target_semaphore(%arg16 : memref<!tpu.dma_semaphore, #tpu.memory_space<semaphore_mem>>)
    %add3A_304 = arith.constant 2 : i32
    %add3A_305 = arith.addi %mul3A_288, %add3A_304 : i32
    %mul3A_306 = arith.constant 128 : i32
    %mul3A_307 = arith.muli %add3A_305, %mul3A_306 : i32
    %dma_start3A_308 = arith.constant 0 : i32
    %dma_start3A_309 = tpu.memref_slice %arg2[%dma_start3A_308, %mul3A_307] : memref<16x1000000xf32, #tpu.memory_space<hbm>> -> memref<16x128xf32, #tpu.memory_space<hbm>>
    %dma_start3A_310 = arith.constant 0 : i32
    %dma_start3A_311 = tpu.memref_slice %arg2[%dma_start3A_310, %mul3A_307] : memref<16x1000000xf32, #tpu.memory_space<hbm>> -> memref<16x128xf32, #tpu.memory_space<hbm>>
    tpu.enqueue_dma source(%dma_start3A_311 : memref<16x128xf32, #tpu.memory_space<hbm>>) target(%arg8 : memref<16x128xf32, #tpu.memory_space<vmem>>) target_semaphore(%arg17 : memref<!tpu.dma_semaphore, #tpu.memory_space<semaphore_mem>>)
    %add3A_312 = arith.constant 3 : i32
    %add3A_313 = arith.addi %mul3A_288, %add3A_312 : i32
    %mul3A_314 = arith.constant 128 : i32
    %mul3A_315 = arith.muli %add3A_313, %mul3A_314 : i32
    %dma_start3A_316 = arith.constant 0 : i32
    %dma_start3A_317 = tpu.memref_slice %arg2[%dma_start3A_316, %mul3A_315] : memref<16x1000000xf32, #tpu.memory_space<hbm>> -> memref<16x128xf32, #tpu.memory_space<hbm>>
    %dma_start3A_318 = arith.constant 0 : i32
    %dma_start3A_319 = tpu.memref_slice %arg2[%dma_start3A_318, %mul3A_315] : memref<16x1000000xf32, #tpu.memory_space<hbm>> -> memref<16x128xf32, #tpu.memory_space<hbm>>
    tpu.enqueue_dma source(%dma_start3A_319 : memref<16x128xf32, #tpu.memory_space<hbm>>) target(%arg9 : memref<16x128xf32, #tpu.memory_space<vmem>>) target_semaphore(%arg18 : memref<!tpu.dma_semaphore, #tpu.memory_space<semaphore_mem>>)
    %scan3A = arith.constant 0 : i32
    %scan3A_320 = arith.constant 0 : i32
    %scan3A_321 = arith.constant 61 : i32
    %scan3A_322 = arith.addi %scan3A_320, %scan3A_321 : i32
    %scan3A_323 = arith.constant 1 : i32
    scf.for %scan3A_428 = %scan3A_320 to %scan3A_322 step %scan3A_323  : i32 {
      %mul3A_429 = arith.constant 4 : i32
      %mul3A_430 = arith.muli %mul3A_429, %scan3A_428 : i32
      %add3A_431 = arith.constant 0 : i32
      %add3A_432 = arith.addi %mul3A_430, %add3A_431 : i32
      %ge3A = arith.constant 1 : i32
      %ge3A_433 = arith.cmpi sge, %scan3A_428, %ge3A : i32
      %convert_element_type3A_434 = arith.extui %ge3A_433 : i1 to i32
      %cond3A_435 = arith.constant 0 : i32
      %cond3A_436 = arith.cmpi ne, %convert_element_type3A_434, %cond3A_435 : i32
      scf.if %cond3A_436 {
        %dma_wait3A_568 = arith.constant 0 : i32
        %dma_wait3A_569 = arith.constant 0 : i32
        %dma_wait3A_570 = tpu.memref_slice %arg4[%dma_wait3A_568, %dma_wait3A_569] : memref<125000x128xf32, #tpu.memory_space<hbm>> -> memref<16x128xf32, #tpu.memory_space<hbm>>
        %dma_wait3A_571 = arith.constant 0 : i32
        %dma_wait3A_572 = arith.constant 0 : i32
        %dma_wait3A_573 = tpu.memref_slice %arg4[%dma_wait3A_571, %dma_wait3A_572] : memref<125000x128xf32, #tpu.memory_space<hbm>> -> memref<16x128xf32, #tpu.memory_space<hbm>>
        tpu.wait_dma2 semaphore(%arg19 : memref<!tpu.dma_semaphore, #tpu.memory_space<semaphore_mem>>) src(%arg10 : memref<16x128xf32, #tpu.memory_space<vmem>>) dst(%dma_wait3A_573 : memref<16x128xf32, #tpu.memory_space<hbm>>)
      } else {
      }
      %dma_wait3A_437 = arith.constant 0 : i32
      %dma_wait3A_438 = arith.constant 0 : i32
      %dma_wait3A_439 = tpu.memref_slice %arg2[%dma_wait3A_437, %dma_wait3A_438] : memref<16x1000000xf32, #tpu.memory_space<hbm>> -> memref<16x128xf32, #tpu.memory_space<hbm>>
      %dma_wait3A_440 = arith.constant 0 : i32
      %dma_wait3A_441 = arith.constant 0 : i32
      %dma_wait3A_442 = tpu.memref_slice %arg2[%dma_wait3A_440, %dma_wait3A_441] : memref<16x1000000xf32, #tpu.memory_space<hbm>> -> memref<16x128xf32, #tpu.memory_space<hbm>>
      tpu.wait_dma2 semaphore(%arg15 : memref<!tpu.dma_semaphore, #tpu.memory_space<semaphore_mem>>) src(%dma_wait3A_442 : memref<16x128xf32, #tpu.memory_space<hbm>>) dst(%arg6 : memref<16x128xf32, #tpu.memory_space<vmem>>)
      %scan3A_443 = arith.constant 0 : i32
      %scan3A_444 = arith.constant 0 : i32
      %scan3A_445 = arith.constant 8 : i32
      %scan3A_446 = arith.addi %scan3A_444, %scan3A_445 : i32
      %scan3A_447 = arith.constant 1 : i32
      scf.for %scan3A_568 = %scan3A_444 to %scan3A_446 step %scan3A_447  : i32 {
        %mul3A_569 = arith.constant 2 : i32
        %mul3A_570 = arith.muli %scan3A_568, %mul3A_569 : i32
        %mul3A_571 = arith.constant 16 : i32
        %mul3A_572 = arith.muli %scan3A_568, %mul3A_571 : i32
        %get3A = arith.constant 0 : i32
        %get3A_573 = arith.index_cast %get3A : i32 to index
        %get3A_574 = arith.index_cast %mul3A_572 : i32 to index
        %get3A_575 = tpu.vector_load %arg6[%get3A_573, %get3A_574] {strides = array<i32>} : memref<16x128xf32, #tpu.memory_space<vmem>>, vector<16xf32>,
        %add3A_576 = vector.broadcast %mul3A_570 : i32 to vector<16xi32>
        %add3A_577 = arith.addi %add3A_576, %shift_right_arithmetic3A_8 : vector<16xi32>
        tpu.vector_store_idx %arg10[%add3A_577, %and3A_151], %get3A_575 : memref<16x128xf32, #tpu.memory_space<vmem>>[vector<16xi32>, vector<16xi32>], vector<16xf32>,
        %mul3A_578 = arith.constant 16 : i32
        %mul3A_579 = arith.muli %scan3A_568, %mul3A_578 : i32
        %get3A_580 = arith.constant 1 : i32
        %get3A_581 = arith.index_cast %get3A_580 : i32 to index
        %get3A_582 = arith.index_cast %mul3A_579 : i32 to index
        %get3A_583 = tpu.vector_load %arg6[%get3A_581, %get3A_582] {strides = array<i32>} : memref<16x128xf32, #tpu.memory_space<vmem>>, vector<16xf32>,
        %add3A_584 = vector.broadcast %mul3A_570 : i32 to vector<16xi32>
        %add3A_585 = arith.addi %add3A_584, %shift_right_arithmetic3A_17 : vector<16xi32>
        tpu.vector_store_idx %arg10[%add3A_585, %and3A_160], %get3A_583 : memref<16x128xf32, #tpu.memory_space<vmem>>[vector<16xi32>, vector<16xi32>], vector<16xf32>,
        %mul3A_586 = arith.constant 16 : i32
        %mul3A_587 = arith.muli %scan3A_568, %mul3A_586 : i32
        %get3A_588 = arith.constant 2 : i32
        %get3A_589 = arith.index_cast %get3A_588 : i32 to index
        %get3A_590 = arith.index_cast %mul3A_587 : i32 to index
        %get3A_591 = tpu.vector_load %arg6[%get3A_589, %get3A_590] {strides = array<i32>} : memref<16x128xf32, #tpu.memory_space<vmem>>, vector<16xf32>,
        %add3A_592 = vector.broadcast %mul3A_570 : i32 to vector<16xi32>
        %add3A_593 = arith.addi %add3A_592, %shift_right_arithmetic3A_26 : vector<16xi32>
        tpu.vector_store_idx %arg10[%add3A_593, %and3A_169], %get3A_591 : memref<16x128xf32, #tpu.memory_space<vmem>>[vector<16xi32>, vector<16xi32>], vector<16xf32>,
        %mul3A_594 = arith.constant 16 : i32
        %mul3A_595 = arith.muli %scan3A_568, %mul3A_594 : i32
        %get3A_596 = arith.constant 3 : i32
        %get3A_597 = arith.index_cast %get3A_596 : i32 to index
        %get3A_598 = arith.index_cast %mul3A_595 : i32 to index
        %get3A_599 = tpu.vector_load %arg6[%get3A_597, %get3A_598] {strides = array<i32>} : memref<16x128xf32, #tpu.memory_space<vmem>>, vector<16xf32>,
        %add3A_600 = vector.broadcast %mul3A_570 : i32 to vector<16xi32>
        %add3A_601 = arith.addi %add3A_600, %shift_right_arithmetic3A_35 : vector<16xi32>
        tpu.vector_store_idx %arg10[%add3A_601, %and3A_178], %get3A_599 : memref<16x128xf32, #tpu.memory_space<vmem>>[vector<16xi32>, vector<16xi32>], vector<16xf32>,
        %mul3A_602 = arith.constant 16 : i32
        %mul3A_603 = arith.muli %scan3A_568, %mul3A_602 : i32
        %get3A_604 = arith.constant 4 : i32
        %get3A_605 = arith.index_cast %get3A_604 : i32 to index
        %get3A_606 = arith.index_cast %mul3A_603 : i32 to index
        %get3A_607 = tpu.vector_load %arg6[%get3A_605, %get3A_606] {strides = array<i32>} : memref<16x128xf32, #tpu.memory_space<vmem>>, vector<16xf32>,
        %add3A_608 = vector.broadcast %mul3A_570 : i32 to vector<16xi32>
        %add3A_609 = arith.addi %add3A_608, %shift_right_arithmetic3A_44 : vector<16xi32>
        tpu.vector_store_idx %arg10[%add3A_609, %and3A_187], %get3A_607 : memref<16x128xf32, #tpu.memory_space<vmem>>[vector<16xi32>, vector<16xi32>], vector<16xf32>,
        %mul3A_610 = arith.constant 16 : i32
        %mul3A_611 = arith.muli %scan3A_568, %mul3A_610 : i32
        %get3A_612 = arith.constant 5 : i32
        %get3A_613 = arith.index_cast %get3A_612 : i32 to index
        %get3A_614 = arith.index_cast %mul3A_611 : i32 to index
        %get3A_615 = tpu.vector_load %arg6[%get3A_613, %get3A_614] {strides = array<i32>} : memref<16x128xf32, #tpu.memory_space<vmem>>, vector<16xf32>,
        %add3A_616 = vector.broadcast %mul3A_570 : i32 to vector<16xi32>
        %add3A_617 = arith.addi %add3A_616, %shift_right_arithmetic3A_53 : vector<16xi32>
        tpu.vector_store_idx %arg10[%add3A_617, %and3A_196], %get3A_615 : memref<16x128xf32, #tpu.memory_space<vmem>>[vector<16xi32>, vector<16xi32>], vector<16xf32>,
        %mul3A_618 = arith.constant 16 : i32
        %mul3A_619 = arith.muli %scan3A_568, %mul3A_618 : i32
        %get3A_620 = arith.constant 6 : i32
        %get3A_621 = arith.index_cast %get3A_620 : i32 to index
        %get3A_622 = arith.index_cast %mul3A_619 : i32 to index
        %get3A_623 = tpu.vector_load %arg6[%get3A_621, %get3A_622] {strides = array<i32>} : memref<16x128xf32, #tpu.memory_space<vmem>>, vector<16xf32>,
        %add3A_624 = vector.broadcast %mul3A_570 : i32 to vector<16xi32>
        %add3A_625 = arith.addi %add3A_624, %shift_right_arithmetic3A_62 : vector<16xi32>
        tpu.vector_store_idx %arg10[%add3A_625, %and3A_205], %get3A_623 : memref<16x128xf32, #tpu.memory_space<vmem>>[vector<16xi32>, vector<16xi32>], vector<16xf32>,
        %mul3A_626 = arith.constant 16 : i32
        %mul3A_627 = arith.muli %scan3A_568, %mul3A_626 : i32
        %get3A_628 = arith.constant 7 : i32
        %get3A_629 = arith.index_cast %get3A_628 : i32 to index
        %get3A_630 = arith.index_cast %mul3A_627 : i32 to index
        %get3A_631 = tpu.vector_load %arg6[%get3A_629, %get3A_630] {strides = array<i32>} : memref<16x128xf32, #tpu.memory_space<vmem>>, vector<16xf32>,
        %add3A_632 = vector.broadcast %mul3A_570 : i32 to vector<16xi32>
        %add3A_633 = arith.addi %add3A_632, %shift_right_arithmetic3A_71 : vector<16xi32>
        tpu.vector_store_idx %arg10[%add3A_633, %and3A_214], %get3A_631 : memref<16x128xf32, #tpu.memory_space<vmem>>[vector<16xi32>, vector<16xi32>], vector<16xf32>,
        %mul3A_634 = arith.constant 16 : i32
        %mul3A_635 = arith.muli %scan3A_568, %mul3A_634 : i32
        %get3A_636 = arith.constant 8 : i32
        %get3A_637 = arith.index_cast %get3A_636 : i32 to index
        %get3A_638 = arith.index_cast %mul3A_635 : i32 to index
        %get3A_639 = tpu.vector_load %arg6[%get3A_637, %get3A_638] {strides = array<i32>} : memref<16x128xf32, #tpu.memory_space<vmem>>, vector<16xf32>,
        %add3A_640 = vector.broadcast %mul3A_570 : i32 to vector<16xi32>
        %add3A_641 = arith.addi %add3A_640, %shift_right_arithmetic3A_80 : vector<16xi32>
        tpu.vector_store_idx %arg10[%add3A_641, %and3A_223], %get3A_639 : memref<16x128xf32, #tpu.memory_space<vmem>>[vector<16xi32>, vector<16xi32>], vector<16xf32>,
        %mul3A_642 = arith.constant 16 : i32
        %mul3A_643 = arith.muli %scan3A_568, %mul3A_642 : i32
        %get3A_644 = arith.constant 9 : i32
        %get3A_645 = arith.index_cast %get3A_644 : i32 to index
        %get3A_646 = arith.index_cast %mul3A_643 : i32 to index
        %get3A_647 = tpu.vector_load %arg6[%get3A_645, %get3A_646] {strides = array<i32>} : memref<16x128xf32, #tpu.memory_space<vmem>>, vector<16xf32>,
        %add3A_648 = vector.broadcast %mul3A_570 : i32 to vector<16xi32>
        %add3A_649 = arith.addi %add3A_648, %shift_right_arithmetic3A_89 : vector<16xi32>
        tpu.vector_store_idx %arg10[%add3A_649, %and3A_232], %get3A_647 : memref<16x128xf32, #tpu.memory_space<vmem>>[vector<16xi32>, vector<16xi32>], vector<16xf32>,
        %mul3A_650 = arith.constant 16 : i32
        %mul3A_651 = arith.muli %scan3A_568, %mul3A_650 : i32
        %get3A_652 = arith.constant 10 : i32
        %get3A_653 = arith.index_cast %get3A_652 : i32 to index
        %get3A_654 = arith.index_cast %mul3A_651 : i32 to index
        %get3A_655 = tpu.vector_load %arg6[%get3A_653, %get3A_654] {strides = array<i32>} : memref<16x128xf32, #tpu.memory_space<vmem>>, vector<16xf32>,
        %add3A_656 = vector.broadcast %mul3A_570 : i32 to vector<16xi32>
        %add3A_657 = arith.addi %add3A_656, %shift_right_arithmetic3A_98 : vector<16xi32>
        tpu.vector_store_idx %arg10[%add3A_657, %and3A_241], %get3A_655 : memref<16x128xf32, #tpu.memory_space<vmem>>[vector<16xi32>, vector<16xi32>], vector<16xf32>,
        %mul3A_658 = arith.constant 16 : i32
        %mul3A_659 = arith.muli %scan3A_568, %mul3A_658 : i32
        %get3A_660 = arith.constant 11 : i32
        %get3A_661 = arith.index_cast %get3A_660 : i32 to index
        %get3A_662 = arith.index_cast %mul3A_659 : i32 to index
        %get3A_663 = tpu.vector_load %arg6[%get3A_661, %get3A_662] {strides = array<i32>} : memref<16x128xf32, #tpu.memory_space<vmem>>, vector<16xf32>,
        %add3A_664 = vector.broadcast %mul3A_570 : i32 to vector<16xi32>
        %add3A_665 = arith.addi %add3A_664, %shift_right_arithmetic3A_107 : vector<16xi32>
        tpu.vector_store_idx %arg10[%add3A_665, %and3A_250], %get3A_663 : memref<16x128xf32, #tpu.memory_space<vmem>>[vector<16xi32>, vector<16xi32>], vector<16xf32>,
        %mul3A_666 = arith.constant 16 : i32
        %mul3A_667 = arith.muli %scan3A_568, %mul3A_666 : i32
        %get3A_668 = arith.constant 12 : i32
        %get3A_669 = arith.index_cast %get3A_668 : i32 to index
        %get3A_670 = arith.index_cast %mul3A_667 : i32 to index
        %get3A_671 = tpu.vector_load %arg6[%get3A_669, %get3A_670] {strides = array<i32>} : memref<16x128xf32, #tpu.memory_space<vmem>>, vector<16xf32>,
        %add3A_672 = vector.broadcast %mul3A_570 : i32 to vector<16xi32>
        %add3A_673 = arith.addi %add3A_672, %shift_right_arithmetic3A_116 : vector<16xi32>
        tpu.vector_store_idx %arg10[%add3A_673, %and3A_259], %get3A_671 : memref<16x128xf32, #tpu.memory_space<vmem>>[vector<16xi32>, vector<16xi32>], vector<16xf32>,
        %mul3A_674 = arith.constant 16 : i32
        %mul3A_675 = arith.muli %scan3A_568, %mul3A_674 : i32
        %get3A_676 = arith.constant 13 : i32
        %get3A_677 = arith.index_cast %get3A_676 : i32 to index
        %get3A_678 = arith.index_cast %mul3A_675 : i32 to index
        %get3A_679 = tpu.vector_load %arg6[%get3A_677, %get3A_678] {strides = array<i32>} : memref<16x128xf32, #tpu.memory_space<vmem>>, vector<16xf32>,
        %add3A_680 = vector.broadcast %mul3A_570 : i32 to vector<16xi32>
        %add3A_681 = arith.addi %add3A_680, %shift_right_arithmetic3A_125 : vector<16xi32>
        tpu.vector_store_idx %arg10[%add3A_681, %and3A_268], %get3A_679 : memref<16x128xf32, #tpu.memory_space<vmem>>[vector<16xi32>, vector<16xi32>], vector<16xf32>,
        %mul3A_682 = arith.constant 16 : i32
        %mul3A_683 = arith.muli %scan3A_568, %mul3A_682 : i32
        %get3A_684 = arith.constant 14 : i32
        %get3A_685 = arith.index_cast %get3A_684 : i32 to index
        %get3A_686 = arith.index_cast %mul3A_683 : i32 to index
        %get3A_687 = tpu.vector_load %arg6[%get3A_685, %get3A_686] {strides = array<i32>} : memref<16x128xf32, #tpu.memory_space<vmem>>, vector<16xf32>,
        %add3A_688 = vector.broadcast %mul3A_570 : i32 to vector<16xi32>
        %add3A_689 = arith.addi %add3A_688, %shift_right_arithmetic3A_134 : vector<16xi32>
        tpu.vector_store_idx %arg10[%add3A_689, %and3A_277], %get3A_687 : memref<16x128xf32, #tpu.memory_space<vmem>>[vector<16xi32>, vector<16xi32>], vector<16xf32>,
        %mul3A_690 = arith.constant 16 : i32
        %mul3A_691 = arith.muli %scan3A_568, %mul3A_690 : i32
        %get3A_692 = arith.constant 15 : i32
        %get3A_693 = arith.index_cast %get3A_692 : i32 to index
        %get3A_694 = arith.index_cast %mul3A_691 : i32 to index
        %get3A_695 = tpu.vector_load %arg6[%get3A_693, %get3A_694] {strides = array<i32>} : memref<16x128xf32, #tpu.memory_space<vmem>>, vector<16xf32>,
        %add3A_696 = vector.broadcast %mul3A_570 : i32 to vector<16xi32>
        %add3A_697 = arith.addi %add3A_696, %shift_right_arithmetic3A_143 : vector<16xi32>
        tpu.vector_store_idx %arg10[%add3A_697, %and3A_286], %get3A_695 : memref<16x128xf32, #tpu.memory_space<vmem>>[vector<16xi32>, vector<16xi32>], vector<16xf32>,
      }
      %scan3A_448 = arith.constant 8 : i32
      %add3A_449 = arith.addi %mul3A_288, %add3A_432 : i32
      %mul3A_450 = arith.constant 16 : i32
      %mul3A_451 = arith.muli %add3A_449, %mul3A_450 : i32
      %dma_start3A_452 = arith.constant 0 : i32
      %dma_start3A_453 = tpu.memref_slice %arg4[%mul3A_451, %dma_start3A_452] : memref<125000x128xf32, #tpu.memory_space<hbm>> -> memref<16x128xf32, #tpu.memory_space<hbm>>
      %dma_start3A_454 = arith.constant 0 : i32
      %dma_start3A_455 = tpu.memref_slice %arg4[%mul3A_451, %dma_start3A_454] : memref<125000x128xf32, #tpu.memory_space<hbm>> -> memref<16x128xf32, #tpu.memory_space<hbm>>
      tpu.enqueue_dma source(%arg10 : memref<16x128xf32, #tpu.memory_space<vmem>>) target(%dma_start3A_455 : memref<16x128xf32, #tpu.memory_space<hbm>>) target_semaphore(%arg19 : memref<!tpu.dma_semaphore, #tpu.memory_space<semaphore_mem>>)
      %add3A_456 = arith.constant 4 : i32
      %add3A_457 = arith.addi %add3A_432, %add3A_456 : i32
      %lt3A_458 = arith.constant 244 : i32
      %lt3A_459 = arith.cmpi slt, %add3A_457, %lt3A_458 : i32
      %convert_element_type3A_460 = arith.extui %lt3A_459 : i1 to i32
      %cond3A_461 = arith.constant 0 : i32
      %cond3A_462 = arith.cmpi ne, %convert_element_type3A_460, %cond3A_461 : i32
      scf.if %cond3A_462 {
        %add3A_568 = arith.constant 4 : i32
        %add3A_569 = arith.addi %add3A_432, %add3A_568 : i32
        %add3A_570 = arith.addi %mul3A_288, %add3A_569 : i32
        %mul3A_571 = arith.constant 128 : i32
        %mul3A_572 = arith.muli %add3A_570, %mul3A_571 : i32
        %dma_start3A_573 = arith.constant 0 : i32
        %dma_start3A_574 = tpu.memref_slice %arg2[%dma_start3A_573, %mul3A_572] : memref<16x1000000xf32, #tpu.memory_space<hbm>> -> memref<16x128xf32, #tpu.memory_space<hbm>>
        %dma_start3A_575 = arith.constant 0 : i32
        %dma_start3A_576 = tpu.memref_slice %arg2[%dma_start3A_575, %mul3A_572] : memref<16x1000000xf32, #tpu.memory_space<hbm>> -> memref<16x128xf32, #tpu.memory_space<hbm>>
        tpu.enqueue_dma source(%dma_start3A_576 : memref<16x128xf32, #tpu.memory_space<hbm>>) target(%arg6 : memref<16x128xf32, #tpu.memory_space<vmem>>) target_semaphore(%arg15 : memref<!tpu.dma_semaphore, #tpu.memory_space<semaphore_mem>>)
      } else {
      }
      %mul3A_463 = arith.constant 4 : i32
      %mul3A_464 = arith.muli %mul3A_463, %scan3A_428 : i32
      %add3A_465 = arith.constant 1 : i32
      %add3A_466 = arith.addi %mul3A_464, %add3A_465 : i32
      %ge3A_467 = arith.constant 1 : i32
      %ge3A_468 = arith.cmpi sge, %scan3A_428, %ge3A_467 : i32
      %convert_element_type3A_469 = arith.extui %ge3A_468 : i1 to i32
      %cond3A_470 = arith.constant 0 : i32
      %cond3A_471 = arith.cmpi ne, %convert_element_type3A_469, %cond3A_470 : i32
      scf.if %cond3A_471 {
        %dma_wait3A_568 = arith.constant 0 : i32
        %dma_wait3A_569 = arith.constant 0 : i32
        %dma_wait3A_570 = tpu.memref_slice %arg4[%dma_wait3A_568, %dma_wait3A_569] : memref<125000x128xf32, #tpu.memory_space<hbm>> -> memref<16x128xf32, #tpu.memory_space<hbm>>
        %dma_wait3A_571 = arith.constant 0 : i32
        %dma_wait3A_572 = arith.constant 0 : i32
        %dma_wait3A_573 = tpu.memref_slice %arg4[%dma_wait3A_571, %dma_wait3A_572] : memref<125000x128xf32, #tpu.memory_space<hbm>> -> memref<16x128xf32, #tpu.memory_space<hbm>>
        tpu.wait_dma2 semaphore(%arg20 : memref<!tpu.dma_semaphore, #tpu.memory_space<semaphore_mem>>) src(%arg11 : memref<16x128xf32, #tpu.memory_space<vmem>>) dst(%dma_wait3A_573 : memref<16x128xf32, #tpu.memory_space<hbm>>)
      } else {
      }
      %dma_wait3A_472 = arith.constant 0 : i32
      %dma_wait3A_473 = arith.constant 0 : i32
      %dma_wait3A_474 = tpu.memref_slice %arg2[%dma_wait3A_472, %dma_wait3A_473] : memref<16x1000000xf32, #tpu.memory_space<hbm>> -> memref<16x128xf32, #tpu.memory_space<hbm>>
      %dma_wait3A_475 = arith.constant 0 : i32
      %dma_wait3A_476 = arith.constant 0 : i32
      %dma_wait3A_477 = tpu.memref_slice %arg2[%dma_wait3A_475, %dma_wait3A_476] : memref<16x1000000xf32, #tpu.memory_space<hbm>> -> memref<16x128xf32, #tpu.memory_space<hbm>>
      tpu.wait_dma2 semaphore(%arg16 : memref<!tpu.dma_semaphore, #tpu.memory_space<semaphore_mem>>) src(%dma_wait3A_477 : memref<16x128xf32, #tpu.memory_space<hbm>>) dst(%arg7 : memref<16x128xf32, #tpu.memory_space<vmem>>)
      %scan3A_478 = arith.constant 0 : i32
      %scan3A_479 = arith.constant 0 : i32
      %scan3A_480 = arith.constant 8 : i32
      %scan3A_481 = arith.addi %scan3A_479, %scan3A_480 : i32
      %scan3A_482 = arith.constant 1 : i32
      scf.for %scan3A_568 = %scan3A_479 to %scan3A_481 step %scan3A_482  : i32 {
        %mul3A_569 = arith.constant 2 : i32
        %mul3A_570 = arith.muli %scan3A_568, %mul3A_569 : i32
        %mul3A_571 = arith.constant 16 : i32
        %mul3A_572 = arith.muli %scan3A_568, %mul3A_571 : i32
        %get3A = arith.constant 0 : i32
        %get3A_573 = arith.index_cast %get3A : i32 to index
        %get3A_574 = arith.index_cast %mul3A_572 : i32 to index
        %get3A_575 = tpu.vector_load %arg7[%get3A_573, %get3A_574] {strides = array<i32>} : memref<16x128xf32, #tpu.memory_space<vmem>>, vector<16xf32>,
        %add3A_576 = vector.broadcast %mul3A_570 : i32 to vector<16xi32>
        %add3A_577 = arith.addi %add3A_576, %shift_right_arithmetic3A_8 : vector<16xi32>
        tpu.vector_store_idx %arg11[%add3A_577, %and3A_151], %get3A_575 : memref<16x128xf32, #tpu.memory_space<vmem>>[vector<16xi32>, vector<16xi32>], vector<16xf32>,
        %mul3A_578 = arith.constant 16 : i32
        %mul3A_579 = arith.muli %scan3A_568, %mul3A_578 : i32
        %get3A_580 = arith.constant 1 : i32
        %get3A_581 = arith.index_cast %get3A_580 : i32 to index
        %get3A_582 = arith.index_cast %mul3A_579 : i32 to index
        %get3A_583 = tpu.vector_load %arg7[%get3A_581, %get3A_582] {strides = array<i32>} : memref<16x128xf32, #tpu.memory_space<vmem>>, vector<16xf32>,
        %add3A_584 = vector.broadcast %mul3A_570 : i32 to vector<16xi32>
        %add3A_585 = arith.addi %add3A_584, %shift_right_arithmetic3A_17 : vector<16xi32>
        tpu.vector_store_idx %arg11[%add3A_585, %and3A_160], %get3A_583 : memref<16x128xf32, #tpu.memory_space<vmem>>[vector<16xi32>, vector<16xi32>], vector<16xf32>,
        %mul3A_586 = arith.constant 16 : i32
        %mul3A_587 = arith.muli %scan3A_568, %mul3A_586 : i32
        %get3A_588 = arith.constant 2 : i32
        %get3A_589 = arith.index_cast %get3A_588 : i32 to index
        %get3A_590 = arith.index_cast %mul3A_587 : i32 to index
        %get3A_591 = tpu.vector_load %arg7[%get3A_589, %get3A_590] {strides = array<i32>} : memref<16x128xf32, #tpu.memory_space<vmem>>, vector<16xf32>,
        %add3A_592 = vector.broadcast %mul3A_570 : i32 to vector<16xi32>
        %add3A_593 = arith.addi %add3A_592, %shift_right_arithmetic3A_26 : vector<16xi32>
        tpu.vector_store_idx %arg11[%add3A_593, %and3A_169], %get3A_591 : memref<16x128xf32, #tpu.memory_space<vmem>>[vector<16xi32>, vector<16xi32>], vector<16xf32>,
        %mul3A_594 = arith.constant 16 : i32
        %mul3A_595 = arith.muli %scan3A_568, %mul3A_594 : i32
        %get3A_596 = arith.constant 3 : i32
        %get3A_597 = arith.index_cast %get3A_596 : i32 to index
        %get3A_598 = arith.index_cast %mul3A_595 : i32 to index
        %get3A_599 = tpu.vector_load %arg7[%get3A_597, %get3A_598] {strides = array<i32>} : memref<16x128xf32, #tpu.memory_space<vmem>>, vector<16xf32>,
        %add3A_600 = vector.broadcast %mul3A_570 : i32 to vector<16xi32>
        %add3A_601 = arith.addi %add3A_600, %shift_right_arithmetic3A_35 : vector<16xi32>
        tpu.vector_store_idx %arg11[%add3A_601, %and3A_178], %get3A_599 : memref<16x128xf32, #tpu.memory_space<vmem>>[vector<16xi32>, vector<16xi32>], vector<16xf32>,
        %mul3A_602 = arith.constant 16 : i32
        %mul3A_603 = arith.muli %scan3A_568, %mul3A_602 : i32
        %get3A_604 = arith.constant 4 : i32
        %get3A_605 = arith.index_cast %get3A_604 : i32 to index
        %get3A_606 = arith.index_cast %mul3A_603 : i32 to index
        %get3A_607 = tpu.vector_load %arg7[%get3A_605, %get3A_606] {strides = array<i32>} : memref<16x128xf32, #tpu.memory_space<vmem>>, vector<16xf32>,
        %add3A_608 = vector.broadcast %mul3A_570 : i32 to vector<16xi32>
        %add3A_609 = arith.addi %add3A_608, %shift_right_arithmetic3A_44 : vector<16xi32>
        tpu.vector_store_idx %arg11[%add3A_609, %and3A_187], %get3A_607 : memref<16x128xf32, #tpu.memory_space<vmem>>[vector<16xi32>, vector<16xi32>], vector<16xf32>,
        %mul3A_610 = arith.constant 16 : i32
        %mul3A_611 = arith.muli %scan3A_568, %mul3A_610 : i32
        %get3A_612 = arith.constant 5 : i32
        %get3A_613 = arith.index_cast %get3A_612 : i32 to index
        %get3A_614 = arith.index_cast %mul3A_611 : i32 to index
        %get3A_615 = tpu.vector_load %arg7[%get3A_613, %get3A_614] {strides = array<i32>} : memref<16x128xf32, #tpu.memory_space<vmem>>, vector<16xf32>,
        %add3A_616 = vector.broadcast %mul3A_570 : i32 to vector<16xi32>
        %add3A_617 = arith.addi %add3A_616, %shift_right_arithmetic3A_53 : vector<16xi32>
        tpu.vector_store_idx %arg11[%add3A_617, %and3A_196], %get3A_615 : memref<16x128xf32, #tpu.memory_space<vmem>>[vector<16xi32>, vector<16xi32>], vector<16xf32>,
        %mul3A_618 = arith.constant 16 : i32
        %mul3A_619 = arith.muli %scan3A_568, %mul3A_618 : i32
        %get3A_620 = arith.constant 6 : i32
        %get3A_621 = arith.index_cast %get3A_620 : i32 to index
        %get3A_622 = arith.index_cast %mul3A_619 : i32 to index
        %get3A_623 = tpu.vector_load %arg7[%get3A_621, %get3A_622] {strides = array<i32>} : memref<16x128xf32, #tpu.memory_space<vmem>>, vector<16xf32>,
        %add3A_624 = vector.broadcast %mul3A_570 : i32 to vector<16xi32>
        %add3A_625 = arith.addi %add3A_624, %shift_right_arithmetic3A_62 : vector<16xi32>
        tpu.vector_store_idx %arg11[%add3A_625, %and3A_205], %get3A_623 : memref<16x128xf32, #tpu.memory_space<vmem>>[vector<16xi32>, vector<16xi32>], vector<16xf32>,
        %mul3A_626 = arith.constant 16 : i32
        %mul3A_627 = arith.muli %scan3A_568, %mul3A_626 : i32
        %get3A_628 = arith.constant 7 : i32
        %get3A_629 = arith.index_cast %get3A_628 : i32 to index
        %get3A_630 = arith.index_cast %mul3A_627 : i32 to index
        %get3A_631 = tpu.vector_load %arg7[%get3A_629, %get3A_630] {strides = array<i32>} : memref<16x128xf32, #tpu.memory_space<vmem>>, vector<16xf32>,
        %add3A_632 = vector.broadcast %mul3A_570 : i32 to vector<16xi32>
        %add3A_633 = arith.addi %add3A_632, %shift_right_arithmetic3A_71 : vector<16xi32>
        tpu.vector_store_idx %arg11[%add3A_633, %and3A_214], %get3A_631 : memref<16x128xf32, #tpu.memory_space<vmem>>[vector<16xi32>, vector<16xi32>], vector<16xf32>,
        %mul3A_634 = arith.constant 16 : i32
        %mul3A_635 = arith.muli %scan3A_568, %mul3A_634 : i32
        %get3A_636 = arith.constant 8 : i32
        %get3A_637 = arith.index_cast %get3A_636 : i32 to index
        %get3A_638 = arith.index_cast %mul3A_635 : i32 to index
        %get3A_639 = tpu.vector_load %arg7[%get3A_637, %get3A_638] {strides = array<i32>} : memref<16x128xf32, #tpu.memory_space<vmem>>, vector<16xf32>,
        %add3A_640 = vector.broadcast %mul3A_570 : i32 to vector<16xi32>
        %add3A_641 = arith.addi %add3A_640, %shift_right_arithmetic3A_80 : vector<16xi32>
        tpu.vector_store_idx %arg11[%add3A_641, %and3A_223], %get3A_639 : memref<16x128xf32, #tpu.memory_space<vmem>>[vector<16xi32>, vector<16xi32>], vector<16xf32>,
        %mul3A_642 = arith.constant 16 : i32
        %mul3A_643 = arith.muli %scan3A_568, %mul3A_642 : i32
        %get3A_644 = arith.constant 9 : i32
        %get3A_645 = arith.index_cast %get3A_644 : i32 to index
        %get3A_646 = arith.index_cast %mul3A_643 : i32 to index
        %get3A_647 = tpu.vector_load %arg7[%get3A_645, %get3A_646] {strides = array<i32>} : memref<16x128xf32, #tpu.memory_space<vmem>>, vector<16xf32>,
        %add3A_648 = vector.broadcast %mul3A_570 : i32 to vector<16xi32>
        %add3A_649 = arith.addi %add3A_648, %shift_right_arithmetic3A_89 : vector<16xi32>
        tpu.vector_store_idx %arg11[%add3A_649, %and3A_232], %get3A_647 : memref<16x128xf32, #tpu.memory_space<vmem>>[vector<16xi32>, vector<16xi32>], vector<16xf32>,
        %mul3A_650 = arith.constant 16 : i32
        %mul3A_651 = arith.muli %scan3A_568, %mul3A_650 : i32
        %get3A_652 = arith.constant 10 : i32
        %get3A_653 = arith.index_cast %get3A_652 : i32 to index
        %get3A_654 = arith.index_cast %mul3A_651 : i32 to index
        %get3A_655 = tpu.vector_load %arg7[%get3A_653, %get3A_654] {strides = array<i32>} : memref<16x128xf32, #tpu.memory_space<vmem>>, vector<16xf32>,
        %add3A_656 = vector.broadcast %mul3A_570 : i32 to vector<16xi32>
        %add3A_657 = arith.addi %add3A_656, %shift_right_arithmetic3A_98 : vector<16xi32>
        tpu.vector_store_idx %arg11[%add3A_657, %and3A_241], %get3A_655 : memref<16x128xf32, #tpu.memory_space<vmem>>[vector<16xi32>, vector<16xi32>], vector<16xf32>,
        %mul3A_658 = arith.constant 16 : i32
        %mul3A_659 = arith.muli %scan3A_568, %mul3A_658 : i32
        %get3A_660 = arith.constant 11 : i32
        %get3A_661 = arith.index_cast %get3A_660 : i32 to index
        %get3A_662 = arith.index_cast %mul3A_659 : i32 to index
        %get3A_663 = tpu.vector_load %arg7[%get3A_661, %get3A_662] {strides = array<i32>} : memref<16x128xf32, #tpu.memory_space<vmem>>, vector<16xf32>,
        %add3A_664 = vector.broadcast %mul3A_570 : i32 to vector<16xi32>
        %add3A_665 = arith.addi %add3A_664, %shift_right_arithmetic3A_107 : vector<16xi32>
        tpu.vector_store_idx %arg11[%add3A_665, %and3A_250], %get3A_663 : memref<16x128xf32, #tpu.memory_space<vmem>>[vector<16xi32>, vector<16xi32>], vector<16xf32>,
        %mul3A_666 = arith.constant 16 : i32
        %mul3A_667 = arith.muli %scan3A_568, %mul3A_666 : i32
        %get3A_668 = arith.constant 12 : i32
        %get3A_669 = arith.index_cast %get3A_668 : i32 to index
        %get3A_670 = arith.index_cast %mul3A_667 : i32 to index
        %get3A_671 = tpu.vector_load %arg7[%get3A_669, %get3A_670] {strides = array<i32>} : memref<16x128xf32, #tpu.memory_space<vmem>>, vector<16xf32>,
        %add3A_672 = vector.broadcast %mul3A_570 : i32 to vector<16xi32>
        %add3A_673 = arith.addi %add3A_672, %shift_right_arithmetic3A_116 : vector<16xi32>
        tpu.vector_store_idx %arg11[%add3A_673, %and3A_259], %get3A_671 : memref<16x128xf32, #tpu.memory_space<vmem>>[vector<16xi32>, vector<16xi32>], vector<16xf32>,
        %mul3A_674 = arith.constant 16 : i32
        %mul3A_675 = arith.muli %scan3A_568, %mul3A_674 : i32
        %get3A_676 = arith.constant 13 : i32
        %get3A_677 = arith.index_cast %get3A_676 : i32 to index
        %get3A_678 = arith.index_cast %mul3A_675 : i32 to index
        %get3A_679 = tpu.vector_load %arg7[%get3A_677, %get3A_678] {strides = array<i32>} : memref<16x128xf32, #tpu.memory_space<vmem>>, vector<16xf32>,
        %add3A_680 = vector.broadcast %mul3A_570 : i32 to vector<16xi32>
        %add3A_681 = arith.addi %add3A_680, %shift_right_arithmetic3A_125 : vector<16xi32>
        tpu.vector_store_idx %arg11[%add3A_681, %and3A_268], %get3A_679 : memref<16x128xf32, #tpu.memory_space<vmem>>[vector<16xi32>, vector<16xi32>], vector<16xf32>,
        %mul3A_682 = arith.constant 16 : i32
        %mul3A_683 = arith.muli %scan3A_568, %mul3A_682 : i32
        %get3A_684 = arith.constant 14 : i32
        %get3A_685 = arith.index_cast %get3A_684 : i32 to index
        %get3A_686 = arith.index_cast %mul3A_683 : i32 to index
        %get3A_687 = tpu.vector_load %arg7[%get3A_685, %get3A_686] {strides = array<i32>} : memref<16x128xf32, #tpu.memory_space<vmem>>, vector<16xf32>,
        %add3A_688 = vector.broadcast %mul3A_570 : i32 to vector<16xi32>
        %add3A_689 = arith.addi %add3A_688, %shift_right_arithmetic3A_134 : vector<16xi32>
        tpu.vector_store_idx %arg11[%add3A_689, %and3A_277], %get3A_687 : memref<16x128xf32, #tpu.memory_space<vmem>>[vector<16xi32>, vector<16xi32>], vector<16xf32>,
        %mul3A_690 = arith.constant 16 : i32
        %mul3A_691 = arith.muli %scan3A_568, %mul3A_690 : i32
        %get3A_692 = arith.constant 15 : i32
        %get3A_693 = arith.index_cast %get3A_692 : i32 to index
        %get3A_694 = arith.index_cast %mul3A_691 : i32 to index
        %get3A_695 = tpu.vector_load %arg7[%get3A_693, %get3A_694] {strides = array<i32>} : memref<16x128xf32, #tpu.memory_space<vmem>>, vector<16xf32>,
        %add3A_696 = vector.broadcast %mul3A_570 : i32 to vector<16xi32>
        %add3A_697 = arith.addi %add3A_696, %shift_right_arithmetic3A_143 : vector<16xi32>
        tpu.vector_store_idx %arg11[%add3A_697, %and3A_286], %get3A_695 : memref<16x128xf32, #tpu.memory_space<vmem>>[vector<16xi32>, vector<16xi32>], vector<16xf32>,
      }
      %scan3A_483 = arith.constant 8 : i32
      %add3A_484 = arith.addi %mul3A_288, %add3A_466 : i32
      %mul3A_485 = arith.constant 16 : i32
      %mul3A_486 = arith.muli %add3A_484, %mul3A_485 : i32
      %dma_start3A_487 = arith.constant 0 : i32
      %dma_start3A_488 = tpu.memref_slice %arg4[%mul3A_486, %dma_start3A_487] : memref<125000x128xf32, #tpu.memory_space<hbm>> -> memref<16x128xf32, #tpu.memory_space<hbm>>
      %dma_start3A_489 = arith.constant 0 : i32
      %dma_start3A_490 = tpu.memref_slice %arg4[%mul3A_486, %dma_start3A_489] : memref<125000x128xf32, #tpu.memory_space<hbm>> -> memref<16x128xf32, #tpu.memory_space<hbm>>
      tpu.enqueue_dma source(%arg11 : memref<16x128xf32, #tpu.memory_space<vmem>>) target(%dma_start3A_490 : memref<16x128xf32, #tpu.memory_space<hbm>>) target_semaphore(%arg20 : memref<!tpu.dma_semaphore, #tpu.memory_space<semaphore_mem>>)
      %add3A_491 = arith.constant 4 : i32
      %add3A_492 = arith.addi %add3A_466, %add3A_491 : i32
      %lt3A_493 = arith.constant 244 : i32
      %lt3A_494 = arith.cmpi slt, %add3A_492, %lt3A_493 : i32
      %convert_element_type3A_495 = arith.extui %lt3A_494 : i1 to i32
      %cond3A_496 = arith.constant 0 : i32
      %cond3A_497 = arith.cmpi ne, %convert_element_type3A_495, %cond3A_496 : i32
      scf.if %cond3A_497 {
        %add3A_568 = arith.constant 4 : i32
        %add3A_569 = arith.addi %add3A_466, %add3A_568 : i32
        %add3A_570 = arith.addi %mul3A_288, %add3A_569 : i32
        %mul3A_571 = arith.constant 128 : i32
        %mul3A_572 = arith.muli %add3A_570, %mul3A_571 : i32
        %dma_start3A_573 = arith.constant 0 : i32
        %dma_start3A_574 = tpu.memref_slice %arg2[%dma_start3A_573, %mul3A_572] : memref<16x1000000xf32, #tpu.memory_space<hbm>> -> memref<16x128xf32, #tpu.memory_space<hbm>>
        %dma_start3A_575 = arith.constant 0 : i32
        %dma_start3A_576 = tpu.memref_slice %arg2[%dma_start3A_575, %mul3A_572] : memref<16x1000000xf32, #tpu.memory_space<hbm>> -> memref<16x128xf32, #tpu.memory_space<hbm>>
        tpu.enqueue_dma source(%dma_start3A_576 : memref<16x128xf32, #tpu.memory_space<hbm>>) target(%arg7 : memref<16x128xf32, #tpu.memory_space<vmem>>) target_semaphore(%arg16 : memref<!tpu.dma_semaphore, #tpu.memory_space<semaphore_mem>>)
      } else {
      }
      %mul3A_498 = arith.constant 4 : i32
      %mul3A_499 = arith.muli %mul3A_498, %scan3A_428 : i32
      %add3A_500 = arith.constant 2 : i32
      %add3A_501 = arith.addi %mul3A_499, %add3A_500 : i32
      %ge3A_502 = arith.constant 1 : i32
      %ge3A_503 = arith.cmpi sge, %scan3A_428, %ge3A_502 : i32
      %convert_element_type3A_504 = arith.extui %ge3A_503 : i1 to i32
      %cond3A_505 = arith.constant 0 : i32
      %cond3A_506 = arith.cmpi ne, %convert_element_type3A_504, %cond3A_505 : i32
      scf.if %cond3A_506 {
        %dma_wait3A_568 = arith.constant 0 : i32
        %dma_wait3A_569 = arith.constant 0 : i32
        %dma_wait3A_570 = tpu.memref_slice %arg4[%dma_wait3A_568, %dma_wait3A_569] : memref<125000x128xf32, #tpu.memory_space<hbm>> -> memref<16x128xf32, #tpu.memory_space<hbm>>
        %dma_wait3A_571 = arith.constant 0 : i32
        %dma_wait3A_572 = arith.constant 0 : i32
        %dma_wait3A_573 = tpu.memref_slice %arg4[%dma_wait3A_571, %dma_wait3A_572] : memref<125000x128xf32, #tpu.memory_space<hbm>> -> memref<16x128xf32, #tpu.memory_space<hbm>>
        tpu.wait_dma2 semaphore(%arg21 : memref<!tpu.dma_semaphore, #tpu.memory_space<semaphore_mem>>) src(%arg12 : memref<16x128xf32, #tpu.memory_space<vmem>>) dst(%dma_wait3A_573 : memref<16x128xf32, #tpu.memory_space<hbm>>)
      } else {
      }
      %dma_wait3A_507 = arith.constant 0 : i32
      %dma_wait3A_508 = arith.constant 0 : i32
      %dma_wait3A_509 = tpu.memref_slice %arg2[%dma_wait3A_507, %dma_wait3A_508] : memref<16x1000000xf32, #tpu.memory_space<hbm>> -> memref<16x128xf32, #tpu.memory_space<hbm>>
      %dma_wait3A_510 = arith.constant 0 : i32
      %dma_wait3A_511 = arith.constant 0 : i32
      %dma_wait3A_512 = tpu.memref_slice %arg2[%dma_wait3A_510, %dma_wait3A_511] : memref<16x1000000xf32, #tpu.memory_space<hbm>> -> memref<16x128xf32, #tpu.memory_space<hbm>>
      tpu.wait_dma2 semaphore(%arg17 : memref<!tpu.dma_semaphore, #tpu.memory_space<semaphore_mem>>) src(%dma_wait3A_512 : memref<16x128xf32, #tpu.memory_space<hbm>>) dst(%arg8 : memref<16x128xf32, #tpu.memory_space<vmem>>)
      %scan3A_513 = arith.constant 0 : i32
      %scan3A_514 = arith.constant 0 : i32
      %scan3A_515 = arith.constant 8 : i32
      %scan3A_516 = arith.addi %scan3A_514, %scan3A_515 : i32
      %scan3A_517 = arith.constant 1 : i32
      scf.for %scan3A_568 = %scan3A_514 to %scan3A_516 step %scan3A_517  : i32 {
        %mul3A_569 = arith.constant 2 : i32
        %mul3A_570 = arith.muli %scan3A_568, %mul3A_569 : i32
        %mul3A_571 = arith.constant 16 : i32
        %mul3A_572 = arith.muli %scan3A_568, %mul3A_571 : i32
        %get3A = arith.constant 0 : i32
        %get3A_573 = arith.index_cast %get3A : i32 to index
        %get3A_574 = arith.index_cast %mul3A_572 : i32 to index
        %get3A_575 = tpu.vector_load %arg8[%get3A_573, %get3A_574] {strides = array<i32>} : memref<16x128xf32, #tpu.memory_space<vmem>>, vector<16xf32>,
        %add3A_576 = vector.broadcast %mul3A_570 : i32 to vector<16xi32>
        %add3A_577 = arith.addi %add3A_576, %shift_right_arithmetic3A_8 : vector<16xi32>
        tpu.vector_store_idx %arg12[%add3A_577, %and3A_151], %get3A_575 : memref<16x128xf32, #tpu.memory_space<vmem>>[vector<16xi32>, vector<16xi32>], vector<16xf32>,
        %mul3A_578 = arith.constant 16 : i32
        %mul3A_579 = arith.muli %scan3A_568, %mul3A_578 : i32
        %get3A_580 = arith.constant 1 : i32
        %get3A_581 = arith.index_cast %get3A_580 : i32 to index
        %get3A_582 = arith.index_cast %mul3A_579 : i32 to index
        %get3A_583 = tpu.vector_load %arg8[%get3A_581, %get3A_582] {strides = array<i32>} : memref<16x128xf32, #tpu.memory_space<vmem>>, vector<16xf32>,
        %add3A_584 = vector.broadcast %mul3A_570 : i32 to vector<16xi32>
        %add3A_585 = arith.addi %add3A_584, %shift_right_arithmetic3A_17 : vector<16xi32>
        tpu.vector_store_idx %arg12[%add3A_585, %and3A_160], %get3A_583 : memref<16x128xf32, #tpu.memory_space<vmem>>[vector<16xi32>, vector<16xi32>], vector<16xf32>,
        %mul3A_586 = arith.constant 16 : i32
        %mul3A_587 = arith.muli %scan3A_568, %mul3A_586 : i32
        %get3A_588 = arith.constant 2 : i32
        %get3A_589 = arith.index_cast %get3A_588 : i32 to index
        %get3A_590 = arith.index_cast %mul3A_587 : i32 to index
        %get3A_591 = tpu.vector_load %arg8[%get3A_589, %get3A_590] {strides = array<i32>} : memref<16x128xf32, #tpu.memory_space<vmem>>, vector<16xf32>,
        %add3A_592 = vector.broadcast %mul3A_570 : i32 to vector<16xi32>
        %add3A_593 = arith.addi %add3A_592, %shift_right_arithmetic3A_26 : vector<16xi32>
        tpu.vector_store_idx %arg12[%add3A_593, %and3A_169], %get3A_591 : memref<16x128xf32, #tpu.memory_space<vmem>>[vector<16xi32>, vector<16xi32>], vector<16xf32>,
        %mul3A_594 = arith.constant 16 : i32
        %mul3A_595 = arith.muli %scan3A_568, %mul3A_594 : i32
        %get3A_596 = arith.constant 3 : i32
        %get3A_597 = arith.index_cast %get3A_596 : i32 to index
        %get3A_598 = arith.index_cast %mul3A_595 : i32 to index
        %get3A_599 = tpu.vector_load %arg8[%get3A_597, %get3A_598] {strides = array<i32>} : memref<16x128xf32, #tpu.memory_space<vmem>>, vector<16xf32>,
        %add3A_600 = vector.broadcast %mul3A_570 : i32 to vector<16xi32>
        %add3A_601 = arith.addi %add3A_600, %shift_right_arithmetic3A_35 : vector<16xi32>
        tpu.vector_store_idx %arg12[%add3A_601, %and3A_178], %get3A_599 : memref<16x128xf32, #tpu.memory_space<vmem>>[vector<16xi32>, vector<16xi32>], vector<16xf32>,
        %mul3A_602 = arith.constant 16 : i32
        %mul3A_603 = arith.muli %scan3A_568, %mul3A_602 : i32
        %get3A_604 = arith.constant 4 : i32
        %get3A_605 = arith.index_cast %get3A_604 : i32 to index
        %get3A_606 = arith.index_cast %mul3A_603 : i32 to index
        %get3A_607 = tpu.vector_load %arg8[%get3A_605, %get3A_606] {strides = array<i32>} : memref<16x128xf32, #tpu.memory_space<vmem>>, vector<16xf32>,
        %add3A_608 = vector.broadcast %mul3A_570 : i32 to vector<16xi32>
        %add3A_609 = arith.addi %add3A_608, %shift_right_arithmetic3A_44 : vector<16xi32>
        tpu.vector_store_idx %arg12[%add3A_609, %and3A_187], %get3A_607 : memref<16x128xf32, #tpu.memory_space<vmem>>[vector<16xi32>, vector<16xi32>], vector<16xf32>,
        %mul3A_610 = arith.constant 16 : i32
        %mul3A_611 = arith.muli %scan3A_568, %mul3A_610 : i32
        %get3A_612 = arith.constant 5 : i32
        %get3A_613 = arith.index_cast %get3A_612 : i32 to index
        %get3A_614 = arith.index_cast %mul3A_611 : i32 to index
        %get3A_615 = tpu.vector_load %arg8[%get3A_613, %get3A_614] {strides = array<i32>} : memref<16x128xf32, #tpu.memory_space<vmem>>, vector<16xf32>,
        %add3A_616 = vector.broadcast %mul3A_570 : i32 to vector<16xi32>
        %add3A_617 = arith.addi %add3A_616, %shift_right_arithmetic3A_53 : vector<16xi32>
        tpu.vector_store_idx %arg12[%add3A_617, %and3A_196], %get3A_615 : memref<16x128xf32, #tpu.memory_space<vmem>>[vector<16xi32>, vector<16xi32>], vector<16xf32>,
        %mul3A_618 = arith.constant 16 : i32
        %mul3A_619 = arith.muli %scan3A_568, %mul3A_618 : i32
        %get3A_620 = arith.constant 6 : i32
        %get3A_621 = arith.index_cast %get3A_620 : i32 to index
        %get3A_622 = arith.index_cast %mul3A_619 : i32 to index
        %get3A_623 = tpu.vector_load %arg8[%get3A_621, %get3A_622] {strides = array<i32>} : memref<16x128xf32, #tpu.memory_space<vmem>>, vector<16xf32>,
        %add3A_624 = vector.broadcast %mul3A_570 : i32 to vector<16xi32>
        %add3A_625 = arith.addi %add3A_624, %shift_right_arithmetic3A_62 : vector<16xi32>
        tpu.vector_store_idx %arg12[%add3A_625, %and3A_205], %get3A_623 : memref<16x128xf32, #tpu.memory_space<vmem>>[vector<16xi32>, vector<16xi32>], vector<16xf32>,
        %mul3A_626 = arith.constant 16 : i32
        %mul3A_627 = arith.muli %scan3A_568, %mul3A_626 : i32
        %get3A_628 = arith.constant 7 : i32
        %get3A_629 = arith.index_cast %get3A_628 : i32 to index
        %get3A_630 = arith.index_cast %mul3A_627 : i32 to index
        %get3A_631 = tpu.vector_load %arg8[%get3A_629, %get3A_630] {strides = array<i32>} : memref<16x128xf32, #tpu.memory_space<vmem>>, vector<16xf32>,
        %add3A_632 = vector.broadcast %mul3A_570 : i32 to vector<16xi32>
        %add3A_633 = arith.addi %add3A_632, %shift_right_arithmetic3A_71 : vector<16xi32>
        tpu.vector_store_idx %arg12[%add3A_633, %and3A_214], %get3A_631 : memref<16x128xf32, #tpu.memory_space<vmem>>[vector<16xi32>, vector<16xi32>], vector<16xf32>,
        %mul3A_634 = arith.constant 16 : i32
        %mul3A_635 = arith.muli %scan3A_568, %mul3A_634 : i32
        %get3A_636 = arith.constant 8 : i32
        %get3A_637 = arith.index_cast %get3A_636 : i32 to index
        %get3A_638 = arith.index_cast %mul3A_635 : i32 to index
        %get3A_639 = tpu.vector_load %arg8[%get3A_637, %get3A_638] {strides = array<i32>} : memref<16x128xf32, #tpu.memory_space<vmem>>, vector<16xf32>,
        %add3A_640 = vector.broadcast %mul3A_570 : i32 to vector<16xi32>
        %add3A_641 = arith.addi %add3A_640, %shift_right_arithmetic3A_80 : vector<16xi32>
        tpu.vector_store_idx %arg12[%add3A_641, %and3A_223], %get3A_639 : memref<16x128xf32, #tpu.memory_space<vmem>>[vector<16xi32>, vector<16xi32>], vector<16xf32>,
        %mul3A_642 = arith.constant 16 : i32
        %mul3A_643 = arith.muli %scan3A_568, %mul3A_642 : i32
        %get3A_644 = arith.constant 9 : i32
        %get3A_645 = arith.index_cast %get3A_644 : i32 to index
        %get3A_646 = arith.index_cast %mul3A_643 : i32 to index
        %get3A_647 = tpu.vector_load %arg8[%get3A_645, %get3A_646] {strides = array<i32>} : memref<16x128xf32, #tpu.memory_space<vmem>>, vector<16xf32>,
        %add3A_648 = vector.broadcast %mul3A_570 : i32 to vector<16xi32>
        %add3A_649 = arith.addi %add3A_648, %shift_right_arithmetic3A_89 : vector<16xi32>
        tpu.vector_store_idx %arg12[%add3A_649, %and3A_232], %get3A_647 : memref<16x128xf32, #tpu.memory_space<vmem>>[vector<16xi32>, vector<16xi32>], vector<16xf32>,
        %mul3A_650 = arith.constant 16 : i32
        %mul3A_651 = arith.muli %scan3A_568, %mul3A_650 : i32
        %get3A_652 = arith.constant 10 : i32
        %get3A_653 = arith.index_cast %get3A_652 : i32 to index
        %get3A_654 = arith.index_cast %mul3A_651 : i32 to index
        %get3A_655 = tpu.vector_load %arg8[%get3A_653, %get3A_654] {strides = array<i32>} : memref<16x128xf32, #tpu.memory_space<vmem>>, vector<16xf32>,
        %add3A_656 = vector.broadcast %mul3A_570 : i32 to vector<16xi32>
        %add3A_657 = arith.addi %add3A_656, %shift_right_arithmetic3A_98 : vector<16xi32>
        tpu.vector_store_idx %arg12[%add3A_657, %and3A_241], %get3A_655 : memref<16x128xf32, #tpu.memory_space<vmem>>[vector<16xi32>, vector<16xi32>], vector<16xf32>,
        %mul3A_658 = arith.constant 16 : i32
        %mul3A_659 = arith.muli %scan3A_568, %mul3A_658 : i32
        %get3A_660 = arith.constant 11 : i32
        %get3A_661 = arith.index_cast %get3A_660 : i32 to index
        %get3A_662 = arith.index_cast %mul3A_659 : i32 to index
        %get3A_663 = tpu.vector_load %arg8[%get3A_661, %get3A_662] {strides = array<i32>} : memref<16x128xf32, #tpu.memory_space<vmem>>, vector<16xf32>,
        %add3A_664 = vector.broadcast %mul3A_570 : i32 to vector<16xi32>
        %add3A_665 = arith.addi %add3A_664, %shift_right_arithmetic3A_107 : vector<16xi32>
        tpu.vector_store_idx %arg12[%add3A_665, %and3A_250], %get3A_663 : memref<16x128xf32, #tpu.memory_space<vmem>>[vector<16xi32>, vector<16xi32>], vector<16xf32>,
        %mul3A_666 = arith.constant 16 : i32
        %mul3A_667 = arith.muli %scan3A_568, %mul3A_666 : i32
        %get3A_668 = arith.constant 12 : i32
        %get3A_669 = arith.index_cast %get3A_668 : i32 to index
        %get3A_670 = arith.index_cast %mul3A_667 : i32 to index
        %get3A_671 = tpu.vector_load %arg8[%get3A_669, %get3A_670] {strides = array<i32>} : memref<16x128xf32, #tpu.memory_space<vmem>>, vector<16xf32>,
        %add3A_672 = vector.broadcast %mul3A_570 : i32 to vector<16xi32>
        %add3A_673 = arith.addi %add3A_672, %shift_right_arithmetic3A_116 : vector<16xi32>
        tpu.vector_store_idx %arg12[%add3A_673, %and3A_259], %get3A_671 : memref<16x128xf32, #tpu.memory_space<vmem>>[vector<16xi32>, vector<16xi32>], vector<16xf32>,
        %mul3A_674 = arith.constant 16 : i32
        %mul3A_675 = arith.muli %scan3A_568, %mul3A_674 : i32
        %get3A_676 = arith.constant 13 : i32
        %get3A_677 = arith.index_cast %get3A_676 : i32 to index
        %get3A_678 = arith.index_cast %mul3A_675 : i32 to index
        %get3A_679 = tpu.vector_load %arg8[%get3A_677, %get3A_678] {strides = array<i32>} : memref<16x128xf32, #tpu.memory_space<vmem>>, vector<16xf32>,
        %add3A_680 = vector.broadcast %mul3A_570 : i32 to vector<16xi32>
        %add3A_681 = arith.addi %add3A_680, %shift_right_arithmetic3A_125 : vector<16xi32>
        tpu.vector_store_idx %arg12[%add3A_681, %and3A_268], %get3A_679 : memref<16x128xf32, #tpu.memory_space<vmem>>[vector<16xi32>, vector<16xi32>], vector<16xf32>,
        %mul3A_682 = arith.constant 16 : i32
        %mul3A_683 = arith.muli %scan3A_568, %mul3A_682 : i32
        %get3A_684 = arith.constant 14 : i32
        %get3A_685 = arith.index_cast %get3A_684 : i32 to index
        %get3A_686 = arith.index_cast %mul3A_683 : i32 to index
        %get3A_687 = tpu.vector_load %arg8[%get3A_685, %get3A_686] {strides = array<i32>} : memref<16x128xf32, #tpu.memory_space<vmem>>, vector<16xf32>,
        %add3A_688 = vector.broadcast %mul3A_570 : i32 to vector<16xi32>
        %add3A_689 = arith.addi %add3A_688, %shift_right_arithmetic3A_134 : vector<16xi32>
        tpu.vector_store_idx %arg12[%add3A_689, %and3A_277], %get3A_687 : memref<16x128xf32, #tpu.memory_space<vmem>>[vector<16xi32>, vector<16xi32>], vector<16xf32>,
        %mul3A_690 = arith.constant 16 : i32
        %mul3A_691 = arith.muli %scan3A_568, %mul3A_690 : i32
        %get3A_692 = arith.constant 15 : i32
        %get3A_693 = arith.index_cast %get3A_692 : i32 to index
        %get3A_694 = arith.index_cast %mul3A_691 : i32 to index
        %get3A_695 = tpu.vector_load %arg8[%get3A_693, %get3A_694] {strides = array<i32>} : memref<16x128xf32, #tpu.memory_space<vmem>>, vector<16xf32>,
        %add3A_696 = vector.broadcast %mul3A_570 : i32 to vector<16xi32>
        %add3A_697 = arith.addi %add3A_696, %shift_right_arithmetic3A_143 : vector<16xi32>
        tpu.vector_store_idx %arg12[%add3A_697, %and3A_286], %get3A_695 : memref<16x128xf32, #tpu.memory_space<vmem>>[vector<16xi32>, vector<16xi32>], vector<16xf32>,
      }
      %scan3A_518 = arith.constant 8 : i32
      %add3A_519 = arith.addi %mul3A_288, %add3A_501 : i32
      %mul3A_520 = arith.constant 16 : i32
      %mul3A_521 = arith.muli %add3A_519, %mul3A_520 : i32
      %dma_start3A_522 = arith.constant 0 : i32
      %dma_start3A_523 = tpu.memref_slice %arg4[%mul3A_521, %dma_start3A_522] : memref<125000x128xf32, #tpu.memory_space<hbm>> -> memref<16x128xf32, #tpu.memory_space<hbm>>
      %dma_start3A_524 = arith.constant 0 : i32
      %dma_start3A_525 = tpu.memref_slice %arg4[%mul3A_521, %dma_start3A_524] : memref<125000x128xf32, #tpu.memory_space<hbm>> -> memref<16x128xf32, #tpu.memory_space<hbm>>
      tpu.enqueue_dma source(%arg12 : memref<16x128xf32, #tpu.memory_space<vmem>>) target(%dma_start3A_525 : memref<16x128xf32, #tpu.memory_space<hbm>>) target_semaphore(%arg21 : memref<!tpu.dma_semaphore, #tpu.memory_space<semaphore_mem>>)
      %add3A_526 = arith.constant 4 : i32
      %add3A_527 = arith.addi %add3A_501, %add3A_526 : i32
      %lt3A_528 = arith.constant 244 : i32
      %lt3A_529 = arith.cmpi slt, %add3A_527, %lt3A_528 : i32
      %convert_element_type3A_530 = arith.extui %lt3A_529 : i1 to i32
      %cond3A_531 = arith.constant 0 : i32
      %cond3A_532 = arith.cmpi ne, %convert_element_type3A_530, %cond3A_531 : i32
      scf.if %cond3A_532 {
        %add3A_568 = arith.constant 4 : i32
        %add3A_569 = arith.addi %add3A_501, %add3A_568 : i32
        %add3A_570 = arith.addi %mul3A_288, %add3A_569 : i32
        %mul3A_571 = arith.constant 128 : i32
        %mul3A_572 = arith.muli %add3A_570, %mul3A_571 : i32
        %dma_start3A_573 = arith.constant 0 : i32
        %dma_start3A_574 = tpu.memref_slice %arg2[%dma_start3A_573, %mul3A_572] : memref<16x1000000xf32, #tpu.memory_space<hbm>> -> memref<16x128xf32, #tpu.memory_space<hbm>>
        %dma_start3A_575 = arith.constant 0 : i32
        %dma_start3A_576 = tpu.memref_slice %arg2[%dma_start3A_575, %mul3A_572] : memref<16x1000000xf32, #tpu.memory_space<hbm>> -> memref<16x128xf32, #tpu.memory_space<hbm>>
        tpu.enqueue_dma source(%dma_start3A_576 : memref<16x128xf32, #tpu.memory_space<hbm>>) target(%arg8 : memref<16x128xf32, #tpu.memory_space<vmem>>) target_semaphore(%arg17 : memref<!tpu.dma_semaphore, #tpu.memory_space<semaphore_mem>>)
      } else {
      }
      %mul3A_533 = arith.constant 4 : i32
      %mul3A_534 = arith.muli %mul3A_533, %scan3A_428 : i32
      %add3A_535 = arith.constant 3 : i32
      %add3A_536 = arith.addi %mul3A_534, %add3A_535 : i32
      %ge3A_537 = arith.constant 1 : i32
      %ge3A_538 = arith.cmpi sge, %scan3A_428, %ge3A_537 : i32
      %convert_element_type3A_539 = arith.extui %ge3A_538 : i1 to i32
      %cond3A_540 = arith.constant 0 : i32
      %cond3A_541 = arith.cmpi ne, %convert_element_type3A_539, %cond3A_540 : i32
      scf.if %cond3A_541 {
        %dma_wait3A_568 = arith.constant 0 : i32
        %dma_wait3A_569 = arith.constant 0 : i32
        %dma_wait3A_570 = tpu.memref_slice %arg4[%dma_wait3A_568, %dma_wait3A_569] : memref<125000x128xf32, #tpu.memory_space<hbm>> -> memref<16x128xf32, #tpu.memory_space<hbm>>
        %dma_wait3A_571 = arith.constant 0 : i32
        %dma_wait3A_572 = arith.constant 0 : i32
        %dma_wait3A_573 = tpu.memref_slice %arg4[%dma_wait3A_571, %dma_wait3A_572] : memref<125000x128xf32, #tpu.memory_space<hbm>> -> memref<16x128xf32, #tpu.memory_space<hbm>>
        tpu.wait_dma2 semaphore(%arg22 : memref<!tpu.dma_semaphore, #tpu.memory_space<semaphore_mem>>) src(%arg13 : memref<16x128xf32, #tpu.memory_space<vmem>>) dst(%dma_wait3A_573 : memref<16x128xf32, #tpu.memory_space<hbm>>)
      } else {
      }
      %dma_wait3A_542 = arith.constant 0 : i32
      %dma_wait3A_543 = arith.constant 0 : i32
      %dma_wait3A_544 = tpu.memref_slice %arg2[%dma_wait3A_542, %dma_wait3A_543] : memref<16x1000000xf32, #tpu.memory_space<hbm>> -> memref<16x128xf32, #tpu.memory_space<hbm>>
      %dma_wait3A_545 = arith.constant 0 : i32
      %dma_wait3A_546 = arith.constant 0 : i32
      %dma_wait3A_547 = tpu.memref_slice %arg2[%dma_wait3A_545, %dma_wait3A_546] : memref<16x1000000xf32, #tpu.memory_space<hbm>> -> memref<16x128xf32, #tpu.memory_space<hbm>>
      tpu.wait_dma2 semaphore(%arg18 : memref<!tpu.dma_semaphore, #tpu.memory_space<semaphore_mem>>) src(%dma_wait3A_547 : memref<16x128xf32, #tpu.memory_space<hbm>>) dst(%arg9 : memref<16x128xf32, #tpu.memory_space<vmem>>)
      %scan3A_548 = arith.constant 0 : i32
      %scan3A_549 = arith.constant 0 : i32
      %scan3A_550 = arith.constant 8 : i32
      %scan3A_551 = arith.addi %scan3A_549, %scan3A_550 : i32
      %scan3A_552 = arith.constant 1 : i32
      scf.for %scan3A_568 = %scan3A_549 to %scan3A_551 step %scan3A_552  : i32 {
        %mul3A_569 = arith.constant 2 : i32
        %mul3A_570 = arith.muli %scan3A_568, %mul3A_569 : i32
        %mul3A_571 = arith.constant 16 : i32
        %mul3A_572 = arith.muli %scan3A_568, %mul3A_571 : i32
        %get3A = arith.constant 0 : i32
        %get3A_573 = arith.index_cast %get3A : i32 to index
        %get3A_574 = arith.index_cast %mul3A_572 : i32 to index
        %get3A_575 = tpu.vector_load %arg9[%get3A_573, %get3A_574] {strides = array<i32>} : memref<16x128xf32, #tpu.memory_space<vmem>>, vector<16xf32>,
        %add3A_576 = vector.broadcast %mul3A_570 : i32 to vector<16xi32>
        %add3A_577 = arith.addi %add3A_576, %shift_right_arithmetic3A_8 : vector<16xi32>
        tpu.vector_store_idx %arg13[%add3A_577, %and3A_151], %get3A_575 : memref<16x128xf32, #tpu.memory_space<vmem>>[vector<16xi32>, vector<16xi32>], vector<16xf32>,
        %mul3A_578 = arith.constant 16 : i32
        %mul3A_579 = arith.muli %scan3A_568, %mul3A_578 : i32
        %get3A_580 = arith.constant 1 : i32
        %get3A_581 = arith.index_cast %get3A_580 : i32 to index
        %get3A_582 = arith.index_cast %mul3A_579 : i32 to index
        %get3A_583 = tpu.vector_load %arg9[%get3A_581, %get3A_582] {strides = array<i32>} : memref<16x128xf32, #tpu.memory_space<vmem>>, vector<16xf32>,
        %add3A_584 = vector.broadcast %mul3A_570 : i32 to vector<16xi32>
        %add3A_585 = arith.addi %add3A_584, %shift_right_arithmetic3A_17 : vector<16xi32>
        tpu.vector_store_idx %arg13[%add3A_585, %and3A_160], %get3A_583 : memref<16x128xf32, #tpu.memory_space<vmem>>[vector<16xi32>, vector<16xi32>], vector<16xf32>,
        %mul3A_586 = arith.constant 16 : i32
        %mul3A_587 = arith.muli %scan3A_568, %mul3A_586 : i32
        %get3A_588 = arith.constant 2 : i32
        %get3A_589 = arith.index_cast %get3A_588 : i32 to index
        %get3A_590 = arith.index_cast %mul3A_587 : i32 to index
        %get3A_591 = tpu.vector_load %arg9[%get3A_589, %get3A_590] {strides = array<i32>} : memref<16x128xf32, #tpu.memory_space<vmem>>, vector<16xf32>,
        %add3A_592 = vector.broadcast %mul3A_570 : i32 to vector<16xi32>
        %add3A_593 = arith.addi %add3A_592, %shift_right_arithmetic3A_26 : vector<16xi32>
        tpu.vector_store_idx %arg13[%add3A_593, %and3A_169], %get3A_591 : memref<16x128xf32, #tpu.memory_space<vmem>>[vector<16xi32>, vector<16xi32>], vector<16xf32>,
        %mul3A_594 = arith.constant 16 : i32
        %mul3A_595 = arith.muli %scan3A_568, %mul3A_594 : i32
        %get3A_596 = arith.constant 3 : i32
        %get3A_597 = arith.index_cast %get3A_596 : i32 to index
        %get3A_598 = arith.index_cast %mul3A_595 : i32 to index
        %get3A_599 = tpu.vector_load %arg9[%get3A_597, %get3A_598] {strides = array<i32>} : memref<16x128xf32, #tpu.memory_space<vmem>>, vector<16xf32>,
        %add3A_600 = vector.broadcast %mul3A_570 : i32 to vector<16xi32>
        %add3A_601 = arith.addi %add3A_600, %shift_right_arithmetic3A_35 : vector<16xi32>
        tpu.vector_store_idx %arg13[%add3A_601, %and3A_178], %get3A_599 : memref<16x128xf32, #tpu.memory_space<vmem>>[vector<16xi32>, vector<16xi32>], vector<16xf32>,
        %mul3A_602 = arith.constant 16 : i32
        %mul3A_603 = arith.muli %scan3A_568, %mul3A_602 : i32
        %get3A_604 = arith.constant 4 : i32
        %get3A_605 = arith.index_cast %get3A_604 : i32 to index
        %get3A_606 = arith.index_cast %mul3A_603 : i32 to index
        %get3A_607 = tpu.vector_load %arg9[%get3A_605, %get3A_606] {strides = array<i32>} : memref<16x128xf32, #tpu.memory_space<vmem>>, vector<16xf32>,
        %add3A_608 = vector.broadcast %mul3A_570 : i32 to vector<16xi32>
        %add3A_609 = arith.addi %add3A_608, %shift_right_arithmetic3A_44 : vector<16xi32>
        tpu.vector_store_idx %arg13[%add3A_609, %and3A_187], %get3A_607 : memref<16x128xf32, #tpu.memory_space<vmem>>[vector<16xi32>, vector<16xi32>], vector<16xf32>,
        %mul3A_610 = arith.constant 16 : i32
        %mul3A_611 = arith.muli %scan3A_568, %mul3A_610 : i32
        %get3A_612 = arith.constant 5 : i32
        %get3A_613 = arith.index_cast %get3A_612 : i32 to index
        %get3A_614 = arith.index_cast %mul3A_611 : i32 to index
        %get3A_615 = tpu.vector_load %arg9[%get3A_613, %get3A_614] {strides = array<i32>} : memref<16x128xf32, #tpu.memory_space<vmem>>, vector<16xf32>,
        %add3A_616 = vector.broadcast %mul3A_570 : i32 to vector<16xi32>
        %add3A_617 = arith.addi %add3A_616, %shift_right_arithmetic3A_53 : vector<16xi32>
        tpu.vector_store_idx %arg13[%add3A_617, %and3A_196], %get3A_615 : memref<16x128xf32, #tpu.memory_space<vmem>>[vector<16xi32>, vector<16xi32>], vector<16xf32>,
        %mul3A_618 = arith.constant 16 : i32
        %mul3A_619 = arith.muli %scan3A_568, %mul3A_618 : i32
        %get3A_620 = arith.constant 6 : i32
        %get3A_621 = arith.index_cast %get3A_620 : i32 to index
        %get3A_622 = arith.index_cast %mul3A_619 : i32 to index
        %get3A_623 = tpu.vector_load %arg9[%get3A_621, %get3A_622] {strides = array<i32>} : memref<16x128xf32, #tpu.memory_space<vmem>>, vector<16xf32>,
        %add3A_624 = vector.broadcast %mul3A_570 : i32 to vector<16xi32>
        %add3A_625 = arith.addi %add3A_624, %shift_right_arithmetic3A_62 : vector<16xi32>
        tpu.vector_store_idx %arg13[%add3A_625, %and3A_205], %get3A_623 : memref<16x128xf32, #tpu.memory_space<vmem>>[vector<16xi32>, vector<16xi32>], vector<16xf32>,
        %mul3A_626 = arith.constant 16 : i32
        %mul3A_627 = arith.muli %scan3A_568, %mul3A_626 : i32
        %get3A_628 = arith.constant 7 : i32
        %get3A_629 = arith.index_cast %get3A_628 : i32 to index
        %get3A_630 = arith.index_cast %mul3A_627 : i32 to index
        %get3A_631 = tpu.vector_load %arg9[%get3A_629, %get3A_630] {strides = array<i32>} : memref<16x128xf32, #tpu.memory_space<vmem>>, vector<16xf32>,
        %add3A_632 = vector.broadcast %mul3A_570 : i32 to vector<16xi32>
        %add3A_633 = arith.addi %add3A_632, %shift_right_arithmetic3A_71 : vector<16xi32>
        tpu.vector_store_idx %arg13[%add3A_633, %and3A_214], %get3A_631 : memref<16x128xf32, #tpu.memory_space<vmem>>[vector<16xi32>, vector<16xi32>], vector<16xf32>,
        %mul3A_634 = arith.constant 16 : i32
        %mul3A_635 = arith.muli %scan3A_568, %mul3A_634 : i32
        %get3A_636 = arith.constant 8 : i32
        %get3A_637 = arith.index_cast %get3A_636 : i32 to index
        %get3A_638 = arith.index_cast %mul3A_635 : i32 to index
        %get3A_639 = tpu.vector_load %arg9[%get3A_637, %get3A_638] {strides = array<i32>} : memref<16x128xf32, #tpu.memory_space<vmem>>, vector<16xf32>,
        %add3A_640 = vector.broadcast %mul3A_570 : i32 to vector<16xi32>
        %add3A_641 = arith.addi %add3A_640, %shift_right_arithmetic3A_80 : vector<16xi32>
        tpu.vector_store_idx %arg13[%add3A_641, %and3A_223], %get3A_639 : memref<16x128xf32, #tpu.memory_space<vmem>>[vector<16xi32>, vector<16xi32>], vector<16xf32>,
        %mul3A_642 = arith.constant 16 : i32
        %mul3A_643 = arith.muli %scan3A_568, %mul3A_642 : i32
        %get3A_644 = arith.constant 9 : i32
        %get3A_645 = arith.index_cast %get3A_644 : i32 to index
        %get3A_646 = arith.index_cast %mul3A_643 : i32 to index
        %get3A_647 = tpu.vector_load %arg9[%get3A_645, %get3A_646] {strides = array<i32>} : memref<16x128xf32, #tpu.memory_space<vmem>>, vector<16xf32>,
        %add3A_648 = vector.broadcast %mul3A_570 : i32 to vector<16xi32>
        %add3A_649 = arith.addi %add3A_648, %shift_right_arithmetic3A_89 : vector<16xi32>
        tpu.vector_store_idx %arg13[%add3A_649, %and3A_232], %get3A_647 : memref<16x128xf32, #tpu.memory_space<vmem>>[vector<16xi32>, vector<16xi32>], vector<16xf32>,
        %mul3A_650 = arith.constant 16 : i32
        %mul3A_651 = arith.muli %scan3A_568, %mul3A_650 : i32
        %get3A_652 = arith.constant 10 : i32
        %get3A_653 = arith.index_cast %get3A_652 : i32 to index
        %get3A_654 = arith.index_cast %mul3A_651 : i32 to index
        %get3A_655 = tpu.vector_load %arg9[%get3A_653, %get3A_654] {strides = array<i32>} : memref<16x128xf32, #tpu.memory_space<vmem>>, vector<16xf32>,
        %add3A_656 = vector.broadcast %mul3A_570 : i32 to vector<16xi32>
        %add3A_657 = arith.addi %add3A_656, %shift_right_arithmetic3A_98 : vector<16xi32>
        tpu.vector_store_idx %arg13[%add3A_657, %and3A_241], %get3A_655 : memref<16x128xf32, #tpu.memory_space<vmem>>[vector<16xi32>, vector<16xi32>], vector<16xf32>,
        %mul3A_658 = arith.constant 16 : i32
        %mul3A_659 = arith.muli %scan3A_568, %mul3A_658 : i32
        %get3A_660 = arith.constant 11 : i32
        %get3A_661 = arith.index_cast %get3A_660 : i32 to index
        %get3A_662 = arith.index_cast %mul3A_659 : i32 to index
        %get3A_663 = tpu.vector_load %arg9[%get3A_661, %get3A_662] {strides = array<i32>} : memref<16x128xf32, #tpu.memory_space<vmem>>, vector<16xf32>,
        %add3A_664 = vector.broadcast %mul3A_570 : i32 to vector<16xi32>
        %add3A_665 = arith.addi %add3A_664, %shift_right_arithmetic3A_107 : vector<16xi32>
        tpu.vector_store_idx %arg13[%add3A_665, %and3A_250], %get3A_663 : memref<16x128xf32, #tpu.memory_space<vmem>>[vector<16xi32>, vector<16xi32>], vector<16xf32>,
        %mul3A_666 = arith.constant 16 : i32
        %mul3A_667 = arith.muli %scan3A_568, %mul3A_666 : i32
        %get3A_668 = arith.constant 12 : i32
        %get3A_669 = arith.index_cast %get3A_668 : i32 to index
        %get3A_670 = arith.index_cast %mul3A_667 : i32 to index
        %get3A_671 = tpu.vector_load %arg9[%get3A_669, %get3A_670] {strides = array<i32>} : memref<16x128xf32, #tpu.memory_space<vmem>>, vector<16xf32>,
        %add3A_672 = vector.broadcast %mul3A_570 : i32 to vector<16xi32>
        %add3A_673 = arith.addi %add3A_672, %shift_right_arithmetic3A_116 : vector<16xi32>
        tpu.vector_store_idx %arg13[%add3A_673, %and3A_259], %get3A_671 : memref<16x128xf32, #tpu.memory_space<vmem>>[vector<16xi32>, vector<16xi32>], vector<16xf32>,
        %mul3A_674 = arith.constant 16 : i32
        %mul3A_675 = arith.muli %scan3A_568, %mul3A_674 : i32
        %get3A_676 = arith.constant 13 : i32
        %get3A_677 = arith.index_cast %get3A_676 : i32 to index
        %get3A_678 = arith.index_cast %mul3A_675 : i32 to index
        %get3A_679 = tpu.vector_load %arg9[%get3A_677, %get3A_678] {strides = array<i32>} : memref<16x128xf32, #tpu.memory_space<vmem>>, vector<16xf32>,
        %add3A_680 = vector.broadcast %mul3A_570 : i32 to vector<16xi32>
        %add3A_681 = arith.addi %add3A_680, %shift_right_arithmetic3A_125 : vector<16xi32>
        tpu.vector_store_idx %arg13[%add3A_681, %and3A_268], %get3A_679 : memref<16x128xf32, #tpu.memory_space<vmem>>[vector<16xi32>, vector<16xi32>], vector<16xf32>,
        %mul3A_682 = arith.constant 16 : i32
        %mul3A_683 = arith.muli %scan3A_568, %mul3A_682 : i32
        %get3A_684 = arith.constant 14 : i32
        %get3A_685 = arith.index_cast %get3A_684 : i32 to index
        %get3A_686 = arith.index_cast %mul3A_683 : i32 to index
        %get3A_687 = tpu.vector_load %arg9[%get3A_685, %get3A_686] {strides = array<i32>} : memref<16x128xf32, #tpu.memory_space<vmem>>, vector<16xf32>,
        %add3A_688 = vector.broadcast %mul3A_570 : i32 to vector<16xi32>
        %add3A_689 = arith.addi %add3A_688, %shift_right_arithmetic3A_134 : vector<16xi32>
        tpu.vector_store_idx %arg13[%add3A_689, %and3A_277], %get3A_687 : memref<16x128xf32, #tpu.memory_space<vmem>>[vector<16xi32>, vector<16xi32>], vector<16xf32>,
        %mul3A_690 = arith.constant 16 : i32
        %mul3A_691 = arith.muli %scan3A_568, %mul3A_690 : i32
        %get3A_692 = arith.constant 15 : i32
        %get3A_693 = arith.index_cast %get3A_692 : i32 to index
        %get3A_694 = arith.index_cast %mul3A_691 : i32 to index
        %get3A_695 = tpu.vector_load %arg9[%get3A_693, %get3A_694] {strides = array<i32>} : memref<16x128xf32, #tpu.memory_space<vmem>>, vector<16xf32>,
        %add3A_696 = vector.broadcast %mul3A_570 : i32 to vector<16xi32>
        %add3A_697 = arith.addi %add3A_696, %shift_right_arithmetic3A_143 : vector<16xi32>
        tpu.vector_store_idx %arg13[%add3A_697, %and3A_286], %get3A_695 : memref<16x128xf32, #tpu.memory_space<vmem>>[vector<16xi32>, vector<16xi32>], vector<16xf32>,
      }
      %scan3A_553 = arith.constant 8 : i32
      %add3A_554 = arith.addi %mul3A_288, %add3A_536 : i32
      %mul3A_555 = arith.constant 16 : i32
      %mul3A_556 = arith.muli %add3A_554, %mul3A_555 : i32
      %dma_start3A_557 = arith.constant 0 : i32
      %dma_start3A_558 = tpu.memref_slice %arg4[%mul3A_556, %dma_start3A_557] : memref<125000x128xf32, #tpu.memory_space<hbm>> -> memref<16x128xf32, #tpu.memory_space<hbm>>
      %dma_start3A_559 = arith.constant 0 : i32
      %dma_start3A_560 = tpu.memref_slice %arg4[%mul3A_556, %dma_start3A_559] : memref<125000x128xf32, #tpu.memory_space<hbm>> -> memref<16x128xf32, #tpu.memory_space<hbm>>
      tpu.enqueue_dma source(%arg13 : memref<16x128xf32, #tpu.memory_space<vmem>>) target(%dma_start3A_560 : memref<16x128xf32, #tpu.memory_space<hbm>>) target_semaphore(%arg22 : memref<!tpu.dma_semaphore, #tpu.memory_space<semaphore_mem>>)
      %add3A_561 = arith.constant 4 : i32
      %add3A_562 = arith.addi %add3A_536, %add3A_561 : i32
      %lt3A_563 = arith.constant 244 : i32
      %lt3A_564 = arith.cmpi slt, %add3A_562, %lt3A_563 : i32
      %convert_element_type3A_565 = arith.extui %lt3A_564 : i1 to i32
      %cond3A_566 = arith.constant 0 : i32
      %cond3A_567 = arith.cmpi ne, %convert_element_type3A_565, %cond3A_566 : i32
      scf.if %cond3A_567 {
        %add3A_568 = arith.constant 4 : i32
        %add3A_569 = arith.addi %add3A_536, %add3A_568 : i32
        %add3A_570 = arith.addi %mul3A_288, %add3A_569 : i32
        %mul3A_571 = arith.constant 128 : i32
        %mul3A_572 = arith.muli %add3A_570, %mul3A_571 : i32
        %dma_start3A_573 = arith.constant 0 : i32
        %dma_start3A_574 = tpu.memref_slice %arg2[%dma_start3A_573, %mul3A_572] : memref<16x1000000xf32, #tpu.memory_space<hbm>> -> memref<16x128xf32, #tpu.memory_space<hbm>>
        %dma_start3A_575 = arith.constant 0 : i32
        %dma_start3A_576 = tpu.memref_slice %arg2[%dma_start3A_575, %mul3A_572] : memref<16x1000000xf32, #tpu.memory_space<hbm>> -> memref<16x128xf32, #tpu.memory_space<hbm>>
        tpu.enqueue_dma source(%dma_start3A_576 : memref<16x128xf32, #tpu.memory_space<hbm>>) target(%arg9 : memref<16x128xf32, #tpu.memory_space<vmem>>) target_semaphore(%arg18 : memref<!tpu.dma_semaphore, #tpu.memory_space<semaphore_mem>>)
      } else {
      }
    }
    %scan3A_324 = arith.constant 61 : i32
    %dma_wait3A = arith.constant 0 : i32
    %dma_wait3A_325 = arith.constant 0 : i32
    %dma_wait3A_326 = tpu.memref_slice %arg4[%dma_wait3A, %dma_wait3A_325] : memref<125000x128xf32, #tpu.memory_space<hbm>> -> memref<16x128xf32, #tpu.memory_space<hbm>>
    %dma_wait3A_327 = arith.constant 0 : i32
    %dma_wait3A_328 = arith.constant 0 : i32
    %dma_wait3A_329 = tpu.memref_slice %arg4[%dma_wait3A_327, %dma_wait3A_328] : memref<125000x128xf32, #tpu.memory_space<hbm>> -> memref<16x128xf32, #tpu.memory_space<hbm>>
    tpu.wait_dma2 semaphore(%arg19 : memref<!tpu.dma_semaphore, #tpu.memory_space<semaphore_mem>>) src(%arg10 : memref<16x128xf32, #tpu.memory_space<vmem>>) dst(%dma_wait3A_329 : memref<16x128xf32, #tpu.memory_space<hbm>>)
    %dma_wait3A_330 = arith.constant 0 : i32
    %dma_wait3A_331 = arith.constant 0 : i32
    %dma_wait3A_332 = tpu.memref_slice %arg4[%dma_wait3A_330, %dma_wait3A_331] : memref<125000x128xf32, #tpu.memory_space<hbm>> -> memref<16x128xf32, #tpu.memory_space<hbm>>
    %dma_wait3A_333 = arith.constant 0 : i32
    %dma_wait3A_334 = arith.constant 0 : i32
    %dma_wait3A_335 = tpu.memref_slice %arg4[%dma_wait3A_333, %dma_wait3A_334] : memref<125000x128xf32, #tpu.memory_space<hbm>> -> memref<16x128xf32, #tpu.memory_space<hbm>>
    tpu.wait_dma2 semaphore(%arg20 : memref<!tpu.dma_semaphore, #tpu.memory_space<semaphore_mem>>) src(%arg11 : memref<16x128xf32, #tpu.memory_space<vmem>>) dst(%dma_wait3A_335 : memref<16x128xf32, #tpu.memory_space<hbm>>)
    %dma_wait3A_336 = arith.constant 0 : i32
    %dma_wait3A_337 = arith.constant 0 : i32
    %dma_wait3A_338 = tpu.memref_slice %arg4[%dma_wait3A_336, %dma_wait3A_337] : memref<125000x128xf32, #tpu.memory_space<hbm>> -> memref<16x128xf32, #tpu.memory_space<hbm>>
    %dma_wait3A_339 = arith.constant 0 : i32
    %dma_wait3A_340 = arith.constant 0 : i32
    %dma_wait3A_341 = tpu.memref_slice %arg4[%dma_wait3A_339, %dma_wait3A_340] : memref<125000x128xf32, #tpu.memory_space<hbm>> -> memref<16x128xf32, #tpu.memory_space<hbm>>
    tpu.wait_dma2 semaphore(%arg21 : memref<!tpu.dma_semaphore, #tpu.memory_space<semaphore_mem>>) src(%arg12 : memref<16x128xf32, #tpu.memory_space<vmem>>) dst(%dma_wait3A_341 : memref<16x128xf32, #tpu.memory_space<hbm>>)
    %dma_wait3A_342 = arith.constant 0 : i32
    %dma_wait3A_343 = arith.constant 0 : i32
    %dma_wait3A_344 = tpu.memref_slice %arg4[%dma_wait3A_342, %dma_wait3A_343] : memref<125000x128xf32, #tpu.memory_space<hbm>> -> memref<16x128xf32, #tpu.memory_space<hbm>>
    %dma_wait3A_345 = arith.constant 0 : i32
    %dma_wait3A_346 = arith.constant 0 : i32
    %dma_wait3A_347 = tpu.memref_slice %arg4[%dma_wait3A_345, %dma_wait3A_346] : memref<125000x128xf32, #tpu.memory_space<hbm>> -> memref<16x128xf32, #tpu.memory_space<hbm>>
    tpu.wait_dma2 semaphore(%arg22 : memref<!tpu.dma_semaphore, #tpu.memory_space<semaphore_mem>>) src(%arg13 : memref<16x128xf32, #tpu.memory_space<vmem>>) dst(%dma_wait3A_347 : memref<16x128xf32, #tpu.memory_space<hbm>>)
    %lt3A = arith.constant 4 : i32
    %lt3A_348 = arith.cmpi slt, %add3A, %lt3A : i32
    %convert_element_type3A = arith.extui %lt3A_348 : i1 to i32
    %cond3A = arith.constant 0 : i32
    %cond3A_349 = arith.cmpi ne, %convert_element_type3A, %cond3A : i32
    scf.if %cond3A_349 {
      %add3A_428 = arith.constant 7808 : i32
      %add3A_429 = arith.addi %add3A_428, %add3A : i32
      %mul3A_430 = arith.constant 128 : i32
      %mul3A_431 = arith.muli %add3A_429, %mul3A_430 : i32
      %dma_start3A_432 = arith.constant 0 : i32
      %dma_start3A_433 = tpu.memref_slice %arg2[%dma_start3A_432, %mul3A_431] : memref<16x1000000xf32, #tpu.memory_space<hbm>> -> memref<16x128xf32, #tpu.memory_space<hbm>>
      %dma_start3A_434 = arith.constant 0 : i32
      %dma_start3A_435 = tpu.memref_slice %arg2[%dma_start3A_434, %mul3A_431] : memref<16x1000000xf32, #tpu.memory_space<hbm>> -> memref<16x128xf32, #tpu.memory_space<hbm>>
      tpu.enqueue_dma source(%dma_start3A_435 : memref<16x128xf32, #tpu.memory_space<hbm>>) target(%arg6 : memref<16x128xf32, #tpu.memory_space<vmem>>) target_semaphore(%arg15 : memref<!tpu.dma_semaphore, #tpu.memory_space<semaphore_mem>>)
      %dma_wait3A_436 = arith.constant 0 : i32
      %dma_wait3A_437 = tpu.memref_slice %arg2[%dma_wait3A_436, %mul3A_431] : memref<16x1000000xf32, #tpu.memory_space<hbm>> -> memref<16x128xf32, #tpu.memory_space<hbm>>
      %dma_wait3A_438 = arith.constant 0 : i32
      %dma_wait3A_439 = tpu.memref_slice %arg2[%dma_wait3A_438, %mul3A_431] : memref<16x1000000xf32, #tpu.memory_space<hbm>> -> memref<16x128xf32, #tpu.memory_space<hbm>>
      tpu.wait_dma2 semaphore(%arg15 : memref<!tpu.dma_semaphore, #tpu.memory_space<semaphore_mem>>) src(%dma_wait3A_439 : memref<16x128xf32, #tpu.memory_space<hbm>>) dst(%arg6 : memref<16x128xf32, #tpu.memory_space<vmem>>)
      %scan3A_440 = arith.constant 0 : i32
      %scan3A_441 = arith.constant 0 : i32
      %scan3A_442 = arith.constant 8 : i32
      %scan3A_443 = arith.addi %scan3A_441, %scan3A_442 : i32
      %scan3A_444 = arith.constant 1 : i32
      scf.for %scan3A_456 = %scan3A_441 to %scan3A_443 step %scan3A_444  : i32 {
        %mul3A_457 = arith.constant 2 : i32
        %mul3A_458 = arith.muli %scan3A_456, %mul3A_457 : i32
        %mul3A_459 = arith.constant 16 : i32
        %mul3A_460 = arith.muli %scan3A_456, %mul3A_459 : i32
        %get3A = arith.constant 0 : i32
        %get3A_461 = arith.index_cast %get3A : i32 to index
        %get3A_462 = arith.index_cast %mul3A_460 : i32 to index
        %get3A_463 = tpu.vector_load %arg6[%get3A_461, %get3A_462] {strides = array<i32>} : memref<16x128xf32, #tpu.memory_space<vmem>>, vector<16xf32>,
        %add3A_464 = vector.broadcast %mul3A_458 : i32 to vector<16xi32>
        %add3A_465 = arith.addi %add3A_464, %shift_right_arithmetic3A_8 : vector<16xi32>
        tpu.vector_store_idx %arg10[%add3A_465, %and3A_151], %get3A_463 : memref<16x128xf32, #tpu.memory_space<vmem>>[vector<16xi32>, vector<16xi32>], vector<16xf32>,
        %mul3A_466 = arith.constant 16 : i32
        %mul3A_467 = arith.muli %scan3A_456, %mul3A_466 : i32
        %get3A_468 = arith.constant 1 : i32
        %get3A_469 = arith.index_cast %get3A_468 : i32 to index
        %get3A_470 = arith.index_cast %mul3A_467 : i32 to index
        %get3A_471 = tpu.vector_load %arg6[%get3A_469, %get3A_470] {strides = array<i32>} : memref<16x128xf32, #tpu.memory_space<vmem>>, vector<16xf32>,
        %add3A_472 = vector.broadcast %mul3A_458 : i32 to vector<16xi32>
        %add3A_473 = arith.addi %add3A_472, %shift_right_arithmetic3A_17 : vector<16xi32>
        tpu.vector_store_idx %arg10[%add3A_473, %and3A_160], %get3A_471 : memref<16x128xf32, #tpu.memory_space<vmem>>[vector<16xi32>, vector<16xi32>], vector<16xf32>,
        %mul3A_474 = arith.constant 16 : i32
        %mul3A_475 = arith.muli %scan3A_456, %mul3A_474 : i32
        %get3A_476 = arith.constant 2 : i32
        %get3A_477 = arith.index_cast %get3A_476 : i32 to index
        %get3A_478 = arith.index_cast %mul3A_475 : i32 to index
        %get3A_479 = tpu.vector_load %arg6[%get3A_477, %get3A_478] {strides = array<i32>} : memref<16x128xf32, #tpu.memory_space<vmem>>, vector<16xf32>,
        %add3A_480 = vector.broadcast %mul3A_458 : i32 to vector<16xi32>
        %add3A_481 = arith.addi %add3A_480, %shift_right_arithmetic3A_26 : vector<16xi32>
        tpu.vector_store_idx %arg10[%add3A_481, %and3A_169], %get3A_479 : memref<16x128xf32, #tpu.memory_space<vmem>>[vector<16xi32>, vector<16xi32>], vector<16xf32>,
        %mul3A_482 = arith.constant 16 : i32
        %mul3A_483 = arith.muli %scan3A_456, %mul3A_482 : i32
        %get3A_484 = arith.constant 3 : i32
        %get3A_485 = arith.index_cast %get3A_484 : i32 to index
        %get3A_486 = arith.index_cast %mul3A_483 : i32 to index
        %get3A_487 = tpu.vector_load %arg6[%get3A_485, %get3A_486] {strides = array<i32>} : memref<16x128xf32, #tpu.memory_space<vmem>>, vector<16xf32>,
        %add3A_488 = vector.broadcast %mul3A_458 : i32 to vector<16xi32>
        %add3A_489 = arith.addi %add3A_488, %shift_right_arithmetic3A_35 : vector<16xi32>
        tpu.vector_store_idx %arg10[%add3A_489, %and3A_178], %get3A_487 : memref<16x128xf32, #tpu.memory_space<vmem>>[vector<16xi32>, vector<16xi32>], vector<16xf32>,
        %mul3A_490 = arith.constant 16 : i32
        %mul3A_491 = arith.muli %scan3A_456, %mul3A_490 : i32
        %get3A_492 = arith.constant 4 : i32
        %get3A_493 = arith.index_cast %get3A_492 : i32 to index
        %get3A_494 = arith.index_cast %mul3A_491 : i32 to index
        %get3A_495 = tpu.vector_load %arg6[%get3A_493, %get3A_494] {strides = array<i32>} : memref<16x128xf32, #tpu.memory_space<vmem>>, vector<16xf32>,
        %add3A_496 = vector.broadcast %mul3A_458 : i32 to vector<16xi32>
        %add3A_497 = arith.addi %add3A_496, %shift_right_arithmetic3A_44 : vector<16xi32>
        tpu.vector_store_idx %arg10[%add3A_497, %and3A_187], %get3A_495 : memref<16x128xf32, #tpu.memory_space<vmem>>[vector<16xi32>, vector<16xi32>], vector<16xf32>,
        %mul3A_498 = arith.constant 16 : i32
        %mul3A_499 = arith.muli %scan3A_456, %mul3A_498 : i32
        %get3A_500 = arith.constant 5 : i32
        %get3A_501 = arith.index_cast %get3A_500 : i32 to index
        %get3A_502 = arith.index_cast %mul3A_499 : i32 to index
        %get3A_503 = tpu.vector_load %arg6[%get3A_501, %get3A_502] {strides = array<i32>} : memref<16x128xf32, #tpu.memory_space<vmem>>, vector<16xf32>,
        %add3A_504 = vector.broadcast %mul3A_458 : i32 to vector<16xi32>
        %add3A_505 = arith.addi %add3A_504, %shift_right_arithmetic3A_53 : vector<16xi32>
        tpu.vector_store_idx %arg10[%add3A_505, %and3A_196], %get3A_503 : memref<16x128xf32, #tpu.memory_space<vmem>>[vector<16xi32>, vector<16xi32>], vector<16xf32>,
        %mul3A_506 = arith.constant 16 : i32
        %mul3A_507 = arith.muli %scan3A_456, %mul3A_506 : i32
        %get3A_508 = arith.constant 6 : i32
        %get3A_509 = arith.index_cast %get3A_508 : i32 to index
        %get3A_510 = arith.index_cast %mul3A_507 : i32 to index
        %get3A_511 = tpu.vector_load %arg6[%get3A_509, %get3A_510] {strides = array<i32>} : memref<16x128xf32, #tpu.memory_space<vmem>>, vector<16xf32>,
        %add3A_512 = vector.broadcast %mul3A_458 : i32 to vector<16xi32>
        %add3A_513 = arith.addi %add3A_512, %shift_right_arithmetic3A_62 : vector<16xi32>
        tpu.vector_store_idx %arg10[%add3A_513, %and3A_205], %get3A_511 : memref<16x128xf32, #tpu.memory_space<vmem>>[vector<16xi32>, vector<16xi32>], vector<16xf32>,
        %mul3A_514 = arith.constant 16 : i32
        %mul3A_515 = arith.muli %scan3A_456, %mul3A_514 : i32
        %get3A_516 = arith.constant 7 : i32
        %get3A_517 = arith.index_cast %get3A_516 : i32 to index
        %get3A_518 = arith.index_cast %mul3A_515 : i32 to index
        %get3A_519 = tpu.vector_load %arg6[%get3A_517, %get3A_518] {strides = array<i32>} : memref<16x128xf32, #tpu.memory_space<vmem>>, vector<16xf32>,
        %add3A_520 = vector.broadcast %mul3A_458 : i32 to vector<16xi32>
        %add3A_521 = arith.addi %add3A_520, %shift_right_arithmetic3A_71 : vector<16xi32>
        tpu.vector_store_idx %arg10[%add3A_521, %and3A_214], %get3A_519 : memref<16x128xf32, #tpu.memory_space<vmem>>[vector<16xi32>, vector<16xi32>], vector<16xf32>,
        %mul3A_522 = arith.constant 16 : i32
        %mul3A_523 = arith.muli %scan3A_456, %mul3A_522 : i32
        %get3A_524 = arith.constant 8 : i32
        %get3A_525 = arith.index_cast %get3A_524 : i32 to index
        %get3A_526 = arith.index_cast %mul3A_523 : i32 to index
        %get3A_527 = tpu.vector_load %arg6[%get3A_525, %get3A_526] {strides = array<i32>} : memref<16x128xf32, #tpu.memory_space<vmem>>, vector<16xf32>,
        %add3A_528 = vector.broadcast %mul3A_458 : i32 to vector<16xi32>
        %add3A_529 = arith.addi %add3A_528, %shift_right_arithmetic3A_80 : vector<16xi32>
        tpu.vector_store_idx %arg10[%add3A_529, %and3A_223], %get3A_527 : memref<16x128xf32, #tpu.memory_space<vmem>>[vector<16xi32>, vector<16xi32>], vector<16xf32>,
        %mul3A_530 = arith.constant 16 : i32
        %mul3A_531 = arith.muli %scan3A_456, %mul3A_530 : i32
        %get3A_532 = arith.constant 9 : i32
        %get3A_533 = arith.index_cast %get3A_532 : i32 to index
        %get3A_534 = arith.index_cast %mul3A_531 : i32 to index
        %get3A_535 = tpu.vector_load %arg6[%get3A_533, %get3A_534] {strides = array<i32>} : memref<16x128xf32, #tpu.memory_space<vmem>>, vector<16xf32>,
        %add3A_536 = vector.broadcast %mul3A_458 : i32 to vector<16xi32>
        %add3A_537 = arith.addi %add3A_536, %shift_right_arithmetic3A_89 : vector<16xi32>
        tpu.vector_store_idx %arg10[%add3A_537, %and3A_232], %get3A_535 : memref<16x128xf32, #tpu.memory_space<vmem>>[vector<16xi32>, vector<16xi32>], vector<16xf32>,
        %mul3A_538 = arith.constant 16 : i32
        %mul3A_539 = arith.muli %scan3A_456, %mul3A_538 : i32
        %get3A_540 = arith.constant 10 : i32
        %get3A_541 = arith.index_cast %get3A_540 : i32 to index
        %get3A_542 = arith.index_cast %mul3A_539 : i32 to index
        %get3A_543 = tpu.vector_load %arg6[%get3A_541, %get3A_542] {strides = array<i32>} : memref<16x128xf32, #tpu.memory_space<vmem>>, vector<16xf32>,
        %add3A_544 = vector.broadcast %mul3A_458 : i32 to vector<16xi32>
        %add3A_545 = arith.addi %add3A_544, %shift_right_arithmetic3A_98 : vector<16xi32>
        tpu.vector_store_idx %arg10[%add3A_545, %and3A_241], %get3A_543 : memref<16x128xf32, #tpu.memory_space<vmem>>[vector<16xi32>, vector<16xi32>], vector<16xf32>,
        %mul3A_546 = arith.constant 16 : i32
        %mul3A_547 = arith.muli %scan3A_456, %mul3A_546 : i32
        %get3A_548 = arith.constant 11 : i32
        %get3A_549 = arith.index_cast %get3A_548 : i32 to index
        %get3A_550 = arith.index_cast %mul3A_547 : i32 to index
        %get3A_551 = tpu.vector_load %arg6[%get3A_549, %get3A_550] {strides = array<i32>} : memref<16x128xf32, #tpu.memory_space<vmem>>, vector<16xf32>,
        %add3A_552 = vector.broadcast %mul3A_458 : i32 to vector<16xi32>
        %add3A_553 = arith.addi %add3A_552, %shift_right_arithmetic3A_107 : vector<16xi32>
        tpu.vector_store_idx %arg10[%add3A_553, %and3A_250], %get3A_551 : memref<16x128xf32, #tpu.memory_space<vmem>>[vector<16xi32>, vector<16xi32>], vector<16xf32>,
        %mul3A_554 = arith.constant 16 : i32
        %mul3A_555 = arith.muli %scan3A_456, %mul3A_554 : i32
        %get3A_556 = arith.constant 12 : i32
        %get3A_557 = arith.index_cast %get3A_556 : i32 to index
        %get3A_558 = arith.index_cast %mul3A_555 : i32 to index
        %get3A_559 = tpu.vector_load %arg6[%get3A_557, %get3A_558] {strides = array<i32>} : memref<16x128xf32, #tpu.memory_space<vmem>>, vector<16xf32>,
        %add3A_560 = vector.broadcast %mul3A_458 : i32 to vector<16xi32>
        %add3A_561 = arith.addi %add3A_560, %shift_right_arithmetic3A_116 : vector<16xi32>
        tpu.vector_store_idx %arg10[%add3A_561, %and3A_259], %get3A_559 : memref<16x128xf32, #tpu.memory_space<vmem>>[vector<16xi32>, vector<16xi32>], vector<16xf32>,
        %mul3A_562 = arith.constant 16 : i32
        %mul3A_563 = arith.muli %scan3A_456, %mul3A_562 : i32
        %get3A_564 = arith.constant 13 : i32
        %get3A_565 = arith.index_cast %get3A_564 : i32 to index
        %get3A_566 = arith.index_cast %mul3A_563 : i32 to index
        %get3A_567 = tpu.vector_load %arg6[%get3A_565, %get3A_566] {strides = array<i32>} : memref<16x128xf32, #tpu.memory_space<vmem>>, vector<16xf32>,
        %add3A_568 = vector.broadcast %mul3A_458 : i32 to vector<16xi32>
        %add3A_569 = arith.addi %add3A_568, %shift_right_arithmetic3A_125 : vector<16xi32>
        tpu.vector_store_idx %arg10[%add3A_569, %and3A_268], %get3A_567 : memref<16x128xf32, #tpu.memory_space<vmem>>[vector<16xi32>, vector<16xi32>], vector<16xf32>,
        %mul3A_570 = arith.constant 16 : i32
        %mul3A_571 = arith.muli %scan3A_456, %mul3A_570 : i32
        %get3A_572 = arith.constant 14 : i32
        %get3A_573 = arith.index_cast %get3A_572 : i32 to index
        %get3A_574 = arith.index_cast %mul3A_571 : i32 to index
        %get3A_575 = tpu.vector_load %arg6[%get3A_573, %get3A_574] {strides = array<i32>} : memref<16x128xf32, #tpu.memory_space<vmem>>, vector<16xf32>,
        %add3A_576 = vector.broadcast %mul3A_458 : i32 to vector<16xi32>
        %add3A_577 = arith.addi %add3A_576, %shift_right_arithmetic3A_134 : vector<16xi32>
        tpu.vector_store_idx %arg10[%add3A_577, %and3A_277], %get3A_575 : memref<16x128xf32, #tpu.memory_space<vmem>>[vector<16xi32>, vector<16xi32>], vector<16xf32>,
        %mul3A_578 = arith.constant 16 : i32
        %mul3A_579 = arith.muli %scan3A_456, %mul3A_578 : i32
        %get3A_580 = arith.constant 15 : i32
        %get3A_581 = arith.index_cast %get3A_580 : i32 to index
        %get3A_582 = arith.index_cast %mul3A_579 : i32 to index
        %get3A_583 = tpu.vector_load %arg6[%get3A_581, %get3A_582] {strides = array<i32>} : memref<16x128xf32, #tpu.memory_space<vmem>>, vector<16xf32>,
        %add3A_584 = vector.broadcast %mul3A_458 : i32 to vector<16xi32>
        %add3A_585 = arith.addi %add3A_584, %shift_right_arithmetic3A_143 : vector<16xi32>
        tpu.vector_store_idx %arg10[%add3A_585, %and3A_286], %get3A_583 : memref<16x128xf32, #tpu.memory_space<vmem>>[vector<16xi32>, vector<16xi32>], vector<16xf32>,
      }
      %scan3A_445 = arith.constant 8 : i32
      %mul3A_446 = arith.constant 16 : i32
      %mul3A_447 = arith.muli %add3A_429, %mul3A_446 : i32
      %dma_start3A_448 = arith.constant 0 : i32
      %dma_start3A_449 = tpu.memref_slice %arg4[%mul3A_447, %dma_start3A_448] : memref<125000x128xf32, #tpu.memory_space<hbm>> -> memref<16x128xf32, #tpu.memory_space<hbm>>
      %dma_start3A_450 = arith.constant 0 : i32
      %dma_start3A_451 = tpu.memref_slice %arg4[%mul3A_447, %dma_start3A_450] : memref<125000x128xf32, #tpu.memory_space<hbm>> -> memref<16x128xf32, #tpu.memory_space<hbm>>
      tpu.enqueue_dma source(%arg10 : memref<16x128xf32, #tpu.memory_space<vmem>>) target(%dma_start3A_451 : memref<16x128xf32, #tpu.memory_space<hbm>>) target_semaphore(%arg19 : memref<!tpu.dma_semaphore, #tpu.memory_space<semaphore_mem>>)
      %dma_wait3A_452 = arith.constant 0 : i32
      %dma_wait3A_453 = tpu.memref_slice %arg4[%mul3A_447, %dma_wait3A_452] : memref<125000x128xf32, #tpu.memory_space<hbm>> -> memref<16x128xf32, #tpu.memory_space<hbm>>
      %dma_wait3A_454 = arith.constant 0 : i32
      %dma_wait3A_455 = tpu.memref_slice %arg4[%mul3A_447, %dma_wait3A_454] : memref<125000x128xf32, #tpu.memory_space<hbm>> -> memref<16x128xf32, #tpu.memory_space<hbm>>
      tpu.wait_dma2 semaphore(%arg19 : memref<!tpu.dma_semaphore, #tpu.memory_space<semaphore_mem>>) src(%arg10 : memref<16x128xf32, #tpu.memory_space<vmem>>) dst(%dma_wait3A_455 : memref<16x128xf32, #tpu.memory_space<hbm>>)
    } else {
    }
    %eq3A = arith.constant 0 : i32
    %eq3A_350 = arith.cmpi eq, %add3A, %eq3A : i32
    %convert_element_type3A_351 = arith.extui %eq3A_350 : i1 to i32
    %cond3A_352 = arith.constant 0 : i32
    %cond3A_353 = arith.cmpi ne, %convert_element_type3A_351, %cond3A_352 : i32
    scf.if %cond3A_353 {
      %dma_start3A_428 = arith.constant 0 : i32
      %dma_start3A_429 = arith.constant 999936 : i32
      %dma_start3A_430 = tpu.memref_slice %arg2[%dma_start3A_428, %dma_start3A_429] : memref<16x1000000xf32, #tpu.memory_space<hbm>> -> memref<16x64xf32, #tpu.memory_space<hbm>>
      %dma_start3A_431 = arith.constant 0 : i32
      %dma_start3A_432 = arith.constant 999936 : i32
      %dma_start3A_433 = tpu.memref_slice %arg2[%dma_start3A_431, %dma_start3A_432] : memref<16x1000000xf32, #tpu.memory_space<hbm>> -> memref<16x64xf32, #tpu.memory_space<hbm>>
      tpu.enqueue_dma source(%dma_start3A_433 : memref<16x64xf32, #tpu.memory_space<hbm>>) target(%arg14 : memref<16x64xf32, #tpu.memory_space<vmem>>) target_semaphore(%arg23 : memref<!tpu.dma_semaphore, #tpu.memory_space<semaphore_mem>>)
      %dma_wait3A_434 = arith.constant 0 : i32
      %dma_wait3A_435 = arith.constant 999936 : i32
      %dma_wait3A_436 = tpu.memref_slice %arg2[%dma_wait3A_434, %dma_wait3A_435] : memref<16x1000000xf32, #tpu.memory_space<hbm>> -> memref<16x64xf32, #tpu.memory_space<hbm>>
      %dma_wait3A_437 = arith.constant 0 : i32
      %dma_wait3A_438 = arith.constant 999936 : i32
      %dma_wait3A_439 = tpu.memref_slice %arg2[%dma_wait3A_437, %dma_wait3A_438] : memref<16x1000000xf32, #tpu.memory_space<hbm>> -> memref<16x64xf32, #tpu.memory_space<hbm>>
      tpu.wait_dma2 semaphore(%arg23 : memref<!tpu.dma_semaphore, #tpu.memory_space<semaphore_mem>>) src(%dma_wait3A_439 : memref<16x64xf32, #tpu.memory_space<hbm>>) dst(%arg14 : memref<16x64xf32, #tpu.memory_space<vmem>>)
      %scan3A_440 = arith.constant 0 : i32
      %scan3A_441 = arith.constant 0 : i32
      %scan3A_442 = arith.constant 64 : i32
      %scan3A_443 = arith.addi %scan3A_441, %scan3A_442 : i32
      %scan3A_444 = arith.constant 1 : i32
      scf.for %scan3A_470 = %scan3A_441 to %scan3A_443 step %scan3A_444  : i32 {
        %broadcast_in_dim3A = vector.broadcast %scan3A_470 : i32 to vector<16xi32>
        %gather3A = tpu.vector_load_idx %arg14[%iota3A, %broadcast_in_dim3A] : memref<16x64xf32, #tpu.memory_space<vmem>>[vector<16xi32>, vector<16xi32>], vector<16xf32>,
        %shift_right_arithmetic3A_471 = arith.constant 3 : i32
        %shift_right_arithmetic3A_472 = arith.shrsi %scan3A_470, %shift_right_arithmetic3A_471 : i32
        %broadcast_in_dim3A_473 = vector.broadcast %shift_right_arithmetic3A_472 : i32 to vector<16xi32>
        %and3A_474 = arith.constant 7 : i32
        %and3A_475 = arith.andi %scan3A_470, %and3A_474 : i32
        %mul3A_476 = arith.constant 16 : i32
        %mul3A_477 = arith.muli %and3A_475, %mul3A_476 : i32
        %add3A_478 = vector.broadcast %mul3A_477 : i32 to vector<16xi32>
        %add3A_479 = arith.addi %add3A_478, %iota3A : vector<16xi32>
        tpu.vector_store_idx %arg10[%broadcast_in_dim3A_473, %add3A_479], %gather3A : memref<16x128xf32, #tpu.memory_space<vmem>>[vector<16xi32>, vector<16xi32>], vector<16xf32>,
      }
      %scan3A_445 = arith.constant 64 : i32
      %dma_start3A_446 = arith.constant 0 : i32
      %dma_start3A_447 = arith.constant 0 : i32
      %dma_start3A_448 = tpu.memref_slice %arg10[%dma_start3A_446, %dma_start3A_447] : memref<16x128xf32, #tpu.memory_space<vmem>> -> memref<8x128xf32, #tpu.memory_space<vmem>>
      %dma_start3A_449 = arith.constant 124992 : i32
      %dma_start3A_450 = arith.constant 0 : i32
      %dma_start3A_451 = tpu.memref_slice %arg4[%dma_start3A_449, %dma_start3A_450] : memref<125000x128xf32, #tpu.memory_space<hbm>> -> memref<8x128xf32, #tpu.memory_space<hbm>>
      %dma_start3A_452 = arith.constant 124992 : i32
      %dma_start3A_453 = arith.constant 0 : i32
      %dma_start3A_454 = tpu.memref_slice %arg4[%dma_start3A_452, %dma_start3A_453] : memref<125000x128xf32, #tpu.memory_space<hbm>> -> memref<8x128xf32, #tpu.memory_space<hbm>>
      %dma_start3A_455 = arith.constant 0 : i32
      %dma_start3A_456 = arith.constant 0 : i32
      %dma_start3A_457 = tpu.memref_slice %arg10[%dma_start3A_455, %dma_start3A_456] : memref<16x128xf32, #tpu.memory_space<vmem>> -> memref<8x128xf32, #tpu.memory_space<vmem>>
      tpu.enqueue_dma source(%dma_start3A_457 : memref<8x128xf32, #tpu.memory_space<vmem>>) target(%dma_start3A_454 : memref<8x128xf32, #tpu.memory_space<hbm>>) target_semaphore(%arg19 : memref<!tpu.dma_semaphore, #tpu.memory_space<semaphore_mem>>)
      %dma_wait3A_458 = arith.constant 0 : i32
      %dma_wait3A_459 = arith.constant 0 : i32
      %dma_wait3A_460 = tpu.memref_slice %arg10[%dma_wait3A_458, %dma_wait3A_459] : memref<16x128xf32, #tpu.memory_space<vmem>> -> memref<8x128xf32, #tpu.memory_space<vmem>>
      %dma_wait3A_461 = arith.constant 124992 : i32
      %dma_wait3A_462 = arith.constant 0 : i32
      %dma_wait3A_463 = tpu.memref_slice %arg4[%dma_wait3A_461, %dma_wait3A_462] : memref<125000x128xf32, #tpu.memory_space<hbm>> -> memref<8x128xf32, #tpu.memory_space<hbm>>
      %dma_wait3A_464 = arith.constant 124992 : i32
      %dma_wait3A_465 = arith.constant 0 : i32
      %dma_wait3A_466 = tpu.memref_slice %arg4[%dma_wait3A_464, %dma_wait3A_465] : memref<125000x128xf32, #tpu.memory_space<hbm>> -> memref<8x128xf32, #tpu.memory_space<hbm>>
      %dma_wait3A_467 = arith.constant 0 : i32
      %dma_wait3A_468 = arith.constant 0 : i32
      %dma_wait3A_469 = tpu.memref_slice %arg10[%dma_wait3A_467, %dma_wait3A_468] : memref<16x128xf32, #tpu.memory_space<vmem>> -> memref<8x128xf32, #tpu.memory_space<vmem>>
      tpu.wait_dma2 semaphore(%arg19 : memref<!tpu.dma_semaphore, #tpu.memory_space<semaphore_mem>>) src(%dma_wait3A_469 : memref<8x128xf32, #tpu.memory_space<vmem>>) dst(%dma_wait3A_466 : memref<8x128xf32, #tpu.memory_space<hbm>>)
    } else {
    }
    %mul3A_354 = arith.constant 244 : i32
    %mul3A_355 = arith.muli %add3A, %mul3A_354 : i32
    %add3A_356 = arith.constant 0 : i32
    %add3A_357 = arith.addi %mul3A_355, %add3A_356 : i32
    %mul3A_358 = arith.constant 128 : i32
    %mul3A_359 = arith.muli %add3A_357, %mul3A_358 : i32
    %dma_start3A_360 = arith.constant 0 : i32
    %dma_start3A_361 = tpu.memref_slice %arg3[%dma_start3A_360, %mul3A_359] : memref<16x1000000xf32, #tpu.memory_space<hbm>> -> memref<16x128xf32, #tpu.memory_space<hbm>>
    %dma_start3A_362 = arith.constant 0 : i32
    %dma_start3A_363 = tpu.memref_slice %arg3[%dma_start3A_362, %mul3A_359] : memref<16x1000000xf32, #tpu.memory_space<hbm>> -> memref<16x128xf32, #tpu.memory_space<hbm>>
    tpu.enqueue_dma source(%dma_start3A_363 : memref<16x128xf32, #tpu.memory_space<hbm>>) target(%arg6 : memref<16x128xf32, #tpu.memory_space<vmem>>) target_semaphore(%arg15 : memref<!tpu.dma_semaphore, #tpu.memory_space<semaphore_mem>>)
    %add3A_364 = arith.constant 1 : i32
    %add3A_365 = arith.addi %mul3A_355, %add3A_364 : i32
    %mul3A_366 = arith.constant 128 : i32
    %mul3A_367 = arith.muli %add3A_365, %mul3A_366 : i32
    %dma_start3A_368 = arith.constant 0 : i32
    %dma_start3A_369 = tpu.memref_slice %arg3[%dma_start3A_368, %mul3A_367] : memref<16x1000000xf32, #tpu.memory_space<hbm>> -> memref<16x128xf32, #tpu.memory_space<hbm>>
    %dma_start3A_370 = arith.constant 0 : i32
    %dma_start3A_371 = tpu.memref_slice %arg3[%dma_start3A_370, %mul3A_367] : memref<16x1000000xf32, #tpu.memory_space<hbm>> -> memref<16x128xf32, #tpu.memory_space<hbm>>
    tpu.enqueue_dma source(%dma_start3A_371 : memref<16x128xf32, #tpu.memory_space<hbm>>) target(%arg7 : memref<16x128xf32, #tpu.memory_space<vmem>>) target_semaphore(%arg16 : memref<!tpu.dma_semaphore, #tpu.memory_space<semaphore_mem>>)
    %add3A_372 = arith.constant 2 : i32
    %add3A_373 = arith.addi %mul3A_355, %add3A_372 : i32
    %mul3A_374 = arith.constant 128 : i32
    %mul3A_375 = arith.muli %add3A_373, %mul3A_374 : i32
    %dma_start3A_376 = arith.constant 0 : i32
    %dma_start3A_377 = tpu.memref_slice %arg3[%dma_start3A_376, %mul3A_375] : memref<16x1000000xf32, #tpu.memory_space<hbm>> -> memref<16x128xf32, #tpu.memory_space<hbm>>
    %dma_start3A_378 = arith.constant 0 : i32
    %dma_start3A_379 = tpu.memref_slice %arg3[%dma_start3A_378, %mul3A_375] : memref<16x1000000xf32, #tpu.memory_space<hbm>> -> memref<16x128xf32, #tpu.memory_space<hbm>>
    tpu.enqueue_dma source(%dma_start3A_379 : memref<16x128xf32, #tpu.memory_space<hbm>>) target(%arg8 : memref<16x128xf32, #tpu.memory_space<vmem>>) target_semaphore(%arg17 : memref<!tpu.dma_semaphore, #tpu.memory_space<semaphore_mem>>)
    %add3A_380 = arith.constant 3 : i32
    %add3A_381 = arith.addi %mul3A_355, %add3A_380 : i32
    %mul3A_382 = arith.constant 128 : i32
    %mul3A_383 = arith.muli %add3A_381, %mul3A_382 : i32
    %dma_start3A_384 = arith.constant 0 : i32
    %dma_start3A_385 = tpu.memref_slice %arg3[%dma_start3A_384, %mul3A_383] : memref<16x1000000xf32, #tpu.memory_space<hbm>> -> memref<16x128xf32, #tpu.memory_space<hbm>>
    %dma_start3A_386 = arith.constant 0 : i32
    %dma_start3A_387 = tpu.memref_slice %arg3[%dma_start3A_386, %mul3A_383] : memref<16x1000000xf32, #tpu.memory_space<hbm>> -> memref<16x128xf32, #tpu.memory_space<hbm>>
    tpu.enqueue_dma source(%dma_start3A_387 : memref<16x128xf32, #tpu.memory_space<hbm>>) target(%arg9 : memref<16x128xf32, #tpu.memory_space<vmem>>) target_semaphore(%arg18 : memref<!tpu.dma_semaphore, #tpu.memory_space<semaphore_mem>>)
    %scan3A_388 = arith.constant 0 : i32
    %scan3A_389 = arith.constant 0 : i32
    %scan3A_390 = arith.constant 61 : i32
    %scan3A_391 = arith.addi %scan3A_389, %scan3A_390 : i32
    %scan3A_392 = arith.constant 1 : i32
    scf.for %scan3A_428 = %scan3A_389 to %scan3A_391 step %scan3A_392  : i32 {
      %mul3A_429 = arith.constant 4 : i32
      %mul3A_430 = arith.muli %mul3A_429, %scan3A_428 : i32
      %add3A_431 = arith.constant 0 : i32
      %add3A_432 = arith.addi %mul3A_430, %add3A_431 : i32
      %ge3A = arith.constant 1 : i32
      %ge3A_433 = arith.cmpi sge, %scan3A_428, %ge3A : i32
      %convert_element_type3A_434 = arith.extui %ge3A_433 : i1 to i32
      %cond3A_435 = arith.constant 0 : i32
      %cond3A_436 = arith.cmpi ne, %convert_element_type3A_434, %cond3A_435 : i32
      scf.if %cond3A_436 {
        %dma_wait3A_568 = arith.constant 0 : i32
        %dma_wait3A_569 = arith.constant 0 : i32
        %dma_wait3A_570 = tpu.memref_slice %arg5[%dma_wait3A_568, %dma_wait3A_569] : memref<125000x128xf32, #tpu.memory_space<hbm>> -> memref<16x128xf32, #tpu.memory_space<hbm>>
        %dma_wait3A_571 = arith.constant 0 : i32
        %dma_wait3A_572 = arith.constant 0 : i32
        %dma_wait3A_573 = tpu.memref_slice %arg5[%dma_wait3A_571, %dma_wait3A_572] : memref<125000x128xf32, #tpu.memory_space<hbm>> -> memref<16x128xf32, #tpu.memory_space<hbm>>
        tpu.wait_dma2 semaphore(%arg19 : memref<!tpu.dma_semaphore, #tpu.memory_space<semaphore_mem>>) src(%arg10 : memref<16x128xf32, #tpu.memory_space<vmem>>) dst(%dma_wait3A_573 : memref<16x128xf32, #tpu.memory_space<hbm>>)
      } else {
      }
      %dma_wait3A_437 = arith.constant 0 : i32
      %dma_wait3A_438 = arith.constant 0 : i32
      %dma_wait3A_439 = tpu.memref_slice %arg3[%dma_wait3A_437, %dma_wait3A_438] : memref<16x1000000xf32, #tpu.memory_space<hbm>> -> memref<16x128xf32, #tpu.memory_space<hbm>>
      %dma_wait3A_440 = arith.constant 0 : i32
      %dma_wait3A_441 = arith.constant 0 : i32
      %dma_wait3A_442 = tpu.memref_slice %arg3[%dma_wait3A_440, %dma_wait3A_441] : memref<16x1000000xf32, #tpu.memory_space<hbm>> -> memref<16x128xf32, #tpu.memory_space<hbm>>
      tpu.wait_dma2 semaphore(%arg15 : memref<!tpu.dma_semaphore, #tpu.memory_space<semaphore_mem>>) src(%dma_wait3A_442 : memref<16x128xf32, #tpu.memory_space<hbm>>) dst(%arg6 : memref<16x128xf32, #tpu.memory_space<vmem>>)
      %scan3A_443 = arith.constant 0 : i32
      %scan3A_444 = arith.constant 0 : i32
      %scan3A_445 = arith.constant 8 : i32
      %scan3A_446 = arith.addi %scan3A_444, %scan3A_445 : i32
      %scan3A_447 = arith.constant 1 : i32
      scf.for %scan3A_568 = %scan3A_444 to %scan3A_446 step %scan3A_447  : i32 {
        %mul3A_569 = arith.constant 2 : i32
        %mul3A_570 = arith.muli %scan3A_568, %mul3A_569 : i32
        %mul3A_571 = arith.constant 16 : i32
        %mul3A_572 = arith.muli %scan3A_568, %mul3A_571 : i32
        %get3A = arith.constant 0 : i32
        %get3A_573 = arith.index_cast %get3A : i32 to index
        %get3A_574 = arith.index_cast %mul3A_572 : i32 to index
        %get3A_575 = tpu.vector_load %arg6[%get3A_573, %get3A_574] {strides = array<i32>} : memref<16x128xf32, #tpu.memory_space<vmem>>, vector<16xf32>,
        %add3A_576 = vector.broadcast %mul3A_570 : i32 to vector<16xi32>
        %add3A_577 = arith.addi %add3A_576, %shift_right_arithmetic3A_8 : vector<16xi32>
        tpu.vector_store_idx %arg10[%add3A_577, %and3A_151], %get3A_575 : memref<16x128xf32, #tpu.memory_space<vmem>>[vector<16xi32>, vector<16xi32>], vector<16xf32>,
        %mul3A_578 = arith.constant 16 : i32
        %mul3A_579 = arith.muli %scan3A_568, %mul3A_578 : i32
        %get3A_580 = arith.constant 1 : i32
        %get3A_581 = arith.index_cast %get3A_580 : i32 to index
        %get3A_582 = arith.index_cast %mul3A_579 : i32 to index
        %get3A_583 = tpu.vector_load %arg6[%get3A_581, %get3A_582] {strides = array<i32>} : memref<16x128xf32, #tpu.memory_space<vmem>>, vector<16xf32>,
        %add3A_584 = vector.broadcast %mul3A_570 : i32 to vector<16xi32>
        %add3A_585 = arith.addi %add3A_584, %shift_right_arithmetic3A_17 : vector<16xi32>
        tpu.vector_store_idx %arg10[%add3A_585, %and3A_160], %get3A_583 : memref<16x128xf32, #tpu.memory_space<vmem>>[vector<16xi32>, vector<16xi32>], vector<16xf32>,
        %mul3A_586 = arith.constant 16 : i32
        %mul3A_587 = arith.muli %scan3A_568, %mul3A_586 : i32
        %get3A_588 = arith.constant 2 : i32
        %get3A_589 = arith.index_cast %get3A_588 : i32 to index
        %get3A_590 = arith.index_cast %mul3A_587 : i32 to index
        %get3A_591 = tpu.vector_load %arg6[%get3A_589, %get3A_590] {strides = array<i32>} : memref<16x128xf32, #tpu.memory_space<vmem>>, vector<16xf32>,
        %add3A_592 = vector.broadcast %mul3A_570 : i32 to vector<16xi32>
        %add3A_593 = arith.addi %add3A_592, %shift_right_arithmetic3A_26 : vector<16xi32>
        tpu.vector_store_idx %arg10[%add3A_593, %and3A_169], %get3A_591 : memref<16x128xf32, #tpu.memory_space<vmem>>[vector<16xi32>, vector<16xi32>], vector<16xf32>,
        %mul3A_594 = arith.constant 16 : i32
        %mul3A_595 = arith.muli %scan3A_568, %mul3A_594 : i32
        %get3A_596 = arith.constant 3 : i32
        %get3A_597 = arith.index_cast %get3A_596 : i32 to index
        %get3A_598 = arith.index_cast %mul3A_595 : i32 to index
        %get3A_599 = tpu.vector_load %arg6[%get3A_597, %get3A_598] {strides = array<i32>} : memref<16x128xf32, #tpu.memory_space<vmem>>, vector<16xf32>,
        %add3A_600 = vector.broadcast %mul3A_570 : i32 to vector<16xi32>
        %add3A_601 = arith.addi %add3A_600, %shift_right_arithmetic3A_35 : vector<16xi32>
        tpu.vector_store_idx %arg10[%add3A_601, %and3A_178], %get3A_599 : memref<16x128xf32, #tpu.memory_space<vmem>>[vector<16xi32>, vector<16xi32>], vector<16xf32>,
        %mul3A_602 = arith.constant 16 : i32
        %mul3A_603 = arith.muli %scan3A_568, %mul3A_602 : i32
        %get3A_604 = arith.constant 4 : i32
        %get3A_605 = arith.index_cast %get3A_604 : i32 to index
        %get3A_606 = arith.index_cast %mul3A_603 : i32 to index
        %get3A_607 = tpu.vector_load %arg6[%get3A_605, %get3A_606] {strides = array<i32>} : memref<16x128xf32, #tpu.memory_space<vmem>>, vector<16xf32>,
        %add3A_608 = vector.broadcast %mul3A_570 : i32 to vector<16xi32>
        %add3A_609 = arith.addi %add3A_608, %shift_right_arithmetic3A_44 : vector<16xi32>
        tpu.vector_store_idx %arg10[%add3A_609, %and3A_187], %get3A_607 : memref<16x128xf32, #tpu.memory_space<vmem>>[vector<16xi32>, vector<16xi32>], vector<16xf32>,
        %mul3A_610 = arith.constant 16 : i32
        %mul3A_611 = arith.muli %scan3A_568, %mul3A_610 : i32
        %get3A_612 = arith.constant 5 : i32
        %get3A_613 = arith.index_cast %get3A_612 : i32 to index
        %get3A_614 = arith.index_cast %mul3A_611 : i32 to index
        %get3A_615 = tpu.vector_load %arg6[%get3A_613, %get3A_614] {strides = array<i32>} : memref<16x128xf32, #tpu.memory_space<vmem>>, vector<16xf32>,
        %add3A_616 = vector.broadcast %mul3A_570 : i32 to vector<16xi32>
        %add3A_617 = arith.addi %add3A_616, %shift_right_arithmetic3A_53 : vector<16xi32>
        tpu.vector_store_idx %arg10[%add3A_617, %and3A_196], %get3A_615 : memref<16x128xf32, #tpu.memory_space<vmem>>[vector<16xi32>, vector<16xi32>], vector<16xf32>,
        %mul3A_618 = arith.constant 16 : i32
        %mul3A_619 = arith.muli %scan3A_568, %mul3A_618 : i32
        %get3A_620 = arith.constant 6 : i32
        %get3A_621 = arith.index_cast %get3A_620 : i32 to index
        %get3A_622 = arith.index_cast %mul3A_619 : i32 to index
        %get3A_623 = tpu.vector_load %arg6[%get3A_621, %get3A_622] {strides = array<i32>} : memref<16x128xf32, #tpu.memory_space<vmem>>, vector<16xf32>,
        %add3A_624 = vector.broadcast %mul3A_570 : i32 to vector<16xi32>
        %add3A_625 = arith.addi %add3A_624, %shift_right_arithmetic3A_62 : vector<16xi32>
        tpu.vector_store_idx %arg10[%add3A_625, %and3A_205], %get3A_623 : memref<16x128xf32, #tpu.memory_space<vmem>>[vector<16xi32>, vector<16xi32>], vector<16xf32>,
        %mul3A_626 = arith.constant 16 : i32
        %mul3A_627 = arith.muli %scan3A_568, %mul3A_626 : i32
        %get3A_628 = arith.constant 7 : i32
        %get3A_629 = arith.index_cast %get3A_628 : i32 to index
        %get3A_630 = arith.index_cast %mul3A_627 : i32 to index
        %get3A_631 = tpu.vector_load %arg6[%get3A_629, %get3A_630] {strides = array<i32>} : memref<16x128xf32, #tpu.memory_space<vmem>>, vector<16xf32>,
        %add3A_632 = vector.broadcast %mul3A_570 : i32 to vector<16xi32>
        %add3A_633 = arith.addi %add3A_632, %shift_right_arithmetic3A_71 : vector<16xi32>
        tpu.vector_store_idx %arg10[%add3A_633, %and3A_214], %get3A_631 : memref<16x128xf32, #tpu.memory_space<vmem>>[vector<16xi32>, vector<16xi32>], vector<16xf32>,
        %mul3A_634 = arith.constant 16 : i32
        %mul3A_635 = arith.muli %scan3A_568, %mul3A_634 : i32
        %get3A_636 = arith.constant 8 : i32
        %get3A_637 = arith.index_cast %get3A_636 : i32 to index
        %get3A_638 = arith.index_cast %mul3A_635 : i32 to index
        %get3A_639 = tpu.vector_load %arg6[%get3A_637, %get3A_638] {strides = array<i32>} : memref<16x128xf32, #tpu.memory_space<vmem>>, vector<16xf32>,
        %add3A_640 = vector.broadcast %mul3A_570 : i32 to vector<16xi32>
        %add3A_641 = arith.addi %add3A_640, %shift_right_arithmetic3A_80 : vector<16xi32>
        tpu.vector_store_idx %arg10[%add3A_641, %and3A_223], %get3A_639 : memref<16x128xf32, #tpu.memory_space<vmem>>[vector<16xi32>, vector<16xi32>], vector<16xf32>,
        %mul3A_642 = arith.constant 16 : i32
        %mul3A_643 = arith.muli %scan3A_568, %mul3A_642 : i32
        %get3A_644 = arith.constant 9 : i32
        %get3A_645 = arith.index_cast %get3A_644 : i32 to index
        %get3A_646 = arith.index_cast %mul3A_643 : i32 to index
        %get3A_647 = tpu.vector_load %arg6[%get3A_645, %get3A_646] {strides = array<i32>} : memref<16x128xf32, #tpu.memory_space<vmem>>, vector<16xf32>,
        %add3A_648 = vector.broadcast %mul3A_570 : i32 to vector<16xi32>
        %add3A_649 = arith.addi %add3A_648, %shift_right_arithmetic3A_89 : vector<16xi32>
        tpu.vector_store_idx %arg10[%add3A_649, %and3A_232], %get3A_647 : memref<16x128xf32, #tpu.memory_space<vmem>>[vector<16xi32>, vector<16xi32>], vector<16xf32>,
        %mul3A_650 = arith.constant 16 : i32
        %mul3A_651 = arith.muli %scan3A_568, %mul3A_650 : i32
        %get3A_652 = arith.constant 10 : i32
        %get3A_653 = arith.index_cast %get3A_652 : i32 to index
        %get3A_654 = arith.index_cast %mul3A_651 : i32 to index
        %get3A_655 = tpu.vector_load %arg6[%get3A_653, %get3A_654] {strides = array<i32>} : memref<16x128xf32, #tpu.memory_space<vmem>>, vector<16xf32>,
        %add3A_656 = vector.broadcast %mul3A_570 : i32 to vector<16xi32>
        %add3A_657 = arith.addi %add3A_656, %shift_right_arithmetic3A_98 : vector<16xi32>
        tpu.vector_store_idx %arg10[%add3A_657, %and3A_241], %get3A_655 : memref<16x128xf32, #tpu.memory_space<vmem>>[vector<16xi32>, vector<16xi32>], vector<16xf32>,
        %mul3A_658 = arith.constant 16 : i32
        %mul3A_659 = arith.muli %scan3A_568, %mul3A_658 : i32
        %get3A_660 = arith.constant 11 : i32
        %get3A_661 = arith.index_cast %get3A_660 : i32 to index
        %get3A_662 = arith.index_cast %mul3A_659 : i32 to index
        %get3A_663 = tpu.vector_load %arg6[%get3A_661, %get3A_662] {strides = array<i32>} : memref<16x128xf32, #tpu.memory_space<vmem>>, vector<16xf32>,
        %add3A_664 = vector.broadcast %mul3A_570 : i32 to vector<16xi32>
        %add3A_665 = arith.addi %add3A_664, %shift_right_arithmetic3A_107 : vector<16xi32>
        tpu.vector_store_idx %arg10[%add3A_665, %and3A_250], %get3A_663 : memref<16x128xf32, #tpu.memory_space<vmem>>[vector<16xi32>, vector<16xi32>], vector<16xf32>,
        %mul3A_666 = arith.constant 16 : i32
        %mul3A_667 = arith.muli %scan3A_568, %mul3A_666 : i32
        %get3A_668 = arith.constant 12 : i32
        %get3A_669 = arith.index_cast %get3A_668 : i32 to index
        %get3A_670 = arith.index_cast %mul3A_667 : i32 to index
        %get3A_671 = tpu.vector_load %arg6[%get3A_669, %get3A_670] {strides = array<i32>} : memref<16x128xf32, #tpu.memory_space<vmem>>, vector<16xf32>,
        %add3A_672 = vector.broadcast %mul3A_570 : i32 to vector<16xi32>
        %add3A_673 = arith.addi %add3A_672, %shift_right_arithmetic3A_116 : vector<16xi32>
        tpu.vector_store_idx %arg10[%add3A_673, %and3A_259], %get3A_671 : memref<16x128xf32, #tpu.memory_space<vmem>>[vector<16xi32>, vector<16xi32>], vector<16xf32>,
        %mul3A_674 = arith.constant 16 : i32
        %mul3A_675 = arith.muli %scan3A_568, %mul3A_674 : i32
        %get3A_676 = arith.constant 13 : i32
        %get3A_677 = arith.index_cast %get3A_676 : i32 to index
        %get3A_678 = arith.index_cast %mul3A_675 : i32 to index
        %get3A_679 = tpu.vector_load %arg6[%get3A_677, %get3A_678] {strides = array<i32>} : memref<16x128xf32, #tpu.memory_space<vmem>>, vector<16xf32>,
        %add3A_680 = vector.broadcast %mul3A_570 : i32 to vector<16xi32>
        %add3A_681 = arith.addi %add3A_680, %shift_right_arithmetic3A_125 : vector<16xi32>
        tpu.vector_store_idx %arg10[%add3A_681, %and3A_268], %get3A_679 : memref<16x128xf32, #tpu.memory_space<vmem>>[vector<16xi32>, vector<16xi32>], vector<16xf32>,
        %mul3A_682 = arith.constant 16 : i32
        %mul3A_683 = arith.muli %scan3A_568, %mul3A_682 : i32
        %get3A_684 = arith.constant 14 : i32
        %get3A_685 = arith.index_cast %get3A_684 : i32 to index
        %get3A_686 = arith.index_cast %mul3A_683 : i32 to index
        %get3A_687 = tpu.vector_load %arg6[%get3A_685, %get3A_686] {strides = array<i32>} : memref<16x128xf32, #tpu.memory_space<vmem>>, vector<16xf32>,
        %add3A_688 = vector.broadcast %mul3A_570 : i32 to vector<16xi32>
        %add3A_689 = arith.addi %add3A_688, %shift_right_arithmetic3A_134 : vector<16xi32>
        tpu.vector_store_idx %arg10[%add3A_689, %and3A_277], %get3A_687 : memref<16x128xf32, #tpu.memory_space<vmem>>[vector<16xi32>, vector<16xi32>], vector<16xf32>,
        %mul3A_690 = arith.constant 16 : i32
        %mul3A_691 = arith.muli %scan3A_568, %mul3A_690 : i32
        %get3A_692 = arith.constant 15 : i32
        %get3A_693 = arith.index_cast %get3A_692 : i32 to index
        %get3A_694 = arith.index_cast %mul3A_691 : i32 to index
        %get3A_695 = tpu.vector_load %arg6[%get3A_693, %get3A_694] {strides = array<i32>} : memref<16x128xf32, #tpu.memory_space<vmem>>, vector<16xf32>,
        %add3A_696 = vector.broadcast %mul3A_570 : i32 to vector<16xi32>
        %add3A_697 = arith.addi %add3A_696, %shift_right_arithmetic3A_143 : vector<16xi32>
        tpu.vector_store_idx %arg10[%add3A_697, %and3A_286], %get3A_695 : memref<16x128xf32, #tpu.memory_space<vmem>>[vector<16xi32>, vector<16xi32>], vector<16xf32>,
      }
      %scan3A_448 = arith.constant 8 : i32
      %add3A_449 = arith.addi %mul3A_355, %add3A_432 : i32
      %mul3A_450 = arith.constant 16 : i32
      %mul3A_451 = arith.muli %add3A_449, %mul3A_450 : i32
      %dma_start3A_452 = arith.constant 0 : i32
      %dma_start3A_453 = tpu.memref_slice %arg5[%mul3A_451, %dma_start3A_452] : memref<125000x128xf32, #tpu.memory_space<hbm>> -> memref<16x128xf32, #tpu.memory_space<hbm>>
      %dma_start3A_454 = arith.constant 0 : i32
      %dma_start3A_455 = tpu.memref_slice %arg5[%mul3A_451, %dma_start3A_454] : memref<125000x128xf32, #tpu.memory_space<hbm>> -> memref<16x128xf32, #tpu.memory_space<hbm>>
      tpu.enqueue_dma source(%arg10 : memref<16x128xf32, #tpu.memory_space<vmem>>) target(%dma_start3A_455 : memref<16x128xf32, #tpu.memory_space<hbm>>) target_semaphore(%arg19 : memref<!tpu.dma_semaphore, #tpu.memory_space<semaphore_mem>>)
      %add3A_456 = arith.constant 4 : i32
      %add3A_457 = arith.addi %add3A_432, %add3A_456 : i32
      %lt3A_458 = arith.constant 244 : i32
      %lt3A_459 = arith.cmpi slt, %add3A_457, %lt3A_458 : i32
      %convert_element_type3A_460 = arith.extui %lt3A_459 : i1 to i32
      %cond3A_461 = arith.constant 0 : i32
      %cond3A_462 = arith.cmpi ne, %convert_element_type3A_460, %cond3A_461 : i32
      scf.if %cond3A_462 {
        %add3A_568 = arith.constant 4 : i32
        %add3A_569 = arith.addi %add3A_432, %add3A_568 : i32
        %add3A_570 = arith.addi %mul3A_355, %add3A_569 : i32
        %mul3A_571 = arith.constant 128 : i32
        %mul3A_572 = arith.muli %add3A_570, %mul3A_571 : i32
        %dma_start3A_573 = arith.constant 0 : i32
        %dma_start3A_574 = tpu.memref_slice %arg3[%dma_start3A_573, %mul3A_572] : memref<16x1000000xf32, #tpu.memory_space<hbm>> -> memref<16x128xf32, #tpu.memory_space<hbm>>
        %dma_start3A_575 = arith.constant 0 : i32
        %dma_start3A_576 = tpu.memref_slice %arg3[%dma_start3A_575, %mul3A_572] : memref<16x1000000xf32, #tpu.memory_space<hbm>> -> memref<16x128xf32, #tpu.memory_space<hbm>>
        tpu.enqueue_dma source(%dma_start3A_576 : memref<16x128xf32, #tpu.memory_space<hbm>>) target(%arg6 : memref<16x128xf32, #tpu.memory_space<vmem>>) target_semaphore(%arg15 : memref<!tpu.dma_semaphore, #tpu.memory_space<semaphore_mem>>)
      } else {
      }
      %mul3A_463 = arith.constant 4 : i32
      %mul3A_464 = arith.muli %mul3A_463, %scan3A_428 : i32
      %add3A_465 = arith.constant 1 : i32
      %add3A_466 = arith.addi %mul3A_464, %add3A_465 : i32
      %ge3A_467 = arith.constant 1 : i32
      %ge3A_468 = arith.cmpi sge, %scan3A_428, %ge3A_467 : i32
      %convert_element_type3A_469 = arith.extui %ge3A_468 : i1 to i32
      %cond3A_470 = arith.constant 0 : i32
      %cond3A_471 = arith.cmpi ne, %convert_element_type3A_469, %cond3A_470 : i32
      scf.if %cond3A_471 {
        %dma_wait3A_568 = arith.constant 0 : i32
        %dma_wait3A_569 = arith.constant 0 : i32
        %dma_wait3A_570 = tpu.memref_slice %arg5[%dma_wait3A_568, %dma_wait3A_569] : memref<125000x128xf32, #tpu.memory_space<hbm>> -> memref<16x128xf32, #tpu.memory_space<hbm>>
        %dma_wait3A_571 = arith.constant 0 : i32
        %dma_wait3A_572 = arith.constant 0 : i32
        %dma_wait3A_573 = tpu.memref_slice %arg5[%dma_wait3A_571, %dma_wait3A_572] : memref<125000x128xf32, #tpu.memory_space<hbm>> -> memref<16x128xf32, #tpu.memory_space<hbm>>
        tpu.wait_dma2 semaphore(%arg20 : memref<!tpu.dma_semaphore, #tpu.memory_space<semaphore_mem>>) src(%arg11 : memref<16x128xf32, #tpu.memory_space<vmem>>) dst(%dma_wait3A_573 : memref<16x128xf32, #tpu.memory_space<hbm>>)
      } else {
      }
      %dma_wait3A_472 = arith.constant 0 : i32
      %dma_wait3A_473 = arith.constant 0 : i32
      %dma_wait3A_474 = tpu.memref_slice %arg3[%dma_wait3A_472, %dma_wait3A_473] : memref<16x1000000xf32, #tpu.memory_space<hbm>> -> memref<16x128xf32, #tpu.memory_space<hbm>>
      %dma_wait3A_475 = arith.constant 0 : i32
      %dma_wait3A_476 = arith.constant 0 : i32
      %dma_wait3A_477 = tpu.memref_slice %arg3[%dma_wait3A_475, %dma_wait3A_476] : memref<16x1000000xf32, #tpu.memory_space<hbm>> -> memref<16x128xf32, #tpu.memory_space<hbm>>
      tpu.wait_dma2 semaphore(%arg16 : memref<!tpu.dma_semaphore, #tpu.memory_space<semaphore_mem>>) src(%dma_wait3A_477 : memref<16x128xf32, #tpu.memory_space<hbm>>) dst(%arg7 : memref<16x128xf32, #tpu.memory_space<vmem>>)
      %scan3A_478 = arith.constant 0 : i32
      %scan3A_479 = arith.constant 0 : i32
      %scan3A_480 = arith.constant 8 : i32
      %scan3A_481 = arith.addi %scan3A_479, %scan3A_480 : i32
      %scan3A_482 = arith.constant 1 : i32
      scf.for %scan3A_568 = %scan3A_479 to %scan3A_481 step %scan3A_482  : i32 {
        %mul3A_569 = arith.constant 2 : i32
        %mul3A_570 = arith.muli %scan3A_568, %mul3A_569 : i32
        %mul3A_571 = arith.constant 16 : i32
        %mul3A_572 = arith.muli %scan3A_568, %mul3A_571 : i32
        %get3A = arith.constant 0 : i32
        %get3A_573 = arith.index_cast %get3A : i32 to index
        %get3A_574 = arith.index_cast %mul3A_572 : i32 to index
        %get3A_575 = tpu.vector_load %arg7[%get3A_573, %get3A_574] {strides = array<i32>} : memref<16x128xf32, #tpu.memory_space<vmem>>, vector<16xf32>,
        %add3A_576 = vector.broadcast %mul3A_570 : i32 to vector<16xi32>
        %add3A_577 = arith.addi %add3A_576, %shift_right_arithmetic3A_8 : vector<16xi32>
        tpu.vector_store_idx %arg11[%add3A_577, %and3A_151], %get3A_575 : memref<16x128xf32, #tpu.memory_space<vmem>>[vector<16xi32>, vector<16xi32>], vector<16xf32>,
        %mul3A_578 = arith.constant 16 : i32
        %mul3A_579 = arith.muli %scan3A_568, %mul3A_578 : i32
        %get3A_580 = arith.constant 1 : i32
        %get3A_581 = arith.index_cast %get3A_580 : i32 to index
        %get3A_582 = arith.index_cast %mul3A_579 : i32 to index
        %get3A_583 = tpu.vector_load %arg7[%get3A_581, %get3A_582] {strides = array<i32>} : memref<16x128xf32, #tpu.memory_space<vmem>>, vector<16xf32>,
        %add3A_584 = vector.broadcast %mul3A_570 : i32 to vector<16xi32>
        %add3A_585 = arith.addi %add3A_584, %shift_right_arithmetic3A_17 : vector<16xi32>
        tpu.vector_store_idx %arg11[%add3A_585, %and3A_160], %get3A_583 : memref<16x128xf32, #tpu.memory_space<vmem>>[vector<16xi32>, vector<16xi32>], vector<16xf32>,
        %mul3A_586 = arith.constant 16 : i32
        %mul3A_587 = arith.muli %scan3A_568, %mul3A_586 : i32
        %get3A_588 = arith.constant 2 : i32
        %get3A_589 = arith.index_cast %get3A_588 : i32 to index
        %get3A_590 = arith.index_cast %mul3A_587 : i32 to index
        %get3A_591 = tpu.vector_load %arg7[%get3A_589, %get3A_590] {strides = array<i32>} : memref<16x128xf32, #tpu.memory_space<vmem>>, vector<16xf32>,
        %add3A_592 = vector.broadcast %mul3A_570 : i32 to vector<16xi32>
        %add3A_593 = arith.addi %add3A_592, %shift_right_arithmetic3A_26 : vector<16xi32>
        tpu.vector_store_idx %arg11[%add3A_593, %and3A_169], %get3A_591 : memref<16x128xf32, #tpu.memory_space<vmem>>[vector<16xi32>, vector<16xi32>], vector<16xf32>,
        %mul3A_594 = arith.constant 16 : i32
        %mul3A_595 = arith.muli %scan3A_568, %mul3A_594 : i32
        %get3A_596 = arith.constant 3 : i32
        %get3A_597 = arith.index_cast %get3A_596 : i32 to index
        %get3A_598 = arith.index_cast %mul3A_595 : i32 to index
        %get3A_599 = tpu.vector_load %arg7[%get3A_597, %get3A_598] {strides = array<i32>} : memref<16x128xf32, #tpu.memory_space<vmem>>, vector<16xf32>,
        %add3A_600 = vector.broadcast %mul3A_570 : i32 to vector<16xi32>
        %add3A_601 = arith.addi %add3A_600, %shift_right_arithmetic3A_35 : vector<16xi32>
        tpu.vector_store_idx %arg11[%add3A_601, %and3A_178], %get3A_599 : memref<16x128xf32, #tpu.memory_space<vmem>>[vector<16xi32>, vector<16xi32>], vector<16xf32>,
        %mul3A_602 = arith.constant 16 : i32
        %mul3A_603 = arith.muli %scan3A_568, %mul3A_602 : i32
        %get3A_604 = arith.constant 4 : i32
        %get3A_605 = arith.index_cast %get3A_604 : i32 to index
        %get3A_606 = arith.index_cast %mul3A_603 : i32 to index
        %get3A_607 = tpu.vector_load %arg7[%get3A_605, %get3A_606] {strides = array<i32>} : memref<16x128xf32, #tpu.memory_space<vmem>>, vector<16xf32>,
        %add3A_608 = vector.broadcast %mul3A_570 : i32 to vector<16xi32>
        %add3A_609 = arith.addi %add3A_608, %shift_right_arithmetic3A_44 : vector<16xi32>
        tpu.vector_store_idx %arg11[%add3A_609, %and3A_187], %get3A_607 : memref<16x128xf32, #tpu.memory_space<vmem>>[vector<16xi32>, vector<16xi32>], vector<16xf32>,
        %mul3A_610 = arith.constant 16 : i32
        %mul3A_611 = arith.muli %scan3A_568, %mul3A_610 : i32
        %get3A_612 = arith.constant 5 : i32
        %get3A_613 = arith.index_cast %get3A_612 : i32 to index
        %get3A_614 = arith.index_cast %mul3A_611 : i32 to index
        %get3A_615 = tpu.vector_load %arg7[%get3A_613, %get3A_614] {strides = array<i32>} : memref<16x128xf32, #tpu.memory_space<vmem>>, vector<16xf32>,
        %add3A_616 = vector.broadcast %mul3A_570 : i32 to vector<16xi32>
        %add3A_617 = arith.addi %add3A_616, %shift_right_arithmetic3A_53 : vector<16xi32>
        tpu.vector_store_idx %arg11[%add3A_617, %and3A_196], %get3A_615 : memref<16x128xf32, #tpu.memory_space<vmem>>[vector<16xi32>, vector<16xi32>], vector<16xf32>,
        %mul3A_618 = arith.constant 16 : i32
        %mul3A_619 = arith.muli %scan3A_568, %mul3A_618 : i32
        %get3A_620 = arith.constant 6 : i32
        %get3A_621 = arith.index_cast %get3A_620 : i32 to index
        %get3A_622 = arith.index_cast %mul3A_619 : i32 to index
        %get3A_623 = tpu.vector_load %arg7[%get3A_621, %get3A_622] {strides = array<i32>} : memref<16x128xf32, #tpu.memory_space<vmem>>, vector<16xf32>,
        %add3A_624 = vector.broadcast %mul3A_570 : i32 to vector<16xi32>
        %add3A_625 = arith.addi %add3A_624, %shift_right_arithmetic3A_62 : vector<16xi32>
        tpu.vector_store_idx %arg11[%add3A_625, %and3A_205], %get3A_623 : memref<16x128xf32, #tpu.memory_space<vmem>>[vector<16xi32>, vector<16xi32>], vector<16xf32>,
        %mul3A_626 = arith.constant 16 : i32
        %mul3A_627 = arith.muli %scan3A_568, %mul3A_626 : i32
        %get3A_628 = arith.constant 7 : i32
        %get3A_629 = arith.index_cast %get3A_628 : i32 to index
        %get3A_630 = arith.index_cast %mul3A_627 : i32 to index
        %get3A_631 = tpu.vector_load %arg7[%get3A_629, %get3A_630] {strides = array<i32>} : memref<16x128xf32, #tpu.memory_space<vmem>>, vector<16xf32>,
        %add3A_632 = vector.broadcast %mul3A_570 : i32 to vector<16xi32>
        %add3A_633 = arith.addi %add3A_632, %shift_right_arithmetic3A_71 : vector<16xi32>
        tpu.vector_store_idx %arg11[%add3A_633, %and3A_214], %get3A_631 : memref<16x128xf32, #tpu.memory_space<vmem>>[vector<16xi32>, vector<16xi32>], vector<16xf32>,
        %mul3A_634 = arith.constant 16 : i32
        %mul3A_635 = arith.muli %scan3A_568, %mul3A_634 : i32
        %get3A_636 = arith.constant 8 : i32
        %get3A_637 = arith.index_cast %get3A_636 : i32 to index
        %get3A_638 = arith.index_cast %mul3A_635 : i32 to index
        %get3A_639 = tpu.vector_load %arg7[%get3A_637, %get3A_638] {strides = array<i32>} : memref<16x128xf32, #tpu.memory_space<vmem>>, vector<16xf32>,
        %add3A_640 = vector.broadcast %mul3A_570 : i32 to vector<16xi32>
        %add3A_641 = arith.addi %add3A_640, %shift_right_arithmetic3A_80 : vector<16xi32>
        tpu.vector_store_idx %arg11[%add3A_641, %and3A_223], %get3A_639 : memref<16x128xf32, #tpu.memory_space<vmem>>[vector<16xi32>, vector<16xi32>], vector<16xf32>,
        %mul3A_642 = arith.constant 16 : i32
        %mul3A_643 = arith.muli %scan3A_568, %mul3A_642 : i32
        %get3A_644 = arith.constant 9 : i32
        %get3A_645 = arith.index_cast %get3A_644 : i32 to index
        %get3A_646 = arith.index_cast %mul3A_643 : i32 to index
        %get3A_647 = tpu.vector_load %arg7[%get3A_645, %get3A_646] {strides = array<i32>} : memref<16x128xf32, #tpu.memory_space<vmem>>, vector<16xf32>,
        %add3A_648 = vector.broadcast %mul3A_570 : i32 to vector<16xi32>
        %add3A_649 = arith.addi %add3A_648, %shift_right_arithmetic3A_89 : vector<16xi32>
        tpu.vector_store_idx %arg11[%add3A_649, %and3A_232], %get3A_647 : memref<16x128xf32, #tpu.memory_space<vmem>>[vector<16xi32>, vector<16xi32>], vector<16xf32>,
        %mul3A_650 = arith.constant 16 : i32
        %mul3A_651 = arith.muli %scan3A_568, %mul3A_650 : i32
        %get3A_652 = arith.constant 10 : i32
        %get3A_653 = arith.index_cast %get3A_652 : i32 to index
        %get3A_654 = arith.index_cast %mul3A_651 : i32 to index
        %get3A_655 = tpu.vector_load %arg7[%get3A_653, %get3A_654] {strides = array<i32>} : memref<16x128xf32, #tpu.memory_space<vmem>>, vector<16xf32>,
        %add3A_656 = vector.broadcast %mul3A_570 : i32 to vector<16xi32>
        %add3A_657 = arith.addi %add3A_656, %shift_right_arithmetic3A_98 : vector<16xi32>
        tpu.vector_store_idx %arg11[%add3A_657, %and3A_241], %get3A_655 : memref<16x128xf32, #tpu.memory_space<vmem>>[vector<16xi32>, vector<16xi32>], vector<16xf32>,
        %mul3A_658 = arith.constant 16 : i32
        %mul3A_659 = arith.muli %scan3A_568, %mul3A_658 : i32
        %get3A_660 = arith.constant 11 : i32
        %get3A_661 = arith.index_cast %get3A_660 : i32 to index
        %get3A_662 = arith.index_cast %mul3A_659 : i32 to index
        %get3A_663 = tpu.vector_load %arg7[%get3A_661, %get3A_662] {strides = array<i32>} : memref<16x128xf32, #tpu.memory_space<vmem>>, vector<16xf32>,
        %add3A_664 = vector.broadcast %mul3A_570 : i32 to vector<16xi32>
        %add3A_665 = arith.addi %add3A_664, %shift_right_arithmetic3A_107 : vector<16xi32>
        tpu.vector_store_idx %arg11[%add3A_665, %and3A_250], %get3A_663 : memref<16x128xf32, #tpu.memory_space<vmem>>[vector<16xi32>, vector<16xi32>], vector<16xf32>,
        %mul3A_666 = arith.constant 16 : i32
        %mul3A_667 = arith.muli %scan3A_568, %mul3A_666 : i32
        %get3A_668 = arith.constant 12 : i32
        %get3A_669 = arith.index_cast %get3A_668 : i32 to index
        %get3A_670 = arith.index_cast %mul3A_667 : i32 to index
        %get3A_671 = tpu.vector_load %arg7[%get3A_669, %get3A_670] {strides = array<i32>} : memref<16x128xf32, #tpu.memory_space<vmem>>, vector<16xf32>,
        %add3A_672 = vector.broadcast %mul3A_570 : i32 to vector<16xi32>
        %add3A_673 = arith.addi %add3A_672, %shift_right_arithmetic3A_116 : vector<16xi32>
        tpu.vector_store_idx %arg11[%add3A_673, %and3A_259], %get3A_671 : memref<16x128xf32, #tpu.memory_space<vmem>>[vector<16xi32>, vector<16xi32>], vector<16xf32>,
        %mul3A_674 = arith.constant 16 : i32
        %mul3A_675 = arith.muli %scan3A_568, %mul3A_674 : i32
        %get3A_676 = arith.constant 13 : i32
        %get3A_677 = arith.index_cast %get3A_676 : i32 to index
        %get3A_678 = arith.index_cast %mul3A_675 : i32 to index
        %get3A_679 = tpu.vector_load %arg7[%get3A_677, %get3A_678] {strides = array<i32>} : memref<16x128xf32, #tpu.memory_space<vmem>>, vector<16xf32>,
        %add3A_680 = vector.broadcast %mul3A_570 : i32 to vector<16xi32>
        %add3A_681 = arith.addi %add3A_680, %shift_right_arithmetic3A_125 : vector<16xi32>
        tpu.vector_store_idx %arg11[%add3A_681, %and3A_268], %get3A_679 : memref<16x128xf32, #tpu.memory_space<vmem>>[vector<16xi32>, vector<16xi32>], vector<16xf32>,
        %mul3A_682 = arith.constant 16 : i32
        %mul3A_683 = arith.muli %scan3A_568, %mul3A_682 : i32
        %get3A_684 = arith.constant 14 : i32
        %get3A_685 = arith.index_cast %get3A_684 : i32 to index
        %get3A_686 = arith.index_cast %mul3A_683 : i32 to index
        %get3A_687 = tpu.vector_load %arg7[%get3A_685, %get3A_686] {strides = array<i32>} : memref<16x128xf32, #tpu.memory_space<vmem>>, vector<16xf32>,
        %add3A_688 = vector.broadcast %mul3A_570 : i32 to vector<16xi32>
        %add3A_689 = arith.addi %add3A_688, %shift_right_arithmetic3A_134 : vector<16xi32>
        tpu.vector_store_idx %arg11[%add3A_689, %and3A_277], %get3A_687 : memref<16x128xf32, #tpu.memory_space<vmem>>[vector<16xi32>, vector<16xi32>], vector<16xf32>,
        %mul3A_690 = arith.constant 16 : i32
        %mul3A_691 = arith.muli %scan3A_568, %mul3A_690 : i32
        %get3A_692 = arith.constant 15 : i32
        %get3A_693 = arith.index_cast %get3A_692 : i32 to index
        %get3A_694 = arith.index_cast %mul3A_691 : i32 to index
        %get3A_695 = tpu.vector_load %arg7[%get3A_693, %get3A_694] {strides = array<i32>} : memref<16x128xf32, #tpu.memory_space<vmem>>, vector<16xf32>,
        %add3A_696 = vector.broadcast %mul3A_570 : i32 to vector<16xi32>
        %add3A_697 = arith.addi %add3A_696, %shift_right_arithmetic3A_143 : vector<16xi32>
        tpu.vector_store_idx %arg11[%add3A_697, %and3A_286], %get3A_695 : memref<16x128xf32, #tpu.memory_space<vmem>>[vector<16xi32>, vector<16xi32>], vector<16xf32>,
      }
      %scan3A_483 = arith.constant 8 : i32
      %add3A_484 = arith.addi %mul3A_355, %add3A_466 : i32
      %mul3A_485 = arith.constant 16 : i32
      %mul3A_486 = arith.muli %add3A_484, %mul3A_485 : i32
      %dma_start3A_487 = arith.constant 0 : i32
      %dma_start3A_488 = tpu.memref_slice %arg5[%mul3A_486, %dma_start3A_487] : memref<125000x128xf32, #tpu.memory_space<hbm>> -> memref<16x128xf32, #tpu.memory_space<hbm>>
      %dma_start3A_489 = arith.constant 0 : i32
      %dma_start3A_490 = tpu.memref_slice %arg5[%mul3A_486, %dma_start3A_489] : memref<125000x128xf32, #tpu.memory_space<hbm>> -> memref<16x128xf32, #tpu.memory_space<hbm>>
      tpu.enqueue_dma source(%arg11 : memref<16x128xf32, #tpu.memory_space<vmem>>) target(%dma_start3A_490 : memref<16x128xf32, #tpu.memory_space<hbm>>) target_semaphore(%arg20 : memref<!tpu.dma_semaphore, #tpu.memory_space<semaphore_mem>>)
      %add3A_491 = arith.constant 4 : i32
      %add3A_492 = arith.addi %add3A_466, %add3A_491 : i32
      %lt3A_493 = arith.constant 244 : i32
      %lt3A_494 = arith.cmpi slt, %add3A_492, %lt3A_493 : i32
      %convert_element_type3A_495 = arith.extui %lt3A_494 : i1 to i32
      %cond3A_496 = arith.constant 0 : i32
      %cond3A_497 = arith.cmpi ne, %convert_element_type3A_495, %cond3A_496 : i32
      scf.if %cond3A_497 {
        %add3A_568 = arith.constant 4 : i32
        %add3A_569 = arith.addi %add3A_466, %add3A_568 : i32
        %add3A_570 = arith.addi %mul3A_355, %add3A_569 : i32
        %mul3A_571 = arith.constant 128 : i32
        %mul3A_572 = arith.muli %add3A_570, %mul3A_571 : i32
        %dma_start3A_573 = arith.constant 0 : i32
        %dma_start3A_574 = tpu.memref_slice %arg3[%dma_start3A_573, %mul3A_572] : memref<16x1000000xf32, #tpu.memory_space<hbm>> -> memref<16x128xf32, #tpu.memory_space<hbm>>
        %dma_start3A_575 = arith.constant 0 : i32
        %dma_start3A_576 = tpu.memref_slice %arg3[%dma_start3A_575, %mul3A_572] : memref<16x1000000xf32, #tpu.memory_space<hbm>> -> memref<16x128xf32, #tpu.memory_space<hbm>>
        tpu.enqueue_dma source(%dma_start3A_576 : memref<16x128xf32, #tpu.memory_space<hbm>>) target(%arg7 : memref<16x128xf32, #tpu.memory_space<vmem>>) target_semaphore(%arg16 : memref<!tpu.dma_semaphore, #tpu.memory_space<semaphore_mem>>)
      } else {
      }
      %mul3A_498 = arith.constant 4 : i32
      %mul3A_499 = arith.muli %mul3A_498, %scan3A_428 : i32
      %add3A_500 = arith.constant 2 : i32
      %add3A_501 = arith.addi %mul3A_499, %add3A_500 : i32
      %ge3A_502 = arith.constant 1 : i32
      %ge3A_503 = arith.cmpi sge, %scan3A_428, %ge3A_502 : i32
      %convert_element_type3A_504 = arith.extui %ge3A_503 : i1 to i32
      %cond3A_505 = arith.constant 0 : i32
      %cond3A_506 = arith.cmpi ne, %convert_element_type3A_504, %cond3A_505 : i32
      scf.if %cond3A_506 {
        %dma_wait3A_568 = arith.constant 0 : i32
        %dma_wait3A_569 = arith.constant 0 : i32
        %dma_wait3A_570 = tpu.memref_slice %arg5[%dma_wait3A_568, %dma_wait3A_569] : memref<125000x128xf32, #tpu.memory_space<hbm>> -> memref<16x128xf32, #tpu.memory_space<hbm>>
        %dma_wait3A_571 = arith.constant 0 : i32
        %dma_wait3A_572 = arith.constant 0 : i32
        %dma_wait3A_573 = tpu.memref_slice %arg5[%dma_wait3A_571, %dma_wait3A_572] : memref<125000x128xf32, #tpu.memory_space<hbm>> -> memref<16x128xf32, #tpu.memory_space<hbm>>
        tpu.wait_dma2 semaphore(%arg21 : memref<!tpu.dma_semaphore, #tpu.memory_space<semaphore_mem>>) src(%arg12 : memref<16x128xf32, #tpu.memory_space<vmem>>) dst(%dma_wait3A_573 : memref<16x128xf32, #tpu.memory_space<hbm>>)
      } else {
      }
      %dma_wait3A_507 = arith.constant 0 : i32
      %dma_wait3A_508 = arith.constant 0 : i32
      %dma_wait3A_509 = tpu.memref_slice %arg3[%dma_wait3A_507, %dma_wait3A_508] : memref<16x1000000xf32, #tpu.memory_space<hbm>> -> memref<16x128xf32, #tpu.memory_space<hbm>>
      %dma_wait3A_510 = arith.constant 0 : i32
      %dma_wait3A_511 = arith.constant 0 : i32
      %dma_wait3A_512 = tpu.memref_slice %arg3[%dma_wait3A_510, %dma_wait3A_511] : memref<16x1000000xf32, #tpu.memory_space<hbm>> -> memref<16x128xf32, #tpu.memory_space<hbm>>
      tpu.wait_dma2 semaphore(%arg17 : memref<!tpu.dma_semaphore, #tpu.memory_space<semaphore_mem>>) src(%dma_wait3A_512 : memref<16x128xf32, #tpu.memory_space<hbm>>) dst(%arg8 : memref<16x128xf32, #tpu.memory_space<vmem>>)
      %scan3A_513 = arith.constant 0 : i32
      %scan3A_514 = arith.constant 0 : i32
      %scan3A_515 = arith.constant 8 : i32
      %scan3A_516 = arith.addi %scan3A_514, %scan3A_515 : i32
      %scan3A_517 = arith.constant 1 : i32
      scf.for %scan3A_568 = %scan3A_514 to %scan3A_516 step %scan3A_517  : i32 {
        %mul3A_569 = arith.constant 2 : i32
        %mul3A_570 = arith.muli %scan3A_568, %mul3A_569 : i32
        %mul3A_571 = arith.constant 16 : i32
        %mul3A_572 = arith.muli %scan3A_568, %mul3A_571 : i32
        %get3A = arith.constant 0 : i32
        %get3A_573 = arith.index_cast %get3A : i32 to index
        %get3A_574 = arith.index_cast %mul3A_572 : i32 to index
        %get3A_575 = tpu.vector_load %arg8[%get3A_573, %get3A_574] {strides = array<i32>} : memref<16x128xf32, #tpu.memory_space<vmem>>, vector<16xf32>,
        %add3A_576 = vector.broadcast %mul3A_570 : i32 to vector<16xi32>
        %add3A_577 = arith.addi %add3A_576, %shift_right_arithmetic3A_8 : vector<16xi32>
        tpu.vector_store_idx %arg12[%add3A_577, %and3A_151], %get3A_575 : memref<16x128xf32, #tpu.memory_space<vmem>>[vector<16xi32>, vector<16xi32>], vector<16xf32>,
        %mul3A_578 = arith.constant 16 : i32
        %mul3A_579 = arith.muli %scan3A_568, %mul3A_578 : i32
        %get3A_580 = arith.constant 1 : i32
        %get3A_581 = arith.index_cast %get3A_580 : i32 to index
        %get3A_582 = arith.index_cast %mul3A_579 : i32 to index
        %get3A_583 = tpu.vector_load %arg8[%get3A_581, %get3A_582] {strides = array<i32>} : memref<16x128xf32, #tpu.memory_space<vmem>>, vector<16xf32>,
        %add3A_584 = vector.broadcast %mul3A_570 : i32 to vector<16xi32>
        %add3A_585 = arith.addi %add3A_584, %shift_right_arithmetic3A_17 : vector<16xi32>
        tpu.vector_store_idx %arg12[%add3A_585, %and3A_160], %get3A_583 : memref<16x128xf32, #tpu.memory_space<vmem>>[vector<16xi32>, vector<16xi32>], vector<16xf32>,
        %mul3A_586 = arith.constant 16 : i32
        %mul3A_587 = arith.muli %scan3A_568, %mul3A_586 : i32
        %get3A_588 = arith.constant 2 : i32
        %get3A_589 = arith.index_cast %get3A_588 : i32 to index
        %get3A_590 = arith.index_cast %mul3A_587 : i32 to index
        %get3A_591 = tpu.vector_load %arg8[%get3A_589, %get3A_590] {strides = array<i32>} : memref<16x128xf32, #tpu.memory_space<vmem>>, vector<16xf32>,
        %add3A_592 = vector.broadcast %mul3A_570 : i32 to vector<16xi32>
        %add3A_593 = arith.addi %add3A_592, %shift_right_arithmetic3A_26 : vector<16xi32>
        tpu.vector_store_idx %arg12[%add3A_593, %and3A_169], %get3A_591 : memref<16x128xf32, #tpu.memory_space<vmem>>[vector<16xi32>, vector<16xi32>], vector<16xf32>,
        %mul3A_594 = arith.constant 16 : i32
        %mul3A_595 = arith.muli %scan3A_568, %mul3A_594 : i32
        %get3A_596 = arith.constant 3 : i32
        %get3A_597 = arith.index_cast %get3A_596 : i32 to index
        %get3A_598 = arith.index_cast %mul3A_595 : i32 to index
        %get3A_599 = tpu.vector_load %arg8[%get3A_597, %get3A_598] {strides = array<i32>} : memref<16x128xf32, #tpu.memory_space<vmem>>, vector<16xf32>,
        %add3A_600 = vector.broadcast %mul3A_570 : i32 to vector<16xi32>
        %add3A_601 = arith.addi %add3A_600, %shift_right_arithmetic3A_35 : vector<16xi32>
        tpu.vector_store_idx %arg12[%add3A_601, %and3A_178], %get3A_599 : memref<16x128xf32, #tpu.memory_space<vmem>>[vector<16xi32>, vector<16xi32>], vector<16xf32>,
        %mul3A_602 = arith.constant 16 : i32
        %mul3A_603 = arith.muli %scan3A_568, %mul3A_602 : i32
        %get3A_604 = arith.constant 4 : i32
        %get3A_605 = arith.index_cast %get3A_604 : i32 to index
        %get3A_606 = arith.index_cast %mul3A_603 : i32 to index
        %get3A_607 = tpu.vector_load %arg8[%get3A_605, %get3A_606] {strides = array<i32>} : memref<16x128xf32, #tpu.memory_space<vmem>>, vector<16xf32>,
        %add3A_608 = vector.broadcast %mul3A_570 : i32 to vector<16xi32>
        %add3A_609 = arith.addi %add3A_608, %shift_right_arithmetic3A_44 : vector<16xi32>
        tpu.vector_store_idx %arg12[%add3A_609, %and3A_187], %get3A_607 : memref<16x128xf32, #tpu.memory_space<vmem>>[vector<16xi32>, vector<16xi32>], vector<16xf32>,
        %mul3A_610 = arith.constant 16 : i32
        %mul3A_611 = arith.muli %scan3A_568, %mul3A_610 : i32
        %get3A_612 = arith.constant 5 : i32
        %get3A_613 = arith.index_cast %get3A_612 : i32 to index
        %get3A_614 = arith.index_cast %mul3A_611 : i32 to index
        %get3A_615 = tpu.vector_load %arg8[%get3A_613, %get3A_614] {strides = array<i32>} : memref<16x128xf32, #tpu.memory_space<vmem>>, vector<16xf32>,
        %add3A_616 = vector.broadcast %mul3A_570 : i32 to vector<16xi32>
        %add3A_617 = arith.addi %add3A_616, %shift_right_arithmetic3A_53 : vector<16xi32>
        tpu.vector_store_idx %arg12[%add3A_617, %and3A_196], %get3A_615 : memref<16x128xf32, #tpu.memory_space<vmem>>[vector<16xi32>, vector<16xi32>], vector<16xf32>,
        %mul3A_618 = arith.constant 16 : i32
        %mul3A_619 = arith.muli %scan3A_568, %mul3A_618 : i32
        %get3A_620 = arith.constant 6 : i32
        %get3A_621 = arith.index_cast %get3A_620 : i32 to index
        %get3A_622 = arith.index_cast %mul3A_619 : i32 to index
        %get3A_623 = tpu.vector_load %arg8[%get3A_621, %get3A_622] {strides = array<i32>} : memref<16x128xf32, #tpu.memory_space<vmem>>, vector<16xf32>,
        %add3A_624 = vector.broadcast %mul3A_570 : i32 to vector<16xi32>
        %add3A_625 = arith.addi %add3A_624, %shift_right_arithmetic3A_62 : vector<16xi32>
        tpu.vector_store_idx %arg12[%add3A_625, %and3A_205], %get3A_623 : memref<16x128xf32, #tpu.memory_space<vmem>>[vector<16xi32>, vector<16xi32>], vector<16xf32>,
        %mul3A_626 = arith.constant 16 : i32
        %mul3A_627 = arith.muli %scan3A_568, %mul3A_626 : i32
        %get3A_628 = arith.constant 7 : i32
        %get3A_629 = arith.index_cast %get3A_628 : i32 to index
        %get3A_630 = arith.index_cast %mul3A_627 : i32 to index
        %get3A_631 = tpu.vector_load %arg8[%get3A_629, %get3A_630] {strides = array<i32>} : memref<16x128xf32, #tpu.memory_space<vmem>>, vector<16xf32>,
        %add3A_632 = vector.broadcast %mul3A_570 : i32 to vector<16xi32>
        %add3A_633 = arith.addi %add3A_632, %shift_right_arithmetic3A_71 : vector<16xi32>
        tpu.vector_store_idx %arg12[%add3A_633, %and3A_214], %get3A_631 : memref<16x128xf32, #tpu.memory_space<vmem>>[vector<16xi32>, vector<16xi32>], vector<16xf32>,
        %mul3A_634 = arith.constant 16 : i32
        %mul3A_635 = arith.muli %scan3A_568, %mul3A_634 : i32
        %get3A_636 = arith.constant 8 : i32
        %get3A_637 = arith.index_cast %get3A_636 : i32 to index
        %get3A_638 = arith.index_cast %mul3A_635 : i32 to index
        %get3A_639 = tpu.vector_load %arg8[%get3A_637, %get3A_638] {strides = array<i32>} : memref<16x128xf32, #tpu.memory_space<vmem>>, vector<16xf32>,
        %add3A_640 = vector.broadcast %mul3A_570 : i32 to vector<16xi32>
        %add3A_641 = arith.addi %add3A_640, %shift_right_arithmetic3A_80 : vector<16xi32>
        tpu.vector_store_idx %arg12[%add3A_641, %and3A_223], %get3A_639 : memref<16x128xf32, #tpu.memory_space<vmem>>[vector<16xi32>, vector<16xi32>], vector<16xf32>,
        %mul3A_642 = arith.constant 16 : i32
        %mul3A_643 = arith.muli %scan3A_568, %mul3A_642 : i32
        %get3A_644 = arith.constant 9 : i32
        %get3A_645 = arith.index_cast %get3A_644 : i32 to index
        %get3A_646 = arith.index_cast %mul3A_643 : i32 to index
        %get3A_647 = tpu.vector_load %arg8[%get3A_645, %get3A_646] {strides = array<i32>} : memref<16x128xf32, #tpu.memory_space<vmem>>, vector<16xf32>,
        %add3A_648 = vector.broadcast %mul3A_570 : i32 to vector<16xi32>
        %add3A_649 = arith.addi %add3A_648, %shift_right_arithmetic3A_89 : vector<16xi32>
        tpu.vector_store_idx %arg12[%add3A_649, %and3A_232], %get3A_647 : memref<16x128xf32, #tpu.memory_space<vmem>>[vector<16xi32>, vector<16xi32>], vector<16xf32>,
        %mul3A_650 = arith.constant 16 : i32
        %mul3A_651 = arith.muli %scan3A_568, %mul3A_650 : i32
        %get3A_652 = arith.constant 10 : i32
        %get3A_653 = arith.index_cast %get3A_652 : i32 to index
        %get3A_654 = arith.index_cast %mul3A_651 : i32 to index
        %get3A_655 = tpu.vector_load %arg8[%get3A_653, %get3A_654] {strides = array<i32>} : memref<16x128xf32, #tpu.memory_space<vmem>>, vector<16xf32>,
        %add3A_656 = vector.broadcast %mul3A_570 : i32 to vector<16xi32>
        %add3A_657 = arith.addi %add3A_656, %shift_right_arithmetic3A_98 : vector<16xi32>
        tpu.vector_store_idx %arg12[%add3A_657, %and3A_241], %get3A_655 : memref<16x128xf32, #tpu.memory_space<vmem>>[vector<16xi32>, vector<16xi32>], vector<16xf32>,
        %mul3A_658 = arith.constant 16 : i32
        %mul3A_659 = arith.muli %scan3A_568, %mul3A_658 : i32
        %get3A_660 = arith.constant 11 : i32
        %get3A_661 = arith.index_cast %get3A_660 : i32 to index
        %get3A_662 = arith.index_cast %mul3A_659 : i32 to index
        %get3A_663 = tpu.vector_load %arg8[%get3A_661, %get3A_662] {strides = array<i32>} : memref<16x128xf32, #tpu.memory_space<vmem>>, vector<16xf32>,
        %add3A_664 = vector.broadcast %mul3A_570 : i32 to vector<16xi32>
        %add3A_665 = arith.addi %add3A_664, %shift_right_arithmetic3A_107 : vector<16xi32>
        tpu.vector_store_idx %arg12[%add3A_665, %and3A_250], %get3A_663 : memref<16x128xf32, #tpu.memory_space<vmem>>[vector<16xi32>, vector<16xi32>], vector<16xf32>,
        %mul3A_666 = arith.constant 16 : i32
        %mul3A_667 = arith.muli %scan3A_568, %mul3A_666 : i32
        %get3A_668 = arith.constant 12 : i32
        %get3A_669 = arith.index_cast %get3A_668 : i32 to index
        %get3A_670 = arith.index_cast %mul3A_667 : i32 to index
        %get3A_671 = tpu.vector_load %arg8[%get3A_669, %get3A_670] {strides = array<i32>} : memref<16x128xf32, #tpu.memory_space<vmem>>, vector<16xf32>,
        %add3A_672 = vector.broadcast %mul3A_570 : i32 to vector<16xi32>
        %add3A_673 = arith.addi %add3A_672, %shift_right_arithmetic3A_116 : vector<16xi32>
        tpu.vector_store_idx %arg12[%add3A_673, %and3A_259], %get3A_671 : memref<16x128xf32, #tpu.memory_space<vmem>>[vector<16xi32>, vector<16xi32>], vector<16xf32>,
        %mul3A_674 = arith.constant 16 : i32
        %mul3A_675 = arith.muli %scan3A_568, %mul3A_674 : i32
        %get3A_676 = arith.constant 13 : i32
        %get3A_677 = arith.index_cast %get3A_676 : i32 to index
        %get3A_678 = arith.index_cast %mul3A_675 : i32 to index
        %get3A_679 = tpu.vector_load %arg8[%get3A_677, %get3A_678] {strides = array<i32>} : memref<16x128xf32, #tpu.memory_space<vmem>>, vector<16xf32>,
        %add3A_680 = vector.broadcast %mul3A_570 : i32 to vector<16xi32>
        %add3A_681 = arith.addi %add3A_680, %shift_right_arithmetic3A_125 : vector<16xi32>
        tpu.vector_store_idx %arg12[%add3A_681, %and3A_268], %get3A_679 : memref<16x128xf32, #tpu.memory_space<vmem>>[vector<16xi32>, vector<16xi32>], vector<16xf32>,
        %mul3A_682 = arith.constant 16 : i32
        %mul3A_683 = arith.muli %scan3A_568, %mul3A_682 : i32
        %get3A_684 = arith.constant 14 : i32
        %get3A_685 = arith.index_cast %get3A_684 : i32 to index
        %get3A_686 = arith.index_cast %mul3A_683 : i32 to index
        %get3A_687 = tpu.vector_load %arg8[%get3A_685, %get3A_686] {strides = array<i32>} : memref<16x128xf32, #tpu.memory_space<vmem>>, vector<16xf32>,
        %add3A_688 = vector.broadcast %mul3A_570 : i32 to vector<16xi32>
        %add3A_689 = arith.addi %add3A_688, %shift_right_arithmetic3A_134 : vector<16xi32>
        tpu.vector_store_idx %arg12[%add3A_689, %and3A_277], %get3A_687 : memref<16x128xf32, #tpu.memory_space<vmem>>[vector<16xi32>, vector<16xi32>], vector<16xf32>,
        %mul3A_690 = arith.constant 16 : i32
        %mul3A_691 = arith.muli %scan3A_568, %mul3A_690 : i32
        %get3A_692 = arith.constant 15 : i32
        %get3A_693 = arith.index_cast %get3A_692 : i32 to index
        %get3A_694 = arith.index_cast %mul3A_691 : i32 to index
        %get3A_695 = tpu.vector_load %arg8[%get3A_693, %get3A_694] {strides = array<i32>} : memref<16x128xf32, #tpu.memory_space<vmem>>, vector<16xf32>,
        %add3A_696 = vector.broadcast %mul3A_570 : i32 to vector<16xi32>
        %add3A_697 = arith.addi %add3A_696, %shift_right_arithmetic3A_143 : vector<16xi32>
        tpu.vector_store_idx %arg12[%add3A_697, %and3A_286], %get3A_695 : memref<16x128xf32, #tpu.memory_space<vmem>>[vector<16xi32>, vector<16xi32>], vector<16xf32>,
      }
      %scan3A_518 = arith.constant 8 : i32
      %add3A_519 = arith.addi %mul3A_355, %add3A_501 : i32
      %mul3A_520 = arith.constant 16 : i32
      %mul3A_521 = arith.muli %add3A_519, %mul3A_520 : i32
      %dma_start3A_522 = arith.constant 0 : i32
      %dma_start3A_523 = tpu.memref_slice %arg5[%mul3A_521, %dma_start3A_522] : memref<125000x128xf32, #tpu.memory_space<hbm>> -> memref<16x128xf32, #tpu.memory_space<hbm>>
      %dma_start3A_524 = arith.constant 0 : i32
      %dma_start3A_525 = tpu.memref_slice %arg5[%mul3A_521, %dma_start3A_524] : memref<125000x128xf32, #tpu.memory_space<hbm>> -> memref<16x128xf32, #tpu.memory_space<hbm>>
      tpu.enqueue_dma source(%arg12 : memref<16x128xf32, #tpu.memory_space<vmem>>) target(%dma_start3A_525 : memref<16x128xf32, #tpu.memory_space<hbm>>) target_semaphore(%arg21 : memref<!tpu.dma_semaphore, #tpu.memory_space<semaphore_mem>>)
      %add3A_526 = arith.constant 4 : i32
      %add3A_527 = arith.addi %add3A_501, %add3A_526 : i32
      %lt3A_528 = arith.constant 244 : i32
      %lt3A_529 = arith.cmpi slt, %add3A_527, %lt3A_528 : i32
      %convert_element_type3A_530 = arith.extui %lt3A_529 : i1 to i32
      %cond3A_531 = arith.constant 0 : i32
      %cond3A_532 = arith.cmpi ne, %convert_element_type3A_530, %cond3A_531 : i32
      scf.if %cond3A_532 {
        %add3A_568 = arith.constant 4 : i32
        %add3A_569 = arith.addi %add3A_501, %add3A_568 : i32
        %add3A_570 = arith.addi %mul3A_355, %add3A_569 : i32
        %mul3A_571 = arith.constant 128 : i32
        %mul3A_572 = arith.muli %add3A_570, %mul3A_571 : i32
        %dma_start3A_573 = arith.constant 0 : i32
        %dma_start3A_574 = tpu.memref_slice %arg3[%dma_start3A_573, %mul3A_572] : memref<16x1000000xf32, #tpu.memory_space<hbm>> -> memref<16x128xf32, #tpu.memory_space<hbm>>
        %dma_start3A_575 = arith.constant 0 : i32
        %dma_start3A_576 = tpu.memref_slice %arg3[%dma_start3A_575, %mul3A_572] : memref<16x1000000xf32, #tpu.memory_space<hbm>> -> memref<16x128xf32, #tpu.memory_space<hbm>>
        tpu.enqueue_dma source(%dma_start3A_576 : memref<16x128xf32, #tpu.memory_space<hbm>>) target(%arg8 : memref<16x128xf32, #tpu.memory_space<vmem>>) target_semaphore(%arg17 : memref<!tpu.dma_semaphore, #tpu.memory_space<semaphore_mem>>)
      } else {
      }
      %mul3A_533 = arith.constant 4 : i32
      %mul3A_534 = arith.muli %mul3A_533, %scan3A_428 : i32
      %add3A_535 = arith.constant 3 : i32
      %add3A_536 = arith.addi %mul3A_534, %add3A_535 : i32
      %ge3A_537 = arith.constant 1 : i32
      %ge3A_538 = arith.cmpi sge, %scan3A_428, %ge3A_537 : i32
      %convert_element_type3A_539 = arith.extui %ge3A_538 : i1 to i32
      %cond3A_540 = arith.constant 0 : i32
      %cond3A_541 = arith.cmpi ne, %convert_element_type3A_539, %cond3A_540 : i32
      scf.if %cond3A_541 {
        %dma_wait3A_568 = arith.constant 0 : i32
        %dma_wait3A_569 = arith.constant 0 : i32
        %dma_wait3A_570 = tpu.memref_slice %arg5[%dma_wait3A_568, %dma_wait3A_569] : memref<125000x128xf32, #tpu.memory_space<hbm>> -> memref<16x128xf32, #tpu.memory_space<hbm>>
        %dma_wait3A_571 = arith.constant 0 : i32
        %dma_wait3A_572 = arith.constant 0 : i32
        %dma_wait3A_573 = tpu.memref_slice %arg5[%dma_wait3A_571, %dma_wait3A_572] : memref<125000x128xf32, #tpu.memory_space<hbm>> -> memref<16x128xf32, #tpu.memory_space<hbm>>
        tpu.wait_dma2 semaphore(%arg22 : memref<!tpu.dma_semaphore, #tpu.memory_space<semaphore_mem>>) src(%arg13 : memref<16x128xf32, #tpu.memory_space<vmem>>) dst(%dma_wait3A_573 : memref<16x128xf32, #tpu.memory_space<hbm>>)
      } else {
      }
      %dma_wait3A_542 = arith.constant 0 : i32
      %dma_wait3A_543 = arith.constant 0 : i32
      %dma_wait3A_544 = tpu.memref_slice %arg3[%dma_wait3A_542, %dma_wait3A_543] : memref<16x1000000xf32, #tpu.memory_space<hbm>> -> memref<16x128xf32, #tpu.memory_space<hbm>>
      %dma_wait3A_545 = arith.constant 0 : i32
      %dma_wait3A_546 = arith.constant 0 : i32
      %dma_wait3A_547 = tpu.memref_slice %arg3[%dma_wait3A_545, %dma_wait3A_546] : memref<16x1000000xf32, #tpu.memory_space<hbm>> -> memref<16x128xf32, #tpu.memory_space<hbm>>
      tpu.wait_dma2 semaphore(%arg18 : memref<!tpu.dma_semaphore, #tpu.memory_space<semaphore_mem>>) src(%dma_wait3A_547 : memref<16x128xf32, #tpu.memory_space<hbm>>) dst(%arg9 : memref<16x128xf32, #tpu.memory_space<vmem>>)
      %scan3A_548 = arith.constant 0 : i32
      %scan3A_549 = arith.constant 0 : i32
      %scan3A_550 = arith.constant 8 : i32
      %scan3A_551 = arith.addi %scan3A_549, %scan3A_550 : i32
      %scan3A_552 = arith.constant 1 : i32
      scf.for %scan3A_568 = %scan3A_549 to %scan3A_551 step %scan3A_552  : i32 {
        %mul3A_569 = arith.constant 2 : i32
        %mul3A_570 = arith.muli %scan3A_568, %mul3A_569 : i32
        %mul3A_571 = arith.constant 16 : i32
        %mul3A_572 = arith.muli %scan3A_568, %mul3A_571 : i32
        %get3A = arith.constant 0 : i32
        %get3A_573 = arith.index_cast %get3A : i32 to index
        %get3A_574 = arith.index_cast %mul3A_572 : i32 to index
        %get3A_575 = tpu.vector_load %arg9[%get3A_573, %get3A_574] {strides = array<i32>} : memref<16x128xf32, #tpu.memory_space<vmem>>, vector<16xf32>,
        %add3A_576 = vector.broadcast %mul3A_570 : i32 to vector<16xi32>
        %add3A_577 = arith.addi %add3A_576, %shift_right_arithmetic3A_8 : vector<16xi32>
        tpu.vector_store_idx %arg13[%add3A_577, %and3A_151], %get3A_575 : memref<16x128xf32, #tpu.memory_space<vmem>>[vector<16xi32>, vector<16xi32>], vector<16xf32>,
        %mul3A_578 = arith.constant 16 : i32
        %mul3A_579 = arith.muli %scan3A_568, %mul3A_578 : i32
        %get3A_580 = arith.constant 1 : i32
        %get3A_581 = arith.index_cast %get3A_580 : i32 to index
        %get3A_582 = arith.index_cast %mul3A_579 : i32 to index
        %get3A_583 = tpu.vector_load %arg9[%get3A_581, %get3A_582] {strides = array<i32>} : memref<16x128xf32, #tpu.memory_space<vmem>>, vector<16xf32>,
        %add3A_584 = vector.broadcast %mul3A_570 : i32 to vector<16xi32>
        %add3A_585 = arith.addi %add3A_584, %shift_right_arithmetic3A_17 : vector<16xi32>
        tpu.vector_store_idx %arg13[%add3A_585, %and3A_160], %get3A_583 : memref<16x128xf32, #tpu.memory_space<vmem>>[vector<16xi32>, vector<16xi32>], vector<16xf32>,
        %mul3A_586 = arith.constant 16 : i32
        %mul3A_587 = arith.muli %scan3A_568, %mul3A_586 : i32
        %get3A_588 = arith.constant 2 : i32
        %get3A_589 = arith.index_cast %get3A_588 : i32 to index
        %get3A_590 = arith.index_cast %mul3A_587 : i32 to index
        %get3A_591 = tpu.vector_load %arg9[%get3A_589, %get3A_590] {strides = array<i32>} : memref<16x128xf32, #tpu.memory_space<vmem>>, vector<16xf32>,
        %add3A_592 = vector.broadcast %mul3A_570 : i32 to vector<16xi32>
        %add3A_593 = arith.addi %add3A_592, %shift_right_arithmetic3A_26 : vector<16xi32>
        tpu.vector_store_idx %arg13[%add3A_593, %and3A_169], %get3A_591 : memref<16x128xf32, #tpu.memory_space<vmem>>[vector<16xi32>, vector<16xi32>], vector<16xf32>,
        %mul3A_594 = arith.constant 16 : i32
        %mul3A_595 = arith.muli %scan3A_568, %mul3A_594 : i32
        %get3A_596 = arith.constant 3 : i32
        %get3A_597 = arith.index_cast %get3A_596 : i32 to index
        %get3A_598 = arith.index_cast %mul3A_595 : i32 to index
        %get3A_599 = tpu.vector_load %arg9[%get3A_597, %get3A_598] {strides = array<i32>} : memref<16x128xf32, #tpu.memory_space<vmem>>, vector<16xf32>,
        %add3A_600 = vector.broadcast %mul3A_570 : i32 to vector<16xi32>
        %add3A_601 = arith.addi %add3A_600, %shift_right_arithmetic3A_35 : vector<16xi32>
        tpu.vector_store_idx %arg13[%add3A_601, %and3A_178], %get3A_599 : memref<16x128xf32, #tpu.memory_space<vmem>>[vector<16xi32>, vector<16xi32>], vector<16xf32>,
        %mul3A_602 = arith.constant 16 : i32
        %mul3A_603 = arith.muli %scan3A_568, %mul3A_602 : i32
        %get3A_604 = arith.constant 4 : i32
        %get3A_605 = arith.index_cast %get3A_604 : i32 to index
        %get3A_606 = arith.index_cast %mul3A_603 : i32 to index
        %get3A_607 = tpu.vector_load %arg9[%get3A_605, %get3A_606] {strides = array<i32>} : memref<16x128xf32, #tpu.memory_space<vmem>>, vector<16xf32>,
        %add3A_608 = vector.broadcast %mul3A_570 : i32 to vector<16xi32>
        %add3A_609 = arith.addi %add3A_608, %shift_right_arithmetic3A_44 : vector<16xi32>
        tpu.vector_store_idx %arg13[%add3A_609, %and3A_187], %get3A_607 : memref<16x128xf32, #tpu.memory_space<vmem>>[vector<16xi32>, vector<16xi32>], vector<16xf32>,
        %mul3A_610 = arith.constant 16 : i32
        %mul3A_611 = arith.muli %scan3A_568, %mul3A_610 : i32
        %get3A_612 = arith.constant 5 : i32
        %get3A_613 = arith.index_cast %get3A_612 : i32 to index
        %get3A_614 = arith.index_cast %mul3A_611 : i32 to index
        %get3A_615 = tpu.vector_load %arg9[%get3A_613, %get3A_614] {strides = array<i32>} : memref<16x128xf32, #tpu.memory_space<vmem>>, vector<16xf32>,
        %add3A_616 = vector.broadcast %mul3A_570 : i32 to vector<16xi32>
        %add3A_617 = arith.addi %add3A_616, %shift_right_arithmetic3A_53 : vector<16xi32>
        tpu.vector_store_idx %arg13[%add3A_617, %and3A_196], %get3A_615 : memref<16x128xf32, #tpu.memory_space<vmem>>[vector<16xi32>, vector<16xi32>], vector<16xf32>,
        %mul3A_618 = arith.constant 16 : i32
        %mul3A_619 = arith.muli %scan3A_568, %mul3A_618 : i32
        %get3A_620 = arith.constant 6 : i32
        %get3A_621 = arith.index_cast %get3A_620 : i32 to index
        %get3A_622 = arith.index_cast %mul3A_619 : i32 to index
        %get3A_623 = tpu.vector_load %arg9[%get3A_621, %get3A_622] {strides = array<i32>} : memref<16x128xf32, #tpu.memory_space<vmem>>, vector<16xf32>,
        %add3A_624 = vector.broadcast %mul3A_570 : i32 to vector<16xi32>
        %add3A_625 = arith.addi %add3A_624, %shift_right_arithmetic3A_62 : vector<16xi32>
        tpu.vector_store_idx %arg13[%add3A_625, %and3A_205], %get3A_623 : memref<16x128xf32, #tpu.memory_space<vmem>>[vector<16xi32>, vector<16xi32>], vector<16xf32>,
        %mul3A_626 = arith.constant 16 : i32
        %mul3A_627 = arith.muli %scan3A_568, %mul3A_626 : i32
        %get3A_628 = arith.constant 7 : i32
        %get3A_629 = arith.index_cast %get3A_628 : i32 to index
        %get3A_630 = arith.index_cast %mul3A_627 : i32 to index
        %get3A_631 = tpu.vector_load %arg9[%get3A_629, %get3A_630] {strides = array<i32>} : memref<16x128xf32, #tpu.memory_space<vmem>>, vector<16xf32>,
        %add3A_632 = vector.broadcast %mul3A_570 : i32 to vector<16xi32>
        %add3A_633 = arith.addi %add3A_632, %shift_right_arithmetic3A_71 : vector<16xi32>
        tpu.vector_store_idx %arg13[%add3A_633, %and3A_214], %get3A_631 : memref<16x128xf32, #tpu.memory_space<vmem>>[vector<16xi32>, vector<16xi32>], vector<16xf32>,
        %mul3A_634 = arith.constant 16 : i32
        %mul3A_635 = arith.muli %scan3A_568, %mul3A_634 : i32
        %get3A_636 = arith.constant 8 : i32
        %get3A_637 = arith.index_cast %get3A_636 : i32 to index
        %get3A_638 = arith.index_cast %mul3A_635 : i32 to index
        %get3A_639 = tpu.vector_load %arg9[%get3A_637, %get3A_638] {strides = array<i32>} : memref<16x128xf32, #tpu.memory_space<vmem>>, vector<16xf32>,
        %add3A_640 = vector.broadcast %mul3A_570 : i32 to vector<16xi32>
        %add3A_641 = arith.addi %add3A_640, %shift_right_arithmetic3A_80 : vector<16xi32>
        tpu.vector_store_idx %arg13[%add3A_641, %and3A_223], %get3A_639 : memref<16x128xf32, #tpu.memory_space<vmem>>[vector<16xi32>, vector<16xi32>], vector<16xf32>,
        %mul3A_642 = arith.constant 16 : i32
        %mul3A_643 = arith.muli %scan3A_568, %mul3A_642 : i32
        %get3A_644 = arith.constant 9 : i32
        %get3A_645 = arith.index_cast %get3A_644 : i32 to index
        %get3A_646 = arith.index_cast %mul3A_643 : i32 to index
        %get3A_647 = tpu.vector_load %arg9[%get3A_645, %get3A_646] {strides = array<i32>} : memref<16x128xf32, #tpu.memory_space<vmem>>, vector<16xf32>,
        %add3A_648 = vector.broadcast %mul3A_570 : i32 to vector<16xi32>
        %add3A_649 = arith.addi %add3A_648, %shift_right_arithmetic3A_89 : vector<16xi32>
        tpu.vector_store_idx %arg13[%add3A_649, %and3A_232], %get3A_647 : memref<16x128xf32, #tpu.memory_space<vmem>>[vector<16xi32>, vector<16xi32>], vector<16xf32>,
        %mul3A_650 = arith.constant 16 : i32
        %mul3A_651 = arith.muli %scan3A_568, %mul3A_650 : i32
        %get3A_652 = arith.constant 10 : i32
        %get3A_653 = arith.index_cast %get3A_652 : i32 to index
        %get3A_654 = arith.index_cast %mul3A_651 : i32 to index
        %get3A_655 = tpu.vector_load %arg9[%get3A_653, %get3A_654] {strides = array<i32>} : memref<16x128xf32, #tpu.memory_space<vmem>>, vector<16xf32>,
        %add3A_656 = vector.broadcast %mul3A_570 : i32 to vector<16xi32>
        %add3A_657 = arith.addi %add3A_656, %shift_right_arithmetic3A_98 : vector<16xi32>
        tpu.vector_store_idx %arg13[%add3A_657, %and3A_241], %get3A_655 : memref<16x128xf32, #tpu.memory_space<vmem>>[vector<16xi32>, vector<16xi32>], vector<16xf32>,
        %mul3A_658 = arith.constant 16 : i32
        %mul3A_659 = arith.muli %scan3A_568, %mul3A_658 : i32
        %get3A_660 = arith.constant 11 : i32
        %get3A_661 = arith.index_cast %get3A_660 : i32 to index
        %get3A_662 = arith.index_cast %mul3A_659 : i32 to index
        %get3A_663 = tpu.vector_load %arg9[%get3A_661, %get3A_662] {strides = array<i32>} : memref<16x128xf32, #tpu.memory_space<vmem>>, vector<16xf32>,
        %add3A_664 = vector.broadcast %mul3A_570 : i32 to vector<16xi32>
        %add3A_665 = arith.addi %add3A_664, %shift_right_arithmetic3A_107 : vector<16xi32>
        tpu.vector_store_idx %arg13[%add3A_665, %and3A_250], %get3A_663 : memref<16x128xf32, #tpu.memory_space<vmem>>[vector<16xi32>, vector<16xi32>], vector<16xf32>,
        %mul3A_666 = arith.constant 16 : i32
        %mul3A_667 = arith.muli %scan3A_568, %mul3A_666 : i32
        %get3A_668 = arith.constant 12 : i32
        %get3A_669 = arith.index_cast %get3A_668 : i32 to index
        %get3A_670 = arith.index_cast %mul3A_667 : i32 to index
        %get3A_671 = tpu.vector_load %arg9[%get3A_669, %get3A_670] {strides = array<i32>} : memref<16x128xf32, #tpu.memory_space<vmem>>, vector<16xf32>,
        %add3A_672 = vector.broadcast %mul3A_570 : i32 to vector<16xi32>
        %add3A_673 = arith.addi %add3A_672, %shift_right_arithmetic3A_116 : vector<16xi32>
        tpu.vector_store_idx %arg13[%add3A_673, %and3A_259], %get3A_671 : memref<16x128xf32, #tpu.memory_space<vmem>>[vector<16xi32>, vector<16xi32>], vector<16xf32>,
        %mul3A_674 = arith.constant 16 : i32
        %mul3A_675 = arith.muli %scan3A_568, %mul3A_674 : i32
        %get3A_676 = arith.constant 13 : i32
        %get3A_677 = arith.index_cast %get3A_676 : i32 to index
        %get3A_678 = arith.index_cast %mul3A_675 : i32 to index
        %get3A_679 = tpu.vector_load %arg9[%get3A_677, %get3A_678] {strides = array<i32>} : memref<16x128xf32, #tpu.memory_space<vmem>>, vector<16xf32>,
        %add3A_680 = vector.broadcast %mul3A_570 : i32 to vector<16xi32>
        %add3A_681 = arith.addi %add3A_680, %shift_right_arithmetic3A_125 : vector<16xi32>
        tpu.vector_store_idx %arg13[%add3A_681, %and3A_268], %get3A_679 : memref<16x128xf32, #tpu.memory_space<vmem>>[vector<16xi32>, vector<16xi32>], vector<16xf32>,
        %mul3A_682 = arith.constant 16 : i32
        %mul3A_683 = arith.muli %scan3A_568, %mul3A_682 : i32
        %get3A_684 = arith.constant 14 : i32
        %get3A_685 = arith.index_cast %get3A_684 : i32 to index
        %get3A_686 = arith.index_cast %mul3A_683 : i32 to index
        %get3A_687 = tpu.vector_load %arg9[%get3A_685, %get3A_686] {strides = array<i32>} : memref<16x128xf32, #tpu.memory_space<vmem>>, vector<16xf32>,
        %add3A_688 = vector.broadcast %mul3A_570 : i32 to vector<16xi32>
        %add3A_689 = arith.addi %add3A_688, %shift_right_arithmetic3A_134 : vector<16xi32>
        tpu.vector_store_idx %arg13[%add3A_689, %and3A_277], %get3A_687 : memref<16x128xf32, #tpu.memory_space<vmem>>[vector<16xi32>, vector<16xi32>], vector<16xf32>,
        %mul3A_690 = arith.constant 16 : i32
        %mul3A_691 = arith.muli %scan3A_568, %mul3A_690 : i32
        %get3A_692 = arith.constant 15 : i32
        %get3A_693 = arith.index_cast %get3A_692 : i32 to index
        %get3A_694 = arith.index_cast %mul3A_691 : i32 to index
        %get3A_695 = tpu.vector_load %arg9[%get3A_693, %get3A_694] {strides = array<i32>} : memref<16x128xf32, #tpu.memory_space<vmem>>, vector<16xf32>,
        %add3A_696 = vector.broadcast %mul3A_570 : i32 to vector<16xi32>
        %add3A_697 = arith.addi %add3A_696, %shift_right_arithmetic3A_143 : vector<16xi32>
        tpu.vector_store_idx %arg13[%add3A_697, %and3A_286], %get3A_695 : memref<16x128xf32, #tpu.memory_space<vmem>>[vector<16xi32>, vector<16xi32>], vector<16xf32>,
      }
      %scan3A_553 = arith.constant 8 : i32
      %add3A_554 = arith.addi %mul3A_355, %add3A_536 : i32
      %mul3A_555 = arith.constant 16 : i32
      %mul3A_556 = arith.muli %add3A_554, %mul3A_555 : i32
      %dma_start3A_557 = arith.constant 0 : i32
      %dma_start3A_558 = tpu.memref_slice %arg5[%mul3A_556, %dma_start3A_557] : memref<125000x128xf32, #tpu.memory_space<hbm>> -> memref<16x128xf32, #tpu.memory_space<hbm>>
      %dma_start3A_559 = arith.constant 0 : i32
      %dma_start3A_560 = tpu.memref_slice %arg5[%mul3A_556, %dma_start3A_559] : memref<125000x128xf32, #tpu.memory_space<hbm>> -> memref<16x128xf32, #tpu.memory_space<hbm>>
      tpu.enqueue_dma source(%arg13 : memref<16x128xf32, #tpu.memory_space<vmem>>) target(%dma_start3A_560 : memref<16x128xf32, #tpu.memory_space<hbm>>) target_semaphore(%arg22 : memref<!tpu.dma_semaphore, #tpu.memory_space<semaphore_mem>>)
      %add3A_561 = arith.constant 4 : i32
      %add3A_562 = arith.addi %add3A_536, %add3A_561 : i32
      %lt3A_563 = arith.constant 244 : i32
      %lt3A_564 = arith.cmpi slt, %add3A_562, %lt3A_563 : i32
      %convert_element_type3A_565 = arith.extui %lt3A_564 : i1 to i32
      %cond3A_566 = arith.constant 0 : i32
      %cond3A_567 = arith.cmpi ne, %convert_element_type3A_565, %cond3A_566 : i32
      scf.if %cond3A_567 {
        %add3A_568 = arith.constant 4 : i32
        %add3A_569 = arith.addi %add3A_536, %add3A_568 : i32
        %add3A_570 = arith.addi %mul3A_355, %add3A_569 : i32
        %mul3A_571 = arith.constant 128 : i32
        %mul3A_572 = arith.muli %add3A_570, %mul3A_571 : i32
        %dma_start3A_573 = arith.constant 0 : i32
        %dma_start3A_574 = tpu.memref_slice %arg3[%dma_start3A_573, %mul3A_572] : memref<16x1000000xf32, #tpu.memory_space<hbm>> -> memref<16x128xf32, #tpu.memory_space<hbm>>
        %dma_start3A_575 = arith.constant 0 : i32
        %dma_start3A_576 = tpu.memref_slice %arg3[%dma_start3A_575, %mul3A_572] : memref<16x1000000xf32, #tpu.memory_space<hbm>> -> memref<16x128xf32, #tpu.memory_space<hbm>>
        tpu.enqueue_dma source(%dma_start3A_576 : memref<16x128xf32, #tpu.memory_space<hbm>>) target(%arg9 : memref<16x128xf32, #tpu.memory_space<vmem>>) target_semaphore(%arg18 : memref<!tpu.dma_semaphore, #tpu.memory_space<semaphore_mem>>)
      } else {
      }
    }
    %scan3A_393 = arith.constant 61 : i32
    %dma_wait3A_394 = arith.constant 0 : i32
    %dma_wait3A_395 = arith.constant 0 : i32
    %dma_wait3A_396 = tpu.memref_slice %arg5[%dma_wait3A_394, %dma_wait3A_395] : memref<125000x128xf32, #tpu.memory_space<hbm>> -> memref<16x128xf32, #tpu.memory_space<hbm>>
    %dma_wait3A_397 = arith.constant 0 : i32
    %dma_wait3A_398 = arith.constant 0 : i32
    %dma_wait3A_399 = tpu.memref_slice %arg5[%dma_wait3A_397, %dma_wait3A_398] : memref<125000x128xf32, #tpu.memory_space<hbm>> -> memref<16x128xf32, #tpu.memory_space<hbm>>
    tpu.wait_dma2 semaphore(%arg19 : memref<!tpu.dma_semaphore, #tpu.memory_space<semaphore_mem>>) src(%arg10 : memref<16x128xf32, #tpu.memory_space<vmem>>) dst(%dma_wait3A_399 : memref<16x128xf32, #tpu.memory_space<hbm>>)
    %dma_wait3A_400 = arith.constant 0 : i32
    %dma_wait3A_401 = arith.constant 0 : i32
    %dma_wait3A_402 = tpu.memref_slice %arg5[%dma_wait3A_400, %dma_wait3A_401] : memref<125000x128xf32, #tpu.memory_space<hbm>> -> memref<16x128xf32, #tpu.memory_space<hbm>>
    %dma_wait3A_403 = arith.constant 0 : i32
    %dma_wait3A_404 = arith.constant 0 : i32
    %dma_wait3A_405 = tpu.memref_slice %arg5[%dma_wait3A_403, %dma_wait3A_404] : memref<125000x128xf32, #tpu.memory_space<hbm>> -> memref<16x128xf32, #tpu.memory_space<hbm>>
    tpu.wait_dma2 semaphore(%arg20 : memref<!tpu.dma_semaphore, #tpu.memory_space<semaphore_mem>>) src(%arg11 : memref<16x128xf32, #tpu.memory_space<vmem>>) dst(%dma_wait3A_405 : memref<16x128xf32, #tpu.memory_space<hbm>>)
    %dma_wait3A_406 = arith.constant 0 : i32
    %dma_wait3A_407 = arith.constant 0 : i32
    %dma_wait3A_408 = tpu.memref_slice %arg5[%dma_wait3A_406, %dma_wait3A_407] : memref<125000x128xf32, #tpu.memory_space<hbm>> -> memref<16x128xf32, #tpu.memory_space<hbm>>
    %dma_wait3A_409 = arith.constant 0 : i32
    %dma_wait3A_410 = arith.constant 0 : i32
    %dma_wait3A_411 = tpu.memref_slice %arg5[%dma_wait3A_409, %dma_wait3A_410] : memref<125000x128xf32, #tpu.memory_space<hbm>> -> memref<16x128xf32, #tpu.memory_space<hbm>>
    tpu.wait_dma2 semaphore(%arg21 : memref<!tpu.dma_semaphore, #tpu.memory_space<semaphore_mem>>) src(%arg12 : memref<16x128xf32, #tpu.memory_space<vmem>>) dst(%dma_wait3A_411 : memref<16x128xf32, #tpu.memory_space<hbm>>)
    %dma_wait3A_412 = arith.constant 0 : i32
    %dma_wait3A_413 = arith.constant 0 : i32
    %dma_wait3A_414 = tpu.memref_slice %arg5[%dma_wait3A_412, %dma_wait3A_413] : memref<125000x128xf32, #tpu.memory_space<hbm>> -> memref<16x128xf32, #tpu.memory_space<hbm>>
    %dma_wait3A_415 = arith.constant 0 : i32
    %dma_wait3A_416 = arith.constant 0 : i32
    %dma_wait3A_417 = tpu.memref_slice %arg5[%dma_wait3A_415, %dma_wait3A_416] : memref<125000x128xf32, #tpu.memory_space<hbm>> -> memref<16x128xf32, #tpu.memory_space<hbm>>
    tpu.wait_dma2 semaphore(%arg22 : memref<!tpu.dma_semaphore, #tpu.memory_space<semaphore_mem>>) src(%arg13 : memref<16x128xf32, #tpu.memory_space<vmem>>) dst(%dma_wait3A_417 : memref<16x128xf32, #tpu.memory_space<hbm>>)
    %lt3A_418 = arith.constant 4 : i32
    %lt3A_419 = arith.cmpi slt, %add3A, %lt3A_418 : i32
    %convert_element_type3A_420 = arith.extui %lt3A_419 : i1 to i32
    %cond3A_421 = arith.constant 0 : i32
    %cond3A_422 = arith.cmpi ne, %convert_element_type3A_420, %cond3A_421 : i32
    scf.if %cond3A_422 {
      %add3A_428 = arith.constant 7808 : i32
      %add3A_429 = arith.addi %add3A_428, %add3A : i32
      %mul3A_430 = arith.constant 128 : i32
      %mul3A_431 = arith.muli %add3A_429, %mul3A_430 : i32
      %dma_start3A_432 = arith.constant 0 : i32
      %dma_start3A_433 = tpu.memref_slice %arg3[%dma_start3A_432, %mul3A_431] : memref<16x1000000xf32, #tpu.memory_space<hbm>> -> memref<16x128xf32, #tpu.memory_space<hbm>>
      %dma_start3A_434 = arith.constant 0 : i32
      %dma_start3A_435 = tpu.memref_slice %arg3[%dma_start3A_434, %mul3A_431] : memref<16x1000000xf32, #tpu.memory_space<hbm>> -> memref<16x128xf32, #tpu.memory_space<hbm>>
      tpu.enqueue_dma source(%dma_start3A_435 : memref<16x128xf32, #tpu.memory_space<hbm>>) target(%arg6 : memref<16x128xf32, #tpu.memory_space<vmem>>) target_semaphore(%arg15 : memref<!tpu.dma_semaphore, #tpu.memory_space<semaphore_mem>>)
      %dma_wait3A_436 = arith.constant 0 : i32
      %dma_wait3A_437 = tpu.memref_slice %arg3[%dma_wait3A_436, %mul3A_431] : memref<16x1000000xf32, #tpu.memory_space<hbm>> -> memref<16x128xf32, #tpu.memory_space<hbm>>
      %dma_wait3A_438 = arith.constant 0 : i32
      %dma_wait3A_439 = tpu.memref_slice %arg3[%dma_wait3A_438, %mul3A_431] : memref<16x1000000xf32, #tpu.memory_space<hbm>> -> memref<16x128xf32, #tpu.memory_space<hbm>>
      tpu.wait_dma2 semaphore(%arg15 : memref<!tpu.dma_semaphore, #tpu.memory_space<semaphore_mem>>) src(%dma_wait3A_439 : memref<16x128xf32, #tpu.memory_space<hbm>>) dst(%arg6 : memref<16x128xf32, #tpu.memory_space<vmem>>)
      %scan3A_440 = arith.constant 0 : i32
      %scan3A_441 = arith.constant 0 : i32
      %scan3A_442 = arith.constant 8 : i32
      %scan3A_443 = arith.addi %scan3A_441, %scan3A_442 : i32
      %scan3A_444 = arith.constant 1 : i32
      scf.for %scan3A_456 = %scan3A_441 to %scan3A_443 step %scan3A_444  : i32 {
        %mul3A_457 = arith.constant 2 : i32
        %mul3A_458 = arith.muli %scan3A_456, %mul3A_457 : i32
        %mul3A_459 = arith.constant 16 : i32
        %mul3A_460 = arith.muli %scan3A_456, %mul3A_459 : i32
        %get3A = arith.constant 0 : i32
        %get3A_461 = arith.index_cast %get3A : i32 to index
        %get3A_462 = arith.index_cast %mul3A_460 : i32 to index
        %get3A_463 = tpu.vector_load %arg6[%get3A_461, %get3A_462] {strides = array<i32>} : memref<16x128xf32, #tpu.memory_space<vmem>>, vector<16xf32>,
        %add3A_464 = vector.broadcast %mul3A_458 : i32 to vector<16xi32>
        %add3A_465 = arith.addi %add3A_464, %shift_right_arithmetic3A_8 : vector<16xi32>
        tpu.vector_store_idx %arg10[%add3A_465, %and3A_151], %get3A_463 : memref<16x128xf32, #tpu.memory_space<vmem>>[vector<16xi32>, vector<16xi32>], vector<16xf32>,
        %mul3A_466 = arith.constant 16 : i32
        %mul3A_467 = arith.muli %scan3A_456, %mul3A_466 : i32
        %get3A_468 = arith.constant 1 : i32
        %get3A_469 = arith.index_cast %get3A_468 : i32 to index
        %get3A_470 = arith.index_cast %mul3A_467 : i32 to index
        %get3A_471 = tpu.vector_load %arg6[%get3A_469, %get3A_470] {strides = array<i32>} : memref<16x128xf32, #tpu.memory_space<vmem>>, vector<16xf32>,
        %add3A_472 = vector.broadcast %mul3A_458 : i32 to vector<16xi32>
        %add3A_473 = arith.addi %add3A_472, %shift_right_arithmetic3A_17 : vector<16xi32>
        tpu.vector_store_idx %arg10[%add3A_473, %and3A_160], %get3A_471 : memref<16x128xf32, #tpu.memory_space<vmem>>[vector<16xi32>, vector<16xi32>], vector<16xf32>,
        %mul3A_474 = arith.constant 16 : i32
        %mul3A_475 = arith.muli %scan3A_456, %mul3A_474 : i32
        %get3A_476 = arith.constant 2 : i32
        %get3A_477 = arith.index_cast %get3A_476 : i32 to index
        %get3A_478 = arith.index_cast %mul3A_475 : i32 to index
        %get3A_479 = tpu.vector_load %arg6[%get3A_477, %get3A_478] {strides = array<i32>} : memref<16x128xf32, #tpu.memory_space<vmem>>, vector<16xf32>,
        %add3A_480 = vector.broadcast %mul3A_458 : i32 to vector<16xi32>
        %add3A_481 = arith.addi %add3A_480, %shift_right_arithmetic3A_26 : vector<16xi32>
        tpu.vector_store_idx %arg10[%add3A_481, %and3A_169], %get3A_479 : memref<16x128xf32, #tpu.memory_space<vmem>>[vector<16xi32>, vector<16xi32>], vector<16xf32>,
        %mul3A_482 = arith.constant 16 : i32
        %mul3A_483 = arith.muli %scan3A_456, %mul3A_482 : i32
        %get3A_484 = arith.constant 3 : i32
        %get3A_485 = arith.index_cast %get3A_484 : i32 to index
        %get3A_486 = arith.index_cast %mul3A_483 : i32 to index
        %get3A_487 = tpu.vector_load %arg6[%get3A_485, %get3A_486] {strides = array<i32>} : memref<16x128xf32, #tpu.memory_space<vmem>>, vector<16xf32>,
        %add3A_488 = vector.broadcast %mul3A_458 : i32 to vector<16xi32>
        %add3A_489 = arith.addi %add3A_488, %shift_right_arithmetic3A_35 : vector<16xi32>
        tpu.vector_store_idx %arg10[%add3A_489, %and3A_178], %get3A_487 : memref<16x128xf32, #tpu.memory_space<vmem>>[vector<16xi32>, vector<16xi32>], vector<16xf32>,
        %mul3A_490 = arith.constant 16 : i32
        %mul3A_491 = arith.muli %scan3A_456, %mul3A_490 : i32
        %get3A_492 = arith.constant 4 : i32
        %get3A_493 = arith.index_cast %get3A_492 : i32 to index
        %get3A_494 = arith.index_cast %mul3A_491 : i32 to index
        %get3A_495 = tpu.vector_load %arg6[%get3A_493, %get3A_494] {strides = array<i32>} : memref<16x128xf32, #tpu.memory_space<vmem>>, vector<16xf32>,
        %add3A_496 = vector.broadcast %mul3A_458 : i32 to vector<16xi32>
        %add3A_497 = arith.addi %add3A_496, %shift_right_arithmetic3A_44 : vector<16xi32>
        tpu.vector_store_idx %arg10[%add3A_497, %and3A_187], %get3A_495 : memref<16x128xf32, #tpu.memory_space<vmem>>[vector<16xi32>, vector<16xi32>], vector<16xf32>,
        %mul3A_498 = arith.constant 16 : i32
        %mul3A_499 = arith.muli %scan3A_456, %mul3A_498 : i32
        %get3A_500 = arith.constant 5 : i32
        %get3A_501 = arith.index_cast %get3A_500 : i32 to index
        %get3A_502 = arith.index_cast %mul3A_499 : i32 to index
        %get3A_503 = tpu.vector_load %arg6[%get3A_501, %get3A_502] {strides = array<i32>} : memref<16x128xf32, #tpu.memory_space<vmem>>, vector<16xf32>,
        %add3A_504 = vector.broadcast %mul3A_458 : i32 to vector<16xi32>
        %add3A_505 = arith.addi %add3A_504, %shift_right_arithmetic3A_53 : vector<16xi32>
        tpu.vector_store_idx %arg10[%add3A_505, %and3A_196], %get3A_503 : memref<16x128xf32, #tpu.memory_space<vmem>>[vector<16xi32>, vector<16xi32>], vector<16xf32>,
        %mul3A_506 = arith.constant 16 : i32
        %mul3A_507 = arith.muli %scan3A_456, %mul3A_506 : i32
        %get3A_508 = arith.constant 6 : i32
        %get3A_509 = arith.index_cast %get3A_508 : i32 to index
        %get3A_510 = arith.index_cast %mul3A_507 : i32 to index
        %get3A_511 = tpu.vector_load %arg6[%get3A_509, %get3A_510] {strides = array<i32>} : memref<16x128xf32, #tpu.memory_space<vmem>>, vector<16xf32>,
        %add3A_512 = vector.broadcast %mul3A_458 : i32 to vector<16xi32>
        %add3A_513 = arith.addi %add3A_512, %shift_right_arithmetic3A_62 : vector<16xi32>
        tpu.vector_store_idx %arg10[%add3A_513, %and3A_205], %get3A_511 : memref<16x128xf32, #tpu.memory_space<vmem>>[vector<16xi32>, vector<16xi32>], vector<16xf32>,
        %mul3A_514 = arith.constant 16 : i32
        %mul3A_515 = arith.muli %scan3A_456, %mul3A_514 : i32
        %get3A_516 = arith.constant 7 : i32
        %get3A_517 = arith.index_cast %get3A_516 : i32 to index
        %get3A_518 = arith.index_cast %mul3A_515 : i32 to index
        %get3A_519 = tpu.vector_load %arg6[%get3A_517, %get3A_518] {strides = array<i32>} : memref<16x128xf32, #tpu.memory_space<vmem>>, vector<16xf32>,
        %add3A_520 = vector.broadcast %mul3A_458 : i32 to vector<16xi32>
        %add3A_521 = arith.addi %add3A_520, %shift_right_arithmetic3A_71 : vector<16xi32>
        tpu.vector_store_idx %arg10[%add3A_521, %and3A_214], %get3A_519 : memref<16x128xf32, #tpu.memory_space<vmem>>[vector<16xi32>, vector<16xi32>], vector<16xf32>,
        %mul3A_522 = arith.constant 16 : i32
        %mul3A_523 = arith.muli %scan3A_456, %mul3A_522 : i32
        %get3A_524 = arith.constant 8 : i32
        %get3A_525 = arith.index_cast %get3A_524 : i32 to index
        %get3A_526 = arith.index_cast %mul3A_523 : i32 to index
        %get3A_527 = tpu.vector_load %arg6[%get3A_525, %get3A_526] {strides = array<i32>} : memref<16x128xf32, #tpu.memory_space<vmem>>, vector<16xf32>,
        %add3A_528 = vector.broadcast %mul3A_458 : i32 to vector<16xi32>
        %add3A_529 = arith.addi %add3A_528, %shift_right_arithmetic3A_80 : vector<16xi32>
        tpu.vector_store_idx %arg10[%add3A_529, %and3A_223], %get3A_527 : memref<16x128xf32, #tpu.memory_space<vmem>>[vector<16xi32>, vector<16xi32>], vector<16xf32>,
        %mul3A_530 = arith.constant 16 : i32
        %mul3A_531 = arith.muli %scan3A_456, %mul3A_530 : i32
        %get3A_532 = arith.constant 9 : i32
        %get3A_533 = arith.index_cast %get3A_532 : i32 to index
        %get3A_534 = arith.index_cast %mul3A_531 : i32 to index
        %get3A_535 = tpu.vector_load %arg6[%get3A_533, %get3A_534] {strides = array<i32>} : memref<16x128xf32, #tpu.memory_space<vmem>>, vector<16xf32>,
        %add3A_536 = vector.broadcast %mul3A_458 : i32 to vector<16xi32>
        %add3A_537 = arith.addi %add3A_536, %shift_right_arithmetic3A_89 : vector<16xi32>
        tpu.vector_store_idx %arg10[%add3A_537, %and3A_232], %get3A_535 : memref<16x128xf32, #tpu.memory_space<vmem>>[vector<16xi32>, vector<16xi32>], vector<16xf32>,
        %mul3A_538 = arith.constant 16 : i32
        %mul3A_539 = arith.muli %scan3A_456, %mul3A_538 : i32
        %get3A_540 = arith.constant 10 : i32
        %get3A_541 = arith.index_cast %get3A_540 : i32 to index
        %get3A_542 = arith.index_cast %mul3A_539 : i32 to index
        %get3A_543 = tpu.vector_load %arg6[%get3A_541, %get3A_542] {strides = array<i32>} : memref<16x128xf32, #tpu.memory_space<vmem>>, vector<16xf32>,
        %add3A_544 = vector.broadcast %mul3A_458 : i32 to vector<16xi32>
        %add3A_545 = arith.addi %add3A_544, %shift_right_arithmetic3A_98 : vector<16xi32>
        tpu.vector_store_idx %arg10[%add3A_545, %and3A_241], %get3A_543 : memref<16x128xf32, #tpu.memory_space<vmem>>[vector<16xi32>, vector<16xi32>], vector<16xf32>,
        %mul3A_546 = arith.constant 16 : i32
        %mul3A_547 = arith.muli %scan3A_456, %mul3A_546 : i32
        %get3A_548 = arith.constant 11 : i32
        %get3A_549 = arith.index_cast %get3A_548 : i32 to index
        %get3A_550 = arith.index_cast %mul3A_547 : i32 to index
        %get3A_551 = tpu.vector_load %arg6[%get3A_549, %get3A_550] {strides = array<i32>} : memref<16x128xf32, #tpu.memory_space<vmem>>, vector<16xf32>,
        %add3A_552 = vector.broadcast %mul3A_458 : i32 to vector<16xi32>
        %add3A_553 = arith.addi %add3A_552, %shift_right_arithmetic3A_107 : vector<16xi32>
        tpu.vector_store_idx %arg10[%add3A_553, %and3A_250], %get3A_551 : memref<16x128xf32, #tpu.memory_space<vmem>>[vector<16xi32>, vector<16xi32>], vector<16xf32>,
        %mul3A_554 = arith.constant 16 : i32
        %mul3A_555 = arith.muli %scan3A_456, %mul3A_554 : i32
        %get3A_556 = arith.constant 12 : i32
        %get3A_557 = arith.index_cast %get3A_556 : i32 to index
        %get3A_558 = arith.index_cast %mul3A_555 : i32 to index
        %get3A_559 = tpu.vector_load %arg6[%get3A_557, %get3A_558] {strides = array<i32>} : memref<16x128xf32, #tpu.memory_space<vmem>>, vector<16xf32>,
        %add3A_560 = vector.broadcast %mul3A_458 : i32 to vector<16xi32>
        %add3A_561 = arith.addi %add3A_560, %shift_right_arithmetic3A_116 : vector<16xi32>
        tpu.vector_store_idx %arg10[%add3A_561, %and3A_259], %get3A_559 : memref<16x128xf32, #tpu.memory_space<vmem>>[vector<16xi32>, vector<16xi32>], vector<16xf32>,
        %mul3A_562 = arith.constant 16 : i32
        %mul3A_563 = arith.muli %scan3A_456, %mul3A_562 : i32
        %get3A_564 = arith.constant 13 : i32
        %get3A_565 = arith.index_cast %get3A_564 : i32 to index
        %get3A_566 = arith.index_cast %mul3A_563 : i32 to index
        %get3A_567 = tpu.vector_load %arg6[%get3A_565, %get3A_566] {strides = array<i32>} : memref<16x128xf32, #tpu.memory_space<vmem>>, vector<16xf32>,
        %add3A_568 = vector.broadcast %mul3A_458 : i32 to vector<16xi32>
        %add3A_569 = arith.addi %add3A_568, %shift_right_arithmetic3A_125 : vector<16xi32>
        tpu.vector_store_idx %arg10[%add3A_569, %and3A_268], %get3A_567 : memref<16x128xf32, #tpu.memory_space<vmem>>[vector<16xi32>, vector<16xi32>], vector<16xf32>,
        %mul3A_570 = arith.constant 16 : i32
        %mul3A_571 = arith.muli %scan3A_456, %mul3A_570 : i32
        %get3A_572 = arith.constant 14 : i32
        %get3A_573 = arith.index_cast %get3A_572 : i32 to index
        %get3A_574 = arith.index_cast %mul3A_571 : i32 to index
        %get3A_575 = tpu.vector_load %arg6[%get3A_573, %get3A_574] {strides = array<i32>} : memref<16x128xf32, #tpu.memory_space<vmem>>, vector<16xf32>,
        %add3A_576 = vector.broadcast %mul3A_458 : i32 to vector<16xi32>
        %add3A_577 = arith.addi %add3A_576, %shift_right_arithmetic3A_134 : vector<16xi32>
        tpu.vector_store_idx %arg10[%add3A_577, %and3A_277], %get3A_575 : memref<16x128xf32, #tpu.memory_space<vmem>>[vector<16xi32>, vector<16xi32>], vector<16xf32>,
        %mul3A_578 = arith.constant 16 : i32
        %mul3A_579 = arith.muli %scan3A_456, %mul3A_578 : i32
        %get3A_580 = arith.constant 15 : i32
        %get3A_581 = arith.index_cast %get3A_580 : i32 to index
        %get3A_582 = arith.index_cast %mul3A_579 : i32 to index
        %get3A_583 = tpu.vector_load %arg6[%get3A_581, %get3A_582] {strides = array<i32>} : memref<16x128xf32, #tpu.memory_space<vmem>>, vector<16xf32>,
        %add3A_584 = vector.broadcast %mul3A_458 : i32 to vector<16xi32>
        %add3A_585 = arith.addi %add3A_584, %shift_right_arithmetic3A_143 : vector<16xi32>
        tpu.vector_store_idx %arg10[%add3A_585, %and3A_286], %get3A_583 : memref<16x128xf32, #tpu.memory_space<vmem>>[vector<16xi32>, vector<16xi32>], vector<16xf32>,
      }
      %scan3A_445 = arith.constant 8 : i32
      %mul3A_446 = arith.constant 16 : i32
      %mul3A_447 = arith.muli %add3A_429, %mul3A_446 : i32
      %dma_start3A_448 = arith.constant 0 : i32
      %dma_start3A_449 = tpu.memref_slice %arg5[%mul3A_447, %dma_start3A_448] : memref<125000x128xf32, #tpu.memory_space<hbm>> -> memref<16x128xf32, #tpu.memory_space<hbm>>
      %dma_start3A_450 = arith.constant 0 : i32
      %dma_start3A_451 = tpu.memref_slice %arg5[%mul3A_447, %dma_start3A_450] : memref<125000x128xf32, #tpu.memory_space<hbm>> -> memref<16x128xf32, #tpu.memory_space<hbm>>
      tpu.enqueue_dma source(%arg10 : memref<16x128xf32, #tpu.memory_space<vmem>>) target(%dma_start3A_451 : memref<16x128xf32, #tpu.memory_space<hbm>>) target_semaphore(%arg19 : memref<!tpu.dma_semaphore, #tpu.memory_space<semaphore_mem>>)
      %dma_wait3A_452 = arith.constant 0 : i32
      %dma_wait3A_453 = tpu.memref_slice %arg5[%mul3A_447, %dma_wait3A_452] : memref<125000x128xf32, #tpu.memory_space<hbm>> -> memref<16x128xf32, #tpu.memory_space<hbm>>
      %dma_wait3A_454 = arith.constant 0 : i32
      %dma_wait3A_455 = tpu.memref_slice %arg5[%mul3A_447, %dma_wait3A_454] : memref<125000x128xf32, #tpu.memory_space<hbm>> -> memref<16x128xf32, #tpu.memory_space<hbm>>
      tpu.wait_dma2 semaphore(%arg19 : memref<!tpu.dma_semaphore, #tpu.memory_space<semaphore_mem>>) src(%arg10 : memref<16x128xf32, #tpu.memory_space<vmem>>) dst(%dma_wait3A_455 : memref<16x128xf32, #tpu.memory_space<hbm>>)
    } else {
    }
    %eq3A_423 = arith.constant 0 : i32
    %eq3A_424 = arith.cmpi eq, %add3A, %eq3A_423 : i32
    %convert_element_type3A_425 = arith.extui %eq3A_424 : i1 to i32
    %cond3A_426 = arith.constant 0 : i32
    %cond3A_427 = arith.cmpi ne, %convert_element_type3A_425, %cond3A_426 : i32
    scf.if %cond3A_427 {
      %dma_start3A_428 = arith.constant 0 : i32
      %dma_start3A_429 = arith.constant 999936 : i32
      %dma_start3A_430 = tpu.memref_slice %arg3[%dma_start3A_428, %dma_start3A_429] : memref<16x1000000xf32, #tpu.memory_space<hbm>> -> memref<16x64xf32, #tpu.memory_space<hbm>>
      %dma_start3A_431 = arith.constant 0 : i32
      %dma_start3A_432 = arith.constant 999936 : i32
      %dma_start3A_433 = tpu.memref_slice %arg3[%dma_start3A_431, %dma_start3A_432] : memref<16x1000000xf32, #tpu.memory_space<hbm>> -> memref<16x64xf32, #tpu.memory_space<hbm>>
      tpu.enqueue_dma source(%dma_start3A_433 : memref<16x64xf32, #tpu.memory_space<hbm>>) target(%arg14 : memref<16x64xf32, #tpu.memory_space<vmem>>) target_semaphore(%arg23 : memref<!tpu.dma_semaphore, #tpu.memory_space<semaphore_mem>>)
      %dma_wait3A_434 = arith.constant 0 : i32
      %dma_wait3A_435 = arith.constant 999936 : i32
      %dma_wait3A_436 = tpu.memref_slice %arg3[%dma_wait3A_434, %dma_wait3A_435] : memref<16x1000000xf32, #tpu.memory_space<hbm>> -> memref<16x64xf32, #tpu.memory_space<hbm>>
      %dma_wait3A_437 = arith.constant 0 : i32
      %dma_wait3A_438 = arith.constant 999936 : i32
      %dma_wait3A_439 = tpu.memref_slice %arg3[%dma_wait3A_437, %dma_wait3A_438] : memref<16x1000000xf32, #tpu.memory_space<hbm>> -> memref<16x64xf32, #tpu.memory_space<hbm>>
      tpu.wait_dma2 semaphore(%arg23 : memref<!tpu.dma_semaphore, #tpu.memory_space<semaphore_mem>>) src(%dma_wait3A_439 : memref<16x64xf32, #tpu.memory_space<hbm>>) dst(%arg14 : memref<16x64xf32, #tpu.memory_space<vmem>>)
      %scan3A_440 = arith.constant 0 : i32
      %scan3A_441 = arith.constant 0 : i32
      %scan3A_442 = arith.constant 64 : i32
      %scan3A_443 = arith.addi %scan3A_441, %scan3A_442 : i32
      %scan3A_444 = arith.constant 1 : i32
      scf.for %scan3A_470 = %scan3A_441 to %scan3A_443 step %scan3A_444  : i32 {
        %broadcast_in_dim3A = vector.broadcast %scan3A_470 : i32 to vector<16xi32>
        %gather3A = tpu.vector_load_idx %arg14[%iota3A, %broadcast_in_dim3A] : memref<16x64xf32, #tpu.memory_space<vmem>>[vector<16xi32>, vector<16xi32>], vector<16xf32>,
        %shift_right_arithmetic3A_471 = arith.constant 3 : i32
        %shift_right_arithmetic3A_472 = arith.shrsi %scan3A_470, %shift_right_arithmetic3A_471 : i32
        %broadcast_in_dim3A_473 = vector.broadcast %shift_right_arithmetic3A_472 : i32 to vector<16xi32>
        %and3A_474 = arith.constant 7 : i32
        %and3A_475 = arith.andi %scan3A_470, %and3A_474 : i32
        %mul3A_476 = arith.constant 16 : i32
        %mul3A_477 = arith.muli %and3A_475, %mul3A_476 : i32
        %add3A_478 = vector.broadcast %mul3A_477 : i32 to vector<16xi32>
        %add3A_479 = arith.addi %add3A_478, %iota3A : vector<16xi32>
        tpu.vector_store_idx %arg10[%broadcast_in_dim3A_473, %add3A_479], %gather3A : memref<16x128xf32, #tpu.memory_space<vmem>>[vector<16xi32>, vector<16xi32>], vector<16xf32>,
      }
      %scan3A_445 = arith.constant 64 : i32
      %dma_start3A_446 = arith.constant 0 : i32
      %dma_start3A_447 = arith.constant 0 : i32
      %dma_start3A_448 = tpu.memref_slice %arg10[%dma_start3A_446, %dma_start3A_447] : memref<16x128xf32, #tpu.memory_space<vmem>> -> memref<8x128xf32, #tpu.memory_space<vmem>>
      %dma_start3A_449 = arith.constant 124992 : i32
      %dma_start3A_450 = arith.constant 0 : i32
      %dma_start3A_451 = tpu.memref_slice %arg5[%dma_start3A_449, %dma_start3A_450] : memref<125000x128xf32, #tpu.memory_space<hbm>> -> memref<8x128xf32, #tpu.memory_space<hbm>>
      %dma_start3A_452 = arith.constant 124992 : i32
      %dma_start3A_453 = arith.constant 0 : i32
      %dma_start3A_454 = tpu.memref_slice %arg5[%dma_start3A_452, %dma_start3A_453] : memref<125000x128xf32, #tpu.memory_space<hbm>> -> memref<8x128xf32, #tpu.memory_space<hbm>>
      %dma_start3A_455 = arith.constant 0 : i32
      %dma_start3A_456 = arith.constant 0 : i32
      %dma_start3A_457 = tpu.memref_slice %arg10[%dma_start3A_455, %dma_start3A_456] : memref<16x128xf32, #tpu.memory_space<vmem>> -> memref<8x128xf32, #tpu.memory_space<vmem>>
      tpu.enqueue_dma source(%dma_start3A_457 : memref<8x128xf32, #tpu.memory_space<vmem>>) target(%dma_start3A_454 : memref<8x128xf32, #tpu.memory_space<hbm>>) target_semaphore(%arg19 : memref<!tpu.dma_semaphore, #tpu.memory_space<semaphore_mem>>)
      %dma_wait3A_458 = arith.constant 0 : i32
      %dma_wait3A_459 = arith.constant 0 : i32
      %dma_wait3A_460 = tpu.memref_slice %arg10[%dma_wait3A_458, %dma_wait3A_459] : memref<16x128xf32, #tpu.memory_space<vmem>> -> memref<8x128xf32, #tpu.memory_space<vmem>>
      %dma_wait3A_461 = arith.constant 124992 : i32
      %dma_wait3A_462 = arith.constant 0 : i32
      %dma_wait3A_463 = tpu.memref_slice %arg5[%dma_wait3A_461, %dma_wait3A_462] : memref<125000x128xf32, #tpu.memory_space<hbm>> -> memref<8x128xf32, #tpu.memory_space<hbm>>
      %dma_wait3A_464 = arith.constant 124992 : i32
      %dma_wait3A_465 = arith.constant 0 : i32
      %dma_wait3A_466 = tpu.memref_slice %arg5[%dma_wait3A_464, %dma_wait3A_465] : memref<125000x128xf32, #tpu.memory_space<hbm>> -> memref<8x128xf32, #tpu.memory_space<hbm>>
      %dma_wait3A_467 = arith.constant 0 : i32
      %dma_wait3A_468 = arith.constant 0 : i32
      %dma_wait3A_469 = tpu.memref_slice %arg10[%dma_wait3A_467, %dma_wait3A_468] : memref<16x128xf32, #tpu.memory_space<vmem>> -> memref<8x128xf32, #tpu.memory_space<vmem>>
      tpu.wait_dma2 semaphore(%arg19 : memref<!tpu.dma_semaphore, #tpu.memory_space<semaphore_mem>>) src(%dma_wait3A_469 : memref<8x128xf32, #tpu.memory_space<vmem>>) dst(%dma_wait3A_466 : memref<8x128xf32, #tpu.memory_space<hbm>>)
    } else {
    }
    return
  }
}

</mosaic_0001>

<sc_bundles>
// kernel: _sc_transpose.3.cloned.1.call-start
scs
__scs_entry_jumppad:
0x0: {  	(pc) =	sbr.rel $0x88, $3  }
0x1: {  	(tag) =	ssettag $0x0;
	lr =	simm.s32 $0x1  }
0x2: {  	[smem:$0x3F9F] =	sst lr;
	_ =	strace $0xD0000000  }
0x3: {  	_ = 	snop  }
0x4: {  	_ = 	snop  }
0x5: {  	_ = 	snop  }
0x6: {  	_ = 	snop  }
0x7: {  	_ = 	snop  }
__scs_overlays_trampoline_lowered:
0x8: {  	[smem:$0x3FAE] =	sst s0  }
0x9: {  	[smem:$0x3FAF] =	sst s1  }
0xa: {  	[smem:$0x3FB0] =	sst s2  }
0xb: {  	[smem:$0x3FB1] =	sst s3  }
0xc: {  	[smem:$0x3FB2] =	sst s4  }
0xd: {  	[smem:$0x3FB3] =	sst s5  }
0xe: {  	[smem:$0x3FB4] =	sst s6  }
0xf: {  	[smem:$0x3FB5] =	sst s7  }
0x10: {  	[smem:$0x3FB6] =	sst s8  }
0x11: {  	[smem:$0x3FB7] =	sst s9;
	s0 =	simm.s32 @!p0 $0x0  }
0x12: {  	s1 =	sld [smem:$0x3F9D];
	s0 =	simm.s32 @p0 $0x1  }
0x13: {  	[smem:$0x3FB8] =	sst s0;
	s0 =	simm.s32 @!p1 $0x0  }
0x14: {  	s2 =	sld [smem:$0x3F9C];
	s0 =	simm.s32 @p1 $0x1  }
0x15: {  	[smem:$0x3FB9] =	sst s0;
	s0 =	simm.s32 @!p2 $0x0  }
0x16: {  	s3 =	sld [smem:$0x3FDB];
	s0 =	simm.s32 @p2 $0x1  }
0x17: {  	s4 =	simm.s32 $0x1BF5;
	[smem:$0x3FBB] =	sst s0  }
0x18: {  	s0 =	sld [smem:$0x3F9E];
	_ =	swait.ge [sflag:s4], $0x0  }
0x19: {  	s7 =	sld [smem:$0x3F9F]  }
0x1a: {  	s8 =	sadd.s32 $0xFFFFE003, lr  }
0x1b: {  	s9 =	sadd.s32 $0xFFFFFEF7, lr;
	s5 =	simm.s32 $0xFFFFFFFF;
	p2 =	slt.u32 s8, $0xFFFFF086  }
0x1c: {  	p1 =	slt.u32 s9, $0xF7A;
	s5 =	simm.s32 @!p2 $0x0  }
0x1d: {  	s5 =	simm.s32 @p1 $0x1;
	p0 =	seq.s32 s7, s2  }
0x1e: {  	s7 =	smul.u32 @!p0 $0xF7A, s2;
	p2 =	seq.s32 @!p0 s5, $0x0  }
0x1f: {  	s9 =	smul.u32 $0xF7A, s1;
	s8 =	simm.s32 @!p0 $0x1BF5;
	p2 =	por !p2, p0  }
0x20: {  	[sflag:s8] =	ssyncset.s32 @!p0 $0xFFFFF086;
	s6 =	sadd.s32 @!p0 s3, s7;
	s7 =	simm.s32 @!p0 $0x108  }
0x21: {  	s3 =	sadd.s32 s3, s9;
	s6 =	sadd.s32 @!p0 $0x88, s6;
	s7 =	simm.s32 @p2 $0x1082  }
0x22: {  	[simem:s7], [sflag:s8] =	dma.local @!p0 [hbm:s6], $0xF7A  }
0x23: {  	s9 =	sor.u32 $0xD0000000, s2;
	s6 =	simm.s32 $0x108;
	_ =	swait.ge @!p0 [sflag:s8], $0x0  }
0x24: {  	s3 =	sadd.s32 $0x88, s3;
	s6 =	simm.s32 @!p1 $0x1082;
	[sflag:s4] =	ssyncset.s32 $0xFFFFF086  }
0x25: {  	[simem:s6], [sflag:s4] =	dma.local [hbm:s3], $0xF7A  }
0x26: {  	[smem:$0x3F9F] =	sst s1;
	(tag) =	ssettag s2;
	_ =	strace s9  }
0x27: {  	s1 =	sld [smem:$0x3FAF]  }
0x28: {  	s2 =	sld [smem:$0x3FB0]  }
0x29: {  	s4 =	sld [smem:$0x3FB2]  }
0x2a: {  	p0 =	seq.s32 s5, $0x0;
	s5 =	sld [smem:$0x3FB3]  }
0x2b: {  	s6 =	sld [smem:$0x3FB4]  }
0x2c: {  	s7 =	sld [smem:$0x3FB5]  }
0x2d: {  	s3 =	simm.s32 $0x108;
	s8 =	sld [smem:$0x3FB6]  }
0x2e: {  	s3 =	simm.s32 @!p0 $0x1082;
	s9 =	sld [smem:$0x3FB7]  }
0x2f: {  	lr =	sadd.s32 s0, s3;
	s0 =	sld [smem:$0x3FAE]  }
0x30: {  	s3 =	sld [smem:$0x3FB1]  }
0x31: {  	[smem:$0x3FBA] =	sst s10  }
0x32: {  	s10 =	sld [smem:$0x3FB8];
	_ =	sdelay $0x3  }
0x33: {  	p0 =	seq.s32 s10, $0x1;
	s10 =	sld [smem:$0x3FBA];
	_ =	sdelay $0x3  }
0x34: {  	[smem:$0x3FBA] =	sst s10  }
0x35: {  	s10 =	sld [smem:$0x3FB9];
	_ =	sdelay $0x3  }
0x36: {  	p1 =	seq.s32 s10, $0x1;
	s10 =	sld [smem:$0x3FBA];
	_ =	sdelay $0x3  }
0x37: {  	[smem:$0x3FBA] =	sst s10  }
0x38: {  	s10 =	sld [smem:$0x3FBB]  }
0x39: {  	_ = 	snop;
	(pc) =	sbr.ind lr, $3  }
0x3a: {  	_ = 	snop  }
0x3b: {  	_ = 	snop  }
0x3c: {  	p2 =	seq.s32 s10, $0x1;
	s10 =	sld [smem:$0x3FBA]  }
0x3d: {  	_ =	shalt  }
0x3e: {  	_ =	shalt  }
0x3f: {  	_ =	shalt  }
0x40: {  	_ =	shalt  }
0x41: {  	_ =	shalt  }
0x42: {  	_ =	shalt  }
0x43: {  	_ =	shalt  }
0x44: {  	_ =	shalt  }
0x45: {  	_ =	shalt  }
0x46: {  	_ =	shalt  }
0x47: {  	_ =	shalt  }
0x48: {  	_ =	shalt  }
0x49: {  	_ =	shalt  }
0x4a: {  	_ =	shalt  }
0x4b: {  	_ =	shalt  }
0x4c: {  	_ =	shalt  }
0x4d: {  	_ =	shalt  }
0x4e: {  	_ =	shalt  }
0x4f: {  	_ =	shalt  }
0x50: {  	_ =	shalt  }
0x51: {  	_ =	shalt  }
0x52: {  	_ =	shalt  }
0x53: {  	_ =	shalt  }
0x54: {  	_ =	shalt  }
0x55: {  	_ =	shalt  }
0x56: {  	_ =	shalt  }
0x57: {  	_ =	shalt  }
0x58: {  	_ =	shalt  }
0x59: {  	_ =	shalt  }
0x5a: {  	_ =	shalt  }
0x5b: {  	_ =	shalt  }
0x5c: {  	_ =	shalt  }
0x5d: {  	_ =	shalt  }
0x5e: {  	_ =	shalt  }
0x5f: {  	_ =	shalt  }
0x60: {  	_ =	shalt  }
0x61: {  	_ =	shalt  }
0x62: {  	_ =	shalt  }
0x63: {  	_ =	shalt  }
0x64: {  	_ =	shalt  }
0x65: {  	_ =	shalt  }
0x66: {  	_ =	shalt  }
0x67: {  	_ =	shalt  }
0x68: {  	_ =	shalt  }
0x69: {  	_ =	shalt  }
0x6a: {  	_ =	shalt  }
0x6b: {  	_ =	shalt  }
0x6c: {  	_ =	shalt  }
0x6d: {  	_ =	shalt  }
0x6e: {  	_ =	shalt  }
0x6f: {  	_ =	shalt  }
0x70: {  	_ =	shalt  }
0x71: {  	_ =	shalt  }
0x72: {  	_ =	shalt  }
0x73: {  	_ =	shalt  }
0x74: {  	_ =	shalt  }
0x75: {  	_ =	shalt  }
0x76: {  	_ =	shalt  }
0x77: {  	_ =	shalt  }
0x78: {  	_ =	shalt  }
0x79: {  	_ =	shalt  }
0x7a: {  	_ =	shalt  }
0x7b: {  	_ =	shalt  }
0x7c: {  	_ =	shalt  }
0x7d: {  	_ =	shalt  }
0x7e: {  	_ =	shalt  }
0x7f: {  	_ =	shalt  }
0x80: {  	_ =	shalt  }
0x81: {  	_ =	shalt  }
0x82: {  	_ =	shalt  }
0x83: {  	_ =	shalt  }
0x84: {  	_ =	shalt  }
0x85: {  	_ =	shalt  }
0x86: {  	_ =	shalt  }
0x87: {  	_ =	shalt  }
.Lfunc_end0:
.L_simem_size_0:
called_computation_lowered:
.L_overlay_start_0:
0x88: {  	s2 =	sld [smem:$0x3FD9]  }
0x89: {  	s3 =	sld [smem:$0x3FFE];
	_ =	sdelay $0x1  }
0x8a: {  	s1 =	srdreg.scid  }
0x8b: {  	s0 =	sand.u32 $0x1, s1  }
0x8c: {  	s15 =	sshll.u32 s0, $0xA;
	s2 =	sadd.s32 s3, s2  }
0x8d: {  	s2 =	sadd.s32 s2, s15  }
0x8e: {  	[smem:$0x3FC6] =	sst s2  }
0x8f: {  	_ = 	snop  }
0x90: {  	s2 =	sld [smem:$0x3FD0];
	_ =	sdelay $0x1  }
0x91: {  	s16 =	sld [smem:$0x3FC9]  }
0x92: {  	s5 =	simm.s32 $0xA;
	s6 =	simm.s32 $0x10;
	s4 =	sld [smem:$0x3FC8]  }
0x93: {  	[smem:s6], [sflag:s5] =	dma.local [hbm:s2], $0x1  }
0x94: {  	_ =	swait.eq [sflag:s5], $0x1  }
0x95: {  	[sflag:s5] =	ssyncset.done $0x0  }
0x96: {  	s17 =	sld [smem:$0x10];
	[sflag:s5] =	ssyncadd.s32 $0xFFFFFFFF  }
0x97: {  	s18 =	sld [smem:$0x11];
	(tm) =	ssettm $0x1  }
0x98: {  	s19 =	sld [smem:$0x3FFB];
	_ =	sdelay $0x3  }
0x99: {  	_ =	strace s19  }
0x9a: {  	s6 =	sld [smem:$0x3FFC];
	_ =	sdelay $0x3  }
0x9b: {  	_ =	strace s6  }
0x9c: {  	s6 =	sld [smem:$0x3FFD];
	_ =	sdelay $0x3  }
0x9d: {  	_ =	strace s6  }
0x9e: {  	_ =	strace $0x8FFFFFFF  }
0x9f: {  	s20 =	sld [smem:$0x3FDB];
	_ =	sdelay $0x1  }
0xa0: {  	s7 =	simm.s32 $_scs_section_size  }
0xa1: {  	s8 =	simm.s32 $_size__tile_overlayer_lowered;
	s9 =	simm.s32 $_tile_overlayer_lowered  }
0xa2: {  	s23 =	simm.s32 $0x1BFF;
	s22 =	sshll.u32 s9, $0x1;
	s6 =	sadd.s32 s7, s20  }
0xa3: {  	s10 =	simm.s32 $0x0;
	s21 =	sshll.u32 s8, $0x1;
	s8 =	sadd.s32 s22, s6  }
0xa4: {  	[timem:s10], [sflag:s23] =	dma.local [hbm:s8], s21  }
0xa5: {  	_ =	swait.ge [sflag:s23], s21  }
0xa6: {  	s7 =	ssub.s32 $0x0, s21;
	[sflag:s23] =	ssyncset.done $0x0  }
0xa7: {  	[sflag:s23] =	ssyncadd.s32 s7;
	_ =	sdelay $0x1  }
0xa8: {  	s24 =	simm.s32 $0x1B8B  }
0xa9: {  	_ =	swait.ge [sflag:s24], $0x1  }
0xaa: {  	[sflag:s24] =	ssyncset.done $0x0  }
0xab: {  	s25 =	simm.s32 $0x1B8E;
	[sflag:s24] =	ssyncadd.s32 $0xFFFFFFFF  }
0xac: {  	s26 =	simm.s32 $execute0_lowered;
	[smem:$0x3FD2] =	sst s25  }
0xad: {  	s7 =	sshll.u32 s26, $0x1;
	_ =	strace $0x80000046;
	[dreg:$0x1] =	wrdreg $0xFFFFFFFF  }
0xae: {  	s28 =	simm.s32 $_size_execute0_lowered;
	s6 =	sadd.s32 s6, s7;
	[dreg:$0x0] =	wrdreg $0x0  }
0xaf: {  	s7 =	sshll.u32 s28, $0x1;
	[dreg:$0x2] =	wrdreg s6  }
0xb0: {  	[dreg:$0x3] =	wrdreg s7  }
0xb1: {  	[dreg:$0x4] =	wrdreg $0xC0  }
0xb2: {  	_ =	task [dreg:s10], $0x5FFFF  }
0xb3: {  	[dreg:$0x1] =	wrdreg $0xFFFFFFFF  }
0xb4: {  	[dreg:$0x0] =	wrdreg $0x60  }
0xb5: {  	[dreg:$0x2] =	wrdreg s16  }
0xb6: {  	[dreg:$0x3] =	wrdreg s4  }
0xb7: {  	[dreg:$0x4] =	wrdreg s17  }
0xb8: {  	[dreg:$0x5] =	wrdreg s18  }
0xb9: {  	[dreg:$0x6] =	wrdreg $0x9  }
0xba: {  	_ =	task.clear_ibuf [dreg:s10], $0x7FFFF;
	_ =	strace $0x90000046  }
0xbb: {  	s29 =	simm.s32 $0x9;
	_ =	strace $0x80000048  }
0xbc: {  	_ =	swait.ge [sflag:s29], $0x1  }
0xbd: {  	[sflag:s29] =	ssyncadd.s32 $0xFFFFFFFF  }
0xbe: {  	_ =	strace $0x90000048  }
0xbf: {  	_ =	sfence  }
0xc0: {  	s30 =	sld [smem:$0x0];
	_ =	sdelay $0x2  }
0xc1: {  	s31 =	sshll.u32 s1, $0xD;
	s1 =	sshrl.u32 s1, $0x2  }
0xc2: {  	s3 =	sand.u32 $0x4000, s31;
	s1 =	sadd.s32 s1, s30  }
0xc3: {  	s0 =	sor.u32 s3, s0;
	s1 =	sshll.u32 s1, $0x11  }
0xc4: {  	s0 =	sor.u32 s1, s0  }
0xc5: {  	s0 =	sadd.s32 $0x8F2B, s0  }
0xc6: {  	[sflag:s0] =	ssyncadd.remote.s32 $0x1  }
0xc7: {  	_ =	sfence.sel $0xFFFF  }
0xc8: {  	[dreg:$0x0] =	wrdreg $0xFFFFFFFF;
	(pc) =	sbr.abs _section_cstart, $3  }
0xc9: {  	[dreg:$0x1] =	wrdreg $0xFFFFFFFF  }
0xca: {  	_ =	task.clear_ibuf [dreg:s10], $0x2FFFF;
	_ =	strace $0x9FFFFFFF  }
0xcb: {  	(tm) =	ssettm $0x7FFFFFFF  }
tec
execute0_lowered:
.L_overlay_start_1:
0x0: {  	(tag) =	ssettag $0x1  }
0x1: {  	s1 =	rddreg [dreg:$0x0]  }
0x2: {  	s2 =	rddreg [dreg:$0x1]  }
0x3: {  	s4 =	rddreg [dreg:$0x2];
	s0 =	srdreg.scid  }
0x4: {  	s18 =	stileid.u32;
	s5 =	rddreg [dreg:$0x3];
	s6 =	simm.s32 $0x0  }
0x5: {  	s30 =	simm.s32 $0x400;
	s31 =	simm.s32 $0x7A1400;
	s28 =	simm.s32 $0x2000  }
0x6: {  	s29 =	simm.s32 $0x2;
	s0 =	sand.u32 $0x1, s0;
	s3 =	sshll.u32 s18, $0x1  }
0x7: {  	[smem:$0x7FF] =	sst s6;
	s26 =	sadd.s32 $0xF4200, s1;
	p1 =	sgt.u32 s18, $0x1  }
0x8: {  	s18 =	simm.s32 $0x0;
	s3 =	sor.u32 s0, s3;
	s0 =	ssub.s32 $0x2, s0  }
0x9: {  	_ =	strace $0x80000047;
	[dreg:$0xb] =	wrdreg s26;
	s26 =	sadd.s32 $0xF4200, s2  }
0xa: {  	s8 =	smul.u32 $0x7A00, s3;
	s7 =	sshrl.u32 s0, $0x1;
	s15 =	sor.u32 $0x1E80, s3  }
0xb: {  	p0 =	sne.s32 s3, $0x0;
	[dreg:$0x15] =	wrdreg s26;
	s26 =	simm.s32 $0x1  }
0xc: {  	s0 =	ssub.s32 s0, s7;
	s7 =	smul.u32 $0xF4, s3;
	s16 =	sshll.u32 s15, $0x7  }
0xd: {  	s17 =	sshll.u32 s15, $0x8;
	s3 =	simm.s32 $0x3800;
	s9 =	sadd.s32 s1, s8  }
0xe: {  	s22 =	sor.u32 $0x80, s8;
	s19 =	sadd.s32 s1, s16;
	[dreg:$0x5] =	wrdreg s9  }
0xf: {  	s10 =	sor.u32 $0x100, s8;
	s25 =	sadd.s32 s4, s17;
	[dreg:$0x9] =	wrdreg s19  }
0x10: {  	s11 =	sor.u32 $0x180, s8;
	s8 =	sadd.s32 s2, s8;
	[dreg:$0xa] =	wrdreg s25  }
0x11: {  	s0 =	smax.u32 s0, $0x1;
	s12 =	sadd.s32 s1, s22;
	[dreg:$0xc] =	wrdreg s8  }
0x12: {  	s23 =	sadd.s32 s1, s10;
	s24 =	sadd.s32 s1, s11;
	[dreg:$0x12] =	wrdreg s0  }
0x13: {  	s13 =	sadd.s32 $0x5, s7;
	s14 =	sadd.s32 $0x6, s7;
	[dreg:$0x6] =	wrdreg s12  }
0x14: {  	v0 =	vlaneseq.u32;
	s15 =	sadd.s32 $0x7, s7;
	s19 =	sadd.s32 s2, s22;
	[dreg:$0x7] =	wrdreg s23  }
0x15: {  	v1 =	vand.u32 $0x7, v0;
	s20 =	sadd.s32 s2, s10;
	s21 =	sadd.s32 s2, s11;
	[dreg:$0x8] =	wrdreg s24  }
0x16: {  	v2 =	vshrl.u32 v0, $0x3;
	v1 =	vmul.u32 $0x10, v1;
	s22 =	sadd.s32 s2, s16;
	s25 =	sadd.s32 $0x1E8400, s5;
	[dreg:$0xd] =	wrdreg s19  }
0x17: {  	v18 =	vmul.u32 $0x80, v0;
	v2 =	vmul.u32 $0x80, v2;
	s16 =	simm.s32 $0x2800;
	s8 =	simm.s32 $0x6;
	[dreg:$0xe] =	wrdreg s20  }
.Ltmp0:
0x18: {  	v3 =	vor.u32 $0x1, v1;
	v4 =	vor.u32 $0x2, v1;
	v5 =	vor.u32 $0x3, v1;
	s9 =	simm.s32 $0x7;
	[dreg:$0xf] =	wrdreg s21;
	(pc) =	sbr.rel .LBB2_1-.Ltmp0, $4  }
0x19: {  	v6 =	vor.u32 $0x4, v1;
	v7 =	vor.u32 $0x5, v1;
	v8 =	vor.u32 $0x6, v1;
	s10 =	simm.s32 $0x8;
	s11 =	simm.s32 $0x4000;
	[dreg:$0x10] =	wrdreg s22  }
0x1a: {  	v9 =	vor.u32 $0x7, v1;
	v10 =	vor.u32 $0x8, v1;
	v11 =	vor.u32 $0x9, v1;
	s12 =	sadd.s32 $0x4, s7;
	s23 =	sadd.s32 s5, s17;
	[dreg:$0x14] =	wrdreg s25  }
0x1b: {  	v12 =	vor.u32 $0xA, v1;
	v13 =	vor.u32 $0xB, v1;
	v14 =	vor.u32 $0xC, v1;
	s24 =	sadd.s32 $0x1E8400, s4;
	s17 =	simm.s32 $0x3;
	[dreg:$0x11] =	wrdreg s23  }
0x1c: {  	v15 =	vor.u32 $0xD, v1;
	v16 =	vor.u32 $0xE, v1;
	v17 =	vor.u32 $0xF, v1;
	[dreg:$0x13] =	wrdreg s24;
	s23 =	simm.s32 $0x3000;
	s24 =	simm.s32 $0x4  }
.LBB2_47:
.Ltmp1:
0x1d: {  	(pc) =	sbr.rel @!p0 .LBB2_48-.Ltmp1, $2  }
0x1e: {  	_ =	sdelay $0x2  }
0x1f: {  	s18 =	rddreg [dreg:$0x16]  }
.LBB2_51:
0x20: {  	s18 =	sadd.s32 $0x1, s18;
	s0 =	rddreg [dreg:$0x12]  }
0x21: {  	p2 =	sne.s32 s18, s0  }
.Ltmp2:
0x22: {  	_ = 	snop;
	(pc) =	sbr.rel @!p2 .LBB2_52-.Ltmp2, $1  }
0x23: {  	_ =	sdelay $0x3  }
.LBB2_1:
0x24: {  	[dreg:$0x16] =	wrdreg s18  }
0x25: {  	s0 =	rddreg [dreg:$0x5]  }
0x26: {  	[tilespmem:s6], [sflag:$0x1] =	stream.strided.gather [hbm4b:s0+s30], $0x800, s31, s30, $0x38;
	[tilespmem:$0x4800] =	vst v63  }
0x27: {  	s18 =	rddreg [dreg:$0x6];
	s19 =	simm.s32 $0x800  }
0x28: {  	[tilespmem:s19], [sflag:$0x2] =	stream.strided.gather [hbm4b:s18+s30], $0x800, s31, s30, $0x38;
	[tilespmem:$0x4800] =	vst v63  }
0x29: {  	s20 =	rddreg [dreg:$0x7];
	s21 =	simm.s32 $0x1000  }
0x2a: {  	[tilespmem:s21], [sflag:$0x3] =	stream.strided.gather [hbm4b:s20+s30], $0x800, s31, s30, $0x38;
	[tilespmem:$0x4800] =	vst v63  }
0x2b: {  	s22 =	rddreg [dreg:$0x8];
	s25 =	simm.s32 $0x1800;
	s21 =	simm.s32 $0x0  }
0x2c: {  	[tilespmem:s25], [sflag:$0x4] =	stream.strided.gather [hbm4b:s22+s30], $0x800, s31, s30, $0x38;
	[tilespmem:$0x4800] =	vst v63  }
.LBB2_2:
0x2d: {  	p2 =	seq.s32 s21, $0x0  }
0x2e: {  	s0 =	simm.s32 @!p2 $0x5  }
0x2f: {  	_ =	swait.ge @!p2 [sflag:s0], $0x800  }
0x30: {  	[sflag:s0] =	ssyncset.done @!p2 $0x0  }
0x31: {  	s22 =	simm.s32 $0x0;
	[sflag:s0] =	ssyncadd.s32 @!p2 $0xFFFFF800  }
0x32: {  	v19 =	vmov s22;
	_ =	swait.ge [sflag:s26], $0x800  }
0x33: {  	v19 =	vshll.u32 v19, $0x7;
	[sflag:s26] =	ssyncset.done $0x0  }
0x34: {  	s19 =	simm.s32 $0x400;
	v19 =	vor.u32 v2, v19;
	[sflag:s26] =	ssyncadd.s32 $0xFFFFF800  }
0x35: {  	v21 =	vor.u32 v1, v19;
	v20 =	vld [tilespmem:s19+$0xFFFFFC00];
	_ =	sdelay $0x4  }
0x36: {  	[tilespmem:v21+s28+$0x0] =	vst.idx.msk $0xffff, v20  }
0x37: {  	v21 =	vor.u32 v3, v19;
	v20 =	vld [tilespmem:s19+$0xFFFFFC80];
	_ =	sdelay $0x4  }
0x38: {  	[tilespmem:v21+s28+$0x0] =	vst.idx.msk $0xffff, v20  }
0x39: {  	v21 =	vor.u32 v4, v19;
	v20 =	vld [tilespmem:s19+$0xFFFFFD00];
	_ =	sdelay $0x4  }
0x3a: {  	[tilespmem:v21+s28+$0x0] =	vst.idx.msk $0xffff, v20  }
0x3b: {  	v21 =	vor.u32 v5, v19;
	v20 =	vld [tilespmem:s19+$0xFFFFFD80];
	_ =	sdelay $0x4  }
0x3c: {  	[tilespmem:v21+s28+$0x0] =	vst.idx.msk $0xffff, v20  }
0x3d: {  	v21 =	vor.u32 v6, v19;
	v20 =	vld [tilespmem:s19+$0xFFFFFE00];
	_ =	sdelay $0x4  }
0x3e: {  	[tilespmem:v21+s28+$0x0] =	vst.idx.msk $0xffff, v20  }
0x3f: {  	v21 =	vor.u32 v7, v19;
	v20 =	vld [tilespmem:s19+$0xFFFFFE80];
	_ =	sdelay $0x4  }
0x40: {  	[tilespmem:v21+s28+$0x0] =	vst.idx.msk $0xffff, v20  }
0x41: {  	v21 =	vor.u32 v8, v19;
	v20 =	vld [tilespmem:s19+$0xFFFFFF00];
	_ =	sdelay $0x4  }
0x42: {  	[tilespmem:v21+s28+$0x0] =	vst.idx.msk $0xffff, v20  }
0x43: {  	v21 =	vor.u32 v9, v19;
	v20 =	vld [tilespmem:s19+$0xFFFFFF80];
	_ =	sdelay $0x4  }
0x44: {  	[tilespmem:v21+s28+$0x0] =	vst.idx.msk $0xffff, v20  }
0x45: {  	v21 =	vor.u32 v10, v19;
	v20 =	vld [tilespmem:s19+$0x0];
	_ =	sdelay $0x4  }
0x46: {  	[tilespmem:v21+s28+$0x0] =	vst.idx.msk $0xffff, v20  }
0x47: {  	v21 =	vor.u32 v11, v19;
	v20 =	vld [tilespmem:s19+$0x80];
	_ =	sdelay $0x4  }
0x48: {  	[tilespmem:v21+s28+$0x0] =	vst.idx.msk $0xffff, v20  }
0x49: {  	v21 =	vor.u32 v12, v19;
	v20 =	vld [tilespmem:s19+$0x100];
	_ =	sdelay $0x4  }
0x4a: {  	[tilespmem:v21+s28+$0x0] =	vst.idx.msk $0xffff, v20  }
0x4b: {  	v21 =	vor.u32 v13, v19;
	v20 =	vld [tilespmem:s19+$0x180];
	_ =	sdelay $0x4  }
0x4c: {  	[tilespmem:v21+s28+$0x0] =	vst.idx.msk $0xffff, v20  }
0x4d: {  	v21 =	vor.u32 v14, v19;
	v20 =	vld [tilespmem:s19+$0x200];
	_ =	sdelay $0x4  }
0x4e: {  	[tilespmem:v21+s28+$0x0] =	vst.idx.msk $0xffff, v20  }
0x4f: {  	v21 =	vor.u32 v15, v19;
	v20 =	vld [tilespmem:s19+$0x280];
	_ =	sdelay $0x4  }
0x50: {  	[tilespmem:v21+s28+$0x0] =	vst.idx.msk $0xffff, v20  }
0x51: {  	v21 =	vor.u32 v16, v19;
	v20 =	vld [tilespmem:s19+$0x300];
	_ =	sdelay $0x4  }
0x52: {  	[tilespmem:v21+s28+$0x0] =	vst.idx.msk $0xffff, v20  }
0x53: {  	v21 =	vor.u32 v17, v19;
	v20 =	vld [tilespmem:s19+$0x380];
	_ =	sdelay $0x1  }
0x54: {  	s25 =	simm.s32 $0x2  }
0x55: {  	s22 =	sshll.u32 s21, $0x2;
	s0 =	simm.s32 $0x4;
	v19 =	vmov s25  }
.LBB2_3:
0x56: {  	p2 =	sne.s32 s0, $0xE;
	v19 =	vshll.u32 v19, $0x7  }
0x57: {  	s19 =	sadd.s32 $0x10, s19;
	v19 =	vor.u32 v2, v19;
	[tilespmem:v21+s28+$0x0] =	vst.idx.msk $0xffff, v20  }
0x58: {  	v20 =	vld [tilespmem:s19+$0xFFFFFC00];
	v21 =	vor.u32 v1, v19;
	_ =	sdelay $0x4  }
0x59: {  	[tilespmem:v21+s28+$0x0] =	vst.idx.msk $0xffff, v20  }
0x5a: {  	v21 =	vor.u32 v3, v19;
	v20 =	vld [tilespmem:s19+$0xFFFFFC80];
	_ =	sdelay $0x4  }
0x5b: {  	[tilespmem:v21+s28+$0x0] =	vst.idx.msk $0xffff, v20  }
0x5c: {  	v21 =	vor.u32 v4, v19;
	v20 =	vld [tilespmem:s19+$0xFFFFFD00];
	_ =	sdelay $0x4  }
0x5d: {  	[tilespmem:v21+s28+$0x0] =	vst.idx.msk $0xffff, v20  }
0x5e: {  	v21 =	vor.u32 v5, v19;
	v20 =	vld [tilespmem:s19+$0xFFFFFD80];
	_ =	sdelay $0x4  }
0x5f: {  	[tilespmem:v21+s28+$0x0] =	vst.idx.msk $0xffff, v20  }
0x60: {  	v21 =	vor.u32 v6, v19;
	v20 =	vld [tilespmem:s19+$0xFFFFFE00];
	_ =	sdelay $0x4  }
0x61: {  	[tilespmem:v21+s28+$0x0] =	vst.idx.msk $0xffff, v20  }
0x62: {  	v21 =	vor.u32 v7, v19;
	v20 =	vld [tilespmem:s19+$0xFFFFFE80];
	_ =	sdelay $0x4  }
0x63: {  	[tilespmem:v21+s28+$0x0] =	vst.idx.msk $0xffff, v20  }
0x64: {  	v21 =	vor.u32 v8, v19;
	v20 =	vld [tilespmem:s19+$0xFFFFFF00];
	_ =	sdelay $0x4  }
0x65: {  	[tilespmem:v21+s28+$0x0] =	vst.idx.msk $0xffff, v20  }
0x66: {  	v21 =	vor.u32 v9, v19;
	v20 =	vld [tilespmem:s19+$0xFFFFFF80];
	_ =	sdelay $0x4  }
0x67: {  	[tilespmem:v21+s28+$0x0] =	vst.idx.msk $0xffff, v20  }
0x68: {  	v21 =	vor.u32 v10, v19;
	v20 =	vld [tilespmem:s19+$0x0];
	_ =	sdelay $0x4  }
0x69: {  	[tilespmem:v21+s28+$0x0] =	vst.idx.msk $0xffff, v20  }
0x6a: {  	v21 =	vor.u32 v11, v19;
	v20 =	vld [tilespmem:s19+$0x80];
	_ =	sdelay $0x4  }
0x6b: {  	[tilespmem:v21+s28+$0x0] =	vst.idx.msk $0xffff, v20  }
0x6c: {  	v21 =	vor.u32 v12, v19;
	v20 =	vld [tilespmem:s19+$0x100];
	_ =	sdelay $0x4  }
0x6d: {  	[tilespmem:v21+s28+$0x0] =	vst.idx.msk $0xffff, v20  }
0x6e: {  	v21 =	vor.u32 v13, v19;
	v20 =	vld [tilespmem:s19+$0x180];
	_ =	sdelay $0x4  }
0x6f: {  	[tilespmem:v21+s28+$0x0] =	vst.idx.msk $0xffff, v20  }
0x70: {  	v21 =	vor.u32 v14, v19;
	v20 =	vld [tilespmem:s19+$0x200];
	_ =	sdelay $0x4  }
0x71: {  	[tilespmem:v21+s28+$0x0] =	vst.idx.msk $0xffff, v20  }
0x72: {  	v21 =	vor.u32 v15, v19;
	v20 =	vld [tilespmem:s19+$0x280];
	_ =	sdelay $0x4  }
0x73: {  	[tilespmem:v21+s28+$0x0] =	vst.idx.msk $0xffff, v20  }
0x74: {  	v21 =	vor.u32 v16, v19;
	v20 =	vld [tilespmem:s19+$0x300];
	_ =	sdelay $0x4  }
.Ltmp3:
0x75: {  	[tilespmem:v21+s28+$0x0] =	vst.idx.msk $0xffff, v20;
	(pc) =	sbr.rel @p2 .LBB2_3-.Ltmp3, $2  }
0x76: {  	v21 =	vor.u32 v17, v19;
	v20 =	vld [tilespmem:s19+$0x380];
	_ =	sdelay $0x2  }
0x77: {  	v19 =	vmov s0;
	s0 =	sadd.s32 $0x2, s0  }
0x78: {  	_ =	sdelay $0x2  }
0x79: {  	v19 =	vshll.u32 v19, $0x7  }
0x7a: {  	s0 =	sadd.s32 $0x10, s19;
	v19 =	vor.u32 v2, v19;
	[tilespmem:v21+s28+$0x0] =	vst.idx.msk $0xffff, v20  }
0x7b: {  	v20 =	vld [tilespmem:s0+$0xFFFFFC00];
	v49 =	vor.u32 v1, v19;
	_ =	sdelay $0x4  }
0x7c: {  	[tilespmem:v49+s28+$0x0] =	vst.idx.msk $0xffff, v20  }
0x7d: {  	v50 =	vor.u32 v3, v19;
	v20 =	vld [tilespmem:s0+$0xFFFFFC80];
	_ =	sdelay $0x4  }
0x7e: {  	[tilespmem:v50+s28+$0x0] =	vst.idx.msk $0xffff, v20  }
0x7f: {  	v51 =	vor.u32 v4, v19;
	v20 =	vld [tilespmem:s0+$0xFFFFFD00];
	_ =	sdelay $0x4  }
0x80: {  	[tilespmem:v51+s28+$0x0] =	vst.idx.msk $0xffff, v20  }
0x81: {  	v52 =	vor.u32 v5, v19;
	v20 =	vld [tilespmem:s0+$0xFFFFFD80];
	_ =	sdelay $0x4  }
0x82: {  	[tilespmem:v52+s28+$0x0] =	vst.idx.msk $0xffff, v20  }
0x83: {  	v53 =	vor.u32 v6, v19;
	v20 =	vld [tilespmem:s0+$0xFFFFFE00];
	_ =	sdelay $0x4  }
0x84: {  	[tilespmem:v53+s28+$0x0] =	vst.idx.msk $0xffff, v20  }
0x85: {  	v54 =	vor.u32 v7, v19;
	v20 =	vld [tilespmem:s0+$0xFFFFFE80];
	_ =	sdelay $0x4  }
0x86: {  	[tilespmem:v54+s28+$0x0] =	vst.idx.msk $0xffff, v20  }
0x87: {  	v55 =	vor.u32 v8, v19;
	v20 =	vld [tilespmem:s0+$0xFFFFFF00];
	_ =	sdelay $0x4  }
0x88: {  	[tilespmem:v55+s28+$0x0] =	vst.idx.msk $0xffff, v20  }
0x89: {  	v56 =	vor.u32 v9, v19;
	v20 =	vld [tilespmem:s0+$0xFFFFFF80];
	_ =	sdelay $0x4  }
0x8a: {  	[tilespmem:v56+s28+$0x0] =	vst.idx.msk $0xffff, v20  }
0x8b: {  	v57 =	vor.u32 v10, v19;
	v20 =	vld [tilespmem:s0+$0x0];
	_ =	sdelay $0x4  }
0x8c: {  	[tilespmem:v57+s28+$0x0] =	vst.idx.msk $0xffff, v20  }
0x8d: {  	v58 =	vor.u32 v11, v19;
	v20 =	vld [tilespmem:s0+$0x80];
	_ =	sdelay $0x4  }
0x8e: {  	[tilespmem:v58+s28+$0x0] =	vst.idx.msk $0xffff, v20  }
0x8f: {  	v59 =	vor.u32 v12, v19;
	v20 =	vld [tilespmem:s0+$0x100];
	_ =	sdelay $0x4  }
0x90: {  	[tilespmem:v59+s28+$0x0] =	vst.idx.msk $0xffff, v20  }
0x91: {  	v60 =	vor.u32 v13, v19;
	v20 =	vld [tilespmem:s0+$0x180];
	_ =	sdelay $0x4  }
0x92: {  	[tilespmem:v60+s28+$0x0] =	vst.idx.msk $0xffff, v20  }
0x93: {  	v61 =	vor.u32 v14, v19;
	v20 =	vld [tilespmem:s0+$0x200];
	_ =	sdelay $0x4  }
0x94: {  	[tilespmem:v61+s28+$0x0] =	vst.idx.msk $0xffff, v20  }
0x95: {  	v62 =	vor.u32 v15, v19;
	v20 =	vld [tilespmem:s0+$0x280];
	_ =	sdelay $0x4  }
0x96: {  	[tilespmem:v62+s28+$0x0] =	vst.idx.msk $0xffff, v20  }
0x97: {  	v63 =	vor.u32 v16, v19;
	v20 =	vld [tilespmem:s0+$0x300];
	_ =	sdelay $0x4  }
0x98: {  	[tilespmem:v63+s28+$0x0] =	vst.idx.msk $0xffff, v20  }
0x99: {  	v19 =	vor.u32 v17, v19;
	v20 =	vld [tilespmem:s0+$0x380];
	_ =	sdelay $0x2  }
0x9a: {  	s25 =	sadd.s32 s7, s22  }
0x9b: {  	p2 =	seq.s32 s21, $0x3C;
	s0 =	sshll.u32 s25, $0x8  }
0x9c: {  	p3 =	seq.s32 @!p2 s21, $0x0;
	s0 =	sadd.s32 s4, s0;
	[tilespmem:v19+s28+$0x0] =	vst.idx.msk $0xffff, v20  }
0x9d: {  	[hbm4b:s0+s6] =	stream.linear.scatter [tilespmem:s28], [sflag:$0x5], $0x800, $0x38;
	[tilespmem:$0x4800] =	vst v63  }
0x9e: {  	p3 =	por p2, !p3;
	s0 =	sadd.s32 @!p2 s22, s12  }
.Ltmp4:
0x9f: {  	s0 =	sshll.u32 @!p2 s0, $0x7;
	(pc) =	sbr.rel @!p3 .LBB2_6-.Ltmp4, $4  }
0xa0: {  	s19 =	simm.s32 @!p2 $0x400;
	s0 =	sand.u32 @!p2 $0x1FFFFE00, s0  }
0xa1: {  	s20 =	simm.s32 @!p2 $0x7A1400;
	s25 =	simm.s32 @!p2 $0x0;
	s0 =	sadd.s32 @!p2 s1, s0  }
0xa2: {  	[tilespmem:s25], [sflag:$0x1] =	stream.strided.gather @!p2 [hbm4b:s0+s19], $0x800, s20, s19, $0x38;
	[tilespmem:$0x4800] =	vst v63  }
0xa3: {  	s25 =	sor.u32 @!p2 $0x1, s22  }
0xa4: {  	_ =	swait.ge [sflag:s8], $0x800  }
0xa5: {  	[sflag:s8] =	ssyncset.done $0x0  }
0xa6: {  	s25 =	simm.s32 @p2 $0xF1;
	[sflag:s8] =	ssyncadd.s32 $0xFFFFF800  }
.LBB2_6:
0xa7: {  	s0 =	simm.s32 $0x0  }
0xa8: {  	_ =	swait.ge [sflag:s29], $0x800;
	v19 =	vmov s0  }
0xa9: {  	[sflag:s29] =	ssyncset.done $0x0;
	v19 =	vshll.u32 v19, $0x7  }
0xaa: {  	s19 =	simm.s32 $0xC00;
	[sflag:s29] =	ssyncadd.s32 $0xFFFFF800;
	v19 =	vor.u32 v2, v19  }
0xab: {  	v20 =	vld [tilespmem:s19+$0xFFFFFC00];
	v21 =	vor.u32 v1, v19;
	_ =	sdelay $0x4  }
0xac: {  	[tilespmem:v21+s16+$0x0] =	vst.idx.msk $0xffff, v20  }
0xad: {  	v21 =	vor.u32 v3, v19;
	v20 =	vld [tilespmem:s19+$0xFFFFFC80];
	_ =	sdelay $0x4  }
0xae: {  	[tilespmem:v21+s16+$0x0] =	vst.idx.msk $0xffff, v20  }
0xaf: {  	v21 =	vor.u32 v4, v19;
	v20 =	vld [tilespmem:s19+$0xFFFFFD00];
	_ =	sdelay $0x4  }
0xb0: {  	[tilespmem:v21+s16+$0x0] =	vst.idx.msk $0xffff, v20  }
0xb1: {  	v21 =	vor.u32 v5, v19;
	v20 =	vld [tilespmem:s19+$0xFFFFFD80];
	_ =	sdelay $0x4  }
0xb2: {  	[tilespmem:v21+s16+$0x0] =	vst.idx.msk $0xffff, v20  }
0xb3: {  	v21 =	vor.u32 v6, v19;
	v20 =	vld [tilespmem:s19+$0xFFFFFE00];
	_ =	sdelay $0x4  }
0xb4: {  	[tilespmem:v21+s16+$0x0] =	vst.idx.msk $0xffff, v20  }
0xb5: {  	v21 =	vor.u32 v7, v19;
	v20 =	vld [tilespmem:s19+$0xFFFFFE80];
	_ =	sdelay $0x4  }
0xb6: {  	[tilespmem:v21+s16+$0x0] =	vst.idx.msk $0xffff, v20  }
0xb7: {  	v21 =	vor.u32 v8, v19;
	v20 =	vld [tilespmem:s19+$0xFFFFFF00];
	_ =	sdelay $0x4  }
0xb8: {  	[tilespmem:v21+s16+$0x0] =	vst.idx.msk $0xffff, v20  }
0xb9: {  	v21 =	vor.u32 v9, v19;
	v20 =	vld [tilespmem:s19+$0xFFFFFF80];
	_ =	sdelay $0x4  }
0xba: {  	[tilespmem:v21+s16+$0x0] =	vst.idx.msk $0xffff, v20  }
0xbb: {  	v21 =	vor.u32 v10, v19;
	v20 =	vld [tilespmem:s19+$0x0];
	_ =	sdelay $0x4  }
0xbc: {  	[tilespmem:v21+s16+$0x0] =	vst.idx.msk $0xffff, v20  }
0xbd: {  	v21 =	vor.u32 v11, v19;
	v20 =	vld [tilespmem:s19+$0x80];
	_ =	sdelay $0x4  }
0xbe: {  	[tilespmem:v21+s16+$0x0] =	vst.idx.msk $0xffff, v20  }
0xbf: {  	v21 =	vor.u32 v12, v19;
	v20 =	vld [tilespmem:s19+$0x100];
	_ =	sdelay $0x4  }
0xc0: {  	[tilespmem:v21+s16+$0x0] =	vst.idx.msk $0xffff, v20  }
0xc1: {  	v21 =	vor.u32 v13, v19;
	v20 =	vld [tilespmem:s19+$0x180];
	_ =	sdelay $0x4  }
0xc2: {  	[tilespmem:v21+s16+$0x0] =	vst.idx.msk $0xffff, v20  }
0xc3: {  	v21 =	vor.u32 v14, v19;
	v20 =	vld [tilespmem:s19+$0x200];
	_ =	sdelay $0x4  }
0xc4: {  	[tilespmem:v21+s16+$0x0] =	vst.idx.msk $0xffff, v20  }
0xc5: {  	v21 =	vor.u32 v15, v19;
	v20 =	vld [tilespmem:s19+$0x280];
	_ =	sdelay $0x4  }
0xc6: {  	[tilespmem:v21+s16+$0x0] =	vst.idx.msk $0xffff, v20  }
0xc7: {  	v21 =	vor.u32 v16, v19;
	v20 =	vld [tilespmem:s19+$0x300];
	_ =	sdelay $0x4  }
0xc8: {  	[tilespmem:v21+s16+$0x0] =	vst.idx.msk $0xffff, v20  }
0xc9: {  	v21 =	vor.u32 v17, v19;
	v20 =	vld [tilespmem:s19+$0x380];
	_ =	sdelay $0x1  }
0xca: {  	s20 =	simm.s32 $0x2  }
0xcb: {  	s0 =	simm.s32 $0x4;
	v19 =	vmov s20  }
.LBB2_7:
0xcc: {  	p4 =	sne.s32 s0, $0xE;
	v19 =	vshll.u32 v19, $0x7  }
0xcd: {  	s19 =	sadd.s32 $0x10, s19;
	v19 =	vor.u32 v2, v19;
	[tilespmem:v21+s16+$0x0] =	vst.idx.msk $0xffff, v20  }
0xce: {  	v20 =	vld [tilespmem:s19+$0xFFFFFC00];
	v21 =	vor.u32 v1, v19;
	_ =	sdelay $0x4  }
0xcf: {  	[tilespmem:v21+s16+$0x0] =	vst.idx.msk $0xffff, v20  }
0xd0: {  	v21 =	vor.u32 v3, v19;
	v20 =	vld [tilespmem:s19+$0xFFFFFC80];
	_ =	sdelay $0x4  }
0xd1: {  	[tilespmem:v21+s16+$0x0] =	vst.idx.msk $0xffff, v20  }
0xd2: {  	v21 =	vor.u32 v4, v19;
	v20 =	vld [tilespmem:s19+$0xFFFFFD00];
	_ =	sdelay $0x4  }
0xd3: {  	[tilespmem:v21+s16+$0x0] =	vst.idx.msk $0xffff, v20  }
0xd4: {  	v21 =	vor.u32 v5, v19;
	v20 =	vld [tilespmem:s19+$0xFFFFFD80];
	_ =	sdelay $0x4  }
0xd5: {  	[tilespmem:v21+s16+$0x0] =	vst.idx.msk $0xffff, v20  }
0xd6: {  	v21 =	vor.u32 v6, v19;
	v20 =	vld [tilespmem:s19+$0xFFFFFE00];
	_ =	sdelay $0x4  }
0xd7: {  	[tilespmem:v21+s16+$0x0] =	vst.idx.msk $0xffff, v20  }
0xd8: {  	v21 =	vor.u32 v7, v19;
	v20 =	vld [tilespmem:s19+$0xFFFFFE80];
	_ =	sdelay $0x4  }
0xd9: {  	[tilespmem:v21+s16+$0x0] =	vst.idx.msk $0xffff, v20  }
0xda: {  	v21 =	vor.u32 v8, v19;
	v20 =	vld [tilespmem:s19+$0xFFFFFF00];
	_ =	sdelay $0x4  }
0xdb: {  	[tilespmem:v21+s16+$0x0] =	vst.idx.msk $0xffff, v20  }
0xdc: {  	v21 =	vor.u32 v9, v19;
	v20 =	vld [tilespmem:s19+$0xFFFFFF80];
	_ =	sdelay $0x4  }
0xdd: {  	[tilespmem:v21+s16+$0x0] =	vst.idx.msk $0xffff, v20  }
0xde: {  	v21 =	vor.u32 v10, v19;
	v20 =	vld [tilespmem:s19+$0x0];
	_ =	sdelay $0x4  }
0xdf: {  	[tilespmem:v21+s16+$0x0] =	vst.idx.msk $0xffff, v20  }
0xe0: {  	v21 =	vor.u32 v11, v19;
	v20 =	vld [tilespmem:s19+$0x80];
	_ =	sdelay $0x4  }
0xe1: {  	[tilespmem:v21+s16+$0x0] =	vst.idx.msk $0xffff, v20  }
0xe2: {  	v21 =	vor.u32 v12, v19;
	v20 =	vld [tilespmem:s19+$0x100];
	_ =	sdelay $0x4  }
0xe3: {  	[tilespmem:v21+s16+$0x0] =	vst.idx.msk $0xffff, v20  }
0xe4: {  	v21 =	vor.u32 v13, v19;
	v20 =	vld [tilespmem:s19+$0x180];
	_ =	sdelay $0x4  }
0xe5: {  	[tilespmem:v21+s16+$0x0] =	vst.idx.msk $0xffff, v20  }
0xe6: {  	v21 =	vor.u32 v14, v19;
	v20 =	vld [tilespmem:s19+$0x200];
	_ =	sdelay $0x4  }
0xe7: {  	[tilespmem:v21+s16+$0x0] =	vst.idx.msk $0xffff, v20  }
0xe8: {  	v21 =	vor.u32 v15, v19;
	v20 =	vld [tilespmem:s19+$0x280];
	_ =	sdelay $0x4  }
0xe9: {  	[tilespmem:v21+s16+$0x0] =	vst.idx.msk $0xffff, v20  }
0xea: {  	v21 =	vor.u32 v16, v19;
	v20 =	vld [tilespmem:s19+$0x300];
	_ =	sdelay $0x4  }
.Ltmp5:
0xeb: {  	[tilespmem:v21+s16+$0x0] =	vst.idx.msk $0xffff, v20;
	(pc) =	sbr.rel @p4 .LBB2_7-.Ltmp5, $2  }
0xec: {  	v21 =	vor.u32 v17, v19;
	v20 =	vld [tilespmem:s19+$0x380];
	_ =	sdelay $0x2  }
0xed: {  	v19 =	vmov s0;
	s0 =	sadd.s32 $0x2, s0  }
0xee: {  	_ =	sdelay $0x2  }
0xef: {  	v19 =	vshll.u32 v19, $0x7  }
0xf0: {  	s0 =	sadd.s32 $0x10, s19;
	v19 =	vor.u32 v2, v19;
	[tilespmem:v21+s16+$0x0] =	vst.idx.msk $0xffff, v20  }
0xf1: {  	v20 =	vld [tilespmem:s0+$0xFFFFFC00];
	v49 =	vor.u32 v1, v19;
	_ =	sdelay $0x4  }
0xf2: {  	[tilespmem:v49+s16+$0x0] =	vst.idx.msk $0xffff, v20  }
0xf3: {  	v50 =	vor.u32 v3, v19;
	v20 =	vld [tilespmem:s0+$0xFFFFFC80];
	_ =	sdelay $0x4  }
0xf4: {  	[tilespmem:v50+s16+$0x0] =	vst.idx.msk $0xffff, v20  }
0xf5: {  	v51 =	vor.u32 v4, v19;
	v20 =	vld [tilespmem:s0+$0xFFFFFD00];
	_ =	sdelay $0x4  }
0xf6: {  	[tilespmem:v51+s16+$0x0] =	vst.idx.msk $0xffff, v20  }
0xf7: {  	v52 =	vor.u32 v5, v19;
	v20 =	vld [tilespmem:s0+$0xFFFFFD80];
	_ =	sdelay $0x4  }
0xf8: {  	[tilespmem:v52+s16+$0x0] =	vst.idx.msk $0xffff, v20  }
0xf9: {  	v53 =	vor.u32 v6, v19;
	v20 =	vld [tilespmem:s0+$0xFFFFFE00];
	_ =	sdelay $0x4  }
0xfa: {  	[tilespmem:v53+s16+$0x0] =	vst.idx.msk $0xffff, v20  }
0xfb: {  	v54 =	vor.u32 v7, v19;
	v20 =	vld [tilespmem:s0+$0xFFFFFE80];
	_ =	sdelay $0x4  }
0xfc: {  	[tilespmem:v54+s16+$0x0] =	vst.idx.msk $0xffff, v20  }
0xfd: {  	v55 =	vor.u32 v8, v19;
	v20 =	vld [tilespmem:s0+$0xFFFFFF00];
	_ =	sdelay $0x4  }
0xfe: {  	[tilespmem:v55+s16+$0x0] =	vst.idx.msk $0xffff, v20  }
0xff: {  	v56 =	vor.u32 v9, v19;
	v20 =	vld [tilespmem:s0+$0xFFFFFF80];
	_ =	sdelay $0x4  }
0x100: {  	[tilespmem:v56+s16+$0x0] =	vst.idx.msk $0xffff, v20  }
0x101: {  	v57 =	vor.u32 v10, v19;
	v20 =	vld [tilespmem:s0+$0x0];
	_ =	sdelay $0x4  }
0x102: {  	[tilespmem:v57+s16+$0x0] =	vst.idx.msk $0xffff, v20  }
0x103: {  	v58 =	vor.u32 v11, v19;
	v20 =	vld [tilespmem:s0+$0x80];
	_ =	sdelay $0x4  }
0x104: {  	[tilespmem:v58+s16+$0x0] =	vst.idx.msk $0xffff, v20  }
0x105: {  	v59 =	vor.u32 v12, v19;
	v20 =	vld [tilespmem:s0+$0x100];
	_ =	sdelay $0x4  }
0x106: {  	[tilespmem:v59+s16+$0x0] =	vst.idx.msk $0xffff, v20  }
0x107: {  	v60 =	vor.u32 v13, v19;
	v20 =	vld [tilespmem:s0+$0x180];
	_ =	sdelay $0x4  }
0x108: {  	[tilespmem:v60+s16+$0x0] =	vst.idx.msk $0xffff, v20  }
0x109: {  	v61 =	vor.u32 v14, v19;
	v20 =	vld [tilespmem:s0+$0x200];
	_ =	sdelay $0x4  }
0x10a: {  	[tilespmem:v61+s16+$0x0] =	vst.idx.msk $0xffff, v20  }
0x10b: {  	v62 =	vor.u32 v15, v19;
	v20 =	vld [tilespmem:s0+$0x280];
	_ =	sdelay $0x4  }
0x10c: {  	[tilespmem:v62+s16+$0x0] =	vst.idx.msk $0xffff, v20  }
0x10d: {  	v63 =	vor.u32 v16, v19;
	v20 =	vld [tilespmem:s0+$0x300];
	_ =	sdelay $0x4  }
0x10e: {  	[tilespmem:v63+s16+$0x0] =	vst.idx.msk $0xffff, v20  }
0x10f: {  	v19 =	vor.u32 v17, v19;
	v20 =	vld [tilespmem:s0+$0x380];
	_ =	sdelay $0x1  }
0x110: {  	s25 =	sadd.s32 s7, s25  }
0x111: {  	s0 =	sshll.u32 s25, $0x8  }
0x112: {  	s0 =	sand.u32 $0x1FFFFD00, s0  }
0x113: {  	s0 =	sadd.s32 s4, s0;
	[tilespmem:v19+s16+$0x0] =	vst.idx.msk $0xffff, v20  }
0x114: {  	[hbm4b:s0+s6] =	stream.linear.scatter [tilespmem:s16], [sflag:$0x6], $0x800, $0x38;
	[tilespmem:$0x4800] =	vst v63  }
0x115: {  	s0 =	sadd.s32 @!p2 s22, s13  }
.Ltmp6:
0x116: {  	s0 =	sshll.u32 @!p2 s0, $0x7;
	(pc) =	sbr.rel @!p3 .LBB2_10-.Ltmp6, $4  }
0x117: {  	s19 =	simm.s32 @!p2 $0x400;
	s0 =	sand.u32 @!p2 $0x1FFFFE80, s0  }
0x118: {  	s20 =	simm.s32 @!p2 $0x7A1400;
	s25 =	simm.s32 @!p2 $0x800;
	s0 =	sadd.s32 @!p2 s1, s0  }
0x119: {  	[tilespmem:s25], [sflag:$0x2] =	stream.strided.gather @!p2 [hbm4b:s0+s19], $0x800, s20, s19, $0x38;
	[tilespmem:$0x4800] =	vst v63  }
0x11a: {  	s25 =	sor.u32 @!p2 $0x2, s22  }
0x11b: {  	_ =	swait.ge [sflag:s9], $0x800  }
0x11c: {  	[sflag:s9] =	ssyncset.done $0x0  }
0x11d: {  	s25 =	simm.s32 @p2 $0xF2;
	[sflag:s9] =	ssyncadd.s32 $0xFFFFF800  }
.LBB2_10:
0x11e: {  	s0 =	simm.s32 $0x0  }
0x11f: {  	_ =	swait.ge [sflag:s17], $0x800;
	v19 =	vmov s0  }
0x120: {  	[sflag:s17] =	ssyncset.done $0x0;
	v19 =	vshll.u32 v19, $0x7  }
0x121: {  	s19 =	simm.s32 $0x1400;
	[sflag:s17] =	ssyncadd.s32 $0xFFFFF800;
	v19 =	vor.u32 v2, v19  }
0x122: {  	v20 =	vld [tilespmem:s19+$0xFFFFFC00];
	v21 =	vor.u32 v1, v19;
	_ =	sdelay $0x4  }
0x123: {  	[tilespmem:v21+s23+$0x0] =	vst.idx.msk $0xffff, v20  }
0x124: {  	v21 =	vor.u32 v3, v19;
	v20 =	vld [tilespmem:s19+$0xFFFFFC80];
	_ =	sdelay $0x4  }
0x125: {  	[tilespmem:v21+s23+$0x0] =	vst.idx.msk $0xffff, v20  }
0x126: {  	v21 =	vor.u32 v4, v19;
	v20 =	vld [tilespmem:s19+$0xFFFFFD00];
	_ =	sdelay $0x4  }
0x127: {  	[tilespmem:v21+s23+$0x0] =	vst.idx.msk $0xffff, v20  }
0x128: {  	v21 =	vor.u32 v5, v19;
	v20 =	vld [tilespmem:s19+$0xFFFFFD80];
	_ =	sdelay $0x4  }
0x129: {  	[tilespmem:v21+s23+$0x0] =	vst.idx.msk $0xffff, v20  }
0x12a: {  	v21 =	vor.u32 v6, v19;
	v20 =	vld [tilespmem:s19+$0xFFFFFE00];
	_ =	sdelay $0x4  }
0x12b: {  	[tilespmem:v21+s23+$0x0] =	vst.idx.msk $0xffff, v20  }
0x12c: {  	v21 =	vor.u32 v7, v19;
	v20 =	vld [tilespmem:s19+$0xFFFFFE80];
	_ =	sdelay $0x4  }
0x12d: {  	[tilespmem:v21+s23+$0x0] =	vst.idx.msk $0xffff, v20  }
0x12e: {  	v21 =	vor.u32 v8, v19;
	v20 =	vld [tilespmem:s19+$0xFFFFFF00];
	_ =	sdelay $0x4  }
0x12f: {  	[tilespmem:v21+s23+$0x0] =	vst.idx.msk $0xffff, v20  }
0x130: {  	v21 =	vor.u32 v9, v19;
	v20 =	vld [tilespmem:s19+$0xFFFFFF80];
	_ =	sdelay $0x4  }
0x131: {  	[tilespmem:v21+s23+$0x0] =	vst.idx.msk $0xffff, v20  }
0x132: {  	v21 =	vor.u32 v10, v19;
	v20 =	vld [tilespmem:s19+$0x0];
	_ =	sdelay $0x4  }
0x133: {  	[tilespmem:v21+s23+$0x0] =	vst.idx.msk $0xffff, v20  }
0x134: {  	v21 =	vor.u32 v11, v19;
	v20 =	vld [tilespmem:s19+$0x80];
	_ =	sdelay $0x4  }
0x135: {  	[tilespmem:v21+s23+$0x0] =	vst.idx.msk $0xffff, v20  }
0x136: {  	v21 =	vor.u32 v12, v19;
	v20 =	vld [tilespmem:s19+$0x100];
	_ =	sdelay $0x4  }
0x137: {  	[tilespmem:v21+s23+$0x0] =	vst.idx.msk $0xffff, v20  }
0x138: {  	v21 =	vor.u32 v13, v19;
	v20 =	vld [tilespmem:s19+$0x180];
	_ =	sdelay $0x4  }
0x139: {  	[tilespmem:v21+s23+$0x0] =	vst.idx.msk $0xffff, v20  }
0x13a: {  	v21 =	vor.u32 v14, v19;
	v20 =	vld [tilespmem:s19+$0x200];
	_ =	sdelay $0x4  }
0x13b: {  	[tilespmem:v21+s23+$0x0] =	vst.idx.msk $0xffff, v20  }
0x13c: {  	v21 =	vor.u32 v15, v19;
	v20 =	vld [tilespmem:s19+$0x280];
	_ =	sdelay $0x4  }
0x13d: {  	[tilespmem:v21+s23+$0x0] =	vst.idx.msk $0xffff, v20  }
0x13e: {  	v21 =	vor.u32 v16, v19;
	v20 =	vld [tilespmem:s19+$0x300];
	_ =	sdelay $0x4  }
0x13f: {  	[tilespmem:v21+s23+$0x0] =	vst.idx.msk $0xffff, v20  }
0x140: {  	v21 =	vor.u32 v17, v19;
	v20 =	vld [tilespmem:s19+$0x380];
	_ =	sdelay $0x1  }
0x141: {  	s20 =	simm.s32 $0x2  }
0x142: {  	s0 =	simm.s32 $0x4;
	v19 =	vmov s20  }
.LBB2_11:
0x143: {  	p4 =	sne.s32 s0, $0xE;
	v19 =	vshll.u32 v19, $0x7  }
0x144: {  	s19 =	sadd.s32 $0x10, s19;
	v19 =	vor.u32 v2, v19;
	[tilespmem:v21+s23+$0x0] =	vst.idx.msk $0xffff, v20  }
0x145: {  	v20 =	vld [tilespmem:s19+$0xFFFFFC00];
	v21 =	vor.u32 v1, v19;
	_ =	sdelay $0x4  }
0x146: {  	[tilespmem:v21+s23+$0x0] =	vst.idx.msk $0xffff, v20  }
0x147: {  	v21 =	vor.u32 v3, v19;
	v20 =	vld [tilespmem:s19+$0xFFFFFC80];
	_ =	sdelay $0x4  }
0x148: {  	[tilespmem:v21+s23+$0x0] =	vst.idx.msk $0xffff, v20  }
0x149: {  	v21 =	vor.u32 v4, v19;
	v20 =	vld [tilespmem:s19+$0xFFFFFD00];
	_ =	sdelay $0x4  }
0x14a: {  	[tilespmem:v21+s23+$0x0] =	vst.idx.msk $0xffff, v20  }
0x14b: {  	v21 =	vor.u32 v5, v19;
	v20 =	vld [tilespmem:s19+$0xFFFFFD80];
	_ =	sdelay $0x4  }
0x14c: {  	[tilespmem:v21+s23+$0x0] =	vst.idx.msk $0xffff, v20  }
0x14d: {  	v21 =	vor.u32 v6, v19;
	v20 =	vld [tilespmem:s19+$0xFFFFFE00];
	_ =	sdelay $0x4  }
0x14e: {  	[tilespmem:v21+s23+$0x0] =	vst.idx.msk $0xffff, v20  }
0x14f: {  	v21 =	vor.u32 v7, v19;
	v20 =	vld [tilespmem:s19+$0xFFFFFE80];
	_ =	sdelay $0x4  }
0x150: {  	[tilespmem:v21+s23+$0x0] =	vst.idx.msk $0xffff, v20  }
0x151: {  	v21 =	vor.u32 v8, v19;
	v20 =	vld [tilespmem:s19+$0xFFFFFF00];
	_ =	sdelay $0x4  }
0x152: {  	[tilespmem:v21+s23+$0x0] =	vst.idx.msk $0xffff, v20  }
0x153: {  	v21 =	vor.u32 v9, v19;
	v20 =	vld [tilespmem:s19+$0xFFFFFF80];
	_ =	sdelay $0x4  }
0x154: {  	[tilespmem:v21+s23+$0x0] =	vst.idx.msk $0xffff, v20  }
0x155: {  	v21 =	vor.u32 v10, v19;
	v20 =	vld [tilespmem:s19+$0x0];
	_ =	sdelay $0x4  }
0x156: {  	[tilespmem:v21+s23+$0x0] =	vst.idx.msk $0xffff, v20  }
0x157: {  	v21 =	vor.u32 v11, v19;
	v20 =	vld [tilespmem:s19+$0x80];
	_ =	sdelay $0x4  }
0x158: {  	[tilespmem:v21+s23+$0x0] =	vst.idx.msk $0xffff, v20  }
0x159: {  	v21 =	vor.u32 v12, v19;
	v20 =	vld [tilespmem:s19+$0x100];
	_ =	sdelay $0x4  }
0x15a: {  	[tilespmem:v21+s23+$0x0] =	vst.idx.msk $0xffff, v20  }
0x15b: {  	v21 =	vor.u32 v13, v19;
	v20 =	vld [tilespmem:s19+$0x180];
	_ =	sdelay $0x4  }
0x15c: {  	[tilespmem:v21+s23+$0x0] =	vst.idx.msk $0xffff, v20  }
0x15d: {  	v21 =	vor.u32 v14, v19;
	v20 =	vld [tilespmem:s19+$0x200];
	_ =	sdelay $0x4  }
0x15e: {  	[tilespmem:v21+s23+$0x0] =	vst.idx.msk $0xffff, v20  }
0x15f: {  	v21 =	vor.u32 v15, v19;
	v20 =	vld [tilespmem:s19+$0x280];
	_ =	sdelay $0x4  }
0x160: {  	[tilespmem:v21+s23+$0x0] =	vst.idx.msk $0xffff, v20  }
0x161: {  	v21 =	vor.u32 v16, v19;
	v20 =	vld [tilespmem:s19+$0x300];
	_ =	sdelay $0x4  }
.Ltmp7:
0x162: {  	[tilespmem:v21+s23+$0x0] =	vst.idx.msk $0xffff, v20;
	(pc) =	sbr.rel @p4 .LBB2_11-.Ltmp7, $2  }
0x163: {  	v21 =	vor.u32 v17, v19;
	v20 =	vld [tilespmem:s19+$0x380];
	_ =	sdelay $0x2  }
0x164: {  	v19 =	vmov s0;
	s0 =	sadd.s32 $0x2, s0  }
0x165: {  	_ =	sdelay $0x2  }
0x166: {  	v19 =	vshll.u32 v19, $0x7  }
0x167: {  	s0 =	sadd.s32 $0x10, s19;
	v19 =	vor.u32 v2, v19;
	[tilespmem:v21+s23+$0x0] =	vst.idx.msk $0xffff, v20  }
0x168: {  	v20 =	vld [tilespmem:s0+$0xFFFFFC00];
	v49 =	vor.u32 v1, v19;
	_ =	sdelay $0x4  }
0x169: {  	[tilespmem:v49+s23+$0x0] =	vst.idx.msk $0xffff, v20  }
0x16a: {  	v50 =	vor.u32 v3, v19;
	v20 =	vld [tilespmem:s0+$0xFFFFFC80];
	_ =	sdelay $0x4  }
0x16b: {  	[tilespmem:v50+s23+$0x0] =	vst.idx.msk $0xffff, v20  }
0x16c: {  	v51 =	vor.u32 v4, v19;
	v20 =	vld [tilespmem:s0+$0xFFFFFD00];
	_ =	sdelay $0x4  }
0x16d: {  	[tilespmem:v51+s23+$0x0] =	vst.idx.msk $0xffff, v20  }
0x16e: {  	v52 =	vor.u32 v5, v19;
	v20 =	vld [tilespmem:s0+$0xFFFFFD80];
	_ =	sdelay $0x4  }
0x16f: {  	[tilespmem:v52+s23+$0x0] =	vst.idx.msk $0xffff, v20  }
0x170: {  	v53 =	vor.u32 v6, v19;
	v20 =	vld [tilespmem:s0+$0xFFFFFE00];
	_ =	sdelay $0x4  }
0x171: {  	[tilespmem:v53+s23+$0x0] =	vst.idx.msk $0xffff, v20  }
0x172: {  	v54 =	vor.u32 v7, v19;
	v20 =	vld [tilespmem:s0+$0xFFFFFE80];
	_ =	sdelay $0x4  }
0x173: {  	[tilespmem:v54+s23+$0x0] =	vst.idx.msk $0xffff, v20  }
0x174: {  	v55 =	vor.u32 v8, v19;
	v20 =	vld [tilespmem:s0+$0xFFFFFF00];
	_ =	sdelay $0x4  }
0x175: {  	[tilespmem:v55+s23+$0x0] =	vst.idx.msk $0xffff, v20  }
0x176: {  	v56 =	vor.u32 v9, v19;
	v20 =	vld [tilespmem:s0+$0xFFFFFF80];
	_ =	sdelay $0x4  }
0x177: {  	[tilespmem:v56+s23+$0x0] =	vst.idx.msk $0xffff, v20  }
0x178: {  	v57 =	vor.u32 v10, v19;
	v20 =	vld [tilespmem:s0+$0x0];
	_ =	sdelay $0x4  }
0x179: {  	[tilespmem:v57+s23+$0x0] =	vst.idx.msk $0xffff, v20  }
0x17a: {  	v58 =	vor.u32 v11, v19;
	v20 =	vld [tilespmem:s0+$0x80];
	_ =	sdelay $0x4  }
0x17b: {  	[tilespmem:v58+s23+$0x0] =	vst.idx.msk $0xffff, v20  }
0x17c: {  	v59 =	vor.u32 v12, v19;
	v20 =	vld [tilespmem:s0+$0x100];
	_ =	sdelay $0x4  }
0x17d: {  	[tilespmem:v59+s23+$0x0] =	vst.idx.msk $0xffff, v20  }
0x17e: {  	v60 =	vor.u32 v13, v19;
	v20 =	vld [tilespmem:s0+$0x180];
	_ =	sdelay $0x4  }
0x17f: {  	[tilespmem:v60+s23+$0x0] =	vst.idx.msk $0xffff, v20  }
0x180: {  	v61 =	vor.u32 v14, v19;
	v20 =	vld [tilespmem:s0+$0x200];
	_ =	sdelay $0x4  }
0x181: {  	[tilespmem:v61+s23+$0x0] =	vst.idx.msk $0xffff, v20  }
0x182: {  	v62 =	vor.u32 v15, v19;
	v20 =	vld [tilespmem:s0+$0x280];
	_ =	sdelay $0x4  }
0x183: {  	[tilespmem:v62+s23+$0x0] =	vst.idx.msk $0xffff, v20  }
0x184: {  	v63 =	vor.u32 v16, v19;
	v20 =	vld [tilespmem:s0+$0x300];
	_ =	sdelay $0x4  }
0x185: {  	[tilespmem:v63+s23+$0x0] =	vst.idx.msk $0xffff, v20  }
0x186: {  	v19 =	vor.u32 v17, v19;
	v20 =	vld [tilespmem:s0+$0x380];
	_ =	sdelay $0x1  }
0x187: {  	s25 =	sadd.s32 s7, s25  }
0x188: {  	s0 =	sshll.u32 s25, $0x8  }
0x189: {  	s0 =	sand.u32 $0x1FFFFE00, s0  }
0x18a: {  	s0 =	sadd.s32 s4, s0;
	[tilespmem:v19+s23+$0x0] =	vst.idx.msk $0xffff, v20  }
0x18b: {  	[hbm4b:s0+s6] =	stream.linear.scatter [tilespmem:s23], [sflag:$0x7], $0x800, $0x38;
	[tilespmem:$0x4800] =	vst v63  }
0x18c: {  	s0 =	sadd.s32 @!p2 s22, s14  }
.Ltmp8:
0x18d: {  	s0 =	sshll.u32 @!p2 s0, $0x7;
	(pc) =	sbr.rel @!p3 .LBB2_14-.Ltmp8, $4  }
0x18e: {  	s19 =	simm.s32 @!p2 $0x400;
	s0 =	sand.u32 @!p2 $0x1FFFFF00, s0  }
0x18f: {  	s20 =	simm.s32 @!p2 $0x7A1400;
	s25 =	simm.s32 @!p2 $0x1000;
	s0 =	sadd.s32 @!p2 s1, s0  }
0x190: {  	[tilespmem:s25], [sflag:$0x3] =	stream.strided.gather @!p2 [hbm4b:s0+s19], $0x800, s20, s19, $0x38;
	[tilespmem:$0x4800] =	vst v63  }
0x191: {  	s25 =	sor.u32 @!p2 $0x3, s22  }
0x192: {  	_ =	swait.ge [sflag:s10], $0x800  }
0x193: {  	[sflag:s10] =	ssyncset.done $0x0  }
0x194: {  	s25 =	simm.s32 @p2 $0xF3;
	[sflag:s10] =	ssyncadd.s32 $0xFFFFF800  }
.LBB2_14:
0x195: {  	s0 =	simm.s32 $0x0  }
0x196: {  	_ =	swait.ge [sflag:s24], $0x800;
	v19 =	vmov s0  }
0x197: {  	[sflag:s24] =	ssyncset.done $0x0;
	v19 =	vshll.u32 v19, $0x7  }
0x198: {  	s19 =	simm.s32 $0x1C00;
	[sflag:s24] =	ssyncadd.s32 $0xFFFFF800;
	v19 =	vor.u32 v2, v19  }
0x199: {  	v20 =	vld [tilespmem:s19+$0xFFFFFC00];
	v21 =	vor.u32 v1, v19;
	_ =	sdelay $0x4  }
0x19a: {  	[tilespmem:v21+s3+$0x0] =	vst.idx.msk $0xffff, v20  }
0x19b: {  	v21 =	vor.u32 v3, v19;
	v20 =	vld [tilespmem:s19+$0xFFFFFC80];
	_ =	sdelay $0x4  }
0x19c: {  	[tilespmem:v21+s3+$0x0] =	vst.idx.msk $0xffff, v20  }
0x19d: {  	v21 =	vor.u32 v4, v19;
	v20 =	vld [tilespmem:s19+$0xFFFFFD00];
	_ =	sdelay $0x4  }
0x19e: {  	[tilespmem:v21+s3+$0x0] =	vst.idx.msk $0xffff, v20  }
0x19f: {  	v21 =	vor.u32 v5, v19;
	v20 =	vld [tilespmem:s19+$0xFFFFFD80];
	_ =	sdelay $0x4  }
0x1a0: {  	[tilespmem:v21+s3+$0x0] =	vst.idx.msk $0xffff, v20  }
0x1a1: {  	v21 =	vor.u32 v6, v19;
	v20 =	vld [tilespmem:s19+$0xFFFFFE00];
	_ =	sdelay $0x4  }
0x1a2: {  	[tilespmem:v21+s3+$0x0] =	vst.idx.msk $0xffff, v20  }
0x1a3: {  	v21 =	vor.u32 v7, v19;
	v20 =	vld [tilespmem:s19+$0xFFFFFE80];
	_ =	sdelay $0x4  }
0x1a4: {  	[tilespmem:v21+s3+$0x0] =	vst.idx.msk $0xffff, v20  }
0x1a5: {  	v21 =	vor.u32 v8, v19;
	v20 =	vld [tilespmem:s19+$0xFFFFFF00];
	_ =	sdelay $0x4  }
0x1a6: {  	[tilespmem:v21+s3+$0x0] =	vst.idx.msk $0xffff, v20  }
0x1a7: {  	v21 =	vor.u32 v9, v19;
	v20 =	vld [tilespmem:s19+$0xFFFFFF80];
	_ =	sdelay $0x4  }
0x1a8: {  	[tilespmem:v21+s3+$0x0] =	vst.idx.msk $0xffff, v20  }
0x1a9: {  	v21 =	vor.u32 v10, v19;
	v20 =	vld [tilespmem:s19+$0x0];
	_ =	sdelay $0x4  }
0x1aa: {  	[tilespmem:v21+s3+$0x0] =	vst.idx.msk $0xffff, v20  }
0x1ab: {  	v21 =	vor.u32 v11, v19;
	v20 =	vld [tilespmem:s19+$0x80];
	_ =	sdelay $0x4  }
0x1ac: {  	[tilespmem:v21+s3+$0x0] =	vst.idx.msk $0xffff, v20  }
0x1ad: {  	v21 =	vor.u32 v12, v19;
	v20 =	vld [tilespmem:s19+$0x100];
	_ =	sdelay $0x4  }
0x1ae: {  	[tilespmem:v21+s3+$0x0] =	vst.idx.msk $0xffff, v20  }
0x1af: {  	v21 =	vor.u32 v13, v19;
	v20 =	vld [tilespmem:s19+$0x180];
	_ =	sdelay $0x4  }
0x1b0: {  	[tilespmem:v21+s3+$0x0] =	vst.idx.msk $0xffff, v20  }
0x1b1: {  	v21 =	vor.u32 v14, v19;
	v20 =	vld [tilespmem:s19+$0x200];
	_ =	sdelay $0x4  }
0x1b2: {  	[tilespmem:v21+s3+$0x0] =	vst.idx.msk $0xffff, v20  }
0x1b3: {  	v21 =	vor.u32 v15, v19;
	v20 =	vld [tilespmem:s19+$0x280];
	_ =	sdelay $0x4  }
0x1b4: {  	[tilespmem:v21+s3+$0x0] =	vst.idx.msk $0xffff, v20  }
0x1b5: {  	v21 =	vor.u32 v16, v19;
	v20 =	vld [tilespmem:s19+$0x300];
	_ =	sdelay $0x4  }
0x1b6: {  	[tilespmem:v21+s3+$0x0] =	vst.idx.msk $0xffff, v20  }
0x1b7: {  	v21 =	vor.u32 v17, v19;
	v20 =	vld [tilespmem:s19+$0x380];
	_ =	sdelay $0x1  }
0x1b8: {  	s20 =	simm.s32 $0x2  }
0x1b9: {  	s0 =	simm.s32 $0x4;
	v19 =	vmov s20  }
.LBB2_15:
0x1ba: {  	p3 =	sne.s32 s0, $0xE;
	v19 =	vshll.u32 v19, $0x7  }
0x1bb: {  	s19 =	sadd.s32 $0x10, s19;
	v19 =	vor.u32 v2, v19;
	[tilespmem:v21+s3+$0x0] =	vst.idx.msk $0xffff, v20  }
0x1bc: {  	v20 =	vld [tilespmem:s19+$0xFFFFFC00];
	v21 =	vor.u32 v1, v19;
	_ =	sdelay $0x4  }
0x1bd: {  	[tilespmem:v21+s3+$0x0] =	vst.idx.msk $0xffff, v20  }
0x1be: {  	v21 =	vor.u32 v3, v19;
	v20 =	vld [tilespmem:s19+$0xFFFFFC80];
	_ =	sdelay $0x4  }
0x1bf: {  	[tilespmem:v21+s3+$0x0] =	vst.idx.msk $0xffff, v20  }
0x1c0: {  	v21 =	vor.u32 v4, v19;
	v20 =	vld [tilespmem:s19+$0xFFFFFD00];
	_ =	sdelay $0x4  }
0x1c1: {  	[tilespmem:v21+s3+$0x0] =	vst.idx.msk $0xffff, v20  }
0x1c2: {  	v21 =	vor.u32 v5, v19;
	v20 =	vld [tilespmem:s19+$0xFFFFFD80];
	_ =	sdelay $0x4  }
0x1c3: {  	[tilespmem:v21+s3+$0x0] =	vst.idx.msk $0xffff, v20  }
0x1c4: {  	v21 =	vor.u32 v6, v19;
	v20 =	vld [tilespmem:s19+$0xFFFFFE00];
	_ =	sdelay $0x4  }
0x1c5: {  	[tilespmem:v21+s3+$0x0] =	vst.idx.msk $0xffff, v20  }
0x1c6: {  	v21 =	vor.u32 v7, v19;
	v20 =	vld [tilespmem:s19+$0xFFFFFE80];
	_ =	sdelay $0x4  }
0x1c7: {  	[tilespmem:v21+s3+$0x0] =	vst.idx.msk $0xffff, v20  }
0x1c8: {  	v21 =	vor.u32 v8, v19;
	v20 =	vld [tilespmem:s19+$0xFFFFFF00];
	_ =	sdelay $0x4  }
0x1c9: {  	[tilespmem:v21+s3+$0x0] =	vst.idx.msk $0xffff, v20  }
0x1ca: {  	v21 =	vor.u32 v9, v19;
	v20 =	vld [tilespmem:s19+$0xFFFFFF80];
	_ =	sdelay $0x4  }
0x1cb: {  	[tilespmem:v21+s3+$0x0] =	vst.idx.msk $0xffff, v20  }
0x1cc: {  	v21 =	vor.u32 v10, v19;
	v20 =	vld [tilespmem:s19+$0x0];
	_ =	sdelay $0x4  }
0x1cd: {  	[tilespmem:v21+s3+$0x0] =	vst.idx.msk $0xffff, v20  }
0x1ce: {  	v21 =	vor.u32 v11, v19;
	v20 =	vld [tilespmem:s19+$0x80];
	_ =	sdelay $0x4  }
0x1cf: {  	[tilespmem:v21+s3+$0x0] =	vst.idx.msk $0xffff, v20  }
0x1d0: {  	v21 =	vor.u32 v12, v19;
	v20 =	vld [tilespmem:s19+$0x100];
	_ =	sdelay $0x4  }
0x1d1: {  	[tilespmem:v21+s3+$0x0] =	vst.idx.msk $0xffff, v20  }
0x1d2: {  	v21 =	vor.u32 v13, v19;
	v20 =	vld [tilespmem:s19+$0x180];
	_ =	sdelay $0x4  }
0x1d3: {  	[tilespmem:v21+s3+$0x0] =	vst.idx.msk $0xffff, v20  }
0x1d4: {  	v21 =	vor.u32 v14, v19;
	v20 =	vld [tilespmem:s19+$0x200];
	_ =	sdelay $0x4  }
0x1d5: {  	[tilespmem:v21+s3+$0x0] =	vst.idx.msk $0xffff, v20  }
0x1d6: {  	v21 =	vor.u32 v15, v19;
	v20 =	vld [tilespmem:s19+$0x280];
	_ =	sdelay $0x4  }
0x1d7: {  	[tilespmem:v21+s3+$0x0] =	vst.idx.msk $0xffff, v20  }
0x1d8: {  	v21 =	vor.u32 v16, v19;
	v20 =	vld [tilespmem:s19+$0x300];
	_ =	sdelay $0x4  }
.Ltmp9:
0x1d9: {  	[tilespmem:v21+s3+$0x0] =	vst.idx.msk $0xffff, v20;
	(pc) =	sbr.rel @p3 .LBB2_15-.Ltmp9, $2  }
0x1da: {  	v21 =	vor.u32 v17, v19;
	v20 =	vld [tilespmem:s19+$0x380];
	_ =	sdelay $0x2  }
0x1db: {  	v19 =	vmov s0;
	s0 =	sadd.s32 $0x2, s0  }
0x1dc: {  	_ =	sdelay $0x2  }
0x1dd: {  	v19 =	vshll.u32 v19, $0x7  }
0x1de: {  	s0 =	sadd.s32 $0x10, s19;
	v19 =	vor.u32 v2, v19;
	[tilespmem:v21+s3+$0x0] =	vst.idx.msk $0xffff, v20  }
0x1df: {  	v20 =	vld [tilespmem:s0+$0xFFFFFC00];
	v49 =	vor.u32 v1, v19;
	_ =	sdelay $0x4  }
0x1e0: {  	[tilespmem:v49+s3+$0x0] =	vst.idx.msk $0xffff, v20  }
0x1e1: {  	v50 =	vor.u32 v3, v19;
	v20 =	vld [tilespmem:s0+$0xFFFFFC80];
	_ =	sdelay $0x4  }
0x1e2: {  	[tilespmem:v50+s3+$0x0] =	vst.idx.msk $0xffff, v20  }
0x1e3: {  	v51 =	vor.u32 v4, v19;
	v20 =	vld [tilespmem:s0+$0xFFFFFD00];
	_ =	sdelay $0x4  }
0x1e4: {  	[tilespmem:v51+s3+$0x0] =	vst.idx.msk $0xffff, v20  }
0x1e5: {  	v52 =	vor.u32 v5, v19;
	v20 =	vld [tilespmem:s0+$0xFFFFFD80];
	_ =	sdelay $0x4  }
0x1e6: {  	[tilespmem:v52+s3+$0x0] =	vst.idx.msk $0xffff, v20  }
0x1e7: {  	v53 =	vor.u32 v6, v19;
	v20 =	vld [tilespmem:s0+$0xFFFFFE00];
	_ =	sdelay $0x4  }
0x1e8: {  	[tilespmem:v53+s3+$0x0] =	vst.idx.msk $0xffff, v20  }
0x1e9: {  	v54 =	vor.u32 v7, v19;
	v20 =	vld [tilespmem:s0+$0xFFFFFE80];
	_ =	sdelay $0x4  }
0x1ea: {  	[tilespmem:v54+s3+$0x0] =	vst.idx.msk $0xffff, v20  }
0x1eb: {  	v55 =	vor.u32 v8, v19;
	v20 =	vld [tilespmem:s0+$0xFFFFFF00];
	_ =	sdelay $0x4  }
0x1ec: {  	[tilespmem:v55+s3+$0x0] =	vst.idx.msk $0xffff, v20  }
0x1ed: {  	v56 =	vor.u32 v9, v19;
	v20 =	vld [tilespmem:s0+$0xFFFFFF80];
	_ =	sdelay $0x4  }
0x1ee: {  	[tilespmem:v56+s3+$0x0] =	vst.idx.msk $0xffff, v20  }
0x1ef: {  	v57 =	vor.u32 v10, v19;
	v20 =	vld [tilespmem:s0+$0x0];
	_ =	sdelay $0x4  }
0x1f0: {  	[tilespmem:v57+s3+$0x0] =	vst.idx.msk $0xffff, v20  }
0x1f1: {  	v58 =	vor.u32 v11, v19;
	v20 =	vld [tilespmem:s0+$0x80];
	_ =	sdelay $0x4  }
0x1f2: {  	[tilespmem:v58+s3+$0x0] =	vst.idx.msk $0xffff, v20  }
0x1f3: {  	v59 =	vor.u32 v12, v19;
	v20 =	vld [tilespmem:s0+$0x100];
	_ =	sdelay $0x4  }
0x1f4: {  	[tilespmem:v59+s3+$0x0] =	vst.idx.msk $0xffff, v20  }
0x1f5: {  	v60 =	vor.u32 v13, v19;
	v20 =	vld [tilespmem:s0+$0x180];
	_ =	sdelay $0x4  }
0x1f6: {  	[tilespmem:v60+s3+$0x0] =	vst.idx.msk $0xffff, v20  }
0x1f7: {  	v61 =	vor.u32 v14, v19;
	v20 =	vld [tilespmem:s0+$0x200];
	_ =	sdelay $0x4  }
0x1f8: {  	[tilespmem:v61+s3+$0x0] =	vst.idx.msk $0xffff, v20  }
0x1f9: {  	v62 =	vor.u32 v15, v19;
	v20 =	vld [tilespmem:s0+$0x280];
	_ =	sdelay $0x4  }
0x1fa: {  	[tilespmem:v62+s3+$0x0] =	vst.idx.msk $0xffff, v20  }
0x1fb: {  	v63 =	vor.u32 v16, v19;
	v20 =	vld [tilespmem:s0+$0x300];
	_ =	sdelay $0x4  }
0x1fc: {  	[tilespmem:v63+s3+$0x0] =	vst.idx.msk $0xffff, v20  }
0x1fd: {  	v19 =	vor.u32 v17, v19;
	v20 =	vld [tilespmem:s0+$0x380];
	_ =	sdelay $0x1  }
.Ltmp10:
0x1fe: {  	s25 =	sadd.s32 s7, s25;
	(pc) =	sbr.rel @p2 .LBB2_18-.Ltmp10, $4  }
0x1ff: {  	s0 =	sshll.u32 s25, $0x8  }
0x200: {  	s0 =	sand.u32 $0x1FFFFF00, s0  }
0x201: {  	s0 =	sadd.s32 s4, s0;
	[tilespmem:v19+s3+$0x0] =	vst.idx.msk $0xffff, v20  }
0x202: {  	[hbm4b:s0+s6] =	stream.linear.scatter [tilespmem:s3], [sflag:$0x8], $0x800, $0x38;
	[tilespmem:$0x4800] =	vst v63  }
.Ltmp11:
0x203: {  	s0 =	sadd.s32 s22, s15;
	(pc) =	sbr.rel .LBB2_2-.Ltmp11, $4  }
0x204: {  	s0 =	sshll.u32 s0, $0x7  }
0x205: {  	s0 =	sand.u32 $0x1FFFFF80, s0  }
0x206: {  	s18 =	simm.s32 $0x1800;
	s21 =	sadd.s32 $0x1, s21;
	s0 =	sadd.s32 s1, s0  }
0x207: {  	[tilespmem:s18], [sflag:$0x4] =	stream.strided.gather [hbm4b:s0+s30], $0x800, s31, s30, $0x38;
	[tilespmem:$0x4800] =	vst v63  }
.LBB2_18:
0x208: {  	s0 =	simm.s32 $0x5  }
0x209: {  	_ =	swait.ge [sflag:s0], $0x800  }
0x20a: {  	[sflag:s0] =	ssyncset.done $0x0  }
0x20b: {  	[sflag:s0] =	ssyncadd.s32 $0xFFFFF800  }
0x20c: {  	_ =	swait.ge [sflag:s8], $0x800  }
0x20d: {  	[sflag:s8] =	ssyncset.done $0x0  }
0x20e: {  	[sflag:s8] =	ssyncadd.s32 $0xFFFFF800  }
0x20f: {  	_ =	swait.ge [sflag:s9], $0x800  }
.Ltmp12:
0x210: {  	[sflag:s9] =	ssyncset.done $0x0;
	(pc) =	sbr.rel @p1 .LBB2_22-.Ltmp12, $4  }
0x211: {  	[sflag:s9] =	ssyncadd.s32 $0xFFFFF800  }
0x212: {  	_ =	swait.ge [sflag:s10], $0x800  }
0x213: {  	[sflag:s10] =	ssyncset.done $0x0  }
0x214: {  	[sflag:s10] =	ssyncadd.s32 $0xFFFFF800  }
0x215: {  	s19 =	simm.s32 $0x400;
	s0 =	simm.s32 $0x0;
	s18 =	rddreg [dreg:$0x9]  }
0x216: {  	[tilespmem:s0], [sflag:$0x1] =	stream.strided.gather [hbm4b:s18+s19], $0x800, s31, s19, $0x38;
	[tilespmem:$0x4800] =	vst v63  }
0x217: {  	v19 =	vmov s0;
	_ =	swait.ge [sflag:s26], $0x800  }
0x218: {  	v19 =	vshll.u32 v19, $0x7;
	[sflag:s26] =	ssyncset.done $0x0  }
0x219: {  	v19 =	vor.u32 v2, v19;
	[sflag:s26] =	ssyncadd.s32 $0xFFFFF800  }
0x21a: {  	v21 =	vor.u32 v1, v19;
	v20 =	vld [tilespmem:s19+$0xFFFFFC00];
	_ =	sdelay $0x4  }
0x21b: {  	[tilespmem:v21+s28+$0x0] =	vst.idx.msk $0xffff, v20  }
0x21c: {  	v21 =	vor.u32 v3, v19;
	v20 =	vld [tilespmem:s19+$0xFFFFFC80];
	_ =	sdelay $0x4  }
0x21d: {  	[tilespmem:v21+s28+$0x0] =	vst.idx.msk $0xffff, v20  }
0x21e: {  	v21 =	vor.u32 v4, v19;
	v20 =	vld [tilespmem:s19+$0xFFFFFD00];
	_ =	sdelay $0x4  }
0x21f: {  	[tilespmem:v21+s28+$0x0] =	vst.idx.msk $0xffff, v20  }
0x220: {  	v21 =	vor.u32 v5, v19;
	v20 =	vld [tilespmem:s19+$0xFFFFFD80];
	_ =	sdelay $0x4  }
0x221: {  	[tilespmem:v21+s28+$0x0] =	vst.idx.msk $0xffff, v20  }
0x222: {  	v21 =	vor.u32 v6, v19;
	v20 =	vld [tilespmem:s19+$0xFFFFFE00];
	_ =	sdelay $0x4  }
0x223: {  	[tilespmem:v21+s28+$0x0] =	vst.idx.msk $0xffff, v20  }
0x224: {  	v21 =	vor.u32 v7, v19;
	v20 =	vld [tilespmem:s19+$0xFFFFFE80];
	_ =	sdelay $0x4  }
0x225: {  	[tilespmem:v21+s28+$0x0] =	vst.idx.msk $0xffff, v20  }
0x226: {  	v21 =	vor.u32 v8, v19;
	v20 =	vld [tilespmem:s19+$0xFFFFFF00];
	_ =	sdelay $0x4  }
0x227: {  	[tilespmem:v21+s28+$0x0] =	vst.idx.msk $0xffff, v20  }
0x228: {  	v21 =	vor.u32 v9, v19;
	v20 =	vld [tilespmem:s19+$0xFFFFFF80];
	_ =	sdelay $0x4  }
0x229: {  	[tilespmem:v21+s28+$0x0] =	vst.idx.msk $0xffff, v20  }
0x22a: {  	v21 =	vor.u32 v10, v19;
	v20 =	vld [tilespmem:s19+$0x0];
	_ =	sdelay $0x4  }
0x22b: {  	[tilespmem:v21+s28+$0x0] =	vst.idx.msk $0xffff, v20  }
0x22c: {  	v21 =	vor.u32 v11, v19;
	v20 =	vld [tilespmem:s19+$0x80];
	_ =	sdelay $0x4  }
0x22d: {  	[tilespmem:v21+s28+$0x0] =	vst.idx.msk $0xffff, v20  }
0x22e: {  	v21 =	vor.u32 v12, v19;
	v20 =	vld [tilespmem:s19+$0x100];
	_ =	sdelay $0x4  }
0x22f: {  	[tilespmem:v21+s28+$0x0] =	vst.idx.msk $0xffff, v20  }
0x230: {  	v21 =	vor.u32 v13, v19;
	v20 =	vld [tilespmem:s19+$0x180];
	_ =	sdelay $0x4  }
0x231: {  	[tilespmem:v21+s28+$0x0] =	vst.idx.msk $0xffff, v20  }
0x232: {  	v21 =	vor.u32 v14, v19;
	v20 =	vld [tilespmem:s19+$0x200];
	_ =	sdelay $0x4  }
0x233: {  	[tilespmem:v21+s28+$0x0] =	vst.idx.msk $0xffff, v20  }
0x234: {  	v21 =	vor.u32 v15, v19;
	v20 =	vld [tilespmem:s19+$0x280];
	_ =	sdelay $0x4  }
0x235: {  	[tilespmem:v21+s28+$0x0] =	vst.idx.msk $0xffff, v20  }
0x236: {  	v21 =	vor.u32 v16, v19;
	v20 =	vld [tilespmem:s19+$0x300];
	_ =	sdelay $0x4  }
0x237: {  	[tilespmem:v21+s28+$0x0] =	vst.idx.msk $0xffff, v20  }
0x238: {  	v21 =	vor.u32 v17, v19;
	v20 =	vld [tilespmem:s19+$0x380];
	_ =	sdelay $0x1  }
0x239: {  	s25 =	simm.s32 $0x2  }
0x23a: {  	s0 =	simm.s32 $0x4;
	v19 =	vmov s25  }
.LBB2_20:
0x23b: {  	p2 =	sne.s32 s0, $0xE;
	v19 =	vshll.u32 v19, $0x7  }
0x23c: {  	s19 =	sadd.s32 $0x10, s19;
	v19 =	vor.u32 v2, v19;
	[tilespmem:v21+s28+$0x0] =	vst.idx.msk $0xffff, v20  }
0x23d: {  	v20 =	vld [tilespmem:s19+$0xFFFFFC00];
	v21 =	vor.u32 v1, v19;
	_ =	sdelay $0x4  }
0x23e: {  	[tilespmem:v21+s28+$0x0] =	vst.idx.msk $0xffff, v20  }
0x23f: {  	v21 =	vor.u32 v3, v19;
	v20 =	vld [tilespmem:s19+$0xFFFFFC80];
	_ =	sdelay $0x4  }
0x240: {  	[tilespmem:v21+s28+$0x0] =	vst.idx.msk $0xffff, v20  }
0x241: {  	v21 =	vor.u32 v4, v19;
	v20 =	vld [tilespmem:s19+$0xFFFFFD00];
	_ =	sdelay $0x4  }
0x242: {  	[tilespmem:v21+s28+$0x0] =	vst.idx.msk $0xffff, v20  }
0x243: {  	v21 =	vor.u32 v5, v19;
	v20 =	vld [tilespmem:s19+$0xFFFFFD80];
	_ =	sdelay $0x4  }
0x244: {  	[tilespmem:v21+s28+$0x0] =	vst.idx.msk $0xffff, v20  }
0x245: {  	v21 =	vor.u32 v6, v19;
	v20 =	vld [tilespmem:s19+$0xFFFFFE00];
	_ =	sdelay $0x4  }
0x246: {  	[tilespmem:v21+s28+$0x0] =	vst.idx.msk $0xffff, v20  }
0x247: {  	v21 =	vor.u32 v7, v19;
	v20 =	vld [tilespmem:s19+$0xFFFFFE80];
	_ =	sdelay $0x4  }
0x248: {  	[tilespmem:v21+s28+$0x0] =	vst.idx.msk $0xffff, v20  }
0x249: {  	v21 =	vor.u32 v8, v19;
	v20 =	vld [tilespmem:s19+$0xFFFFFF00];
	_ =	sdelay $0x4  }
0x24a: {  	[tilespmem:v21+s28+$0x0] =	vst.idx.msk $0xffff, v20  }
0x24b: {  	v21 =	vor.u32 v9, v19;
	v20 =	vld [tilespmem:s19+$0xFFFFFF80];
	_ =	sdelay $0x4  }
0x24c: {  	[tilespmem:v21+s28+$0x0] =	vst.idx.msk $0xffff, v20  }
0x24d: {  	v21 =	vor.u32 v10, v19;
	v20 =	vld [tilespmem:s19+$0x0];
	_ =	sdelay $0x4  }
0x24e: {  	[tilespmem:v21+s28+$0x0] =	vst.idx.msk $0xffff, v20  }
0x24f: {  	v21 =	vor.u32 v11, v19;
	v20 =	vld [tilespmem:s19+$0x80];
	_ =	sdelay $0x4  }
0x250: {  	[tilespmem:v21+s28+$0x0] =	vst.idx.msk $0xffff, v20  }
0x251: {  	v21 =	vor.u32 v12, v19;
	v20 =	vld [tilespmem:s19+$0x100];
	_ =	sdelay $0x4  }
0x252: {  	[tilespmem:v21+s28+$0x0] =	vst.idx.msk $0xffff, v20  }
0x253: {  	v21 =	vor.u32 v13, v19;
	v20 =	vld [tilespmem:s19+$0x180];
	_ =	sdelay $0x4  }
0x254: {  	[tilespmem:v21+s28+$0x0] =	vst.idx.msk $0xffff, v20  }
0x255: {  	v21 =	vor.u32 v14, v19;
	v20 =	vld [tilespmem:s19+$0x200];
	_ =	sdelay $0x4  }
0x256: {  	[tilespmem:v21+s28+$0x0] =	vst.idx.msk $0xffff, v20  }
0x257: {  	v21 =	vor.u32 v15, v19;
	v20 =	vld [tilespmem:s19+$0x280];
	_ =	sdelay $0x4  }
0x258: {  	[tilespmem:v21+s28+$0x0] =	vst.idx.msk $0xffff, v20  }
0x259: {  	v21 =	vor.u32 v16, v19;
	v20 =	vld [tilespmem:s19+$0x300];
	_ =	sdelay $0x4  }
.Ltmp13:
0x25a: {  	[tilespmem:v21+s28+$0x0] =	vst.idx.msk $0xffff, v20;
	(pc) =	sbr.rel @p2 .LBB2_20-.Ltmp13, $2  }
0x25b: {  	v21 =	vor.u32 v17, v19;
	v20 =	vld [tilespmem:s19+$0x380];
	_ =	sdelay $0x2  }
0x25c: {  	v19 =	vmov s0;
	s0 =	sadd.s32 $0x2, s0  }
0x25d: {  	_ =	sdelay $0x2  }
0x25e: {  	v19 =	vshll.u32 v19, $0x7  }
0x25f: {  	s0 =	sadd.s32 $0x10, s19;
	v19 =	vor.u32 v2, v19;
	[tilespmem:v21+s28+$0x0] =	vst.idx.msk $0xffff, v20  }
0x260: {  	v20 =	vld [tilespmem:s0+$0xFFFFFC00];
	v49 =	vor.u32 v1, v19;
	_ =	sdelay $0x4  }
0x261: {  	[tilespmem:v49+s28+$0x0] =	vst.idx.msk $0xffff, v20  }
0x262: {  	v50 =	vor.u32 v3, v19;
	v20 =	vld [tilespmem:s0+$0xFFFFFC80];
	_ =	sdelay $0x4  }
0x263: {  	[tilespmem:v50+s28+$0x0] =	vst.idx.msk $0xffff, v20  }
0x264: {  	v51 =	vor.u32 v4, v19;
	v20 =	vld [tilespmem:s0+$0xFFFFFD00];
	_ =	sdelay $0x4  }
0x265: {  	[tilespmem:v51+s28+$0x0] =	vst.idx.msk $0xffff, v20  }
0x266: {  	v52 =	vor.u32 v5, v19;
	v20 =	vld [tilespmem:s0+$0xFFFFFD80];
	_ =	sdelay $0x4  }
0x267: {  	[tilespmem:v52+s28+$0x0] =	vst.idx.msk $0xffff, v20  }
0x268: {  	v53 =	vor.u32 v6, v19;
	v20 =	vld [tilespmem:s0+$0xFFFFFE00];
	_ =	sdelay $0x4  }
0x269: {  	[tilespmem:v53+s28+$0x0] =	vst.idx.msk $0xffff, v20  }
0x26a: {  	v54 =	vor.u32 v7, v19;
	v20 =	vld [tilespmem:s0+$0xFFFFFE80];
	_ =	sdelay $0x4  }
0x26b: {  	[tilespmem:v54+s28+$0x0] =	vst.idx.msk $0xffff, v20  }
0x26c: {  	v55 =	vor.u32 v8, v19;
	v20 =	vld [tilespmem:s0+$0xFFFFFF00];
	_ =	sdelay $0x4  }
0x26d: {  	[tilespmem:v55+s28+$0x0] =	vst.idx.msk $0xffff, v20  }
0x26e: {  	v56 =	vor.u32 v9, v19;
	v20 =	vld [tilespmem:s0+$0xFFFFFF80];
	_ =	sdelay $0x4  }
0x26f: {  	[tilespmem:v56+s28+$0x0] =	vst.idx.msk $0xffff, v20  }
0x270: {  	v57 =	vor.u32 v10, v19;
	v20 =	vld [tilespmem:s0+$0x0];
	_ =	sdelay $0x4  }
0x271: {  	[tilespmem:v57+s28+$0x0] =	vst.idx.msk $0xffff, v20  }
0x272: {  	v58 =	vor.u32 v11, v19;
	v20 =	vld [tilespmem:s0+$0x80];
	_ =	sdelay $0x4  }
0x273: {  	[tilespmem:v58+s28+$0x0] =	vst.idx.msk $0xffff, v20  }
0x274: {  	v59 =	vor.u32 v12, v19;
	v20 =	vld [tilespmem:s0+$0x100];
	_ =	sdelay $0x4  }
0x275: {  	[tilespmem:v59+s28+$0x0] =	vst.idx.msk $0xffff, v20  }
0x276: {  	v60 =	vor.u32 v13, v19;
	v20 =	vld [tilespmem:s0+$0x180];
	_ =	sdelay $0x4  }
0x277: {  	[tilespmem:v60+s28+$0x0] =	vst.idx.msk $0xffff, v20  }
0x278: {  	v61 =	vor.u32 v14, v19;
	v20 =	vld [tilespmem:s0+$0x200];
	_ =	sdelay $0x4  }
0x279: {  	[tilespmem:v61+s28+$0x0] =	vst.idx.msk $0xffff, v20  }
0x27a: {  	v62 =	vor.u32 v15, v19;
	v20 =	vld [tilespmem:s0+$0x280];
	_ =	sdelay $0x4  }
0x27b: {  	[tilespmem:v62+s28+$0x0] =	vst.idx.msk $0xffff, v20  }
0x27c: {  	v63 =	vor.u32 v16, v19;
	v20 =	vld [tilespmem:s0+$0x300];
	_ =	sdelay $0x4  }
0x27d: {  	[tilespmem:v63+s28+$0x0] =	vst.idx.msk $0xffff, v20  }
0x27e: {  	v19 =	vor.u32 v17, v19;
	v20 =	vld [tilespmem:s0+$0x380];
	_ =	sdelay $0x4  }
0x27f: {  	s22 =	rddreg [dreg:$0xa];
	s25 =	simm.s32 $0x5;
	[tilespmem:v19+s28+$0x0] =	vst.idx.msk $0xffff, v20  }
0x280: {  	[hbm4b:s22+s6] =	stream.linear.scatter [tilespmem:s28], [sflag:$0x5], $0x800, $0x38;
	[tilespmem:$0x4800] =	vst v63  }
0x281: {  	_ =	swait.ge [sflag:s25], $0x800  }
0x282: {  	[sflag:s25] =	ssyncset.done $0x0  }
0x283: {  	[sflag:s25] =	ssyncadd.s32 $0xFFFFF800  }
.LBB2_22:
.Ltmp14:
0x284: {  	(pc) =	sbr.rel @p0 .LBB2_26-.Ltmp14, $1  }
0x285: {  	_ =	sdelay $0x3  }
0x286: {  	s0 =	simm.s32 $0x0  }
0x287: {  	v19 =	vmov s0  }
0x288: {  	v19 =	vand.u32 $0x7F, v19  }
0x289: {  	v19 =	vbroadcast v19, $0x0;
	_ =	sdelay $0x1  }
0x28a: {  	s19 =	simm.s32 $0x1;
	s18 =	rddreg [dreg:$0xb];
	s22 =	simm.s32 $0x9;
	v19 =	vor.u32 v18, v19  }
0x28b: {  	[tilespmem:s11], [sflag:$0x9] =	stream.strided.gather [hbm4b:s18+s30], $0x800, s31, s30, $0x38;
	[tilespmem:$0x4800] =	vst v63  }
0x28c: {  	s25 =	simm.s32 $0x0;
	v20 =	vmov s19;
	_ =	swait.ge [sflag:s22], $0x800  }
0x28d: {  	s20 =	sand.u32 $0x70, s0;
	s19 =	sand.u32 $0xFFFFFF80, s25;
	v20 =	vand.u32 $0x7F, v20;
	[sflag:s22] =	ssyncset.done $0x0  }
0x28e: {  	s19 =	sor.u32 s20, s19;
	v20 =	vbroadcast v20, $0x0;
	[sflag:s22] =	ssyncadd.s32 $0xFFFFF800  }
0x28f: {  	v21 =	vor.u32 s19, v0;
	v19 =	vld.idx.msk [tilespmem:v19+s11+$0x0], $0xffff  }
0x290: {  	v20 =	vor.u32 v18, v20;
	_ =	sdelay $0x1  }
0x291: {  	s0 =	simm.s32 $0x2  }
0x292: {  	s21 =	simm.s32 $0x10;
	v22 =	vmov s0;
	s20 =	simm.s32 $0x3;
	s19 =	simm.s32 $0x10  }
.LBB2_24:
0x293: {  	p2 =	sne.s32 s20, $0x3F;
	v22 =	vand.u32 $0x7F, v22;
	s22 =	sand.u32 $0x70, s19;
	s21 =	sand.u32 $0xFFFFFF80, s21;
	[tilespmem:v21+s28+$0x0] =	vst.idx.msk $0xffff, v19  }
0x294: {  	v22 =	vbroadcast v22, $0x0;
	v19 =	vld.idx.msk [tilespmem:v20+s11+$0x0], $0xffff;
	s21 =	sor.u32 s22, s21;
	s22 =	smov.u32 s0;
	s0 =	smov.u32 s20  }
.Ltmp15:
0x295: {  	v21 =	vor.u32 s21, v0;
	(pc) =	sbr.rel @p2 .LBB2_24-.Ltmp15, $2  }
0x296: {  	v20 =	vor.u32 v18, v22;
	_ =	sdelay $0x2  }
0x297: {  	s19 =	sadd.s32 $0x10, s19;
	s20 =	sadd.s32 $0x1, s20;
	s21 =	sshll.u32 s22, $0x4;
	v22 =	vmov s0  }
0x298: {  	_ =	sdelay $0x2  }
0x299: {  	v22 =	vand.u32 $0x7F, v22;
	s20 =	sand.u32 $0x70, s19;
	s21 =	sand.u32 $0xFFFFFF80, s21  }
0x29a: {  	[tilespmem:v21+s28+$0x0] =	vst.idx.msk $0xffff, v19;
	v19 =	vbroadcast v22, $0x0;
	s20 =	sor.u32 s20, s21  }
0x29b: {  	v20 =	vld.idx.msk [tilespmem:v20+s11+$0x0], $0xffff;
	v63 =	vor.u32 s20, v0  }
0x29c: {  	v19 =	vor.u32 v18, v19;
	_ =	sdelay $0x1  }
0x29d: {  	s0 =	sshll.u32 s0, $0x4;
	s21 =	sadd.s32 $0x10, s19  }
0x29e: {  	s0 =	sand.u32 $0xFFFFFF80, s0;
	s19 =	sand.u32 $0x70, s21  }
0x29f: {  	s0 =	sor.u32 s19, s0;
	[tilespmem:v63+s28+$0x0] =	vst.idx.msk $0xffff, v20  }
0x2a0: {  	v20 =	vor.u32 s0, v0;
	v19 =	vld.idx.msk [tilespmem:v19+s11+$0x0], $0xffff;
	_ =	sdelay $0x4  }
0x2a1: {  	s22 =	rddreg [dreg:$0x13];
	s25 =	simm.s32 $0x5;
	[tilespmem:v20+s28+$0x0] =	vst.idx.msk $0xffff, v19  }
0x2a2: {  	[hbm4b:s22+s6] =	stream.linear.scatter [tilespmem:s28], [sflag:$0x5], $0x400, $0x38;
	[tilespmem:$0x4800] =	vst v63  }
0x2a3: {  	_ =	swait.ge [sflag:s25], $0x400  }
0x2a4: {  	[sflag:s25] =	ssyncset.done $0x0  }
0x2a5: {  	[sflag:s25] =	ssyncadd.s32 $0xFFFFFC00  }
.LBB2_26:
0x2a6: {  	s21 =	simm.s32 $0x0;
	s0 =	rddreg [dreg:$0xc]  }
0x2a7: {  	[tilespmem:s21], [sflag:$0x1] =	stream.strided.gather [hbm4b:s0+s30], $0x800, s31, s30, $0x38;
	[tilespmem:$0x4800] =	vst v63  }
0x2a8: {  	s25 =	rddreg [dreg:$0xd];
	s18 =	simm.s32 $0x800  }
0x2a9: {  	[tilespmem:s18], [sflag:$0x2] =	stream.strided.gather [hbm4b:s25+s30], $0x800, s31, s30, $0x38;
	[tilespmem:$0x4800] =	vst v63  }
0x2aa: {  	s19 =	rddreg [dreg:$0xe];
	s20 =	simm.s32 $0x1000  }
0x2ab: {  	[tilespmem:s20], [sflag:$0x3] =	stream.strided.gather [hbm4b:s19+s30], $0x800, s31, s30, $0x38;
	[tilespmem:$0x4800] =	vst v63  }
0x2ac: {  	s22 =	rddreg [dreg:$0xf];
	s25 =	simm.s32 $0x1800  }
0x2ad: {  	[tilespmem:s25], [sflag:$0x4] =	stream.strided.gather [hbm4b:s22+s30], $0x800, s31, s30, $0x38;
	[tilespmem:$0x4800] =	vst v63  }
0x2ae: {  	s22 =	simm.s32 $0x0  }
.LBB2_27:
0x2af: {  	p2 =	seq.s32 s22, $0x0  }
0x2b0: {  	s0 =	simm.s32 @!p2 $0x5  }
0x2b1: {  	_ =	swait.ge @!p2 [sflag:s0], $0x800  }
0x2b2: {  	[sflag:s0] =	ssyncset.done @!p2 $0x0  }
0x2b3: {  	[sflag:s0] =	ssyncadd.s32 @!p2 $0xFFFFF800  }
0x2b4: {  	v19 =	vmov s21;
	_ =	swait.ge [sflag:s26], $0x800  }
0x2b5: {  	v19 =	vshll.u32 v19, $0x7;
	[sflag:s26] =	ssyncset.done $0x0  }
0x2b6: {  	s19 =	simm.s32 $0x400;
	v19 =	vor.u32 v2, v19;
	[sflag:s26] =	ssyncadd.s32 $0xFFFFF800  }
0x2b7: {  	v21 =	vor.u32 v1, v19;
	v20 =	vld [tilespmem:s19+$0xFFFFFC00];
	_ =	sdelay $0x4  }
0x2b8: {  	[tilespmem:v21+s28+$0x0] =	vst.idx.msk $0xffff, v20  }
0x2b9: {  	v21 =	vor.u32 v3, v19;
	v20 =	vld [tilespmem:s19+$0xFFFFFC80];
	_ =	sdelay $0x4  }
0x2ba: {  	[tilespmem:v21+s28+$0x0] =	vst.idx.msk $0xffff, v20  }
0x2bb: {  	v21 =	vor.u32 v4, v19;
	v20 =	vld [tilespmem:s19+$0xFFFFFD00];
	_ =	sdelay $0x4  }
0x2bc: {  	[tilespmem:v21+s28+$0x0] =	vst.idx.msk $0xffff, v20  }
0x2bd: {  	v21 =	vor.u32 v5, v19;
	v20 =	vld [tilespmem:s19+$0xFFFFFD80];
	_ =	sdelay $0x4  }
0x2be: {  	[tilespmem:v21+s28+$0x0] =	vst.idx.msk $0xffff, v20  }
0x2bf: {  	v21 =	vor.u32 v6, v19;
	v20 =	vld [tilespmem:s19+$0xFFFFFE00];
	_ =	sdelay $0x4  }
0x2c0: {  	[tilespmem:v21+s28+$0x0] =	vst.idx.msk $0xffff, v20  }
0x2c1: {  	v21 =	vor.u32 v7, v19;
	v20 =	vld [tilespmem:s19+$0xFFFFFE80];
	_ =	sdelay $0x4  }
0x2c2: {  	[tilespmem:v21+s28+$0x0] =	vst.idx.msk $0xffff, v20  }
0x2c3: {  	v21 =	vor.u32 v8, v19;
	v20 =	vld [tilespmem:s19+$0xFFFFFF00];
	_ =	sdelay $0x4  }
0x2c4: {  	[tilespmem:v21+s28+$0x0] =	vst.idx.msk $0xffff, v20  }
0x2c5: {  	v21 =	vor.u32 v9, v19;
	v20 =	vld [tilespmem:s19+$0xFFFFFF80];
	_ =	sdelay $0x4  }
0x2c6: {  	[tilespmem:v21+s28+$0x0] =	vst.idx.msk $0xffff, v20  }
0x2c7: {  	v21 =	vor.u32 v10, v19;
	v20 =	vld [tilespmem:s19+$0x0];
	_ =	sdelay $0x4  }
0x2c8: {  	[tilespmem:v21+s28+$0x0] =	vst.idx.msk $0xffff, v20  }
0x2c9: {  	v21 =	vor.u32 v11, v19;
	v20 =	vld [tilespmem:s19+$0x80];
	_ =	sdelay $0x4  }
0x2ca: {  	[tilespmem:v21+s28+$0x0] =	vst.idx.msk $0xffff, v20  }
0x2cb: {  	v21 =	vor.u32 v12, v19;
	v20 =	vld [tilespmem:s19+$0x100];
	_ =	sdelay $0x4  }
0x2cc: {  	[tilespmem:v21+s28+$0x0] =	vst.idx.msk $0xffff, v20  }
0x2cd: {  	v21 =	vor.u32 v13, v19;
	v20 =	vld [tilespmem:s19+$0x180];
	_ =	sdelay $0x4  }
0x2ce: {  	[tilespmem:v21+s28+$0x0] =	vst.idx.msk $0xffff, v20  }
0x2cf: {  	v21 =	vor.u32 v14, v19;
	v20 =	vld [tilespmem:s19+$0x200];
	_ =	sdelay $0x4  }
0x2d0: {  	[tilespmem:v21+s28+$0x0] =	vst.idx.msk $0xffff, v20  }
0x2d1: {  	v21 =	vor.u32 v15, v19;
	v20 =	vld [tilespmem:s19+$0x280];
	_ =	sdelay $0x4  }
0x2d2: {  	[tilespmem:v21+s28+$0x0] =	vst.idx.msk $0xffff, v20  }
0x2d3: {  	v21 =	vor.u32 v16, v19;
	v20 =	vld [tilespmem:s19+$0x300];
	_ =	sdelay $0x4  }
0x2d4: {  	[tilespmem:v21+s28+$0x0] =	vst.idx.msk $0xffff, v20  }
0x2d5: {  	v21 =	vor.u32 v17, v19;
	v20 =	vld [tilespmem:s19+$0x380];
	_ =	sdelay $0x1  }
0x2d6: {  	s20 =	simm.s32 $0x2  }
0x2d7: {  	s25 =	sshll.u32 s22, $0x2;
	s0 =	simm.s32 $0x4;
	v19 =	vmov s20  }
.LBB2_28:
0x2d8: {  	p2 =	sne.s32 s0, $0xE;
	v19 =	vshll.u32 v19, $0x7  }
0x2d9: {  	s19 =	sadd.s32 $0x10, s19;
	v19 =	vor.u32 v2, v19;
	[tilespmem:v21+s28+$0x0] =	vst.idx.msk $0xffff, v20  }
0x2da: {  	v20 =	vld [tilespmem:s19+$0xFFFFFC00];
	v21 =	vor.u32 v1, v19;
	_ =	sdelay $0x4  }
0x2db: {  	[tilespmem:v21+s28+$0x0] =	vst.idx.msk $0xffff, v20  }
0x2dc: {  	v21 =	vor.u32 v3, v19;
	v20 =	vld [tilespmem:s19+$0xFFFFFC80];
	_ =	sdelay $0x4  }
0x2dd: {  	[tilespmem:v21+s28+$0x0] =	vst.idx.msk $0xffff, v20  }
0x2de: {  	v21 =	vor.u32 v4, v19;
	v20 =	vld [tilespmem:s19+$0xFFFFFD00];
	_ =	sdelay $0x4  }
0x2df: {  	[tilespmem:v21+s28+$0x0] =	vst.idx.msk $0xffff, v20  }
0x2e0: {  	v21 =	vor.u32 v5, v19;
	v20 =	vld [tilespmem:s19+$0xFFFFFD80];
	_ =	sdelay $0x4  }
0x2e1: {  	[tilespmem:v21+s28+$0x0] =	vst.idx.msk $0xffff, v20  }
0x2e2: {  	v21 =	vor.u32 v6, v19;
	v20 =	vld [tilespmem:s19+$0xFFFFFE00];
	_ =	sdelay $0x4  }
0x2e3: {  	[tilespmem:v21+s28+$0x0] =	vst.idx.msk $0xffff, v20  }
0x2e4: {  	v21 =	vor.u32 v7, v19;
	v20 =	vld [tilespmem:s19+$0xFFFFFE80];
	_ =	sdelay $0x4  }
0x2e5: {  	[tilespmem:v21+s28+$0x0] =	vst.idx.msk $0xffff, v20  }
0x2e6: {  	v21 =	vor.u32 v8, v19;
	v20 =	vld [tilespmem:s19+$0xFFFFFF00];
	_ =	sdelay $0x4  }
0x2e7: {  	[tilespmem:v21+s28+$0x0] =	vst.idx.msk $0xffff, v20  }
0x2e8: {  	v21 =	vor.u32 v9, v19;
	v20 =	vld [tilespmem:s19+$0xFFFFFF80];
	_ =	sdelay $0x4  }
0x2e9: {  	[tilespmem:v21+s28+$0x0] =	vst.idx.msk $0xffff, v20  }
0x2ea: {  	v21 =	vor.u32 v10, v19;
	v20 =	vld [tilespmem:s19+$0x0];
	_ =	sdelay $0x4  }
0x2eb: {  	[tilespmem:v21+s28+$0x0] =	vst.idx.msk $0xffff, v20  }
0x2ec: {  	v21 =	vor.u32 v11, v19;
	v20 =	vld [tilespmem:s19+$0x80];
	_ =	sdelay $0x4  }
0x2ed: {  	[tilespmem:v21+s28+$0x0] =	vst.idx.msk $0xffff, v20  }
0x2ee: {  	v21 =	vor.u32 v12, v19;
	v20 =	vld [tilespmem:s19+$0x100];
	_ =	sdelay $0x4  }
0x2ef: {  	[tilespmem:v21+s28+$0x0] =	vst.idx.msk $0xffff, v20  }
0x2f0: {  	v21 =	vor.u32 v13, v19;
	v20 =	vld [tilespmem:s19+$0x180];
	_ =	sdelay $0x4  }
0x2f1: {  	[tilespmem:v21+s28+$0x0] =	vst.idx.msk $0xffff, v20  }
0x2f2: {  	v21 =	vor.u32 v14, v19;
	v20 =	vld [tilespmem:s19+$0x200];
	_ =	sdelay $0x4  }
0x2f3: {  	[tilespmem:v21+s28+$0x0] =	vst.idx.msk $0xffff, v20  }
0x2f4: {  	v21 =	vor.u32 v15, v19;
	v20 =	vld [tilespmem:s19+$0x280];
	_ =	sdelay $0x4  }
0x2f5: {  	[tilespmem:v21+s28+$0x0] =	vst.idx.msk $0xffff, v20  }
0x2f6: {  	v21 =	vor.u32 v16, v19;
	v20 =	vld [tilespmem:s19+$0x300];
	_ =	sdelay $0x4  }
.Ltmp16:
0x2f7: {  	[tilespmem:v21+s28+$0x0] =	vst.idx.msk $0xffff, v20;
	(pc) =	sbr.rel @p2 .LBB2_28-.Ltmp16, $2  }
0x2f8: {  	v21 =	vor.u32 v17, v19;
	v20 =	vld [tilespmem:s19+$0x380];
	_ =	sdelay $0x2  }
0x2f9: {  	v19 =	vmov s0;
	s0 =	sadd.s32 $0x2, s0  }
0x2fa: {  	_ =	sdelay $0x2  }
0x2fb: {  	v19 =	vshll.u32 v19, $0x7  }
0x2fc: {  	s0 =	sadd.s32 $0x10, s19;
	v19 =	vor.u32 v2, v19;
	[tilespmem:v21+s28+$0x0] =	vst.idx.msk $0xffff, v20  }
0x2fd: {  	v20 =	vld [tilespmem:s0+$0xFFFFFC00];
	v49 =	vor.u32 v1, v19;
	_ =	sdelay $0x4  }
0x2fe: {  	[tilespmem:v49+s28+$0x0] =	vst.idx.msk $0xffff, v20  }
0x2ff: {  	v50 =	vor.u32 v3, v19;
	v20 =	vld [tilespmem:s0+$0xFFFFFC80];
	_ =	sdelay $0x4  }
0x300: {  	[tilespmem:v50+s28+$0x0] =	vst.idx.msk $0xffff, v20  }
0x301: {  	v51 =	vor.u32 v4, v19;
	v20 =	vld [tilespmem:s0+$0xFFFFFD00];
	_ =	sdelay $0x4  }
0x302: {  	[tilespmem:v51+s28+$0x0] =	vst.idx.msk $0xffff, v20  }
0x303: {  	v52 =	vor.u32 v5, v19;
	v20 =	vld [tilespmem:s0+$0xFFFFFD80];
	_ =	sdelay $0x4  }
0x304: {  	[tilespmem:v52+s28+$0x0] =	vst.idx.msk $0xffff, v20  }
0x305: {  	v53 =	vor.u32 v6, v19;
	v20 =	vld [tilespmem:s0+$0xFFFFFE00];
	_ =	sdelay $0x4  }
0x306: {  	[tilespmem:v53+s28+$0x0] =	vst.idx.msk $0xffff, v20  }
0x307: {  	v54 =	vor.u32 v7, v19;
	v20 =	vld [tilespmem:s0+$0xFFFFFE80];
	_ =	sdelay $0x4  }
0x308: {  	[tilespmem:v54+s28+$0x0] =	vst.idx.msk $0xffff, v20  }
0x309: {  	v55 =	vor.u32 v8, v19;
	v20 =	vld [tilespmem:s0+$0xFFFFFF00];
	_ =	sdelay $0x4  }
0x30a: {  	[tilespmem:v55+s28+$0x0] =	vst.idx.msk $0xffff, v20  }
0x30b: {  	v56 =	vor.u32 v9, v19;
	v20 =	vld [tilespmem:s0+$0xFFFFFF80];
	_ =	sdelay $0x4  }
0x30c: {  	[tilespmem:v56+s28+$0x0] =	vst.idx.msk $0xffff, v20  }
0x30d: {  	v57 =	vor.u32 v10, v19;
	v20 =	vld [tilespmem:s0+$0x0];
	_ =	sdelay $0x4  }
0x30e: {  	[tilespmem:v57+s28+$0x0] =	vst.idx.msk $0xffff, v20  }
0x30f: {  	v58 =	vor.u32 v11, v19;
	v20 =	vld [tilespmem:s0+$0x80];
	_ =	sdelay $0x4  }
0x310: {  	[tilespmem:v58+s28+$0x0] =	vst.idx.msk $0xffff, v20  }
0x311: {  	v59 =	vor.u32 v12, v19;
	v20 =	vld [tilespmem:s0+$0x100];
	_ =	sdelay $0x4  }
0x312: {  	[tilespmem:v59+s28+$0x0] =	vst.idx.msk $0xffff, v20  }
0x313: {  	v60 =	vor.u32 v13, v19;
	v20 =	vld [tilespmem:s0+$0x180];
	_ =	sdelay $0x4  }
0x314: {  	[tilespmem:v60+s28+$0x0] =	vst.idx.msk $0xffff, v20  }
0x315: {  	v61 =	vor.u32 v14, v19;
	v20 =	vld [tilespmem:s0+$0x200];
	_ =	sdelay $0x4  }
0x316: {  	[tilespmem:v61+s28+$0x0] =	vst.idx.msk $0xffff, v20  }
0x317: {  	v62 =	vor.u32 v15, v19;
	v20 =	vld [tilespmem:s0+$0x280];
	_ =	sdelay $0x4  }
0x318: {  	[tilespmem:v62+s28+$0x0] =	vst.idx.msk $0xffff, v20  }
0x319: {  	v63 =	vor.u32 v16, v19;
	v20 =	vld [tilespmem:s0+$0x300];
	_ =	sdelay $0x4  }
0x31a: {  	[tilespmem:v63+s28+$0x0] =	vst.idx.msk $0xffff, v20  }
0x31b: {  	v19 =	vor.u32 v17, v19;
	v20 =	vld [tilespmem:s0+$0x380];
	_ =	sdelay $0x2  }
0x31c: {  	s20 =	sadd.s32 s7, s25  }
0x31d: {  	p2 =	seq.s32 s22, $0x3C;
	s0 =	sshll.u32 s20, $0x8  }
0x31e: {  	p3 =	seq.s32 @!p2 s22, $0x0;
	s0 =	sadd.s32 s5, s0;
	[tilespmem:v19+s28+$0x0] =	vst.idx.msk $0xffff, v20  }
0x31f: {  	[hbm4b:s0+s6] =	stream.linear.scatter [tilespmem:s28], [sflag:$0x5], $0x800, $0x38;
	[tilespmem:$0x4800] =	vst v63  }
0x320: {  	p3 =	por p2, !p3;
	s0 =	sadd.s32 @!p2 s25, s12  }
.Ltmp17:
0x321: {  	s0 =	sshll.u32 @!p2 s0, $0x7;
	(pc) =	sbr.rel @!p3 .LBB2_31-.Ltmp17, $4  }
0x322: {  	s19 =	simm.s32 @!p2 $0x400;
	s0 =	sand.u32 @!p2 $0x1FFFFE00, s0  }
0x323: {  	s18 =	simm.s32 @!p2 $0x0;
	s20 =	simm.s32 @!p2 $0x7A1400;
	s0 =	sadd.s32 @!p2 s2, s0  }
0x324: {  	[tilespmem:s18], [sflag:$0x1] =	stream.strided.gather @!p2 [hbm4b:s0+s19], $0x800, s20, s19, $0x38;
	[tilespmem:$0x4800] =	vst v63  }
0x325: {  	s19 =	sor.u32 @!p2 $0x1, s25  }
0x326: {  	_ =	swait.ge [sflag:s8], $0x800  }
0x327: {  	[sflag:s8] =	ssyncset.done $0x0  }
0x328: {  	s19 =	simm.s32 @p2 $0xF1;
	[sflag:s8] =	ssyncadd.s32 $0xFFFFF800  }
.LBB2_31:
0x329: {  	s0 =	simm.s32 $0x0  }
0x32a: {  	_ =	swait.ge [sflag:s29], $0x800;
	v19 =	vmov s0  }
0x32b: {  	[sflag:s29] =	ssyncset.done $0x0;
	v19 =	vshll.u32 v19, $0x7  }
0x32c: {  	s0 =	simm.s32 $0xC00;
	[sflag:s29] =	ssyncadd.s32 $0xFFFFF800;
	v19 =	vor.u32 v2, v19  }
0x32d: {  	v20 =	vld [tilespmem:s0+$0xFFFFFC00];
	v21 =	vor.u32 v1, v19;
	_ =	sdelay $0x4  }
0x32e: {  	[tilespmem:v21+s16+$0x0] =	vst.idx.msk $0xffff, v20  }
0x32f: {  	v21 =	vor.u32 v3, v19;
	v20 =	vld [tilespmem:s0+$0xFFFFFC80];
	_ =	sdelay $0x4  }
0x330: {  	[tilespmem:v21+s16+$0x0] =	vst.idx.msk $0xffff, v20  }
0x331: {  	v21 =	vor.u32 v4, v19;
	v20 =	vld [tilespmem:s0+$0xFFFFFD00];
	_ =	sdelay $0x4  }
0x332: {  	[tilespmem:v21+s16+$0x0] =	vst.idx.msk $0xffff, v20  }
0x333: {  	v21 =	vor.u32 v5, v19;
	v20 =	vld [tilespmem:s0+$0xFFFFFD80];
	_ =	sdelay $0x4  }
0x334: {  	[tilespmem:v21+s16+$0x0] =	vst.idx.msk $0xffff, v20  }
0x335: {  	v21 =	vor.u32 v6, v19;
	v20 =	vld [tilespmem:s0+$0xFFFFFE00];
	_ =	sdelay $0x4  }
0x336: {  	[tilespmem:v21+s16+$0x0] =	vst.idx.msk $0xffff, v20  }
0x337: {  	v21 =	vor.u32 v7, v19;
	v20 =	vld [tilespmem:s0+$0xFFFFFE80];
	_ =	sdelay $0x4  }
0x338: {  	[tilespmem:v21+s16+$0x0] =	vst.idx.msk $0xffff, v20  }
0x339: {  	v21 =	vor.u32 v8, v19;
	v20 =	vld [tilespmem:s0+$0xFFFFFF00];
	_ =	sdelay $0x4  }
0x33a: {  	[tilespmem:v21+s16+$0x0] =	vst.idx.msk $0xffff, v20  }
0x33b: {  	v21 =	vor.u32 v9, v19;
	v20 =	vld [tilespmem:s0+$0xFFFFFF80];
	_ =	sdelay $0x4  }
0x33c: {  	[tilespmem:v21+s16+$0x0] =	vst.idx.msk $0xffff, v20  }
0x33d: {  	v21 =	vor.u32 v10, v19;
	v20 =	vld [tilespmem:s0+$0x0];
	_ =	sdelay $0x4  }
0x33e: {  	[tilespmem:v21+s16+$0x0] =	vst.idx.msk $0xffff, v20  }
0x33f: {  	v21 =	vor.u32 v11, v19;
	v20 =	vld [tilespmem:s0+$0x80];
	_ =	sdelay $0x4  }
0x340: {  	[tilespmem:v21+s16+$0x0] =	vst.idx.msk $0xffff, v20  }
0x341: {  	v21 =	vor.u32 v12, v19;
	v20 =	vld [tilespmem:s0+$0x100];
	_ =	sdelay $0x4  }
0x342: {  	[tilespmem:v21+s16+$0x0] =	vst.idx.msk $0xffff, v20  }
0x343: {  	v21 =	vor.u32 v13, v19;
	v20 =	vld [tilespmem:s0+$0x180];
	_ =	sdelay $0x4  }
0x344: {  	[tilespmem:v21+s16+$0x0] =	vst.idx.msk $0xffff, v20  }
0x345: {  	v21 =	vor.u32 v14, v19;
	v20 =	vld [tilespmem:s0+$0x200];
	_ =	sdelay $0x4  }
0x346: {  	[tilespmem:v21+s16+$0x0] =	vst.idx.msk $0xffff, v20  }
0x347: {  	v21 =	vor.u32 v15, v19;
	v20 =	vld [tilespmem:s0+$0x280];
	_ =	sdelay $0x4  }
0x348: {  	[tilespmem:v21+s16+$0x0] =	vst.idx.msk $0xffff, v20  }
0x349: {  	v21 =	vor.u32 v16, v19;
	v20 =	vld [tilespmem:s0+$0x300];
	_ =	sdelay $0x4  }
0x34a: {  	[tilespmem:v21+s16+$0x0] =	vst.idx.msk $0xffff, v20  }
0x34b: {  	v21 =	vor.u32 v17, v19;
	v20 =	vld [tilespmem:s0+$0x380];
	_ =	sdelay $0x1  }
0x34c: {  	s18 =	simm.s32 $0x2  }
0x34d: {  	s20 =	simm.s32 $0x4;
	v19 =	vmov s18  }
.LBB2_32:
0x34e: {  	p4 =	sne.s32 s20, $0xE;
	v19 =	vshll.u32 v19, $0x7  }
0x34f: {  	s0 =	sadd.s32 $0x10, s0;
	v19 =	vor.u32 v2, v19;
	[tilespmem:v21+s16+$0x0] =	vst.idx.msk $0xffff, v20  }
0x350: {  	v20 =	vld [tilespmem:s0+$0xFFFFFC00];
	v21 =	vor.u32 v1, v19;
	_ =	sdelay $0x4  }
0x351: {  	[tilespmem:v21+s16+$0x0] =	vst.idx.msk $0xffff, v20  }
0x352: {  	v21 =	vor.u32 v3, v19;
	v20 =	vld [tilespmem:s0+$0xFFFFFC80];
	_ =	sdelay $0x4  }
0x353: {  	[tilespmem:v21+s16+$0x0] =	vst.idx.msk $0xffff, v20  }
0x354: {  	v21 =	vor.u32 v4, v19;
	v20 =	vld [tilespmem:s0+$0xFFFFFD00];
	_ =	sdelay $0x4  }
0x355: {  	[tilespmem:v21+s16+$0x0] =	vst.idx.msk $0xffff, v20  }
0x356: {  	v21 =	vor.u32 v5, v19;
	v20 =	vld [tilespmem:s0+$0xFFFFFD80];
	_ =	sdelay $0x4  }
0x357: {  	[tilespmem:v21+s16+$0x0] =	vst.idx.msk $0xffff, v20  }
0x358: {  	v21 =	vor.u32 v6, v19;
	v20 =	vld [tilespmem:s0+$0xFFFFFE00];
	_ =	sdelay $0x4  }
0x359: {  	[tilespmem:v21+s16+$0x0] =	vst.idx.msk $0xffff, v20  }
0x35a: {  	v21 =	vor.u32 v7, v19;
	v20 =	vld [tilespmem:s0+$0xFFFFFE80];
	_ =	sdelay $0x4  }
0x35b: {  	[tilespmem:v21+s16+$0x0] =	vst.idx.msk $0xffff, v20  }
0x35c: {  	v21 =	vor.u32 v8, v19;
	v20 =	vld [tilespmem:s0+$0xFFFFFF00];
	_ =	sdelay $0x4  }
0x35d: {  	[tilespmem:v21+s16+$0x0] =	vst.idx.msk $0xffff, v20  }
0x35e: {  	v21 =	vor.u32 v9, v19;
	v20 =	vld [tilespmem:s0+$0xFFFFFF80];
	_ =	sdelay $0x4  }
0x35f: {  	[tilespmem:v21+s16+$0x0] =	vst.idx.msk $0xffff, v20  }
0x360: {  	v21 =	vor.u32 v10, v19;
	v20 =	vld [tilespmem:s0+$0x0];
	_ =	sdelay $0x4  }
0x361: {  	[tilespmem:v21+s16+$0x0] =	vst.idx.msk $0xffff, v20  }
0x362: {  	v21 =	vor.u32 v11, v19;
	v20 =	vld [tilespmem:s0+$0x80];
	_ =	sdelay $0x4  }
0x363: {  	[tilespmem:v21+s16+$0x0] =	vst.idx.msk $0xffff, v20  }
0x364: {  	v21 =	vor.u32 v12, v19;
	v20 =	vld [tilespmem:s0+$0x100];
	_ =	sdelay $0x4  }
0x365: {  	[tilespmem:v21+s16+$0x0] =	vst.idx.msk $0xffff, v20  }
0x366: {  	v21 =	vor.u32 v13, v19;
	v20 =	vld [tilespmem:s0+$0x180];
	_ =	sdelay $0x4  }
0x367: {  	[tilespmem:v21+s16+$0x0] =	vst.idx.msk $0xffff, v20  }
0x368: {  	v21 =	vor.u32 v14, v19;
	v20 =	vld [tilespmem:s0+$0x200];
	_ =	sdelay $0x4  }
0x369: {  	[tilespmem:v21+s16+$0x0] =	vst.idx.msk $0xffff, v20  }
0x36a: {  	v21 =	vor.u32 v15, v19;
	v20 =	vld [tilespmem:s0+$0x280];
	_ =	sdelay $0x4  }
0x36b: {  	[tilespmem:v21+s16+$0x0] =	vst.idx.msk $0xffff, v20  }
0x36c: {  	v21 =	vor.u32 v16, v19;
	v20 =	vld [tilespmem:s0+$0x300];
	_ =	sdelay $0x4  }
.Ltmp18:
0x36d: {  	[tilespmem:v21+s16+$0x0] =	vst.idx.msk $0xffff, v20;
	(pc) =	sbr.rel @p4 .LBB2_32-.Ltmp18, $2  }
0x36e: {  	v21 =	vor.u32 v17, v19;
	v20 =	vld [tilespmem:s0+$0x380];
	_ =	sdelay $0x2  }
0x36f: {  	v19 =	vmov s20;
	s20 =	sadd.s32 $0x2, s20  }
0x370: {  	_ =	sdelay $0x2  }
0x371: {  	v19 =	vshll.u32 v19, $0x7  }
0x372: {  	s0 =	sadd.s32 $0x10, s0;
	v19 =	vor.u32 v2, v19;
	[tilespmem:v21+s16+$0x0] =	vst.idx.msk $0xffff, v20  }
0x373: {  	v20 =	vld [tilespmem:s0+$0xFFFFFC00];
	v49 =	vor.u32 v1, v19;
	_ =	sdelay $0x4  }
0x374: {  	[tilespmem:v49+s16+$0x0] =	vst.idx.msk $0xffff, v20  }
0x375: {  	v50 =	vor.u32 v3, v19;
	v20 =	vld [tilespmem:s0+$0xFFFFFC80];
	_ =	sdelay $0x4  }
0x376: {  	[tilespmem:v50+s16+$0x0] =	vst.idx.msk $0xffff, v20  }
0x377: {  	v51 =	vor.u32 v4, v19;
	v20 =	vld [tilespmem:s0+$0xFFFFFD00];
	_ =	sdelay $0x4  }
0x378: {  	[tilespmem:v51+s16+$0x0] =	vst.idx.msk $0xffff, v20  }
0x379: {  	v52 =	vor.u32 v5, v19;
	v20 =	vld [tilespmem:s0+$0xFFFFFD80];
	_ =	sdelay $0x4  }
0x37a: {  	[tilespmem:v52+s16+$0x0] =	vst.idx.msk $0xffff, v20  }
0x37b: {  	v53 =	vor.u32 v6, v19;
	v20 =	vld [tilespmem:s0+$0xFFFFFE00];
	_ =	sdelay $0x4  }
0x37c: {  	[tilespmem:v53+s16+$0x0] =	vst.idx.msk $0xffff, v20  }
0x37d: {  	v54 =	vor.u32 v7, v19;
	v20 =	vld [tilespmem:s0+$0xFFFFFE80];
	_ =	sdelay $0x4  }
0x37e: {  	[tilespmem:v54+s16+$0x0] =	vst.idx.msk $0xffff, v20  }
0x37f: {  	v55 =	vor.u32 v8, v19;
	v20 =	vld [tilespmem:s0+$0xFFFFFF00];
	_ =	sdelay $0x4  }
0x380: {  	[tilespmem:v55+s16+$0x0] =	vst.idx.msk $0xffff, v20  }
0x381: {  	v56 =	vor.u32 v9, v19;
	v20 =	vld [tilespmem:s0+$0xFFFFFF80];
	_ =	sdelay $0x4  }
0x382: {  	[tilespmem:v56+s16+$0x0] =	vst.idx.msk $0xffff, v20  }
0x383: {  	v57 =	vor.u32 v10, v19;
	v20 =	vld [tilespmem:s0+$0x0];
	_ =	sdelay $0x4  }
0x384: {  	[tilespmem:v57+s16+$0x0] =	vst.idx.msk $0xffff, v20  }
0x385: {  	v58 =	vor.u32 v11, v19;
	v20 =	vld [tilespmem:s0+$0x80];
	_ =	sdelay $0x4  }
0x386: {  	[tilespmem:v58+s16+$0x0] =	vst.idx.msk $0xffff, v20  }
0x387: {  	v59 =	vor.u32 v12, v19;
	v20 =	vld [tilespmem:s0+$0x100];
	_ =	sdelay $0x4  }
0x388: {  	[tilespmem:v59+s16+$0x0] =	vst.idx.msk $0xffff, v20  }
0x389: {  	v60 =	vor.u32 v13, v19;
	v20 =	vld [tilespmem:s0+$0x180];
	_ =	sdelay $0x4  }
0x38a: {  	[tilespmem:v60+s16+$0x0] =	vst.idx.msk $0xffff, v20  }
0x38b: {  	v61 =	vor.u32 v14, v19;
	v20 =	vld [tilespmem:s0+$0x200];
	_ =	sdelay $0x4  }
0x38c: {  	[tilespmem:v61+s16+$0x0] =	vst.idx.msk $0xffff, v20  }
0x38d: {  	v62 =	vor.u32 v15, v19;
	v20 =	vld [tilespmem:s0+$0x280];
	_ =	sdelay $0x4  }
0x38e: {  	[tilespmem:v62+s16+$0x0] =	vst.idx.msk $0xffff, v20  }
0x38f: {  	v63 =	vor.u32 v16, v19;
	v20 =	vld [tilespmem:s0+$0x300];
	_ =	sdelay $0x4  }
0x390: {  	[tilespmem:v63+s16+$0x0] =	vst.idx.msk $0xffff, v20  }
0x391: {  	v19 =	vor.u32 v17, v19;
	v20 =	vld [tilespmem:s0+$0x380];
	_ =	sdelay $0x1  }
0x392: {  	s20 =	sadd.s32 s7, s19  }
0x393: {  	s0 =	sshll.u32 s20, $0x8  }
0x394: {  	s0 =	sand.u32 $0x1FFFFD00, s0  }
0x395: {  	s0 =	sadd.s32 s5, s0;
	[tilespmem:v19+s16+$0x0] =	vst.idx.msk $0xffff, v20  }
0x396: {  	[hbm4b:s0+s6] =	stream.linear.scatter [tilespmem:s16], [sflag:$0x6], $0x800, $0x38;
	[tilespmem:$0x4800] =	vst v63  }
0x397: {  	s0 =	sadd.s32 @!p2 s25, s13  }
.Ltmp19:
0x398: {  	s0 =	sshll.u32 @!p2 s0, $0x7;
	(pc) =	sbr.rel @!p3 .LBB2_35-.Ltmp19, $4  }
0x399: {  	s18 =	simm.s32 @!p2 $0x400;
	s0 =	sand.u32 @!p2 $0x1FFFFE80, s0  }
0x39a: {  	s19 =	simm.s32 @!p2 $0x7A1400;
	s20 =	simm.s32 @!p2 $0x800;
	s0 =	sadd.s32 @!p2 s2, s0  }
0x39b: {  	[tilespmem:s20], [sflag:$0x2] =	stream.strided.gather @!p2 [hbm4b:s0+s18], $0x800, s19, s18, $0x38;
	[tilespmem:$0x4800] =	vst v63  }
0x39c: {  	s19 =	sor.u32 @!p2 $0x2, s25  }
0x39d: {  	_ =	swait.ge [sflag:s9], $0x800  }
0x39e: {  	[sflag:s9] =	ssyncset.done $0x0  }
0x39f: {  	s19 =	simm.s32 @p2 $0xF2;
	[sflag:s9] =	ssyncadd.s32 $0xFFFFF800  }
.LBB2_35:
0x3a0: {  	s0 =	simm.s32 $0x0  }
0x3a1: {  	_ =	swait.ge [sflag:s17], $0x800;
	v19 =	vmov s0  }
0x3a2: {  	[sflag:s17] =	ssyncset.done $0x0;
	v19 =	vshll.u32 v19, $0x7  }
0x3a3: {  	s0 =	simm.s32 $0x1400;
	[sflag:s17] =	ssyncadd.s32 $0xFFFFF800;
	v19 =	vor.u32 v2, v19  }
0x3a4: {  	v20 =	vld [tilespmem:s0+$0xFFFFFC00];
	v21 =	vor.u32 v1, v19;
	_ =	sdelay $0x4  }
0x3a5: {  	[tilespmem:v21+s23+$0x0] =	vst.idx.msk $0xffff, v20  }
0x3a6: {  	v21 =	vor.u32 v3, v19;
	v20 =	vld [tilespmem:s0+$0xFFFFFC80];
	_ =	sdelay $0x4  }
0x3a7: {  	[tilespmem:v21+s23+$0x0] =	vst.idx.msk $0xffff, v20  }
0x3a8: {  	v21 =	vor.u32 v4, v19;
	v20 =	vld [tilespmem:s0+$0xFFFFFD00];
	_ =	sdelay $0x4  }
0x3a9: {  	[tilespmem:v21+s23+$0x0] =	vst.idx.msk $0xffff, v20  }
0x3aa: {  	v21 =	vor.u32 v5, v19;
	v20 =	vld [tilespmem:s0+$0xFFFFFD80];
	_ =	sdelay $0x4  }
0x3ab: {  	[tilespmem:v21+s23+$0x0] =	vst.idx.msk $0xffff, v20  }
0x3ac: {  	v21 =	vor.u32 v6, v19;
	v20 =	vld [tilespmem:s0+$0xFFFFFE00];
	_ =	sdelay $0x4  }
0x3ad: {  	[tilespmem:v21+s23+$0x0] =	vst.idx.msk $0xffff, v20  }
0x3ae: {  	v21 =	vor.u32 v7, v19;
	v20 =	vld [tilespmem:s0+$0xFFFFFE80];
	_ =	sdelay $0x4  }
0x3af: {  	[tilespmem:v21+s23+$0x0] =	vst.idx.msk $0xffff, v20  }
0x3b0: {  	v21 =	vor.u32 v8, v19;
	v20 =	vld [tilespmem:s0+$0xFFFFFF00];
	_ =	sdelay $0x4  }
0x3b1: {  	[tilespmem:v21+s23+$0x0] =	vst.idx.msk $0xffff, v20  }
0x3b2: {  	v21 =	vor.u32 v9, v19;
	v20 =	vld [tilespmem:s0+$0xFFFFFF80];
	_ =	sdelay $0x4  }
0x3b3: {  	[tilespmem:v21+s23+$0x0] =	vst.idx.msk $0xffff, v20  }
0x3b4: {  	v21 =	vor.u32 v10, v19;
	v20 =	vld [tilespmem:s0+$0x0];
	_ =	sdelay $0x4  }
0x3b5: {  	[tilespmem:v21+s23+$0x0] =	vst.idx.msk $0xffff, v20  }
0x3b6: {  	v21 =	vor.u32 v11, v19;
	v20 =	vld [tilespmem:s0+$0x80];
	_ =	sdelay $0x4  }
0x3b7: {  	[tilespmem:v21+s23+$0x0] =	vst.idx.msk $0xffff, v20  }
0x3b8: {  	v21 =	vor.u32 v12, v19;
	v20 =	vld [tilespmem:s0+$0x100];
	_ =	sdelay $0x4  }
0x3b9: {  	[tilespmem:v21+s23+$0x0] =	vst.idx.msk $0xffff, v20  }
0x3ba: {  	v21 =	vor.u32 v13, v19;
	v20 =	vld [tilespmem:s0+$0x180];
	_ =	sdelay $0x4  }
0x3bb: {  	[tilespmem:v21+s23+$0x0] =	vst.idx.msk $0xffff, v20  }
0x3bc: {  	v21 =	vor.u32 v14, v19;
	v20 =	vld [tilespmem:s0+$0x200];
	_ =	sdelay $0x4  }
0x3bd: {  	[tilespmem:v21+s23+$0x0] =	vst.idx.msk $0xffff, v20  }
0x3be: {  	v21 =	vor.u32 v15, v19;
	v20 =	vld [tilespmem:s0+$0x280];
	_ =	sdelay $0x4  }
0x3bf: {  	[tilespmem:v21+s23+$0x0] =	vst.idx.msk $0xffff, v20  }
0x3c0: {  	v21 =	vor.u32 v16, v19;
	v20 =	vld [tilespmem:s0+$0x300];
	_ =	sdelay $0x4  }
0x3c1: {  	[tilespmem:v21+s23+$0x0] =	vst.idx.msk $0xffff, v20  }
0x3c2: {  	v21 =	vor.u32 v17, v19;
	v20 =	vld [tilespmem:s0+$0x380];
	_ =	sdelay $0x1  }
0x3c3: {  	s18 =	simm.s32 $0x2  }
0x3c4: {  	s20 =	simm.s32 $0x4;
	v19 =	vmov s18  }
.LBB2_36:
0x3c5: {  	p4 =	sne.s32 s20, $0xE;
	v19 =	vshll.u32 v19, $0x7  }
0x3c6: {  	s0 =	sadd.s32 $0x10, s0;
	v19 =	vor.u32 v2, v19;
	[tilespmem:v21+s23+$0x0] =	vst.idx.msk $0xffff, v20  }
0x3c7: {  	v20 =	vld [tilespmem:s0+$0xFFFFFC00];
	v21 =	vor.u32 v1, v19;
	_ =	sdelay $0x4  }
0x3c8: {  	[tilespmem:v21+s23+$0x0] =	vst.idx.msk $0xffff, v20  }
0x3c9: {  	v21 =	vor.u32 v3, v19;
	v20 =	vld [tilespmem:s0+$0xFFFFFC80];
	_ =	sdelay $0x4  }
0x3ca: {  	[tilespmem:v21+s23+$0x0] =	vst.idx.msk $0xffff, v20  }
0x3cb: {  	v21 =	vor.u32 v4, v19;
	v20 =	vld [tilespmem:s0+$0xFFFFFD00];
	_ =	sdelay $0x4  }
0x3cc: {  	[tilespmem:v21+s23+$0x0] =	vst.idx.msk $0xffff, v20  }
0x3cd: {  	v21 =	vor.u32 v5, v19;
	v20 =	vld [tilespmem:s0+$0xFFFFFD80];
	_ =	sdelay $0x4  }
0x3ce: {  	[tilespmem:v21+s23+$0x0] =	vst.idx.msk $0xffff, v20  }
0x3cf: {  	v21 =	vor.u32 v6, v19;
	v20 =	vld [tilespmem:s0+$0xFFFFFE00];
	_ =	sdelay $0x4  }
0x3d0: {  	[tilespmem:v21+s23+$0x0] =	vst.idx.msk $0xffff, v20  }
0x3d1: {  	v21 =	vor.u32 v7, v19;
	v20 =	vld [tilespmem:s0+$0xFFFFFE80];
	_ =	sdelay $0x4  }
0x3d2: {  	[tilespmem:v21+s23+$0x0] =	vst.idx.msk $0xffff, v20  }
0x3d3: {  	v21 =	vor.u32 v8, v19;
	v20 =	vld [tilespmem:s0+$0xFFFFFF00];
	_ =	sdelay $0x4  }
0x3d4: {  	[tilespmem:v21+s23+$0x0] =	vst.idx.msk $0xffff, v20  }
0x3d5: {  	v21 =	vor.u32 v9, v19;
	v20 =	vld [tilespmem:s0+$0xFFFFFF80];
	_ =	sdelay $0x4  }
0x3d6: {  	[tilespmem:v21+s23+$0x0] =	vst.idx.msk $0xffff, v20  }
0x3d7: {  	v21 =	vor.u32 v10, v19;
	v20 =	vld [tilespmem:s0+$0x0];
	_ =	sdelay $0x4  }
0x3d8: {  	[tilespmem:v21+s23+$0x0] =	vst.idx.msk $0xffff, v20  }
0x3d9: {  	v21 =	vor.u32 v11, v19;
	v20 =	vld [tilespmem:s0+$0x80];
	_ =	sdelay $0x4  }
0x3da: {  	[tilespmem:v21+s23+$0x0] =	vst.idx.msk $0xffff, v20  }
0x3db: {  	v21 =	vor.u32 v12, v19;
	v20 =	vld [tilespmem:s0+$0x100];
	_ =	sdelay $0x4  }
0x3dc: {  	[tilespmem:v21+s23+$0x0] =	vst.idx.msk $0xffff, v20  }
0x3dd: {  	v21 =	vor.u32 v13, v19;
	v20 =	vld [tilespmem:s0+$0x180];
	_ =	sdelay $0x4  }
0x3de: {  	[tilespmem:v21+s23+$0x0] =	vst.idx.msk $0xffff, v20  }
0x3df: {  	v21 =	vor.u32 v14, v19;
	v20 =	vld [tilespmem:s0+$0x200];
	_ =	sdelay $0x4  }
0x3e0: {  	[tilespmem:v21+s23+$0x0] =	vst.idx.msk $0xffff, v20  }
0x3e1: {  	v21 =	vor.u32 v15, v19;
	v20 =	vld [tilespmem:s0+$0x280];
	_ =	sdelay $0x4  }
0x3e2: {  	[tilespmem:v21+s23+$0x0] =	vst.idx.msk $0xffff, v20  }
0x3e3: {  	v21 =	vor.u32 v16, v19;
	v20 =	vld [tilespmem:s0+$0x300];
	_ =	sdelay $0x4  }
.Ltmp20:
0x3e4: {  	[tilespmem:v21+s23+$0x0] =	vst.idx.msk $0xffff, v20;
	(pc) =	sbr.rel @p4 .LBB2_36-.Ltmp20, $2  }
0x3e5: {  	v21 =	vor.u32 v17, v19;
	v20 =	vld [tilespmem:s0+$0x380];
	_ =	sdelay $0x2  }
0x3e6: {  	v19 =	vmov s20;
	s20 =	sadd.s32 $0x2, s20  }
0x3e7: {  	_ =	sdelay $0x2  }
0x3e8: {  	v19 =	vshll.u32 v19, $0x7  }
0x3e9: {  	s0 =	sadd.s32 $0x10, s0;
	v19 =	vor.u32 v2, v19;
	[tilespmem:v21+s23+$0x0] =	vst.idx.msk $0xffff, v20  }
0x3ea: {  	v20 =	vld [tilespmem:s0+$0xFFFFFC00];
	v49 =	vor.u32 v1, v19;
	_ =	sdelay $0x4  }
0x3eb: {  	[tilespmem:v49+s23+$0x0] =	vst.idx.msk $0xffff, v20  }
0x3ec: {  	v50 =	vor.u32 v3, v19;
	v20 =	vld [tilespmem:s0+$0xFFFFFC80];
	_ =	sdelay $0x4  }
0x3ed: {  	[tilespmem:v50+s23+$0x0] =	vst.idx.msk $0xffff, v20  }
0x3ee: {  	v51 =	vor.u32 v4, v19;
	v20 =	vld [tilespmem:s0+$0xFFFFFD00];
	_ =	sdelay $0x4  }
0x3ef: {  	[tilespmem:v51+s23+$0x0] =	vst.idx.msk $0xffff, v20  }
0x3f0: {  	v52 =	vor.u32 v5, v19;
	v20 =	vld [tilespmem:s0+$0xFFFFFD80];
	_ =	sdelay $0x4  }
0x3f1: {  	[tilespmem:v52+s23+$0x0] =	vst.idx.msk $0xffff, v20  }
0x3f2: {  	v53 =	vor.u32 v6, v19;
	v20 =	vld [tilespmem:s0+$0xFFFFFE00];
	_ =	sdelay $0x4  }
0x3f3: {  	[tilespmem:v53+s23+$0x0] =	vst.idx.msk $0xffff, v20  }
0x3f4: {  	v54 =	vor.u32 v7, v19;
	v20 =	vld [tilespmem:s0+$0xFFFFFE80];
	_ =	sdelay $0x4  }
0x3f5: {  	[tilespmem:v54+s23+$0x0] =	vst.idx.msk $0xffff, v20  }
0x3f6: {  	v55 =	vor.u32 v8, v19;
	v20 =	vld [tilespmem:s0+$0xFFFFFF00];
	_ =	sdelay $0x4  }
0x3f7: {  	[tilespmem:v55+s23+$0x0] =	vst.idx.msk $0xffff, v20  }
0x3f8: {  	v56 =	vor.u32 v9, v19;
	v20 =	vld [tilespmem:s0+$0xFFFFFF80];
	_ =	sdelay $0x4  }
0x3f9: {  	[tilespmem:v56+s23+$0x0] =	vst.idx.msk $0xffff, v20  }
0x3fa: {  	v57 =	vor.u32 v10, v19;
	v20 =	vld [tilespmem:s0+$0x0];
	_ =	sdelay $0x4  }
0x3fb: {  	[tilespmem:v57+s23+$0x0] =	vst.idx.msk $0xffff, v20  }
0x3fc: {  	v58 =	vor.u32 v11, v19;
	v20 =	vld [tilespmem:s0+$0x80];
	_ =	sdelay $0x4  }
0x3fd: {  	[tilespmem:v58+s23+$0x0] =	vst.idx.msk $0xffff, v20  }
0x3fe: {  	v59 =	vor.u32 v12, v19;
	v20 =	vld [tilespmem:s0+$0x100];
	_ =	sdelay $0x4  }
0x3ff: {  	[tilespmem:v59+s23+$0x0] =	vst.idx.msk $0xffff, v20  }
0x400: {  	v60 =	vor.u32 v13, v19;
	v20 =	vld [tilespmem:s0+$0x180];
	_ =	sdelay $0x4  }
0x401: {  	[tilespmem:v60+s23+$0x0] =	vst.idx.msk $0xffff, v20  }
0x402: {  	v61 =	vor.u32 v14, v19;
	v20 =	vld [tilespmem:s0+$0x200];
	_ =	sdelay $0x4  }
0x403: {  	[tilespmem:v61+s23+$0x0] =	vst.idx.msk $0xffff, v20  }
0x404: {  	v62 =	vor.u32 v15, v19;
	v20 =	vld [tilespmem:s0+$0x280];
	_ =	sdelay $0x4  }
0x405: {  	[tilespmem:v62+s23+$0x0] =	vst.idx.msk $0xffff, v20  }
0x406: {  	v63 =	vor.u32 v16, v19;
	v20 =	vld [tilespmem:s0+$0x300];
	_ =	sdelay $0x4  }
0x407: {  	[tilespmem:v63+s23+$0x0] =	vst.idx.msk $0xffff, v20  }
0x408: {  	v19 =	vor.u32 v17, v19;
	v20 =	vld [tilespmem:s0+$0x380];
	_ =	sdelay $0x1  }
0x409: {  	s20 =	sadd.s32 s7, s19  }
0x40a: {  	s0 =	sshll.u32 s20, $0x8  }
0x40b: {  	s0 =	sand.u32 $0x1FFFFE00, s0  }
0x40c: {  	s0 =	sadd.s32 s5, s0;
	[tilespmem:v19+s23+$0x0] =	vst.idx.msk $0xffff, v20  }
0x40d: {  	[hbm4b:s0+s6] =	stream.linear.scatter [tilespmem:s23], [sflag:$0x7], $0x800, $0x38;
	[tilespmem:$0x4800] =	vst v63  }
0x40e: {  	s0 =	sadd.s32 @!p2 s25, s14  }
.Ltmp21:
0x40f: {  	s0 =	sshll.u32 @!p2 s0, $0x7;
	(pc) =	sbr.rel @!p3 .LBB2_39-.Ltmp21, $4  }
0x410: {  	s18 =	simm.s32 @!p2 $0x400;
	s0 =	sand.u32 @!p2 $0x1FFFFF00, s0  }
0x411: {  	s19 =	simm.s32 @!p2 $0x7A1400;
	s20 =	simm.s32 @!p2 $0x1000;
	s0 =	sadd.s32 @!p2 s2, s0  }
0x412: {  	[tilespmem:s20], [sflag:$0x3] =	stream.strided.gather @!p2 [hbm4b:s0+s18], $0x800, s19, s18, $0x38;
	[tilespmem:$0x4800] =	vst v63  }
0x413: {  	s19 =	sor.u32 @!p2 $0x3, s25  }
0x414: {  	_ =	swait.ge [sflag:s10], $0x800  }
0x415: {  	[sflag:s10] =	ssyncset.done $0x0  }
0x416: {  	s19 =	simm.s32 @p2 $0xF3;
	[sflag:s10] =	ssyncadd.s32 $0xFFFFF800  }
.LBB2_39:
0x417: {  	s0 =	simm.s32 $0x0  }
0x418: {  	_ =	swait.ge [sflag:s24], $0x800;
	v19 =	vmov s0  }
0x419: {  	[sflag:s24] =	ssyncset.done $0x0;
	v19 =	vshll.u32 v19, $0x7  }
0x41a: {  	s0 =	simm.s32 $0x1C00;
	[sflag:s24] =	ssyncadd.s32 $0xFFFFF800;
	v19 =	vor.u32 v2, v19  }
0x41b: {  	v20 =	vld [tilespmem:s0+$0xFFFFFC00];
	v21 =	vor.u32 v1, v19;
	_ =	sdelay $0x4  }
0x41c: {  	[tilespmem:v21+s3+$0x0] =	vst.idx.msk $0xffff, v20  }
0x41d: {  	v21 =	vor.u32 v3, v19;
	v20 =	vld [tilespmem:s0+$0xFFFFFC80];
	_ =	sdelay $0x4  }
0x41e: {  	[tilespmem:v21+s3+$0x0] =	vst.idx.msk $0xffff, v20  }
0x41f: {  	v21 =	vor.u32 v4, v19;
	v20 =	vld [tilespmem:s0+$0xFFFFFD00];
	_ =	sdelay $0x4  }
0x420: {  	[tilespmem:v21+s3+$0x0] =	vst.idx.msk $0xffff, v20  }
0x421: {  	v21 =	vor.u32 v5, v19;
	v20 =	vld [tilespmem:s0+$0xFFFFFD80];
	_ =	sdelay $0x4  }
0x422: {  	[tilespmem:v21+s3+$0x0] =	vst.idx.msk $0xffff, v20  }
0x423: {  	v21 =	vor.u32 v6, v19;
	v20 =	vld [tilespmem:s0+$0xFFFFFE00];
	_ =	sdelay $0x4  }
0x424: {  	[tilespmem:v21+s3+$0x0] =	vst.idx.msk $0xffff, v20  }
0x425: {  	v21 =	vor.u32 v7, v19;
	v20 =	vld [tilespmem:s0+$0xFFFFFE80];
	_ =	sdelay $0x4  }
0x426: {  	[tilespmem:v21+s3+$0x0] =	vst.idx.msk $0xffff, v20  }
0x427: {  	v21 =	vor.u32 v8, v19;
	v20 =	vld [tilespmem:s0+$0xFFFFFF00];
	_ =	sdelay $0x4  }
0x428: {  	[tilespmem:v21+s3+$0x0] =	vst.idx.msk $0xffff, v20  }
0x429: {  	v21 =	vor.u32 v9, v19;
	v20 =	vld [tilespmem:s0+$0xFFFFFF80];
	_ =	sdelay $0x4  }
0x42a: {  	[tilespmem:v21+s3+$0x0] =	vst.idx.msk $0xffff, v20  }
0x42b: {  	v21 =	vor.u32 v10, v19;
	v20 =	vld [tilespmem:s0+$0x0];
	_ =	sdelay $0x4  }
0x42c: {  	[tilespmem:v21+s3+$0x0] =	vst.idx.msk $0xffff, v20  }
0x42d: {  	v21 =	vor.u32 v11, v19;
	v20 =	vld [tilespmem:s0+$0x80];
	_ =	sdelay $0x4  }
0x42e: {  	[tilespmem:v21+s3+$0x0] =	vst.idx.msk $0xffff, v20  }
0x42f: {  	v21 =	vor.u32 v12, v19;
	v20 =	vld [tilespmem:s0+$0x100];
	_ =	sdelay $0x4  }
0x430: {  	[tilespmem:v21+s3+$0x0] =	vst.idx.msk $0xffff, v20  }
0x431: {  	v21 =	vor.u32 v13, v19;
	v20 =	vld [tilespmem:s0+$0x180];
	_ =	sdelay $0x4  }
0x432: {  	[tilespmem:v21+s3+$0x0] =	vst.idx.msk $0xffff, v20  }
0x433: {  	v21 =	vor.u32 v14, v19;
	v20 =	vld [tilespmem:s0+$0x200];
	_ =	sdelay $0x4  }
0x434: {  	[tilespmem:v21+s3+$0x0] =	vst.idx.msk $0xffff, v20  }
0x435: {  	v21 =	vor.u32 v15, v19;
	v20 =	vld [tilespmem:s0+$0x280];
	_ =	sdelay $0x4  }
0x436: {  	[tilespmem:v21+s3+$0x0] =	vst.idx.msk $0xffff, v20  }
0x437: {  	v21 =	vor.u32 v16, v19;
	v20 =	vld [tilespmem:s0+$0x300];
	_ =	sdelay $0x4  }
0x438: {  	[tilespmem:v21+s3+$0x0] =	vst.idx.msk $0xffff, v20  }
0x439: {  	v21 =	vor.u32 v17, v19;
	v20 =	vld [tilespmem:s0+$0x380];
	_ =	sdelay $0x1  }
0x43a: {  	s18 =	simm.s32 $0x2  }
0x43b: {  	s20 =	simm.s32 $0x4;
	v19 =	vmov s18  }
.LBB2_40:
0x43c: {  	p3 =	sne.s32 s20, $0xE;
	v19 =	vshll.u32 v19, $0x7  }
0x43d: {  	s0 =	sadd.s32 $0x10, s0;
	v19 =	vor.u32 v2, v19;
	[tilespmem:v21+s3+$0x0] =	vst.idx.msk $0xffff, v20  }
0x43e: {  	v20 =	vld [tilespmem:s0+$0xFFFFFC00];
	v21 =	vor.u32 v1, v19;
	_ =	sdelay $0x4  }
0x43f: {  	[tilespmem:v21+s3+$0x0] =	vst.idx.msk $0xffff, v20  }
0x440: {  	v21 =	vor.u32 v3, v19;
	v20 =	vld [tilespmem:s0+$0xFFFFFC80];
	_ =	sdelay $0x4  }
0x441: {  	[tilespmem:v21+s3+$0x0] =	vst.idx.msk $0xffff, v20  }
0x442: {  	v21 =	vor.u32 v4, v19;
	v20 =	vld [tilespmem:s0+$0xFFFFFD00];
	_ =	sdelay $0x4  }
0x443: {  	[tilespmem:v21+s3+$0x0] =	vst.idx.msk $0xffff, v20  }
0x444: {  	v21 =	vor.u32 v5, v19;
	v20 =	vld [tilespmem:s0+$0xFFFFFD80];
	_ =	sdelay $0x4  }
0x445: {  	[tilespmem:v21+s3+$0x0] =	vst.idx.msk $0xffff, v20  }
0x446: {  	v21 =	vor.u32 v6, v19;
	v20 =	vld [tilespmem:s0+$0xFFFFFE00];
	_ =	sdelay $0x4  }
0x447: {  	[tilespmem:v21+s3+$0x0] =	vst.idx.msk $0xffff, v20  }
0x448: {  	v21 =	vor.u32 v7, v19;
	v20 =	vld [tilespmem:s0+$0xFFFFFE80];
	_ =	sdelay $0x4  }
0x449: {  	[tilespmem:v21+s3+$0x0] =	vst.idx.msk $0xffff, v20  }
0x44a: {  	v21 =	vor.u32 v8, v19;
	v20 =	vld [tilespmem:s0+$0xFFFFFF00];
	_ =	sdelay $0x4  }
0x44b: {  	[tilespmem:v21+s3+$0x0] =	vst.idx.msk $0xffff, v20  }
0x44c: {  	v21 =	vor.u32 v9, v19;
	v20 =	vld [tilespmem:s0+$0xFFFFFF80];
	_ =	sdelay $0x4  }
0x44d: {  	[tilespmem:v21+s3+$0x0] =	vst.idx.msk $0xffff, v20  }
0x44e: {  	v21 =	vor.u32 v10, v19;
	v20 =	vld [tilespmem:s0+$0x0];
	_ =	sdelay $0x4  }
0x44f: {  	[tilespmem:v21+s3+$0x0] =	vst.idx.msk $0xffff, v20  }
0x450: {  	v21 =	vor.u32 v11, v19;
	v20 =	vld [tilespmem:s0+$0x80];
	_ =	sdelay $0x4  }
0x451: {  	[tilespmem:v21+s3+$0x0] =	vst.idx.msk $0xffff, v20  }
0x452: {  	v21 =	vor.u32 v12, v19;
	v20 =	vld [tilespmem:s0+$0x100];
	_ =	sdelay $0x4  }
0x453: {  	[tilespmem:v21+s3+$0x0] =	vst.idx.msk $0xffff, v20  }
0x454: {  	v21 =	vor.u32 v13, v19;
	v20 =	vld [tilespmem:s0+$0x180];
	_ =	sdelay $0x4  }
0x455: {  	[tilespmem:v21+s3+$0x0] =	vst.idx.msk $0xffff, v20  }
0x456: {  	v21 =	vor.u32 v14, v19;
	v20 =	vld [tilespmem:s0+$0x200];
	_ =	sdelay $0x4  }
0x457: {  	[tilespmem:v21+s3+$0x0] =	vst.idx.msk $0xffff, v20  }
0x458: {  	v21 =	vor.u32 v15, v19;
	v20 =	vld [tilespmem:s0+$0x280];
	_ =	sdelay $0x4  }
0x459: {  	[tilespmem:v21+s3+$0x0] =	vst.idx.msk $0xffff, v20  }
0x45a: {  	v21 =	vor.u32 v16, v19;
	v20 =	vld [tilespmem:s0+$0x300];
	_ =	sdelay $0x4  }
.Ltmp22:
0x45b: {  	[tilespmem:v21+s3+$0x0] =	vst.idx.msk $0xffff, v20;
	(pc) =	sbr.rel @p3 .LBB2_40-.Ltmp22, $2  }
0x45c: {  	v21 =	vor.u32 v17, v19;
	v20 =	vld [tilespmem:s0+$0x380];
	_ =	sdelay $0x2  }
0x45d: {  	v19 =	vmov s20;
	s20 =	sadd.s32 $0x2, s20  }
0x45e: {  	_ =	sdelay $0x2  }
0x45f: {  	v19 =	vshll.u32 v19, $0x7  }
0x460: {  	s0 =	sadd.s32 $0x10, s0;
	v19 =	vor.u32 v2, v19;
	[tilespmem:v21+s3+$0x0] =	vst.idx.msk $0xffff, v20  }
0x461: {  	v20 =	vld [tilespmem:s0+$0xFFFFFC00];
	v49 =	vor.u32 v1, v19;
	_ =	sdelay $0x4  }
0x462: {  	[tilespmem:v49+s3+$0x0] =	vst.idx.msk $0xffff, v20  }
0x463: {  	v50 =	vor.u32 v3, v19;
	v20 =	vld [tilespmem:s0+$0xFFFFFC80];
	_ =	sdelay $0x4  }
0x464: {  	[tilespmem:v50+s3+$0x0] =	vst.idx.msk $0xffff, v20  }
0x465: {  	v51 =	vor.u32 v4, v19;
	v20 =	vld [tilespmem:s0+$0xFFFFFD00];
	_ =	sdelay $0x4  }
0x466: {  	[tilespmem:v51+s3+$0x0] =	vst.idx.msk $0xffff, v20  }
0x467: {  	v52 =	vor.u32 v5, v19;
	v20 =	vld [tilespmem:s0+$0xFFFFFD80];
	_ =	sdelay $0x4  }
0x468: {  	[tilespmem:v52+s3+$0x0] =	vst.idx.msk $0xffff, v20  }
0x469: {  	v53 =	vor.u32 v6, v19;
	v20 =	vld [tilespmem:s0+$0xFFFFFE00];
	_ =	sdelay $0x4  }
0x46a: {  	[tilespmem:v53+s3+$0x0] =	vst.idx.msk $0xffff, v20  }
0x46b: {  	v54 =	vor.u32 v7, v19;
	v20 =	vld [tilespmem:s0+$0xFFFFFE80];
	_ =	sdelay $0x4  }
0x46c: {  	[tilespmem:v54+s3+$0x0] =	vst.idx.msk $0xffff, v20  }
0x46d: {  	v55 =	vor.u32 v8, v19;
	v20 =	vld [tilespmem:s0+$0xFFFFFF00];
	_ =	sdelay $0x4  }
0x46e: {  	[tilespmem:v55+s3+$0x0] =	vst.idx.msk $0xffff, v20  }
0x46f: {  	v56 =	vor.u32 v9, v19;
	v20 =	vld [tilespmem:s0+$0xFFFFFF80];
	_ =	sdelay $0x4  }
0x470: {  	[tilespmem:v56+s3+$0x0] =	vst.idx.msk $0xffff, v20  }
0x471: {  	v57 =	vor.u32 v10, v19;
	v20 =	vld [tilespmem:s0+$0x0];
	_ =	sdelay $0x4  }
0x472: {  	[tilespmem:v57+s3+$0x0] =	vst.idx.msk $0xffff, v20  }
0x473: {  	v58 =	vor.u32 v11, v19;
	v20 =	vld [tilespmem:s0+$0x80];
	_ =	sdelay $0x4  }
0x474: {  	[tilespmem:v58+s3+$0x0] =	vst.idx.msk $0xffff, v20  }
0x475: {  	v59 =	vor.u32 v12, v19;
	v20 =	vld [tilespmem:s0+$0x100];
	_ =	sdelay $0x4  }
0x476: {  	[tilespmem:v59+s3+$0x0] =	vst.idx.msk $0xffff, v20  }
0x477: {  	v60 =	vor.u32 v13, v19;
	v20 =	vld [tilespmem:s0+$0x180];
	_ =	sdelay $0x4  }
0x478: {  	[tilespmem:v60+s3+$0x0] =	vst.idx.msk $0xffff, v20  }
0x479: {  	v61 =	vor.u32 v14, v19;
	v20 =	vld [tilespmem:s0+$0x200];
	_ =	sdelay $0x4  }
0x47a: {  	[tilespmem:v61+s3+$0x0] =	vst.idx.msk $0xffff, v20  }
0x47b: {  	v62 =	vor.u32 v15, v19;
	v20 =	vld [tilespmem:s0+$0x280];
	_ =	sdelay $0x4  }
0x47c: {  	[tilespmem:v62+s3+$0x0] =	vst.idx.msk $0xffff, v20  }
0x47d: {  	v63 =	vor.u32 v16, v19;
	v20 =	vld [tilespmem:s0+$0x300];
	_ =	sdelay $0x4  }
0x47e: {  	[tilespmem:v63+s3+$0x0] =	vst.idx.msk $0xffff, v20  }
0x47f: {  	v19 =	vor.u32 v17, v19;
	v20 =	vld [tilespmem:s0+$0x380];
	_ =	sdelay $0x1  }
.Ltmp23:
0x480: {  	s20 =	sadd.s32 s7, s19;
	(pc) =	sbr.rel @p2 .LBB2_43-.Ltmp23, $4  }
0x481: {  	s0 =	sshll.u32 s20, $0x8  }
0x482: {  	s0 =	sand.u32 $0x1FFFFF00, s0  }
0x483: {  	s0 =	sadd.s32 s5, s0;
	[tilespmem:v19+s3+$0x0] =	vst.idx.msk $0xffff, v20  }
0x484: {  	[hbm4b:s0+s6] =	stream.linear.scatter [tilespmem:s3], [sflag:$0x8], $0x800, $0x38;
	[tilespmem:$0x4800] =	vst v63  }
.Ltmp24:
0x485: {  	s0 =	sadd.s32 s25, s15;
	(pc) =	sbr.rel .LBB2_27-.Ltmp24, $4  }
0x486: {  	s0 =	sshll.u32 s0, $0x7  }
0x487: {  	s0 =	sand.u32 $0x1FFFFF80, s0  }
0x488: {  	s18 =	simm.s32 $0x1800;
	s22 =	sadd.s32 $0x1, s22;
	s0 =	sadd.s32 s2, s0  }
0x489: {  	[tilespmem:s18], [sflag:$0x4] =	stream.strided.gather [hbm4b:s0+s30], $0x800, s31, s30, $0x38;
	[tilespmem:$0x4800] =	vst v63  }
.LBB2_43:
0x48a: {  	s0 =	simm.s32 $0x5  }
0x48b: {  	_ =	swait.ge [sflag:s0], $0x800  }
0x48c: {  	[sflag:s0] =	ssyncset.done $0x0  }
0x48d: {  	[sflag:s0] =	ssyncadd.s32 $0xFFFFF800  }
0x48e: {  	_ =	swait.ge [sflag:s8], $0x800  }
0x48f: {  	[sflag:s8] =	ssyncset.done $0x0  }
0x490: {  	[sflag:s8] =	ssyncadd.s32 $0xFFFFF800  }
0x491: {  	_ =	swait.ge [sflag:s9], $0x800  }
.Ltmp25:
0x492: {  	[sflag:s9] =	ssyncset.done $0x0;
	(pc) =	sbr.rel @p1 .LBB2_47-.Ltmp25, $4  }
0x493: {  	[sflag:s9] =	ssyncadd.s32 $0xFFFFF800  }
0x494: {  	_ =	swait.ge [sflag:s10], $0x800  }
0x495: {  	[sflag:s10] =	ssyncset.done $0x0  }
0x496: {  	[sflag:s10] =	ssyncadd.s32 $0xFFFFF800  }
0x497: {  	s19 =	simm.s32 $0x400;
	s0 =	simm.s32 $0x0;
	s18 =	rddreg [dreg:$0x10]  }
0x498: {  	[tilespmem:s0], [sflag:$0x1] =	stream.strided.gather [hbm4b:s18+s19], $0x800, s31, s19, $0x38;
	[tilespmem:$0x4800] =	vst v63  }
0x499: {  	v19 =	vmov s0;
	_ =	swait.ge [sflag:s26], $0x800  }
0x49a: {  	v19 =	vshll.u32 v19, $0x7;
	[sflag:s26] =	ssyncset.done $0x0  }
0x49b: {  	v19 =	vor.u32 v2, v19;
	[sflag:s26] =	ssyncadd.s32 $0xFFFFF800  }
0x49c: {  	v21 =	vor.u32 v1, v19;
	v20 =	vld [tilespmem:s19+$0xFFFFFC00];
	_ =	sdelay $0x4  }
0x49d: {  	[tilespmem:v21+s28+$0x0] =	vst.idx.msk $0xffff, v20  }
0x49e: {  	v21 =	vor.u32 v3, v19;
	v20 =	vld [tilespmem:s19+$0xFFFFFC80];
	_ =	sdelay $0x4  }
0x49f: {  	[tilespmem:v21+s28+$0x0] =	vst.idx.msk $0xffff, v20  }
0x4a0: {  	v21 =	vor.u32 v4, v19;
	v20 =	vld [tilespmem:s19+$0xFFFFFD00];
	_ =	sdelay $0x4  }
0x4a1: {  	[tilespmem:v21+s28+$0x0] =	vst.idx.msk $0xffff, v20  }
0x4a2: {  	v21 =	vor.u32 v5, v19;
	v20 =	vld [tilespmem:s19+$0xFFFFFD80];
	_ =	sdelay $0x4  }
0x4a3: {  	[tilespmem:v21+s28+$0x0] =	vst.idx.msk $0xffff, v20  }
0x4a4: {  	v21 =	vor.u32 v6, v19;
	v20 =	vld [tilespmem:s19+$0xFFFFFE00];
	_ =	sdelay $0x4  }
0x4a5: {  	[tilespmem:v21+s28+$0x0] =	vst.idx.msk $0xffff, v20  }
0x4a6: {  	v21 =	vor.u32 v7, v19;
	v20 =	vld [tilespmem:s19+$0xFFFFFE80];
	_ =	sdelay $0x4  }
0x4a7: {  	[tilespmem:v21+s28+$0x0] =	vst.idx.msk $0xffff, v20  }
0x4a8: {  	v21 =	vor.u32 v8, v19;
	v20 =	vld [tilespmem:s19+$0xFFFFFF00];
	_ =	sdelay $0x4  }
0x4a9: {  	[tilespmem:v21+s28+$0x0] =	vst.idx.msk $0xffff, v20  }
0x4aa: {  	v21 =	vor.u32 v9, v19;
	v20 =	vld [tilespmem:s19+$0xFFFFFF80];
	_ =	sdelay $0x4  }
0x4ab: {  	[tilespmem:v21+s28+$0x0] =	vst.idx.msk $0xffff, v20  }
0x4ac: {  	v21 =	vor.u32 v10, v19;
	v20 =	vld [tilespmem:s19+$0x0];
	_ =	sdelay $0x4  }
0x4ad: {  	[tilespmem:v21+s28+$0x0] =	vst.idx.msk $0xffff, v20  }
0x4ae: {  	v21 =	vor.u32 v11, v19;
	v20 =	vld [tilespmem:s19+$0x80];
	_ =	sdelay $0x4  }
0x4af: {  	[tilespmem:v21+s28+$0x0] =	vst.idx.msk $0xffff, v20  }
0x4b0: {  	v21 =	vor.u32 v12, v19;
	v20 =	vld [tilespmem:s19+$0x100];
	_ =	sdelay $0x4  }
0x4b1: {  	[tilespmem:v21+s28+$0x0] =	vst.idx.msk $0xffff, v20  }
0x4b2: {  	v21 =	vor.u32 v13, v19;
	v20 =	vld [tilespmem:s19+$0x180];
	_ =	sdelay $0x4  }
0x4b3: {  	[tilespmem:v21+s28+$0x0] =	vst.idx.msk $0xffff, v20  }
0x4b4: {  	v21 =	vor.u32 v14, v19;
	v20 =	vld [tilespmem:s19+$0x200];
	_ =	sdelay $0x4  }
0x4b5: {  	[tilespmem:v21+s28+$0x0] =	vst.idx.msk $0xffff, v20  }
0x4b6: {  	v21 =	vor.u32 v15, v19;
	v20 =	vld [tilespmem:s19+$0x280];
	_ =	sdelay $0x4  }
0x4b7: {  	[tilespmem:v21+s28+$0x0] =	vst.idx.msk $0xffff, v20  }
0x4b8: {  	v21 =	vor.u32 v16, v19;
	v20 =	vld [tilespmem:s19+$0x300];
	_ =	sdelay $0x4  }
0x4b9: {  	[tilespmem:v21+s28+$0x0] =	vst.idx.msk $0xffff, v20  }
0x4ba: {  	v21 =	vor.u32 v17, v19;
	v20 =	vld [tilespmem:s19+$0x380];
	_ =	sdelay $0x1  }
0x4bb: {  	s25 =	simm.s32 $0x2  }
0x4bc: {  	s0 =	simm.s32 $0x4;
	v19 =	vmov s25  }
.LBB2_45:
0x4bd: {  	p2 =	sne.s32 s0, $0xE;
	v19 =	vshll.u32 v19, $0x7  }
0x4be: {  	s19 =	sadd.s32 $0x10, s19;
	v19 =	vor.u32 v2, v19;
	[tilespmem:v21+s28+$0x0] =	vst.idx.msk $0xffff, v20  }
0x4bf: {  	v20 =	vld [tilespmem:s19+$0xFFFFFC00];
	v21 =	vor.u32 v1, v19;
	_ =	sdelay $0x4  }
0x4c0: {  	[tilespmem:v21+s28+$0x0] =	vst.idx.msk $0xffff, v20  }
0x4c1: {  	v21 =	vor.u32 v3, v19;
	v20 =	vld [tilespmem:s19+$0xFFFFFC80];
	_ =	sdelay $0x4  }
0x4c2: {  	[tilespmem:v21+s28+$0x0] =	vst.idx.msk $0xffff, v20  }
0x4c3: {  	v21 =	vor.u32 v4, v19;
	v20 =	vld [tilespmem:s19+$0xFFFFFD00];
	_ =	sdelay $0x4  }
0x4c4: {  	[tilespmem:v21+s28+$0x0] =	vst.idx.msk $0xffff, v20  }
0x4c5: {  	v21 =	vor.u32 v5, v19;
	v20 =	vld [tilespmem:s19+$0xFFFFFD80];
	_ =	sdelay $0x4  }
0x4c6: {  	[tilespmem:v21+s28+$0x0] =	vst.idx.msk $0xffff, v20  }
0x4c7: {  	v21 =	vor.u32 v6, v19;
	v20 =	vld [tilespmem:s19+$0xFFFFFE00];
	_ =	sdelay $0x4  }
0x4c8: {  	[tilespmem:v21+s28+$0x0] =	vst.idx.msk $0xffff, v20  }
0x4c9: {  	v21 =	vor.u32 v7, v19;
	v20 =	vld [tilespmem:s19+$0xFFFFFE80];
	_ =	sdelay $0x4  }
0x4ca: {  	[tilespmem:v21+s28+$0x0] =	vst.idx.msk $0xffff, v20  }
0x4cb: {  	v21 =	vor.u32 v8, v19;
	v20 =	vld [tilespmem:s19+$0xFFFFFF00];
	_ =	sdelay $0x4  }
0x4cc: {  	[tilespmem:v21+s28+$0x0] =	vst.idx.msk $0xffff, v20  }
0x4cd: {  	v21 =	vor.u32 v9, v19;
	v20 =	vld [tilespmem:s19+$0xFFFFFF80];
	_ =	sdelay $0x4  }
0x4ce: {  	[tilespmem:v21+s28+$0x0] =	vst.idx.msk $0xffff, v20  }
0x4cf: {  	v21 =	vor.u32 v10, v19;
	v20 =	vld [tilespmem:s19+$0x0];
	_ =	sdelay $0x4  }
0x4d0: {  	[tilespmem:v21+s28+$0x0] =	vst.idx.msk $0xffff, v20  }
0x4d1: {  	v21 =	vor.u32 v11, v19;
	v20 =	vld [tilespmem:s19+$0x80];
	_ =	sdelay $0x4  }
0x4d2: {  	[tilespmem:v21+s28+$0x0] =	vst.idx.msk $0xffff, v20  }
0x4d3: {  	v21 =	vor.u32 v12, v19;
	v20 =	vld [tilespmem:s19+$0x100];
	_ =	sdelay $0x4  }
0x4d4: {  	[tilespmem:v21+s28+$0x0] =	vst.idx.msk $0xffff, v20  }
0x4d5: {  	v21 =	vor.u32 v13, v19;
	v20 =	vld [tilespmem:s19+$0x180];
	_ =	sdelay $0x4  }
0x4d6: {  	[tilespmem:v21+s28+$0x0] =	vst.idx.msk $0xffff, v20  }
0x4d7: {  	v21 =	vor.u32 v14, v19;
	v20 =	vld [tilespmem:s19+$0x200];
	_ =	sdelay $0x4  }
0x4d8: {  	[tilespmem:v21+s28+$0x0] =	vst.idx.msk $0xffff, v20  }
0x4d9: {  	v21 =	vor.u32 v15, v19;
	v20 =	vld [tilespmem:s19+$0x280];
	_ =	sdelay $0x4  }
0x4da: {  	[tilespmem:v21+s28+$0x0] =	vst.idx.msk $0xffff, v20  }
0x4db: {  	v21 =	vor.u32 v16, v19;
	v20 =	vld [tilespmem:s19+$0x300];
	_ =	sdelay $0x4  }
.Ltmp26:
0x4dc: {  	[tilespmem:v21+s28+$0x0] =	vst.idx.msk $0xffff, v20;
	(pc) =	sbr.rel @p2 .LBB2_45-.Ltmp26, $2  }
0x4dd: {  	v21 =	vor.u32 v17, v19;
	v20 =	vld [tilespmem:s19+$0x380];
	_ =	sdelay $0x2  }
0x4de: {  	v19 =	vmov s0;
	s0 =	sadd.s32 $0x2, s0  }
0x4df: {  	_ =	sdelay $0x2  }
0x4e0: {  	v19 =	vshll.u32 v19, $0x7  }
0x4e1: {  	s0 =	sadd.s32 $0x10, s19;
	v19 =	vor.u32 v2, v19;
	[tilespmem:v21+s28+$0x0] =	vst.idx.msk $0xffff, v20  }
0x4e2: {  	v20 =	vld [tilespmem:s0+$0xFFFFFC00];
	v49 =	vor.u32 v1, v19;
	_ =	sdelay $0x4  }
0x4e3: {  	[tilespmem:v49+s28+$0x0] =	vst.idx.msk $0xffff, v20  }
0x4e4: {  	v50 =	vor.u32 v3, v19;
	v20 =	vld [tilespmem:s0+$0xFFFFFC80];
	_ =	sdelay $0x4  }
0x4e5: {  	[tilespmem:v50+s28+$0x0] =	vst.idx.msk $0xffff, v20  }
0x4e6: {  	v51 =	vor.u32 v4, v19;
	v20 =	vld [tilespmem:s0+$0xFFFFFD00];
	_ =	sdelay $0x4  }
0x4e7: {  	[tilespmem:v51+s28+$0x0] =	vst.idx.msk $0xffff, v20  }
0x4e8: {  	v52 =	vor.u32 v5, v19;
	v20 =	vld [tilespmem:s0+$0xFFFFFD80];
	_ =	sdelay $0x4  }
0x4e9: {  	[tilespmem:v52+s28+$0x0] =	vst.idx.msk $0xffff, v20  }
0x4ea: {  	v53 =	vor.u32 v6, v19;
	v20 =	vld [tilespmem:s0+$0xFFFFFE00];
	_ =	sdelay $0x4  }
0x4eb: {  	[tilespmem:v53+s28+$0x0] =	vst.idx.msk $0xffff, v20  }
0x4ec: {  	v54 =	vor.u32 v7, v19;
	v20 =	vld [tilespmem:s0+$0xFFFFFE80];
	_ =	sdelay $0x4  }
0x4ed: {  	[tilespmem:v54+s28+$0x0] =	vst.idx.msk $0xffff, v20  }
0x4ee: {  	v55 =	vor.u32 v8, v19;
	v20 =	vld [tilespmem:s0+$0xFFFFFF00];
	_ =	sdelay $0x4  }
0x4ef: {  	[tilespmem:v55+s28+$0x0] =	vst.idx.msk $0xffff, v20  }
0x4f0: {  	v56 =	vor.u32 v9, v19;
	v20 =	vld [tilespmem:s0+$0xFFFFFF80];
	_ =	sdelay $0x4  }
0x4f1: {  	[tilespmem:v56+s28+$0x0] =	vst.idx.msk $0xffff, v20  }
0x4f2: {  	v57 =	vor.u32 v10, v19;
	v20 =	vld [tilespmem:s0+$0x0];
	_ =	sdelay $0x4  }
0x4f3: {  	[tilespmem:v57+s28+$0x0] =	vst.idx.msk $0xffff, v20  }
0x4f4: {  	v58 =	vor.u32 v11, v19;
	v20 =	vld [tilespmem:s0+$0x80];
	_ =	sdelay $0x4  }
0x4f5: {  	[tilespmem:v58+s28+$0x0] =	vst.idx.msk $0xffff, v20  }
0x4f6: {  	v59 =	vor.u32 v12, v19;
	v20 =	vld [tilespmem:s0+$0x100];
	_ =	sdelay $0x4  }
0x4f7: {  	[tilespmem:v59+s28+$0x0] =	vst.idx.msk $0xffff, v20  }
0x4f8: {  	v60 =	vor.u32 v13, v19;
	v20 =	vld [tilespmem:s0+$0x180];
	_ =	sdelay $0x4  }
0x4f9: {  	[tilespmem:v60+s28+$0x0] =	vst.idx.msk $0xffff, v20  }
0x4fa: {  	v61 =	vor.u32 v14, v19;
	v20 =	vld [tilespmem:s0+$0x200];
	_ =	sdelay $0x4  }
0x4fb: {  	[tilespmem:v61+s28+$0x0] =	vst.idx.msk $0xffff, v20  }
0x4fc: {  	v62 =	vor.u32 v15, v19;
	v20 =	vld [tilespmem:s0+$0x280];
	_ =	sdelay $0x4  }
0x4fd: {  	[tilespmem:v62+s28+$0x0] =	vst.idx.msk $0xffff, v20  }
0x4fe: {  	v63 =	vor.u32 v16, v19;
	v20 =	vld [tilespmem:s0+$0x300];
	_ =	sdelay $0x4  }
0x4ff: {  	[tilespmem:v63+s28+$0x0] =	vst.idx.msk $0xffff, v20  }
0x500: {  	v19 =	vor.u32 v17, v19;
	v20 =	vld [tilespmem:s0+$0x380];
	_ =	sdelay $0x4  }
.Ltmp27:
0x501: {  	s22 =	rddreg [dreg:$0x11];
	s25 =	simm.s32 $0x5;
	[tilespmem:v19+s28+$0x0] =	vst.idx.msk $0xffff, v20;
	(pc) =	sbr.rel .LBB2_47-.Ltmp27, $4  }
0x502: {  	[hbm4b:s22+s6] =	stream.linear.scatter [tilespmem:s28], [sflag:$0x5], $0x800, $0x38;
	[tilespmem:$0x4800] =	vst v63  }
0x503: {  	_ =	swait.ge [sflag:s25], $0x800  }
0x504: {  	[sflag:s25] =	ssyncset.done $0x0  }
0x505: {  	[sflag:s25] =	ssyncadd.s32 $0xFFFFF800  }
.LBB2_48:
0x506: {  	s0 =	simm.s32 $0x0  }
0x507: {  	v19 =	vmov s0  }
0x508: {  	v19 =	vand.u32 $0x7F, v19  }
0x509: {  	v19 =	vbroadcast v19, $0x0;
	_ =	sdelay $0x1  }
0x50a: {  	s18 =	simm.s32 $0x1;
	s19 =	rddreg [dreg:$0x15];
	s20 =	simm.s32 $0x9;
	v19 =	vor.u32 v18, v19  }
0x50b: {  	[tilespmem:s11], [sflag:$0x9] =	stream.strided.gather [hbm4b:s19+s30], $0x800, s31, s30, $0x38;
	[tilespmem:$0x4800] =	vst v63  }
0x50c: {  	s22 =	simm.s32 $0x0;
	v20 =	vmov s18;
	_ =	swait.ge [sflag:s20], $0x800  }
0x50d: {  	s25 =	sand.u32 $0x70, s0;
	s18 =	sand.u32 $0xFFFFFF80, s22;
	v20 =	vand.u32 $0x7F, v20;
	[sflag:s20] =	ssyncset.done $0x0  }
0x50e: {  	s18 =	sor.u32 s25, s18;
	v20 =	vbroadcast v20, $0x0;
	[sflag:s20] =	ssyncadd.s32 $0xFFFFF800  }
0x50f: {  	v21 =	vor.u32 s18, v0;
	v19 =	vld.idx.msk [tilespmem:v19+s11+$0x0], $0xffff  }
0x510: {  	v20 =	vor.u32 v18, v20;
	_ =	sdelay $0x1  }
0x511: {  	s0 =	simm.s32 $0x2  }
0x512: {  	s21 =	simm.s32 $0x10;
	s19 =	simm.s32 $0x10;
	v22 =	vmov s0;
	s20 =	simm.s32 $0x3  }
.LBB2_49:
0x513: {  	p2 =	sne.s32 s20, $0x3F;
	v22 =	vand.u32 $0x7F, v22;
	s18 =	sand.u32 $0x70, s19;
	s21 =	sand.u32 $0xFFFFFF80, s21;
	[tilespmem:v21+s28+$0x0] =	vst.idx.msk $0xffff, v19  }
0x514: {  	v22 =	vbroadcast v22, $0x0;
	v19 =	vld.idx.msk [tilespmem:v20+s11+$0x0], $0xffff;
	s18 =	sor.u32 s18, s21;
	s21 =	smov.u32 s0;
	s0 =	smov.u32 s20  }
.Ltmp28:
0x515: {  	v21 =	vor.u32 s18, v0;
	(pc) =	sbr.rel @p2 .LBB2_49-.Ltmp28, $2  }
0x516: {  	v20 =	vor.u32 v18, v22;
	_ =	sdelay $0x2  }
0x517: {  	s19 =	sadd.s32 $0x10, s19;
	s20 =	sadd.s32 $0x1, s20;
	s21 =	sshll.u32 s21, $0x4;
	v22 =	vmov s0  }
0x518: {  	_ =	sdelay $0x2  }
0x519: {  	v22 =	vand.u32 $0x7F, v22;
	s18 =	sand.u32 $0x70, s19;
	s20 =	sand.u32 $0xFFFFFF80, s21  }
0x51a: {  	[tilespmem:v21+s28+$0x0] =	vst.idx.msk $0xffff, v19;
	v19 =	vbroadcast v22, $0x0;
	s18 =	sor.u32 s18, s20  }
0x51b: {  	v20 =	vld.idx.msk [tilespmem:v20+s11+$0x0], $0xffff;
	v63 =	vor.u32 s18, v0  }
0x51c: {  	v19 =	vor.u32 v18, v19;
	_ =	sdelay $0x1  }
0x51d: {  	s0 =	sshll.u32 s0, $0x4;
	s21 =	sadd.s32 $0x10, s19  }
0x51e: {  	s0 =	sand.u32 $0xFFFFFF80, s0;
	s18 =	sand.u32 $0x70, s21  }
0x51f: {  	s0 =	sor.u32 s18, s0;
	[tilespmem:v63+s28+$0x0] =	vst.idx.msk $0xffff, v20  }
0x520: {  	v20 =	vor.u32 s0, v0;
	v19 =	vld.idx.msk [tilespmem:v19+s11+$0x0], $0xffff;
	_ =	sdelay $0x4  }
.Ltmp29:
0x521: {  	s22 =	rddreg [dreg:$0x14];
	s25 =	simm.s32 $0x5;
	[tilespmem:v20+s28+$0x0] =	vst.idx.msk $0xffff, v19;
	(pc) =	sbr.rel .LBB2_51-.Ltmp29, $4  }
0x522: {  	[hbm4b:s22+s6] =	stream.linear.scatter [tilespmem:s28], [sflag:$0x5], $0x400, $0x38;
	[tilespmem:$0x4800] =	vst v63  }
0x523: {  	_ =	swait.ge [sflag:s25], $0x400  }
0x524: {  	[sflag:s25] =	ssyncset.done $0x0  }
0x525: {  	s18 =	rddreg [dreg:$0x16];
	[sflag:s25] =	ssyncadd.s32 $0xFFFFFC00  }
.LBB2_52:
0x526: {  	_ =	sfence.sel $0x180000  }
0x527: {  	[bflag:$0x0] =	sbarrier.arrive $0xFFFF  }
0x528: {  	_ =	strace $0x90000047  }
0x529: {  	s0 =	stileid.u32;
	[bflag:$0x2] =	sbarrier.arrive $0xFFFF  }
0x52a: {  	p0 =	sne.s32 s0, $0x0;
	s0 =	rddreg [dreg:$0x4]  }
0x52b: {  	s0 =	sadd.s32 @!p0 $0x100000, s0  }
0x52c: {  	[sflag:s0] =	ssyncadd.tile.s32 @!p0 $0x1;
	_ =	shalt  }
.Lfunc_end2:
_tile_overlayer_lowered:
.L_overlay_start_2:
0x52d: {  	(tag) =	ssettag $0x2  }
0x52e: {  	s0 =	rddreg [dreg:$0x0];
	s2 =	stileid.u32  }
0x52f: {  	s1 =	rddreg [dreg:$0x1];
	p0 =	sne.s32 s2, $0x0  }
0x530: {  	s3 =	rddreg [dreg:$0x2];
	[bflag:$0x3] =	sbarrier.arrive $0xFFFF;
	s2 =	simm.s32 @!p0 $0x1C0A  }
0x531: {  	[timem:s3], [sflag:s2] =	dma.local @!p0 [hbm:s0], s1  }
0x532: {  	s0 =	simm.s32 @!p0 $0xA  }
0x533: {  	_ =	swait.ge @!p0 [sflag:s0], s1  }
0x534: {  	s1 =	ssub.s32 @!p0 $0x0, s1;
	[sflag:s0] =	ssyncset.done @!p0 $0x0  }
0x535: {  	[sflag:s0] =	ssyncadd.s32 @!p0 s1  }
0x536: {  	[bflag:$0x3] =	sbarrier.arrive $0xFFFF  }
0x537: {  	_ =	shalt  }

</sc_bundles>
